<compile_context>
chip_gen: v7x
topology: tpu7x:2x2x1
jax: 0.10.2.dev20260603
libtpu: 0.0.44.dev20260713+nightly
codegen_flags: <defaults>
</compile_context>

<pallas_src>
import functools

import jax
import jax.numpy as jnp
from jax import lax
from jax.experimental import pallas as pl
from jax.experimental.pallas import tpu as pltpu
from jax.experimental.pallas import tpu_sc as plsc

N_NODES = 10000
HIDDEN = 64
Z_DIM = 32
T_SEQ = 20

NC = 2
NS = 16
NW = NC * NS
CHUNK = 128
NP = 10240
ROWS_PER_TILE = NP // NS

BLK = 1000
ABLK = 400



def _make_segsum(width, nc0, nc1, with_deg):
  mesh = plsc.VectorSubcoreMesh(core_axis_name="c", subcore_axis_name="s")
  ncmax = max(nc0, nc1)

  out_type = [jax.ShapeDtypeStruct((NC, NP, width), jnp.float32)]
  scratch = [
      pltpu.VMEM((ncmax, CHUNK), jnp.int32),
      pltpu.VMEM((ncmax, CHUNK), jnp.int32),
      pltpu.VMEM((2, CHUNK, width), jnp.float32),
      pltpu.VMEM_SHARED((NP, width), jnp.float32),
      pltpu.SemaphoreType.DMA, pltpu.SemaphoreType.DMA,
      pltpu.SemaphoreType.DMA, pltpu.SemaphoreType.DMA,
  ]
  if with_deg:
    out_type.append(jax.ShapeDtypeStruct((NC, NP), jnp.float32))
    scratch += [
        pltpu.VMEM((CHUNK,), jnp.float32),
        pltpu.VMEM((ROWS_PER_TILE,), jnp.float32),
        pltpu.VMEM_SHARED((NP,), jnp.float32),
        pltpu.SemaphoreType.DMA,
    ]

  def body(table, src2, dst2, *rest):
    if with_deg:
      (out_acc, out_deg, src_v, dst_v, rows_v, acc_s, sg0, sg1, ss0, ss1,
       ones_v, zdeg_v, deg_s, semd) = rest
    else:
      out_acc, src_v, dst_v, rows_v, acc_s, sg0, sg1, ss0, ss1 = rest
    semg = (sg0, sg1)
    sems = (ss0, ss1)
    c = lax.axis_index("c")
    s = lax.axis_index("s")

    def zrow(i, carry):
      for j in range(width // 16):
        rows_v[0, i, pl.ds(j * 16, 16)] = jnp.zeros((16,), jnp.float32)
      return carry
    lax.fori_loop(0, CHUNK, zrow, 0)
    for i in range(ROWS_PER_TILE // CHUNK):
      pltpu.sync_copy(rows_v.at[0],
                      acc_s.at[pl.ds(s * ROWS_PER_TILE + i * CHUNK, CHUNK)])
    if with_deg:
      def zdeg(i, carry):
        zdeg_v[pl.ds(i * 16, 16)] = jnp.zeros((16,), jnp.float32)
        ones_v[pl.ds((i % (CHUNK // 16)) * 16, 16)] = jnp.ones((16,), jnp.float32)
        return carry
      lax.fori_loop(0, ROWS_PER_TILE // 16, zdeg, 0)
      pltpu.sync_copy(zdeg_v, deg_s.at[pl.ds(s * ROWS_PER_TILE, ROWS_PER_TILE)])
    plsc.subcore_barrier()

    def scatter_phase(base, count):
      pltpu.sync_copy(src2.at[pl.ds(base, count)], src_v.at[pl.ds(0, count)])
      pltpu.sync_copy(dst2.at[pl.ds(base, count)], dst_v.at[pl.ds(0, count)])

      for b in range(2):
        pltpu.async_copy(table.at[src_v.at[b]], rows_v.at[b], semg[b])

      @pl.loop(0, count, step=2)
      def chunk_body(i):
        for b in range(2):
          cix = i + b
          pltpu.make_async_copy(table.at[src_v.at[cix]], rows_v.at[b],
                                semg[b]).wait()
          pltpu.async_copy(rows_v.at[b], acc_s.at[dst_v.at[cix]], sems[b],
                           add=True)
          if with_deg:
            pltpu.async_copy(ones_v, deg_s.at[dst_v.at[cix]], semd, add=True)
        for b in range(2):
          cix = i + 2 + b

          @pl.when(cix < count)
          def _():
            pltpu.make_async_copy(rows_v.at[b], acc_s.at[dst_v.at[cix]],
                                  sems[b]).wait()
            pltpu.async_copy(table.at[src_v.at[cix]], rows_v.at[b], semg[b])

      for b in range(2):
        pltpu.make_async_copy(rows_v.at[b], acc_s.at[dst_v.at[b]],
                              sems[b]).wait()
      if with_deg:
        def ddrain(i, carry):
          pltpu.make_async_copy(ones_v, deg_s.at[dst_v.at[i]], semd).wait()
          return carry
        lax.fori_loop(0, count, ddrain, 0)

    @pl.when(c == 0)
    def _():
      scatter_phase(s * nc0, nc0)

    @pl.when(c != 0)
    def _():
      scatter_phase(NS * nc0 + s * nc1, nc1)

    plsc.subcore_barrier()

    row0 = s * ROWS_PER_TILE
    pltpu.sync_copy(acc_s.at[pl.ds(row0, ROWS_PER_TILE)],
                    out_acc.at[c, pl.ds(row0, ROWS_PER_TILE)])
    if with_deg:
      pltpu.sync_copy(deg_s.at[pl.ds(row0, ROWS_PER_TILE)],
                      out_deg.at[c, pl.ds(row0, ROWS_PER_TILE)])

  return pl.kernel(body, out_type=out_type, mesh=mesh, scratch_types=scratch,
                   compiler_params=pltpu.CompilerParams(use_tc_tiling_on_sc=False))



def _gru_cell(xs2, h, wt, wh, b):
  g = (jnp.dot(xs2, wt, preferred_element_type=jnp.float32)
       + jnp.dot(h, wh, preferred_element_type=jnp.float32) + b)
  rz = jax.nn.sigmoid(g[:, :2 * HIDDEN])
  r = rz[:, :HIDDEN]
  zg = rz[:, HIDDEN:]
  n = jnp.tanh(g[:, 2 * HIDDEN:3 * HIDDEN] + r * g[:, 3 * HIDDEN:])
  return n + zg * (h - n)


def _gru_wcomb(w_ih, w_hh, b_ih, b_hh):
  wih, whh = w_ih.T, w_hh.T
  d = wih.shape[0]
  h2 = 2 * HIDDEN
  wih4 = jnp.concatenate(
      [wih[:, :h2], wih[:, h2:], jnp.zeros((d, HIDDEN), jnp.float32)], axis=1)
  eye = jnp.eye(T_SEQ, dtype=jnp.float32)
  wt = (eye[:, :, None, None] * wih4[None, None, :, :]).reshape(
      T_SEQ, T_SEQ * d, 4 * HIDDEN)
  wh = jnp.concatenate(
      [whh[:, :h2], jnp.zeros((HIDDEN, HIDDEN), jnp.float32), whh[:, h2:]],
      axis=1)
  b = jnp.concatenate([b_ih[:h2] + b_hh[:h2], b_ih[h2:], b_hh[h2:]])
  return wt, wh, b.reshape(1, -1)


def _pre_body(x_ref, w1_ref, table_ref, xr_ref):
  x = x_ref[...]
  y = jnp.dot(x, w1_ref[...], preferred_element_type=jnp.float32)
  table_ref[...] = y[:, :HIDDEN]
  xr_ref[...] = y[:, HIDDEN:]


def _gru_body(xs_ref, wtf_ref, whf_ref, bf_ref, wtb_ref, whb_ref, bb_ref,
              wfc_ref, bfc_ref, zmul_ref):
  xs2 = xs_ref[...]
  b = xs2.shape[0]
  hf = jnp.zeros((b, HIDDEN), jnp.float32)
  hb = jnp.zeros((b, HIDDEN), jnp.float32)
  whf, bf = whf_ref[...], bf_ref[...]
  whb, bb = whb_ref[...], bb_ref[...]
  for t in range(T_SEQ):
    hf = _gru_cell(xs2, hf, wtf_ref[t], whf, bf)
    hb = _gru_cell(xs2, hb, wtb_ref[T_SEQ - 1 - t], whb, bb)
  hcat = jnp.concatenate([hf, hb], axis=1)
  zmul_ref[...] = (jnp.dot(hcat, wfc_ref[...], preferred_element_type=jnp.float32)
                   + bfc_ref[...])


def _combine1_body(a0_ref, a1_ref, d0_ref, d1_ref, xr_ref, bl1_ref, w2_ref,
                   table2_ref, hr_ref):
  deg = d0_ref[...] + d1_ref[...]
  inv = 1.0 / jnp.maximum(deg, 1.0)
  h = jnp.maximum((a0_ref[...] + a1_ref[...]) * inv + bl1_ref[...] + xr_ref[...],
                  0.0)
  y = jnp.dot(h, w2_ref[...], preferred_element_type=jnp.float32)
  table2_ref[...] = y[:, :Z_DIM]
  hr_ref[...] = y[:, Z_DIM:]


def _fuse_body(a0_ref, a1_ref, d0_ref, d1_ref, hr_ref, bl2_ref, zmul_ref,
               wfus_ref, bfus_ref, cen_ref, z_ref, q_ref):
  deg = d0_ref[...] + d1_ref[...]
  inv = 1.0 / jnp.maximum(deg, 1.0)
  zg = (a0_ref[...] + a1_ref[...]) * inv + bl2_ref[...] + hr_ref[...]
  comb = jnp.concatenate([zg, zmul_ref[...]], axis=1)
  z = jnp.dot(comb, wfus_ref[...], preferred_element_type=jnp.float32) + bfus_ref[...]
  z_ref[...] = z
  cen = cen_ref[...]
  zc = lax.dot_general(z, cen, (((1,), (1,)), ((), ())),
                       preferred_element_type=jnp.float32)
  z2 = jnp.sum(z * z, axis=1, keepdims=True)
  c2 = jnp.sum(cen * cen, axis=1)[None, :]
  d2 = z2 + c2 - 2.0 * zc
  q = 1.0 / (1.0 + d2)
  q_ref[...] = q / jnp.sum(q, axis=1, keepdims=True)


def _adj_body(zi_ref, zj_ref, out_ref):
  out_ref[...] = jax.nn.sigmoid(
      lax.dot_general(zi_ref[...], zj_ref[...], (((1,), (1,)), ((), ())),
                      preferred_element_type=jnp.float32))



def kernel(x_static, edge_index, x_seq, Wl1, bl1, Wr1, Wl2, bl2, Wr2,
           W_ih_f, W_hh_f, b_ih_f, b_hh_f, W_ih_b, W_hh_b, b_ih_b, b_hh_b,
           W_fc, b_fc, W_fus, b_fus, centers):
  n = x_static.shape[0]
  e = edge_index.shape[1]
  ncl = centers.shape[0]
  grid = n // BLK

  w1cat = jnp.concatenate([Wl1, Wr1], axis=0).T
  w2cat = jnp.concatenate([Wl2, Wr2], axis=0).T
  src = edge_index[0].astype(jnp.int32)
  dst = edge_index[1].astype(jnp.int32)
  ct = -(-e // CHUNK)
  nc0 = max(2, 2 * round(ct * 0.78 / NS / 2))
  nc1 = max(2, 2 * (-(-max(ct - NS * nc0, 0) // (2 * NS))))
  ep = NS * (nc0 + nc1) * CHUNK
  src2 = jnp.concatenate([src, jnp.zeros((ep - e,), jnp.int32)]).reshape(
      -1, CHUNK)
  dst2 = jnp.concatenate([dst, jnp.full((ep - e,), n, jnp.int32)]).reshape(
      -1, CHUNK)

  full = lambda *shape: pl.BlockSpec(shape, lambda i: (0,) * len(shape))
  rowblk = lambda w: pl.BlockSpec((BLK, w), lambda i: (i, 0))
  partblk = lambda w: pl.BlockSpec((None, BLK, w), lambda i, _c=0: (_c, i, 0))

  table1, xr = pl.pallas_call(
      _pre_body,
      grid=(grid,),
      in_specs=[rowblk(128), full(128, 128)],
      out_specs=[rowblk(HIDDEN), rowblk(HIDDEN)],
      out_shape=[
          jax.ShapeDtypeStruct((n, HIDDEN), jnp.float32),
          jax.ShapeDtypeStruct((n, HIDDEN), jnp.float32),
      ],
  )(x_static, w1cat)

  agg1, degp = _make_segsum(HIDDEN, nc0, nc1, True)(table1, src2, dst2)
  degp = degp.reshape(NC, NP, 1)

  seq_d = x_seq.shape[2]
  wtf, whf, bgf = _gru_wcomb(W_ih_f, W_hh_f, b_ih_f, b_hh_f)
  wtb, whb, bgb = _gru_wcomb(W_ih_b, W_hh_b, b_ih_b, b_hh_b)
  td = T_SEQ * seq_d
  zmul = pl.pallas_call(
      _gru_body,
      grid=(grid,),
      in_specs=[
          rowblk(td),
          full(T_SEQ, td, 4 * HIDDEN), full(HIDDEN, 4 * HIDDEN),
          full(1, 4 * HIDDEN),
          full(T_SEQ, td, 4 * HIDDEN), full(HIDDEN, 4 * HIDDEN),
          full(1, 4 * HIDDEN),
          full(2 * HIDDEN, Z_DIM), full(1, Z_DIM),
      ],
      out_specs=rowblk(Z_DIM),
      out_shape=jax.ShapeDtypeStruct((n, Z_DIM), jnp.float32),
  )(x_seq.reshape(n, td), wtf, whf, bgf, wtb, whb, bgb,
    W_fc.T, b_fc.reshape(1, -1))

  part64 = [pl.BlockSpec((None, BLK, HIDDEN), lambda i: (0, i, 0)),
            pl.BlockSpec((None, BLK, HIDDEN), lambda i: (1, i, 0))]
  partd = [pl.BlockSpec((None, BLK, 1), lambda i: (0, i, 0)),
           pl.BlockSpec((None, BLK, 1), lambda i: (1, i, 0))]
  table2, hr = pl.pallas_call(
      _combine1_body,
      grid=(grid,),
      in_specs=part64 + partd + [rowblk(HIDDEN), full(1, HIDDEN),
                                 full(HIDDEN, HIDDEN)],
      out_specs=[rowblk(Z_DIM), rowblk(Z_DIM)],
      out_shape=[
          jax.ShapeDtypeStruct((n, Z_DIM), jnp.float32),
          jax.ShapeDtypeStruct((n, Z_DIM), jnp.float32),
      ],
  )(agg1, agg1, degp, degp, xr, bl1.reshape(1, -1), w2cat)

  (agg2,) = _make_segsum(Z_DIM, nc0, nc1, False)(table2, src2, dst2)

  part32 = [pl.BlockSpec((None, BLK, Z_DIM), lambda i: (0, i, 0)),
            pl.BlockSpec((None, BLK, Z_DIM), lambda i: (1, i, 0))]
  z, q = pl.pallas_call(
      _fuse_body,
      grid=(grid,),
      in_specs=part32 + partd + [rowblk(Z_DIM), full(1, Z_DIM), rowblk(Z_DIM),
                                 full(2 * Z_DIM, Z_DIM), full(1, Z_DIM),
                                 full(ncl, Z_DIM)],
      out_specs=[rowblk(Z_DIM), rowblk(ncl)],
      out_shape=[
          jax.ShapeDtypeStruct((n, Z_DIM), jnp.float32),
          jax.ShapeDtypeStruct((n, ncl), jnp.float32),
      ],
  )(agg2, agg2, degp, degp, hr, bl2.reshape(1, -1), zmul,
    W_fus.T, b_fus.reshape(1, -1), centers)

  adj = pl.pallas_call(
      _adj_body,
      grid=(n // ABLK,),
      in_specs=[pl.BlockSpec((ABLK, Z_DIM), lambda i: (i, 0)),
                pl.BlockSpec((n, Z_DIM), lambda i: (0, 0))],
      out_specs=pl.BlockSpec((ABLK, n), lambda i: (i, 0)),
      out_shape=jax.ShapeDtypeStruct((n, n), jnp.float32),
  )(z, z)

  return (z, adj, q)

# --- scband reference (transcript-rebuilt; emitter-appended) ---
"""Pipeline reference for scband-master-bot-dcgc-65103114273327 (READ-ONLY COPY).

The authoritative reference and input builder live on the scoring server;
editing this copy changes nothing except your own understanding.
"""

import jax, jax.numpy as jnp
import numpy as np

N = 10000
E = 160000
STATIC_DIM = 128
SEQ_DIM = 4
T = 20
HIDDEN = 64
Z_DIM = 32
N_CLUSTERS = 2


def setup_inputs(seed: int = 0) -> dict:
    key = jax.random.key(seed)
    ks = jax.random.split(key, 24)
    s = 0.1
    inp = {}
    inp['x_static'] = jax.random.normal(ks[0], (N, STATIC_DIM), dtype=jnp.float32)
    inp['edge_index'] = jax.random.randint(ks[1], (2, E), 0, N, dtype=jnp.int64)
    inp['x_seq'] = jax.random.normal(ks[2], (N, T, SEQ_DIM), dtype=jnp.float32)
    # SAGEConv 1: in=STATIC_DIM, out=HIDDEN (lin_l has bias, lin_r no bias)
    inp['Wl1'] = jax.random.normal(ks[3], (HIDDEN, STATIC_DIM), dtype=jnp.float32) * s
    inp['bl1'] = jnp.zeros((HIDDEN,), dtype=jnp.float32)
    inp['Wr1'] = jax.random.normal(ks[4], (HIDDEN, STATIC_DIM), dtype=jnp.float32) * s
    # SAGEConv 2: in=HIDDEN, out=Z_DIM
    inp['Wl2'] = jax.random.normal(ks[5], (Z_DIM, HIDDEN), dtype=jnp.float32) * s
    inp['bl2'] = jnp.zeros((Z_DIM,), dtype=jnp.float32)
    inp['Wr2'] = jax.random.normal(ks[6], (Z_DIM, HIDDEN), dtype=jnp.float32) * s
    # Bidirectional GRU (single layer): forward + backward direction params
    inp['W_ih_f'] = jax.random.normal(ks[7], (3 * HIDDEN, SEQ_DIM), dtype=jnp.float32) * s
    inp['W_hh_f'] = jax.random.normal(ks[8], (3 * HIDDEN, HIDDEN), dtype=jnp.float32) * s
    inp['b_ih_f'] = jnp.zeros((3 * HIDDEN,), dtype=jnp.float32)
    inp['b_hh_f'] = jnp.zeros((3 * HIDDEN,), dtype=jnp.float32)
    inp['W_ih_b'] = jax.random.normal(ks[9], (3 * HIDDEN, SEQ_DIM), dtype=jnp.float32) * s
    inp['W_hh_b'] = jax.random.normal(ks[10], (3 * HIDDEN, HIDDEN), dtype=jnp.float32) * s
    inp['b_ih_b'] = jnp.zeros((3 * HIDDEN,), dtype=jnp.float32)
    inp['b_hh_b'] = jnp.zeros((3 * HIDDEN,), dtype=jnp.float32)
    # MulbotEncoder fc: Linear(2*HIDDEN, Z_DIM)
    inp['W_fc'] = jax.random.normal(ks[11], (Z_DIM, 2 * HIDDEN), dtype=jnp.float32) * s
    inp['b_fc'] = jnp.zeros((Z_DIM,), dtype=jnp.float32)
    # Fusion: Linear(2*Z_DIM, Z_DIM)
    inp['W_fus'] = jax.random.normal(ks[12], (Z_DIM, 2 * Z_DIM), dtype=jnp.float32) * s
    inp['b_fus'] = jnp.zeros((Z_DIM,), dtype=jnp.float32)
    # Deep clustering centers
    inp['centers'] = jax.random.normal(ks[13], (N_CLUSTERS, Z_DIM), dtype=jnp.float32)
    return inp


def _sage(x, src, dst, Wl, bl, Wr, n_nodes):
    msg = jnp.take(x, src, axis=0)
    agg = jax.ops.segment_sum(msg, dst, num_segments=n_nodes)
    deg = jax.ops.segment_sum(jnp.ones((src.shape[0],), dtype=x.dtype), dst, num_segments=n_nodes)
    mean = agg / jnp.clip(deg, 1.0)[:, None]
    return mean @ Wl.T + bl + x @ Wr.T


def _gru_dir(x_seq, W_ih, W_hh, b_ih, b_hh, reverse):
    B = x_seq.shape[0]
    H = W_hh.shape[1]
    xs = jnp.swapaxes(x_seq, 0, 1)  # [T, B, D]
    if reverse:
        xs = xs[::-1]

    def cell(h, x_t):
        gi = x_t @ W_ih.T + b_ih
        gh = h @ W_hh.T + b_hh
        i_r, i_z, i_n = jnp.split(gi, 3, axis=1)
        h_r, h_z, h_n = jnp.split(gh, 3, axis=1)
        r = jax.nn.sigmoid(i_r + h_r)
        zg = jax.nn.sigmoid(i_z + h_z)
        n = jnp.tanh(i_n + r * h_n)
        h_new = (1.0 - zg) * n + zg * h
        return h_new, None

    h0 = jnp.zeros((B, H), dtype=x_seq.dtype)
    hT, _ = jax.lax.scan(cell, h0, xs)
    return hT


def reference(x_static, edge_index, x_seq, Wl1, bl1, Wr1, Wl2, bl2, Wr2,
              W_ih_f, W_hh_f, b_ih_f, b_hh_f, W_ih_b, W_hh_b, b_ih_b, b_hh_b,
              W_fc, b_fc, W_fus, b_fus, centers):
    src = edge_index[0]
    dst = edge_index[1]
    n_nodes = x_static.shape[0]
    # GraphEncoder (dropout is identity in eval mode)
    h = jax.nn.relu(_sage(x_static, src, dst, Wl1, bl1, Wr1, n_nodes))
    z_graph = _sage(h, src, dst, Wl2, bl2, Wr2, n_nodes)
    # MulbotEncoder: bidirectional GRU last hidden states
    h_f = _gru_dir(x_seq, W_ih_f, W_hh_f, b_ih_f, b_hh_f, reverse=False)
    h_b = _gru_dir(x_seq, W_ih_b, W_hh_b, b_ih_b, b_hh_b, reverse=True)
    z_mulbot = jnp.concatenate([h_f, h_b], axis=1) @ W_fc.T + b_fc
    # Fusion
    combined = jnp.concatenate([z_graph, z_mulbot], axis=1)
    z = combined @ W_fus.T + b_fus
    # InnerProductDecoder
    adj_recon = jax.nn.sigmoid(z @ z.T)
    # DeepClustering soft assignments
    d2 = jnp.sum((z[:, None, :] - centers[None, :, :]) ** 2, axis=2)
    q = 1.0 / (1.0 + d2)
    q = q / jnp.sum(q, axis=1, keepdims=True)
    return (z, adj_recon, q)

if __name__ == "__main__":
    import jax
    _d = setup_inputs()
    print(jax.jit(kernel)(*tuple(_d.values())))

</pallas_src>

<mosaic_0001>
#map = affine_map<(d0, d1) -> (0, 0)>
#map1 = affine_map<(d0, d1) -> (0, 0, 0)>
module attributes {stable_mosaic.version = 14 : i64} {
  func.func @body(%arg0: i32, %arg1: i32, %arg2: memref<10000x32xf32, #tpu.memory_space<hbm>>, %arg3: memref<1280x128xi32, #tpu.memory_space<hbm>>, %arg4: memref<1280x128xi32, #tpu.memory_space<hbm>>, %arg5: memref<2x10240x32xf32, #tpu.memory_space<hbm>>, %arg6: memref<60x128xi32, #tpu.memory_space<vmem>>, %arg7: memref<60x128xi32, #tpu.memory_space<vmem>>, %arg8: memref<2x128x32xf32, #tpu.memory_space<vmem>>, %arg9: memref<10240x32xf32, #tpu.memory_space<vmem_shared>>, %arg10: memref<!tpu.dma_semaphore, #tpu.memory_space<semaphore_mem>>, %arg11: memref<!tpu.dma_semaphore, #tpu.memory_space<semaphore_mem>>, %arg12: memref<!tpu.dma_semaphore, #tpu.memory_space<semaphore_mem>>, %arg13: memref<!tpu.dma_semaphore, #tpu.memory_space<semaphore_mem>>) attributes {dimension_semantics = [#tpu.dimension_semantics<core_parallel>, #tpu.dimension_semantics<subcore_parallel>], iteration_bounds = array<i64: 2, 16>, scalar_prefetch = 0 : i64, scratch_operands = 8 : i64, tpu.core_type = #tpu.core_type<sc_vector_subcore>, window_params = [{transform_indices = #map}, {transform_indices = #map}, {transform_indices = #map}, {transform_indices = #map1}]} {
    %scan3A = arith.constant 0 : i32
    %scan3A_0 = arith.constant 0 : i32
    %scan3A_1 = arith.constant 128 : i32
    %scan3A_2 = arith.addi %scan3A_0, %scan3A_1 : i32
    %scan3A_3 = arith.constant 1 : i32
    scf.for %scan3A_36 = %scan3A_0 to %scan3A_2 step %scan3A_3  : i32 {
      %broadcast_in_dim3A = arith.constant 0.000000e+00 : f32
      %broadcast_in_dim3A_37 = vector.broadcast %broadcast_in_dim3A : f32 to vector<16xf32>
      %swap3A = arith.constant 0 : i32
      %swap3A_38 = arith.index_cast %swap3A : i32 to index
      %swap3A_39 = arith.index_cast %scan3A_36 : i32 to index
      %swap3A_40 = arith.constant 0 : index
      %swap3A_41 = tpu.vector_load %arg8[%swap3A_38, %swap3A_39, %swap3A_40] {strides = array<i32>} : memref<2x128x32xf32, #tpu.memory_space<vmem>>, vector<1x1x16xf32>,
      %swap3A_42 = vector.shape_cast %swap3A_41 : vector<1x1x16xf32> to vector<16xf32>
      %swap3A_43 = vector.shape_cast %broadcast_in_dim3A_37 : vector<16xf32> to vector<1x1x16xf32>
      tpu.vector_store %arg8[%swap3A_38, %swap3A_39, %swap3A_40], %swap3A_43 {strides = array<i32>} : memref<2x128x32xf32, #tpu.memory_space<vmem>>, vector<1x1x16xf32>,
      %broadcast_in_dim3A_44 = arith.constant 0.000000e+00 : f32
      %broadcast_in_dim3A_45 = vector.broadcast %broadcast_in_dim3A_44 : f32 to vector<16xf32>
      %swap3A_46 = arith.constant 0 : i32
      %swap3A_47 = arith.index_cast %swap3A_46 : i32 to index
      %swap3A_48 = arith.index_cast %scan3A_36 : i32 to index
      %swap3A_49 = arith.constant 16 : index
      %swap3A_50 = tpu.vector_load %arg8[%swap3A_47, %swap3A_48, %swap3A_49] {strides = array<i32>} : memref<2x128x32xf32, #tpu.memory_space<vmem>>, vector<1x1x16xf32>,
      %swap3A_51 = vector.shape_cast %swap3A_50 : vector<1x1x16xf32> to vector<16xf32>
      %swap3A_52 = vector.shape_cast %broadcast_in_dim3A_45 : vector<16xf32> to vector<1x1x16xf32>
      tpu.vector_store %arg8[%swap3A_47, %swap3A_48, %swap3A_49], %swap3A_52 {strides = array<i32>} : memref<2x128x32xf32, #tpu.memory_space<vmem>>, vector<1x1x16xf32>,
    }
    %scan3A_4 = arith.constant 128 : i32
    %mul3A = arith.constant 640 : i32
    %mul3A_5 = arith.muli %arg1, %mul3A : i32
    %add3A = arith.constant 0 : i32
    %add3A_6 = arith.addi %mul3A_5, %add3A : i32
    %run_scoped3A = arith.constant 0 : i32
    "tpu.region"() ({
      %run_scoped3A_36 = tpu.sem_alloc : memref<!tpu.dma_semaphore, #tpu.memory_space<semaphore_mem>>
      %dma_start3A = arith.constant 0 : i32
      %dma_start3A_37 = arith.constant 0 : i32
      %dma_start3A_38 = tpu.memref_slice %arg8[%run_scoped3A, %dma_start3A, %dma_start3A_37] : memref<2x128x32xf32, #tpu.memory_space<vmem>> -> memref<1x128x32xf32, #tpu.memory_space<vmem>>
      %dma_start3A_39 = tpu.memref_squeeze %dma_start3A_38 : memref<1x128x32xf32, #tpu.memory_space<vmem>> -> memref<128x32xf32, #tpu.memory_space<vmem>>
      %dma_start3A_40 = arith.constant 0 : i32
      %dma_start3A_41 = tpu.memref_slice %arg9[%add3A_6, %dma_start3A_40] : memref<10240x32xf32, #tpu.memory_space<vmem_shared>> -> memref<128x32xf32, #tpu.memory_space<vmem_shared>>
      %dma_start3A_42 = arith.constant 0 : i32
      %dma_start3A_43 = tpu.memref_slice %arg9[%add3A_6, %dma_start3A_42] : memref<10240x32xf32, #tpu.memory_space<vmem_shared>> -> memref<128x32xf32, #tpu.memory_space<vmem_shared>>
      %dma_start3A_44 = arith.constant 0 : i32
      %dma_start3A_45 = arith.constant 0 : i32
      %dma_start3A_46 = tpu.memref_slice %arg8[%run_scoped3A, %dma_start3A_44, %dma_start3A_45] : memref<2x128x32xf32, #tpu.memory_space<vmem>> -> memref<1x128x32xf32, #tpu.memory_space<vmem>>
      %dma_start3A_47 = tpu.memref_squeeze %dma_start3A_46 : memref<1x128x32xf32, #tpu.memory_space<vmem>> -> memref<128x32xf32, #tpu.memory_space<vmem>>
      tpu.enqueue_dma source(%dma_start3A_47 : memref<128x32xf32, #tpu.memory_space<vmem>>) target(%dma_start3A_43 : memref<128x32xf32, #tpu.memory_space<vmem_shared>>) target_semaphore(%run_scoped3A_36 : memref<!tpu.dma_semaphore, #tpu.memory_space<semaphore_mem>>)
      %dma_wait3A = arith.constant 0 : i32
      %dma_wait3A_48 = arith.constant 0 : i32
      %dma_wait3A_49 = tpu.memref_slice %arg8[%run_scoped3A, %dma_wait3A, %dma_wait3A_48] : memref<2x128x32xf32, #tpu.memory_space<vmem>> -> memref<1x128x32xf32, #tpu.memory_space<vmem>>
      %dma_wait3A_50 = tpu.memref_squeeze %dma_wait3A_49 : memref<1x128x32xf32, #tpu.memory_space<vmem>> -> memref<128x32xf32, #tpu.memory_space<vmem>>
      %dma_wait3A_51 = arith.constant 0 : i32
      %dma_wait3A_52 = tpu.memref_slice %arg9[%add3A_6, %dma_wait3A_51] : memref<10240x32xf32, #tpu.memory_space<vmem_shared>> -> memref<128x32xf32, #tpu.memory_space<vmem_shared>>
      %dma_wait3A_53 = arith.constant 0 : i32
      %dma_wait3A_54 = tpu.memref_slice %arg9[%add3A_6, %dma_wait3A_53] : memref<10240x32xf32, #tpu.memory_space<vmem_shared>> -> memref<128x32xf32, #tpu.memory_space<vmem_shared>>
      %dma_wait3A_55 = arith.constant 0 : i32
      %dma_wait3A_56 = arith.constant 0 : i32
      %dma_wait3A_57 = tpu.memref_slice %arg8[%run_scoped3A, %dma_wait3A_55, %dma_wait3A_56] : memref<2x128x32xf32, #tpu.memory_space<vmem>> -> memref<1x128x32xf32, #tpu.memory_space<vmem>>
      %dma_wait3A_58 = tpu.memref_squeeze %dma_wait3A_57 : memref<1x128x32xf32, #tpu.memory_space<vmem>> -> memref<128x32xf32, #tpu.memory_space<vmem>>
      tpu.wait_dma2 semaphore(%run_scoped3A_36 : memref<!tpu.dma_semaphore, #tpu.memory_space<semaphore_mem>>) src(%dma_wait3A_58 : memref<128x32xf32, #tpu.memory_space<vmem>>) dst(%dma_wait3A_54 : memref<128x32xf32, #tpu.memory_space<vmem_shared>>)
      tpu.yield
    }) : () -> ()
    %mul3A_7 = arith.constant 640 : i32
    %mul3A_8 = arith.muli %arg1, %mul3A_7 : i32
    %add3A_9 = arith.constant 128 : i32
    %add3A_10 = arith.addi %mul3A_8, %add3A_9 : i32
    %run_scoped3A_11 = arith.constant 0 : i32
    "tpu.region"() ({
      %run_scoped3A_36 = tpu.sem_alloc : memref<!tpu.dma_semaphore, #tpu.memory_space<semaphore_mem>>
      %dma_start3A = arith.constant 0 : i32
      %dma_start3A_37 = arith.constant 0 : i32
      %dma_start3A_38 = tpu.memref_slice %arg8[%run_scoped3A_11, %dma_start3A, %dma_start3A_37] : memref<2x128x32xf32, #tpu.memory_space<vmem>> -> memref<1x128x32xf32, #tpu.memory_space<vmem>>
      %dma_start3A_39 = tpu.memref_squeeze %dma_start3A_38 : memref<1x128x32xf32, #tpu.memory_space<vmem>> -> memref<128x32xf32, #tpu.memory_space<vmem>>
      %dma_start3A_40 = arith.constant 0 : i32
      %dma_start3A_41 = tpu.memref_slice %arg9[%add3A_10, %dma_start3A_40] : memref<10240x32xf32, #tpu.memory_space<vmem_shared>> -> memref<128x32xf32, #tpu.memory_space<vmem_shared>>
      %dma_start3A_42 = arith.constant 0 : i32
      %dma_start3A_43 = tpu.memref_slice %arg9[%add3A_10, %dma_start3A_42] : memref<10240x32xf32, #tpu.memory_space<vmem_shared>> -> memref<128x32xf32, #tpu.memory_space<vmem_shared>>
      %dma_start3A_44 = arith.constant 0 : i32
      %dma_start3A_45 = arith.constant 0 : i32
      %dma_start3A_46 = tpu.memref_slice %arg8[%run_scoped3A_11, %dma_start3A_44, %dma_start3A_45] : memref<2x128x32xf32, #tpu.memory_space<vmem>> -> memref<1x128x32xf32, #tpu.memory_space<vmem>>
      %dma_start3A_47 = tpu.memref_squeeze %dma_start3A_46 : memref<1x128x32xf32, #tpu.memory_space<vmem>> -> memref<128x32xf32, #tpu.memory_space<vmem>>
      tpu.enqueue_dma source(%dma_start3A_47 : memref<128x32xf32, #tpu.memory_space<vmem>>) target(%dma_start3A_43 : memref<128x32xf32, #tpu.memory_space<vmem_shared>>) target_semaphore(%run_scoped3A_36 : memref<!tpu.dma_semaphore, #tpu.memory_space<semaphore_mem>>)
      %dma_wait3A = arith.constant 0 : i32
      %dma_wait3A_48 = arith.constant 0 : i32
      %dma_wait3A_49 = tpu.memref_slice %arg8[%run_scoped3A_11, %dma_wait3A, %dma_wait3A_48] : memref<2x128x32xf32, #tpu.memory_space<vmem>> -> memref<1x128x32xf32, #tpu.memory_space<vmem>>
      %dma_wait3A_50 = tpu.memref_squeeze %dma_wait3A_49 : memref<1x128x32xf32, #tpu.memory_space<vmem>> -> memref<128x32xf32, #tpu.memory_space<vmem>>
      %dma_wait3A_51 = arith.constant 0 : i32
      %dma_wait3A_52 = tpu.memref_slice %arg9[%add3A_10, %dma_wait3A_51] : memref<10240x32xf32, #tpu.memory_space<vmem_shared>> -> memref<128x32xf32, #tpu.memory_space<vmem_shared>>
      %dma_wait3A_53 = arith.constant 0 : i32
      %dma_wait3A_54 = tpu.memref_slice %arg9[%add3A_10, %dma_wait3A_53] : memref<10240x32xf32, #tpu.memory_space<vmem_shared>> -> memref<128x32xf32, #tpu.memory_space<vmem_shared>>
      %dma_wait3A_55 = arith.constant 0 : i32
      %dma_wait3A_56 = arith.constant 0 : i32
      %dma_wait3A_57 = tpu.memref_slice %arg8[%run_scoped3A_11, %dma_wait3A_55, %dma_wait3A_56] : memref<2x128x32xf32, #tpu.memory_space<vmem>> -> memref<1x128x32xf32, #tpu.memory_space<vmem>>
      %dma_wait3A_58 = tpu.memref_squeeze %dma_wait3A_57 : memref<1x128x32xf32, #tpu.memory_space<vmem>> -> memref<128x32xf32, #tpu.memory_space<vmem>>
      tpu.wait_dma2 semaphore(%run_scoped3A_36 : memref<!tpu.dma_semaphore, #tpu.memory_space<semaphore_mem>>) src(%dma_wait3A_58 : memref<128x32xf32, #tpu.memory_space<vmem>>) dst(%dma_wait3A_54 : memref<128x32xf32, #tpu.memory_space<vmem_shared>>)
      tpu.yield
    }) : () -> ()
    %mul3A_12 = arith.constant 640 : i32
    %mul3A_13 = arith.muli %arg1, %mul3A_12 : i32
    %add3A_14 = arith.constant 256 : i32
    %add3A_15 = arith.addi %mul3A_13, %add3A_14 : i32
    %run_scoped3A_16 = arith.constant 0 : i32
    "tpu.region"() ({
      %run_scoped3A_36 = tpu.sem_alloc : memref<!tpu.dma_semaphore, #tpu.memory_space<semaphore_mem>>
      %dma_start3A = arith.constant 0 : i32
      %dma_start3A_37 = arith.constant 0 : i32
      %dma_start3A_38 = tpu.memref_slice %arg8[%run_scoped3A_16, %dma_start3A, %dma_start3A_37] : memref<2x128x32xf32, #tpu.memory_space<vmem>> -> memref<1x128x32xf32, #tpu.memory_space<vmem>>
      %dma_start3A_39 = tpu.memref_squeeze %dma_start3A_38 : memref<1x128x32xf32, #tpu.memory_space<vmem>> -> memref<128x32xf32, #tpu.memory_space<vmem>>
      %dma_start3A_40 = arith.constant 0 : i32
      %dma_start3A_41 = tpu.memref_slice %arg9[%add3A_15, %dma_start3A_40] : memref<10240x32xf32, #tpu.memory_space<vmem_shared>> -> memref<128x32xf32, #tpu.memory_space<vmem_shared>>
      %dma_start3A_42 = arith.constant 0 : i32
      %dma_start3A_43 = tpu.memref_slice %arg9[%add3A_15, %dma_start3A_42] : memref<10240x32xf32, #tpu.memory_space<vmem_shared>> -> memref<128x32xf32, #tpu.memory_space<vmem_shared>>
      %dma_start3A_44 = arith.constant 0 : i32
      %dma_start3A_45 = arith.constant 0 : i32
      %dma_start3A_46 = tpu.memref_slice %arg8[%run_scoped3A_16, %dma_start3A_44, %dma_start3A_45] : memref<2x128x32xf32, #tpu.memory_space<vmem>> -> memref<1x128x32xf32, #tpu.memory_space<vmem>>
      %dma_start3A_47 = tpu.memref_squeeze %dma_start3A_46 : memref<1x128x32xf32, #tpu.memory_space<vmem>> -> memref<128x32xf32, #tpu.memory_space<vmem>>
      tpu.enqueue_dma source(%dma_start3A_47 : memref<128x32xf32, #tpu.memory_space<vmem>>) target(%dma_start3A_43 : memref<128x32xf32, #tpu.memory_space<vmem_shared>>) target_semaphore(%run_scoped3A_36 : memref<!tpu.dma_semaphore, #tpu.memory_space<semaphore_mem>>)
      %dma_wait3A = arith.constant 0 : i32
      %dma_wait3A_48 = arith.constant 0 : i32
      %dma_wait3A_49 = tpu.memref_slice %arg8[%run_scoped3A_16, %dma_wait3A, %dma_wait3A_48] : memref<2x128x32xf32, #tpu.memory_space<vmem>> -> memref<1x128x32xf32, #tpu.memory_space<vmem>>
      %dma_wait3A_50 = tpu.memref_squeeze %dma_wait3A_49 : memref<1x128x32xf32, #tpu.memory_space<vmem>> -> memref<128x32xf32, #tpu.memory_space<vmem>>
      %dma_wait3A_51 = arith.constant 0 : i32
      %dma_wait3A_52 = tpu.memref_slice %arg9[%add3A_15, %dma_wait3A_51] : memref<10240x32xf32, #tpu.memory_space<vmem_shared>> -> memref<128x32xf32, #tpu.memory_space<vmem_shared>>
      %dma_wait3A_53 = arith.constant 0 : i32
      %dma_wait3A_54 = tpu.memref_slice %arg9[%add3A_15, %dma_wait3A_53] : memref<10240x32xf32, #tpu.memory_space<vmem_shared>> -> memref<128x32xf32, #tpu.memory_space<vmem_shared>>
      %dma_wait3A_55 = arith.constant 0 : i32
      %dma_wait3A_56 = arith.constant 0 : i32
      %dma_wait3A_57 = tpu.memref_slice %arg8[%run_scoped3A_16, %dma_wait3A_55, %dma_wait3A_56] : memref<2x128x32xf32, #tpu.memory_space<vmem>> -> memref<1x128x32xf32, #tpu.memory_space<vmem>>
      %dma_wait3A_58 = tpu.memref_squeeze %dma_wait3A_57 : memref<1x128x32xf32, #tpu.memory_space<vmem>> -> memref<128x32xf32, #tpu.memory_space<vmem>>
      tpu.wait_dma2 semaphore(%run_scoped3A_36 : memref<!tpu.dma_semaphore, #tpu.memory_space<semaphore_mem>>) src(%dma_wait3A_58 : memref<128x32xf32, #tpu.memory_space<vmem>>) dst(%dma_wait3A_54 : memref<128x32xf32, #tpu.memory_space<vmem_shared>>)
      tpu.yield
    }) : () -> ()
    %mul3A_17 = arith.constant 640 : i32
    %mul3A_18 = arith.muli %arg1, %mul3A_17 : i32
    %add3A_19 = arith.constant 384 : i32
    %add3A_20 = arith.addi %mul3A_18, %add3A_19 : i32
    %run_scoped3A_21 = arith.constant 0 : i32
    "tpu.region"() ({
      %run_scoped3A_36 = tpu.sem_alloc : memref<!tpu.dma_semaphore, #tpu.memory_space<semaphore_mem>>
      %dma_start3A = arith.constant 0 : i32
      %dma_start3A_37 = arith.constant 0 : i32
      %dma_start3A_38 = tpu.memref_slice %arg8[%run_scoped3A_21, %dma_start3A, %dma_start3A_37] : memref<2x128x32xf32, #tpu.memory_space<vmem>> -> memref<1x128x32xf32, #tpu.memory_space<vmem>>
      %dma_start3A_39 = tpu.memref_squeeze %dma_start3A_38 : memref<1x128x32xf32, #tpu.memory_space<vmem>> -> memref<128x32xf32, #tpu.memory_space<vmem>>
      %dma_start3A_40 = arith.constant 0 : i32
      %dma_start3A_41 = tpu.memref_slice %arg9[%add3A_20, %dma_start3A_40] : memref<10240x32xf32, #tpu.memory_space<vmem_shared>> -> memref<128x32xf32, #tpu.memory_space<vmem_shared>>
      %dma_start3A_42 = arith.constant 0 : i32
      %dma_start3A_43 = tpu.memref_slice %arg9[%add3A_20, %dma_start3A_42] : memref<10240x32xf32, #tpu.memory_space<vmem_shared>> -> memref<128x32xf32, #tpu.memory_space<vmem_shared>>
      %dma_start3A_44 = arith.constant 0 : i32
      %dma_start3A_45 = arith.constant 0 : i32
      %dma_start3A_46 = tpu.memref_slice %arg8[%run_scoped3A_21, %dma_start3A_44, %dma_start3A_45] : memref<2x128x32xf32, #tpu.memory_space<vmem>> -> memref<1x128x32xf32, #tpu.memory_space<vmem>>
      %dma_start3A_47 = tpu.memref_squeeze %dma_start3A_46 : memref<1x128x32xf32, #tpu.memory_space<vmem>> -> memref<128x32xf32, #tpu.memory_space<vmem>>
      tpu.enqueue_dma source(%dma_start3A_47 : memref<128x32xf32, #tpu.memory_space<vmem>>) target(%dma_start3A_43 : memref<128x32xf32, #tpu.memory_space<vmem_shared>>) target_semaphore(%run_scoped3A_36 : memref<!tpu.dma_semaphore, #tpu.memory_space<semaphore_mem>>)
      %dma_wait3A = arith.constant 0 : i32
      %dma_wait3A_48 = arith.constant 0 : i32
      %dma_wait3A_49 = tpu.memref_slice %arg8[%run_scoped3A_21, %dma_wait3A, %dma_wait3A_48] : memref<2x128x32xf32, #tpu.memory_space<vmem>> -> memref<1x128x32xf32, #tpu.memory_space<vmem>>
      %dma_wait3A_50 = tpu.memref_squeeze %dma_wait3A_49 : memref<1x128x32xf32, #tpu.memory_space<vmem>> -> memref<128x32xf32, #tpu.memory_space<vmem>>
      %dma_wait3A_51 = arith.constant 0 : i32
      %dma_wait3A_52 = tpu.memref_slice %arg9[%add3A_20, %dma_wait3A_51] : memref<10240x32xf32, #tpu.memory_space<vmem_shared>> -> memref<128x32xf32, #tpu.memory_space<vmem_shared>>
      %dma_wait3A_53 = arith.constant 0 : i32
      %dma_wait3A_54 = tpu.memref_slice %arg9[%add3A_20, %dma_wait3A_53] : memref<10240x32xf32, #tpu.memory_space<vmem_shared>> -> memref<128x32xf32, #tpu.memory_space<vmem_shared>>
      %dma_wait3A_55 = arith.constant 0 : i32
      %dma_wait3A_56 = arith.constant 0 : i32
      %dma_wait3A_57 = tpu.memref_slice %arg8[%run_scoped3A_21, %dma_wait3A_55, %dma_wait3A_56] : memref<2x128x32xf32, #tpu.memory_space<vmem>> -> memref<1x128x32xf32, #tpu.memory_space<vmem>>
      %dma_wait3A_58 = tpu.memref_squeeze %dma_wait3A_57 : memref<1x128x32xf32, #tpu.memory_space<vmem>> -> memref<128x32xf32, #tpu.memory_space<vmem>>
      tpu.wait_dma2 semaphore(%run_scoped3A_36 : memref<!tpu.dma_semaphore, #tpu.memory_space<semaphore_mem>>) src(%dma_wait3A_58 : memref<128x32xf32, #tpu.memory_space<vmem>>) dst(%dma_wait3A_54 : memref<128x32xf32, #tpu.memory_space<vmem_shared>>)
      tpu.yield
    }) : () -> ()
    %mul3A_22 = arith.constant 640 : i32
    %mul3A_23 = arith.muli %arg1, %mul3A_22 : i32
    %add3A_24 = arith.constant 512 : i32
    %add3A_25 = arith.addi %mul3A_23, %add3A_24 : i32
    %run_scoped3A_26 = arith.constant 0 : i32
    "tpu.region"() ({
      %run_scoped3A_36 = tpu.sem_alloc : memref<!tpu.dma_semaphore, #tpu.memory_space<semaphore_mem>>
      %dma_start3A = arith.constant 0 : i32
      %dma_start3A_37 = arith.constant 0 : i32
      %dma_start3A_38 = tpu.memref_slice %arg8[%run_scoped3A_26, %dma_start3A, %dma_start3A_37] : memref<2x128x32xf32, #tpu.memory_space<vmem>> -> memref<1x128x32xf32, #tpu.memory_space<vmem>>
      %dma_start3A_39 = tpu.memref_squeeze %dma_start3A_38 : memref<1x128x32xf32, #tpu.memory_space<vmem>> -> memref<128x32xf32, #tpu.memory_space<vmem>>
      %dma_start3A_40 = arith.constant 0 : i32
      %dma_start3A_41 = tpu.memref_slice %arg9[%add3A_25, %dma_start3A_40] : memref<10240x32xf32, #tpu.memory_space<vmem_shared>> -> memref<128x32xf32, #tpu.memory_space<vmem_shared>>
      %dma_start3A_42 = arith.constant 0 : i32
      %dma_start3A_43 = tpu.memref_slice %arg9[%add3A_25, %dma_start3A_42] : memref<10240x32xf32, #tpu.memory_space<vmem_shared>> -> memref<128x32xf32, #tpu.memory_space<vmem_shared>>
      %dma_start3A_44 = arith.constant 0 : i32
      %dma_start3A_45 = arith.constant 0 : i32
      %dma_start3A_46 = tpu.memref_slice %arg8[%run_scoped3A_26, %dma_start3A_44, %dma_start3A_45] : memref<2x128x32xf32, #tpu.memory_space<vmem>> -> memref<1x128x32xf32, #tpu.memory_space<vmem>>
      %dma_start3A_47 = tpu.memref_squeeze %dma_start3A_46 : memref<1x128x32xf32, #tpu.memory_space<vmem>> -> memref<128x32xf32, #tpu.memory_space<vmem>>
      tpu.enqueue_dma source(%dma_start3A_47 : memref<128x32xf32, #tpu.memory_space<vmem>>) target(%dma_start3A_43 : memref<128x32xf32, #tpu.memory_space<vmem_shared>>) target_semaphore(%run_scoped3A_36 : memref<!tpu.dma_semaphore, #tpu.memory_space<semaphore_mem>>)
      %dma_wait3A = arith.constant 0 : i32
      %dma_wait3A_48 = arith.constant 0 : i32
      %dma_wait3A_49 = tpu.memref_slice %arg8[%run_scoped3A_26, %dma_wait3A, %dma_wait3A_48] : memref<2x128x32xf32, #tpu.memory_space<vmem>> -> memref<1x128x32xf32, #tpu.memory_space<vmem>>
      %dma_wait3A_50 = tpu.memref_squeeze %dma_wait3A_49 : memref<1x128x32xf32, #tpu.memory_space<vmem>> -> memref<128x32xf32, #tpu.memory_space<vmem>>
      %dma_wait3A_51 = arith.constant 0 : i32
      %dma_wait3A_52 = tpu.memref_slice %arg9[%add3A_25, %dma_wait3A_51] : memref<10240x32xf32, #tpu.memory_space<vmem_shared>> -> memref<128x32xf32, #tpu.memory_space<vmem_shared>>
      %dma_wait3A_53 = arith.constant 0 : i32
      %dma_wait3A_54 = tpu.memref_slice %arg9[%add3A_25, %dma_wait3A_53] : memref<10240x32xf32, #tpu.memory_space<vmem_shared>> -> memref<128x32xf32, #tpu.memory_space<vmem_shared>>
      %dma_wait3A_55 = arith.constant 0 : i32
      %dma_wait3A_56 = arith.constant 0 : i32
      %dma_wait3A_57 = tpu.memref_slice %arg8[%run_scoped3A_26, %dma_wait3A_55, %dma_wait3A_56] : memref<2x128x32xf32, #tpu.memory_space<vmem>> -> memref<1x128x32xf32, #tpu.memory_space<vmem>>
      %dma_wait3A_58 = tpu.memref_squeeze %dma_wait3A_57 : memref<1x128x32xf32, #tpu.memory_space<vmem>> -> memref<128x32xf32, #tpu.memory_space<vmem>>
      tpu.wait_dma2 semaphore(%run_scoped3A_36 : memref<!tpu.dma_semaphore, #tpu.memory_space<semaphore_mem>>) src(%dma_wait3A_58 : memref<128x32xf32, #tpu.memory_space<vmem>>) dst(%dma_wait3A_54 : memref<128x32xf32, #tpu.memory_space<vmem_shared>>)
      tpu.yield
    }) : () -> ()
    %barrier3A = arith.constant 0 : index
    tpu.barrier barrier_id(%barrier3A)
    %eq3A = arith.constant 0 : i32
    %eq3A_27 = arith.cmpi eq, %arg0, %eq3A : i32
    %convert_element_type3A = arith.extui %eq3A_27 : i1 to i32
    %cond3A = arith.constant 0 : i32
    %cond3A_28 = arith.cmpi ne, %convert_element_type3A, %cond3A : i32
    scf.if %cond3A_28 {
      %mul3A_36 = arith.constant 60 : i32
      %mul3A_37 = arith.muli %arg1, %mul3A_36 : i32
      "tpu.region"() ({
        %run_scoped3A_89 = tpu.sem_alloc : memref<!tpu.dma_semaphore, #tpu.memory_space<semaphore_mem>>
        %dma_start3A_90 = arith.constant 0 : i32
        %dma_start3A_91 = arith.constant 0 : i32
        %dma_start3A_92 = tpu.memref_slice %arg6[%dma_start3A_90, %dma_start3A_91] : memref<60x128xi32, #tpu.memory_space<vmem>> -> memref<60x128xi32, #tpu.memory_space<vmem>>
        %dma_start3A_93 = arith.constant 0 : i32
        %dma_start3A_94 = tpu.memref_slice %arg3[%mul3A_37, %dma_start3A_93] : memref<1280x128xi32, #tpu.memory_space<hbm>> -> memref<60x128xi32, #tpu.memory_space<hbm>>
        %dma_start3A_95 = arith.constant 0 : i32
        %dma_start3A_96 = arith.constant 0 : i32
        %dma_start3A_97 = tpu.memref_slice %arg6[%dma_start3A_95, %dma_start3A_96] : memref<60x128xi32, #tpu.memory_space<vmem>> -> memref<60x128xi32, #tpu.memory_space<vmem>>
        %dma_start3A_98 = arith.constant 0 : i32
        %dma_start3A_99 = tpu.memref_slice %arg3[%mul3A_37, %dma_start3A_98] : memref<1280x128xi32, #tpu.memory_space<hbm>> -> memref<60x128xi32, #tpu.memory_space<hbm>>
        tpu.enqueue_dma source(%dma_start3A_99 : memref<60x128xi32, #tpu.memory_space<hbm>>) target(%dma_start3A_97 : memref<60x128xi32, #tpu.memory_space<vmem>>) target_semaphore(%run_scoped3A_89 : memref<!tpu.dma_semaphore, #tpu.memory_space<semaphore_mem>>)
        %dma_wait3A_100 = arith.constant 0 : i32
        %dma_wait3A_101 = arith.constant 0 : i32
        %dma_wait3A_102 = tpu.memref_slice %arg6[%dma_wait3A_100, %dma_wait3A_101] : memref<60x128xi32, #tpu.memory_space<vmem>> -> memref<60x128xi32, #tpu.memory_space<vmem>>
        %dma_wait3A_103 = arith.constant 0 : i32
        %dma_wait3A_104 = tpu.memref_slice %arg3[%mul3A_37, %dma_wait3A_103] : memref<1280x128xi32, #tpu.memory_space<hbm>> -> memref<60x128xi32, #tpu.memory_space<hbm>>
        %dma_wait3A_105 = arith.constant 0 : i32
        %dma_wait3A_106 = arith.constant 0 : i32
        %dma_wait3A_107 = tpu.memref_slice %arg6[%dma_wait3A_105, %dma_wait3A_106] : memref<60x128xi32, #tpu.memory_space<vmem>> -> memref<60x128xi32, #tpu.memory_space<vmem>>
        %dma_wait3A_108 = arith.constant 0 : i32
        %dma_wait3A_109 = tpu.memref_slice %arg3[%mul3A_37, %dma_wait3A_108] : memref<1280x128xi32, #tpu.memory_space<hbm>> -> memref<60x128xi32, #tpu.memory_space<hbm>>
        tpu.wait_dma2 semaphore(%run_scoped3A_89 : memref<!tpu.dma_semaphore, #tpu.memory_space<semaphore_mem>>) src(%dma_wait3A_109 : memref<60x128xi32, #tpu.memory_space<hbm>>) dst(%dma_wait3A_107 : memref<60x128xi32, #tpu.memory_space<vmem>>)
        tpu.yield
      }) : () -> ()
      "tpu.region"() ({
        %run_scoped3A_89 = tpu.sem_alloc : memref<!tpu.dma_semaphore, #tpu.memory_space<semaphore_mem>>
        %dma_start3A_90 = arith.constant 0 : i32
        %dma_start3A_91 = arith.constant 0 : i32
        %dma_start3A_92 = tpu.memref_slice %arg7[%dma_start3A_90, %dma_start3A_91] : memref<60x128xi32, #tpu.memory_space<vmem>> -> memref<60x128xi32, #tpu.memory_space<vmem>>
        %dma_start3A_93 = arith.constant 0 : i32
        %dma_start3A_94 = tpu.memref_slice %arg4[%mul3A_37, %dma_start3A_93] : memref<1280x128xi32, #tpu.memory_space<hbm>> -> memref<60x128xi32, #tpu.memory_space<hbm>>
        %dma_start3A_95 = arith.constant 0 : i32
        %dma_start3A_96 = arith.constant 0 : i32
        %dma_start3A_97 = tpu.memref_slice %arg7[%dma_start3A_95, %dma_start3A_96] : memref<60x128xi32, #tpu.memory_space<vmem>> -> memref<60x128xi32, #tpu.memory_space<vmem>>
        %dma_start3A_98 = arith.constant 0 : i32
        %dma_start3A_99 = tpu.memref_slice %arg4[%mul3A_37, %dma_start3A_98] : memref<1280x128xi32, #tpu.memory_space<hbm>> -> memref<60x128xi32, #tpu.memory_space<hbm>>
        tpu.enqueue_dma source(%dma_start3A_99 : memref<60x128xi32, #tpu.memory_space<hbm>>) target(%dma_start3A_97 : memref<60x128xi32, #tpu.memory_space<vmem>>) target_semaphore(%run_scoped3A_89 : memref<!tpu.dma_semaphore, #tpu.memory_space<semaphore_mem>>)
        %dma_wait3A_100 = arith.constant 0 : i32
        %dma_wait3A_101 = arith.constant 0 : i32
        %dma_wait3A_102 = tpu.memref_slice %arg7[%dma_wait3A_100, %dma_wait3A_101] : memref<60x128xi32, #tpu.memory_space<vmem>> -> memref<60x128xi32, #tpu.memory_space<vmem>>
        %dma_wait3A_103 = arith.constant 0 : i32
        %dma_wait3A_104 = tpu.memref_slice %arg4[%mul3A_37, %dma_wait3A_103] : memref<1280x128xi32, #tpu.memory_space<hbm>> -> memref<60x128xi32, #tpu.memory_space<hbm>>
        %dma_wait3A_105 = arith.constant 0 : i32
        %dma_wait3A_106 = arith.constant 0 : i32
        %dma_wait3A_107 = tpu.memref_slice %arg7[%dma_wait3A_105, %dma_wait3A_106] : memref<60x128xi32, #tpu.memory_space<vmem>> -> memref<60x128xi32, #tpu.memory_space<vmem>>
        %dma_wait3A_108 = arith.constant 0 : i32
        %dma_wait3A_109 = tpu.memref_slice %arg4[%mul3A_37, %dma_wait3A_108] : memref<1280x128xi32, #tpu.memory_space<hbm>> -> memref<60x128xi32, #tpu.memory_space<hbm>>
        tpu.wait_dma2 semaphore(%run_scoped3A_89 : memref<!tpu.dma_semaphore, #tpu.memory_space<semaphore_mem>>) src(%dma_wait3A_109 : memref<60x128xi32, #tpu.memory_space<hbm>>) dst(%dma_wait3A_107 : memref<60x128xi32, #tpu.memory_space<vmem>>)
        tpu.yield
      }) : () -> ()
      %dma_start3A = arith.constant 0 : i32
      %dma_start3A_38 = arith.constant 0 : i32
      %dma_start3A_39 = arith.constant 0 : i32
      %dma_start3A_40 = arith.constant 0 : i32
      %dma_start3A_41 = tpu.memref_slice %arg8[%dma_start3A_38, %dma_start3A_39, %dma_start3A_40] : memref<2x128x32xf32, #tpu.memory_space<vmem>> -> memref<1x128x32xf32, #tpu.memory_space<vmem>>
      %dma_start3A_42 = tpu.memref_squeeze %dma_start3A_41 : memref<1x128x32xf32, #tpu.memory_space<vmem>> -> memref<128x32xf32, #tpu.memory_space<vmem>>
      %dma_start3A_43 = arith.constant 0 : i32
      %dma_start3A_44 = tpu.memref_slice %arg6[%dma_start3A, %dma_start3A_43] : memref<60x128xi32, #tpu.memory_space<vmem>> -> memref<1x128xi32, #tpu.memory_space<vmem>>
      %dma_start3A_45 = tpu.memref_squeeze %dma_start3A_44 : memref<1x128xi32, #tpu.memory_space<vmem>> -> memref<128xi32, #tpu.memory_space<vmem>>
      %dma_start3A_46 = arith.constant 0 : i32
      %dma_start3A_47 = arith.constant 0 : i32
      %dma_start3A_48 = tpu.memref_slice %arg2[%dma_start3A_46, %dma_start3A_47] : memref<10000x32xf32, #tpu.memory_space<hbm>> -> memref<10000x32xf32, #tpu.memory_space<hbm>>
      tpu.enqueue_indirect_dma source(%dma_start3A_48 : memref<10000x32xf32, #tpu.memory_space<hbm>>) target(%dma_start3A_42 : memref<128x32xf32, #tpu.memory_space<vmem>>) offsets(%dma_start3A_45 : memref<128xi32, #tpu.memory_space<vmem>>) semaphore(%arg10 : memref<!tpu.dma_semaphore, #tpu.memory_space<semaphore_mem>>)
      %dma_start3A_49 = arith.constant 1 : i32
      %dma_start3A_50 = arith.constant 1 : i32
      %dma_start3A_51 = arith.constant 0 : i32
      %dma_start3A_52 = arith.constant 0 : i32
      %dma_start3A_53 = tpu.memref_slice %arg8[%dma_start3A_50, %dma_start3A_51, %dma_start3A_52] : memref<2x128x32xf32, #tpu.memory_space<vmem>> -> memref<1x128x32xf32, #tpu.memory_space<vmem>>
      %dma_start3A_54 = tpu.memref_squeeze %dma_start3A_53 : memref<1x128x32xf32, #tpu.memory_space<vmem>> -> memref<128x32xf32, #tpu.memory_space<vmem>>
      %dma_start3A_55 = arith.constant 0 : i32
      %dma_start3A_56 = tpu.memref_slice %arg6[%dma_start3A_49, %dma_start3A_55] : memref<60x128xi32, #tpu.memory_space<vmem>> -> memref<1x128xi32, #tpu.memory_space<vmem>>
      %dma_start3A_57 = tpu.memref_squeeze %dma_start3A_56 : memref<1x128xi32, #tpu.memory_space<vmem>> -> memref<128xi32, #tpu.memory_space<vmem>>
      %dma_start3A_58 = arith.constant 0 : i32
      %dma_start3A_59 = arith.constant 0 : i32
      %dma_start3A_60 = tpu.memref_slice %arg2[%dma_start3A_58, %dma_start3A_59] : memref<10000x32xf32, #tpu.memory_space<hbm>> -> memref<10000x32xf32, #tpu.memory_space<hbm>>
      tpu.enqueue_indirect_dma source(%dma_start3A_60 : memref<10000x32xf32, #tpu.memory_space<hbm>>) target(%dma_start3A_54 : memref<128x32xf32, #tpu.memory_space<vmem>>) offsets(%dma_start3A_57 : memref<128xi32, #tpu.memory_space<vmem>>) semaphore(%arg11 : memref<!tpu.dma_semaphore, #tpu.memory_space<semaphore_mem>>)
      %scan3A_61 = arith.constant 0 : i32
      %scan3A_62 = arith.constant 30 : i32
      %scan3A_63 = arith.addi %scan3A_61, %scan3A_62 : i32
      %scan3A_64 = arith.constant 1 : i32
      scf.for %scan3A_89 = %scan3A_61 to %scan3A_63 step %scan3A_64  : i32 {
        %mul3A_90 = arith.constant 2 : i32
        %mul3A_91 = arith.muli %scan3A_89, %mul3A_90 : i32
        %add3A_92 = arith.constant 0 : i32
        %add3A_93 = arith.addi %add3A_92, %mul3A_91 : i32
        %add3A_94 = arith.constant 0 : i32
        %add3A_95 = arith.addi %add3A_93, %add3A_94 : i32
        %dma_wait3A_96 = arith.constant 0 : i32
        %dma_wait3A_97 = arith.constant 0 : i32
        %dma_wait3A_98 = arith.constant 0 : i32
        %dma_wait3A_99 = tpu.memref_slice %arg8[%dma_wait3A_96, %dma_wait3A_97, %dma_wait3A_98] : memref<2x128x32xf32, #tpu.memory_space<vmem>> -> memref<1x128x32xf32, #tpu.memory_space<vmem>>
        %dma_wait3A_100 = tpu.memref_squeeze %dma_wait3A_99 : memref<1x128x32xf32, #tpu.memory_space<vmem>> -> memref<128x32xf32, #tpu.memory_space<vmem>>
        %dma_wait3A_101 = arith.constant 0 : i32
        %dma_wait3A_102 = tpu.memref_slice %arg6[%add3A_95, %dma_wait3A_101] : memref<60x128xi32, #tpu.memory_space<vmem>> -> memref<1x128xi32, #tpu.memory_space<vmem>>
        %dma_wait3A_103 = tpu.memref_squeeze %dma_wait3A_102 : memref<1x128xi32, #tpu.memory_space<vmem>> -> memref<128xi32, #tpu.memory_space<vmem>>
        %dma_wait3A_104 = arith.constant 0 : i32
        %dma_wait3A_105 = arith.constant 0 : i32
        %dma_wait3A_106 = tpu.memref_slice %arg2[%dma_wait3A_104, %dma_wait3A_105] : memref<10000x32xf32, #tpu.memory_space<hbm>> -> memref<10000x32xf32, #tpu.memory_space<hbm>>
        tpu.wait_indirect_dma semaphore(%arg10 : memref<!tpu.dma_semaphore, #tpu.memory_space<semaphore_mem>>) src(%dma_wait3A_106 : memref<10000x32xf32, #tpu.memory_space<hbm>>) dst(%dma_wait3A_100 : memref<128x32xf32, #tpu.memory_space<vmem>>)
        %dma_start3A_107 = arith.constant 0 : i32
        %dma_start3A_108 = arith.constant 0 : i32
        %dma_start3A_109 = arith.constant 0 : i32
        %dma_start3A_110 = tpu.memref_slice %arg8[%dma_start3A_107, %dma_start3A_108, %dma_start3A_109] : memref<2x128x32xf32, #tpu.memory_space<vmem>> -> memref<1x128x32xf32, #tpu.memory_space<vmem>>
        %dma_start3A_111 = tpu.memref_squeeze %dma_start3A_110 : memref<1x128x32xf32, #tpu.memory_space<vmem>> -> memref<128x32xf32, #tpu.memory_space<vmem>>
        %dma_start3A_112 = arith.constant 0 : i32
        %dma_start3A_113 = tpu.memref_slice %arg7[%add3A_95, %dma_start3A_112] : memref<60x128xi32, #tpu.memory_space<vmem>> -> memref<1x128xi32, #tpu.memory_space<vmem>>
        %dma_start3A_114 = tpu.memref_squeeze %dma_start3A_113 : memref<1x128xi32, #tpu.memory_space<vmem>> -> memref<128xi32, #tpu.memory_space<vmem>>
        %dma_start3A_115 = arith.constant 0 : i32
        %dma_start3A_116 = arith.constant 0 : i32
        %dma_start3A_117 = tpu.memref_slice %arg9[%dma_start3A_115, %dma_start3A_116] : memref<10240x32xf32, #tpu.memory_space<vmem_shared>> -> memref<10240x32xf32, #tpu.memory_space<vmem_shared>>
        tpu.enqueue_indirect_dma source(%dma_start3A_111 : memref<128x32xf32, #tpu.memory_space<vmem>>) target(%dma_start3A_117 : memref<10240x32xf32, #tpu.memory_space<vmem_shared>>) offsets(%dma_start3A_114 : memref<128xi32, #tpu.memory_space<vmem>>) semaphore(%arg12 : memref<!tpu.dma_semaphore, #tpu.memory_space<semaphore_mem>>) {add = true}
        %add3A_118 = arith.constant 1 : i32
        %add3A_119 = arith.addi %add3A_93, %add3A_118 : i32
        %dma_wait3A_120 = arith.constant 1 : i32
        %dma_wait3A_121 = arith.constant 0 : i32
        %dma_wait3A_122 = arith.constant 0 : i32
        %dma_wait3A_123 = tpu.memref_slice %arg8[%dma_wait3A_120, %dma_wait3A_121, %dma_wait3A_122] : memref<2x128x32xf32, #tpu.memory_space<vmem>> -> memref<1x128x32xf32, #tpu.memory_space<vmem>>
        %dma_wait3A_124 = tpu.memref_squeeze %dma_wait3A_123 : memref<1x128x32xf32, #tpu.memory_space<vmem>> -> memref<128x32xf32, #tpu.memory_space<vmem>>
        %dma_wait3A_125 = arith.constant 0 : i32
        %dma_wait3A_126 = tpu.memref_slice %arg6[%add3A_119, %dma_wait3A_125] : memref<60x128xi32, #tpu.memory_space<vmem>> -> memref<1x128xi32, #tpu.memory_space<vmem>>
        %dma_wait3A_127 = tpu.memref_squeeze %dma_wait3A_126 : memref<1x128xi32, #tpu.memory_space<vmem>> -> memref<128xi32, #tpu.memory_space<vmem>>
        %dma_wait3A_128 = arith.constant 0 : i32
        %dma_wait3A_129 = arith.constant 0 : i32
        %dma_wait3A_130 = tpu.memref_slice %arg2[%dma_wait3A_128, %dma_wait3A_129] : memref<10000x32xf32, #tpu.memory_space<hbm>> -> memref<10000x32xf32, #tpu.memory_space<hbm>>
        tpu.wait_indirect_dma semaphore(%arg11 : memref<!tpu.dma_semaphore, #tpu.memory_space<semaphore_mem>>) src(%dma_wait3A_130 : memref<10000x32xf32, #tpu.memory_space<hbm>>) dst(%dma_wait3A_124 : memref<128x32xf32, #tpu.memory_space<vmem>>)
        %dma_start3A_131 = arith.constant 1 : i32
        %dma_start3A_132 = arith.constant 0 : i32
        %dma_start3A_133 = arith.constant 0 : i32
        %dma_start3A_134 = tpu.memref_slice %arg8[%dma_start3A_131, %dma_start3A_132, %dma_start3A_133] : memref<2x128x32xf32, #tpu.memory_space<vmem>> -> memref<1x128x32xf32, #tpu.memory_space<vmem>>
        %dma_start3A_135 = tpu.memref_squeeze %dma_start3A_134 : memref<1x128x32xf32, #tpu.memory_space<vmem>> -> memref<128x32xf32, #tpu.memory_space<vmem>>
        %dma_start3A_136 = arith.constant 0 : i32
        %dma_start3A_137 = tpu.memref_slice %arg7[%add3A_119, %dma_start3A_136] : memref<60x128xi32, #tpu.memory_space<vmem>> -> memref<1x128xi32, #tpu.memory_space<vmem>>
        %dma_start3A_138 = tpu.memref_squeeze %dma_start3A_137 : memref<1x128xi32, #tpu.memory_space<vmem>> -> memref<128xi32, #tpu.memory_space<vmem>>
        %dma_start3A_139 = arith.constant 0 : i32
        %dma_start3A_140 = arith.constant 0 : i32
        %dma_start3A_141 = tpu.memref_slice %arg9[%dma_start3A_139, %dma_start3A_140] : memref<10240x32xf32, #tpu.memory_space<vmem_shared>> -> memref<10240x32xf32, #tpu.memory_space<vmem_shared>>
        tpu.enqueue_indirect_dma source(%dma_start3A_135 : memref<128x32xf32, #tpu.memory_space<vmem>>) target(%dma_start3A_141 : memref<10240x32xf32, #tpu.memory_space<vmem_shared>>) offsets(%dma_start3A_138 : memref<128xi32, #tpu.memory_space<vmem>>) semaphore(%arg13 : memref<!tpu.dma_semaphore, #tpu.memory_space<semaphore_mem>>) {add = true}
        %add3A_142 = arith.constant 2 : i32
        %add3A_143 = arith.addi %add3A_93, %add3A_142 : i32
        %add3A_144 = arith.constant 0 : i32
        %add3A_145 = arith.addi %add3A_143, %add3A_144 : i32
        %lt3A = arith.constant 60 : i32
        %lt3A_146 = arith.cmpi slt, %add3A_145, %lt3A : i32
        %convert_element_type3A_147 = arith.extui %lt3A_146 : i1 to i32
        %cond3A_148 = arith.constant 0 : i32
        %cond3A_149 = arith.cmpi ne, %convert_element_type3A_147, %cond3A_148 : i32
        scf.if %cond3A_149 {
          %dma_wait3A_159 = arith.constant 0 : i32
          %dma_wait3A_160 = arith.constant 0 : i32
          %dma_wait3A_161 = arith.constant 0 : i32
          %dma_wait3A_162 = tpu.memref_slice %arg8[%dma_wait3A_159, %dma_wait3A_160, %dma_wait3A_161] : memref<2x128x32xf32, #tpu.memory_space<vmem>> -> memref<1x128x32xf32, #tpu.memory_space<vmem>>
          %dma_wait3A_163 = tpu.memref_squeeze %dma_wait3A_162 : memref<1x128x32xf32, #tpu.memory_space<vmem>> -> memref<128x32xf32, #tpu.memory_space<vmem>>
          %dma_wait3A_164 = arith.constant 0 : i32
          %dma_wait3A_165 = tpu.memref_slice %arg7[%add3A_145, %dma_wait3A_164] : memref<60x128xi32, #tpu.memory_space<vmem>> -> memref<1x128xi32, #tpu.memory_space<vmem>>
          %dma_wait3A_166 = tpu.memref_squeeze %dma_wait3A_165 : memref<1x128xi32, #tpu.memory_space<vmem>> -> memref<128xi32, #tpu.memory_space<vmem>>
          %dma_wait3A_167 = arith.constant 0 : i32
          %dma_wait3A_168 = arith.constant 0 : i32
          %dma_wait3A_169 = tpu.memref_slice %arg9[%dma_wait3A_167, %dma_wait3A_168] : memref<10240x32xf32, #tpu.memory_space<vmem_shared>> -> memref<10240x32xf32, #tpu.memory_space<vmem_shared>>
          tpu.wait_indirect_dma semaphore(%arg12 : memref<!tpu.dma_semaphore, #tpu.memory_space<semaphore_mem>>) src(%dma_wait3A_163 : memref<128x32xf32, #tpu.memory_space<vmem>>) dst(%dma_wait3A_169 : memref<10240x32xf32, #tpu.memory_space<vmem_shared>>)
          %dma_start3A_170 = arith.constant 0 : i32
          %dma_start3A_171 = arith.constant 0 : i32
          %dma_start3A_172 = arith.constant 0 : i32
          %dma_start3A_173 = tpu.memref_slice %arg8[%dma_start3A_170, %dma_start3A_171, %dma_start3A_172] : memref<2x128x32xf32, #tpu.memory_space<vmem>> -> memref<1x128x32xf32, #tpu.memory_space<vmem>>
          %dma_start3A_174 = tpu.memref_squeeze %dma_start3A_173 : memref<1x128x32xf32, #tpu.memory_space<vmem>> -> memref<128x32xf32, #tpu.memory_space<vmem>>
          %dma_start3A_175 = arith.constant 0 : i32
          %dma_start3A_176 = tpu.memref_slice %arg6[%add3A_145, %dma_start3A_175] : memref<60x128xi32, #tpu.memory_space<vmem>> -> memref<1x128xi32, #tpu.memory_space<vmem>>
          %dma_start3A_177 = tpu.memref_squeeze %dma_start3A_176 : memref<1x128xi32, #tpu.memory_space<vmem>> -> memref<128xi32, #tpu.memory_space<vmem>>
          %dma_start3A_178 = arith.constant 0 : i32
          %dma_start3A_179 = arith.constant 0 : i32
          %dma_start3A_180 = tpu.memref_slice %arg2[%dma_start3A_178, %dma_start3A_179] : memref<10000x32xf32, #tpu.memory_space<hbm>> -> memref<10000x32xf32, #tpu.memory_space<hbm>>
          tpu.enqueue_indirect_dma source(%dma_start3A_180 : memref<10000x32xf32, #tpu.memory_space<hbm>>) target(%dma_start3A_174 : memref<128x32xf32, #tpu.memory_space<vmem>>) offsets(%dma_start3A_177 : memref<128xi32, #tpu.memory_space<vmem>>) semaphore(%arg10 : memref<!tpu.dma_semaphore, #tpu.memory_space<semaphore_mem>>)
        } else {
        }
        %add3A_150 = arith.constant 2 : i32
        %add3A_151 = arith.addi %add3A_93, %add3A_150 : i32
        %add3A_152 = arith.constant 1 : i32
        %add3A_153 = arith.addi %add3A_151, %add3A_152 : i32
        %lt3A_154 = arith.constant 60 : i32
        %lt3A_155 = arith.cmpi slt, %add3A_153, %lt3A_154 : i32
        %convert_element_type3A_156 = arith.extui %lt3A_155 : i1 to i32
        %cond3A_157 = arith.constant 0 : i32
        %cond3A_158 = arith.cmpi ne, %convert_element_type3A_156, %cond3A_157 : i32
        scf.if %cond3A_158 {
          %dma_wait3A_159 = arith.constant 1 : i32
          %dma_wait3A_160 = arith.constant 0 : i32
          %dma_wait3A_161 = arith.constant 0 : i32
          %dma_wait3A_162 = tpu.memref_slice %arg8[%dma_wait3A_159, %dma_wait3A_160, %dma_wait3A_161] : memref<2x128x32xf32, #tpu.memory_space<vmem>> -> memref<1x128x32xf32, #tpu.memory_space<vmem>>
          %dma_wait3A_163 = tpu.memref_squeeze %dma_wait3A_162 : memref<1x128x32xf32, #tpu.memory_space<vmem>> -> memref<128x32xf32, #tpu.memory_space<vmem>>
          %dma_wait3A_164 = arith.constant 0 : i32
          %dma_wait3A_165 = tpu.memref_slice %arg7[%add3A_153, %dma_wait3A_164] : memref<60x128xi32, #tpu.memory_space<vmem>> -> memref<1x128xi32, #tpu.memory_space<vmem>>
          %dma_wait3A_166 = tpu.memref_squeeze %dma_wait3A_165 : memref<1x128xi32, #tpu.memory_space<vmem>> -> memref<128xi32, #tpu.memory_space<vmem>>
          %dma_wait3A_167 = arith.constant 0 : i32
          %dma_wait3A_168 = arith.constant 0 : i32
          %dma_wait3A_169 = tpu.memref_slice %arg9[%dma_wait3A_167, %dma_wait3A_168] : memref<10240x32xf32, #tpu.memory_space<vmem_shared>> -> memref<10240x32xf32, #tpu.memory_space<vmem_shared>>
          tpu.wait_indirect_dma semaphore(%arg13 : memref<!tpu.dma_semaphore, #tpu.memory_space<semaphore_mem>>) src(%dma_wait3A_163 : memref<128x32xf32, #tpu.memory_space<vmem>>) dst(%dma_wait3A_169 : memref<10240x32xf32, #tpu.memory_space<vmem_shared>>)
          %dma_start3A_170 = arith.constant 1 : i32
          %dma_start3A_171 = arith.constant 0 : i32
          %dma_start3A_172 = arith.constant 0 : i32
          %dma_start3A_173 = tpu.memref_slice %arg8[%dma_start3A_170, %dma_start3A_171, %dma_start3A_172] : memref<2x128x32xf32, #tpu.memory_space<vmem>> -> memref<1x128x32xf32, #tpu.memory_space<vmem>>
          %dma_start3A_174 = tpu.memref_squeeze %dma_start3A_173 : memref<1x128x32xf32, #tpu.memory_space<vmem>> -> memref<128x32xf32, #tpu.memory_space<vmem>>
          %dma_start3A_175 = arith.constant 0 : i32
          %dma_start3A_176 = tpu.memref_slice %arg6[%add3A_153, %dma_start3A_175] : memref<60x128xi32, #tpu.memory_space<vmem>> -> memref<1x128xi32, #tpu.memory_space<vmem>>
          %dma_start3A_177 = tpu.memref_squeeze %dma_start3A_176 : memref<1x128xi32, #tpu.memory_space<vmem>> -> memref<128xi32, #tpu.memory_space<vmem>>
          %dma_start3A_178 = arith.constant 0 : i32
          %dma_start3A_179 = arith.constant 0 : i32
          %dma_start3A_180 = tpu.memref_slice %arg2[%dma_start3A_178, %dma_start3A_179] : memref<10000x32xf32, #tpu.memory_space<hbm>> -> memref<10000x32xf32, #tpu.memory_space<hbm>>
          tpu.enqueue_indirect_dma source(%dma_start3A_180 : memref<10000x32xf32, #tpu.memory_space<hbm>>) target(%dma_start3A_174 : memref<128x32xf32, #tpu.memory_space<vmem>>) offsets(%dma_start3A_177 : memref<128xi32, #tpu.memory_space<vmem>>) semaphore(%arg11 : memref<!tpu.dma_semaphore, #tpu.memory_space<semaphore_mem>>)
        } else {
        }
      }
      %scan3A_65 = arith.constant 30 : i32
      %dma_wait3A = arith.constant 0 : i32
      %dma_wait3A_66 = arith.constant 0 : i32
      %dma_wait3A_67 = arith.constant 0 : i32
      %dma_wait3A_68 = arith.constant 0 : i32
      %dma_wait3A_69 = tpu.memref_slice %arg8[%dma_wait3A, %dma_wait3A_67, %dma_wait3A_68] : memref<2x128x32xf32, #tpu.memory_space<vmem>> -> memref<1x128x32xf32, #tpu.memory_space<vmem>>
      %dma_wait3A_70 = tpu.memref_squeeze %dma_wait3A_69 : memref<1x128x32xf32, #tpu.memory_space<vmem>> -> memref<128x32xf32, #tpu.memory_space<vmem>>
      %dma_wait3A_71 = arith.constant 0 : i32
      %dma_wait3A_72 = tpu.memref_slice %arg7[%dma_wait3A_66, %dma_wait3A_71] : memref<60x128xi32, #tpu.memory_space<vmem>> -> memref<1x128xi32, #tpu.memory_space<vmem>>
      %dma_wait3A_73 = tpu.memref_squeeze %dma_wait3A_72 : memref<1x128xi32, #tpu.memory_space<vmem>> -> memref<128xi32, #tpu.memory_space<vmem>>
      %dma_wait3A_74 = arith.constant 0 : i32
      %dma_wait3A_75 = arith.constant 0 : i32
      %dma_wait3A_76 = tpu.memref_slice %arg9[%dma_wait3A_74, %dma_wait3A_75] : memref<10240x32xf32, #tpu.memory_space<vmem_shared>> -> memref<10240x32xf32, #tpu.memory_space<vmem_shared>>
      tpu.wait_indirect_dma semaphore(%arg12 : memref<!tpu.dma_semaphore, #tpu.memory_space<semaphore_mem>>) src(%dma_wait3A_70 : memref<128x32xf32, #tpu.memory_space<vmem>>) dst(%dma_wait3A_76 : memref<10240x32xf32, #tpu.memory_space<vmem_shared>>)
      %dma_wait3A_77 = arith.constant 1 : i32
      %dma_wait3A_78 = arith.constant 1 : i32
      %dma_wait3A_79 = arith.constant 0 : i32
      %dma_wait3A_80 = arith.constant 0 : i32
      %dma_wait3A_81 = tpu.memref_slice %arg8[%dma_wait3A_77, %dma_wait3A_79, %dma_wait3A_80] : memref<2x128x32xf32, #tpu.memory_space<vmem>> -> memref<1x128x32xf32, #tpu.memory_space<vmem>>
      %dma_wait3A_82 = tpu.memref_squeeze %dma_wait3A_81 : memref<1x128x32xf32, #tpu.memory_space<vmem>> -> memref<128x32xf32, #tpu.memory_space<vmem>>
      %dma_wait3A_83 = arith.constant 0 : i32
      %dma_wait3A_84 = tpu.memref_slice %arg7[%dma_wait3A_78, %dma_wait3A_83] : memref<60x128xi32, #tpu.memory_space<vmem>> -> memref<1x128xi32, #tpu.memory_space<vmem>>
      %dma_wait3A_85 = tpu.memref_squeeze %dma_wait3A_84 : memref<1x128xi32, #tpu.memory_space<vmem>> -> memref<128xi32, #tpu.memory_space<vmem>>
      %dma_wait3A_86 = arith.constant 0 : i32
      %dma_wait3A_87 = arith.constant 0 : i32
      %dma_wait3A_88 = tpu.memref_slice %arg9[%dma_wait3A_86, %dma_wait3A_87] : memref<10240x32xf32, #tpu.memory_space<vmem_shared>> -> memref<10240x32xf32, #tpu.memory_space<vmem_shared>>
      tpu.wait_indirect_dma semaphore(%arg13 : memref<!tpu.dma_semaphore, #tpu.memory_space<semaphore_mem>>) src(%dma_wait3A_82 : memref<128x32xf32, #tpu.memory_space<vmem>>) dst(%dma_wait3A_88 : memref<10240x32xf32, #tpu.memory_space<vmem_shared>>)
    } else {
    }
    %ne3A = arith.constant 0 : i32
    %ne3A_29 = arith.cmpi ne, %arg0, %ne3A : i32
    %convert_element_type3A_30 = arith.extui %ne3A_29 : i1 to i32
    %cond3A_31 = arith.constant 0 : i32
    %cond3A_32 = arith.cmpi ne, %convert_element_type3A_30, %cond3A_31 : i32
    scf.if %cond3A_32 {
      %mul3A_36 = arith.constant 20 : i32
      %mul3A_37 = arith.muli %arg1, %mul3A_36 : i32
      %add3A_38 = arith.constant 960 : i32
      %add3A_39 = arith.addi %add3A_38, %mul3A_37 : i32
      "tpu.region"() ({
        %run_scoped3A_91 = tpu.sem_alloc : memref<!tpu.dma_semaphore, #tpu.memory_space<semaphore_mem>>
        %dma_start3A_92 = arith.constant 0 : i32
        %dma_start3A_93 = arith.constant 0 : i32
        %dma_start3A_94 = tpu.memref_slice %arg6[%dma_start3A_92, %dma_start3A_93] : memref<60x128xi32, #tpu.memory_space<vmem>> -> memref<20x128xi32, #tpu.memory_space<vmem>>
        %dma_start3A_95 = arith.constant 0 : i32
        %dma_start3A_96 = tpu.memref_slice %arg3[%add3A_39, %dma_start3A_95] : memref<1280x128xi32, #tpu.memory_space<hbm>> -> memref<20x128xi32, #tpu.memory_space<hbm>>
        %dma_start3A_97 = arith.constant 0 : i32
        %dma_start3A_98 = arith.constant 0 : i32
        %dma_start3A_99 = tpu.memref_slice %arg6[%dma_start3A_97, %dma_start3A_98] : memref<60x128xi32, #tpu.memory_space<vmem>> -> memref<20x128xi32, #tpu.memory_space<vmem>>
        %dma_start3A_100 = arith.constant 0 : i32
        %dma_start3A_101 = tpu.memref_slice %arg3[%add3A_39, %dma_start3A_100] : memref<1280x128xi32, #tpu.memory_space<hbm>> -> memref<20x128xi32, #tpu.memory_space<hbm>>
        tpu.enqueue_dma source(%dma_start3A_101 : memref<20x128xi32, #tpu.memory_space<hbm>>) target(%dma_start3A_99 : memref<20x128xi32, #tpu.memory_space<vmem>>) target_semaphore(%run_scoped3A_91 : memref<!tpu.dma_semaphore, #tpu.memory_space<semaphore_mem>>)
        %dma_wait3A_102 = arith.constant 0 : i32
        %dma_wait3A_103 = arith.constant 0 : i32
        %dma_wait3A_104 = tpu.memref_slice %arg6[%dma_wait3A_102, %dma_wait3A_103] : memref<60x128xi32, #tpu.memory_space<vmem>> -> memref<20x128xi32, #tpu.memory_space<vmem>>
        %dma_wait3A_105 = arith.constant 0 : i32
        %dma_wait3A_106 = tpu.memref_slice %arg3[%add3A_39, %dma_wait3A_105] : memref<1280x128xi32, #tpu.memory_space<hbm>> -> memref<20x128xi32, #tpu.memory_space<hbm>>
        %dma_wait3A_107 = arith.constant 0 : i32
        %dma_wait3A_108 = arith.constant 0 : i32
        %dma_wait3A_109 = tpu.memref_slice %arg6[%dma_wait3A_107, %dma_wait3A_108] : memref<60x128xi32, #tpu.memory_space<vmem>> -> memref<20x128xi32, #tpu.memory_space<vmem>>
        %dma_wait3A_110 = arith.constant 0 : i32
        %dma_wait3A_111 = tpu.memref_slice %arg3[%add3A_39, %dma_wait3A_110] : memref<1280x128xi32, #tpu.memory_space<hbm>> -> memref<20x128xi32, #tpu.memory_space<hbm>>
        tpu.wait_dma2 semaphore(%run_scoped3A_91 : memref<!tpu.dma_semaphore, #tpu.memory_space<semaphore_mem>>) src(%dma_wait3A_111 : memref<20x128xi32, #tpu.memory_space<hbm>>) dst(%dma_wait3A_109 : memref<20x128xi32, #tpu.memory_space<vmem>>)
        tpu.yield
      }) : () -> ()
      "tpu.region"() ({
        %run_scoped3A_91 = tpu.sem_alloc : memref<!tpu.dma_semaphore, #tpu.memory_space<semaphore_mem>>
        %dma_start3A_92 = arith.constant 0 : i32
        %dma_start3A_93 = arith.constant 0 : i32
        %dma_start3A_94 = tpu.memref_slice %arg7[%dma_start3A_92, %dma_start3A_93] : memref<60x128xi32, #tpu.memory_space<vmem>> -> memref<20x128xi32, #tpu.memory_space<vmem>>
        %dma_start3A_95 = arith.constant 0 : i32
        %dma_start3A_96 = tpu.memref_slice %arg4[%add3A_39, %dma_start3A_95] : memref<1280x128xi32, #tpu.memory_space<hbm>> -> memref<20x128xi32, #tpu.memory_space<hbm>>
        %dma_start3A_97 = arith.constant 0 : i32
        %dma_start3A_98 = arith.constant 0 : i32
        %dma_start3A_99 = tpu.memref_slice %arg7[%dma_start3A_97, %dma_start3A_98] : memref<60x128xi32, #tpu.memory_space<vmem>> -> memref<20x128xi32, #tpu.memory_space<vmem>>
        %dma_start3A_100 = arith.constant 0 : i32
        %dma_start3A_101 = tpu.memref_slice %arg4[%add3A_39, %dma_start3A_100] : memref<1280x128xi32, #tpu.memory_space<hbm>> -> memref<20x128xi32, #tpu.memory_space<hbm>>
        tpu.enqueue_dma source(%dma_start3A_101 : memref<20x128xi32, #tpu.memory_space<hbm>>) target(%dma_start3A_99 : memref<20x128xi32, #tpu.memory_space<vmem>>) target_semaphore(%run_scoped3A_91 : memref<!tpu.dma_semaphore, #tpu.memory_space<semaphore_mem>>)
        %dma_wait3A_102 = arith.constant 0 : i32
        %dma_wait3A_103 = arith.constant 0 : i32
        %dma_wait3A_104 = tpu.memref_slice %arg7[%dma_wait3A_102, %dma_wait3A_103] : memref<60x128xi32, #tpu.memory_space<vmem>> -> memref<20x128xi32, #tpu.memory_space<vmem>>
        %dma_wait3A_105 = arith.constant 0 : i32
        %dma_wait3A_106 = tpu.memref_slice %arg4[%add3A_39, %dma_wait3A_105] : memref<1280x128xi32, #tpu.memory_space<hbm>> -> memref<20x128xi32, #tpu.memory_space<hbm>>
        %dma_wait3A_107 = arith.constant 0 : i32
        %dma_wait3A_108 = arith.constant 0 : i32
        %dma_wait3A_109 = tpu.memref_slice %arg7[%dma_wait3A_107, %dma_wait3A_108] : memref<60x128xi32, #tpu.memory_space<vmem>> -> memref<20x128xi32, #tpu.memory_space<vmem>>
        %dma_wait3A_110 = arith.constant 0 : i32
        %dma_wait3A_111 = tpu.memref_slice %arg4[%add3A_39, %dma_wait3A_110] : memref<1280x128xi32, #tpu.memory_space<hbm>> -> memref<20x128xi32, #tpu.memory_space<hbm>>
        tpu.wait_dma2 semaphore(%run_scoped3A_91 : memref<!tpu.dma_semaphore, #tpu.memory_space<semaphore_mem>>) src(%dma_wait3A_111 : memref<20x128xi32, #tpu.memory_space<hbm>>) dst(%dma_wait3A_109 : memref<20x128xi32, #tpu.memory_space<vmem>>)
        tpu.yield
      }) : () -> ()
      %dma_start3A = arith.constant 0 : i32
      %dma_start3A_40 = arith.constant 0 : i32
      %dma_start3A_41 = arith.constant 0 : i32
      %dma_start3A_42 = arith.constant 0 : i32
      %dma_start3A_43 = tpu.memref_slice %arg8[%dma_start3A_40, %dma_start3A_41, %dma_start3A_42] : memref<2x128x32xf32, #tpu.memory_space<vmem>> -> memref<1x128x32xf32, #tpu.memory_space<vmem>>
      %dma_start3A_44 = tpu.memref_squeeze %dma_start3A_43 : memref<1x128x32xf32, #tpu.memory_space<vmem>> -> memref<128x32xf32, #tpu.memory_space<vmem>>
      %dma_start3A_45 = arith.constant 0 : i32
      %dma_start3A_46 = tpu.memref_slice %arg6[%dma_start3A, %dma_start3A_45] : memref<60x128xi32, #tpu.memory_space<vmem>> -> memref<1x128xi32, #tpu.memory_space<vmem>>
      %dma_start3A_47 = tpu.memref_squeeze %dma_start3A_46 : memref<1x128xi32, #tpu.memory_space<vmem>> -> memref<128xi32, #tpu.memory_space<vmem>>
      %dma_start3A_48 = arith.constant 0 : i32
      %dma_start3A_49 = arith.constant 0 : i32
      %dma_start3A_50 = tpu.memref_slice %arg2[%dma_start3A_48, %dma_start3A_49] : memref<10000x32xf32, #tpu.memory_space<hbm>> -> memref<10000x32xf32, #tpu.memory_space<hbm>>
      tpu.enqueue_indirect_dma source(%dma_start3A_50 : memref<10000x32xf32, #tpu.memory_space<hbm>>) target(%dma_start3A_44 : memref<128x32xf32, #tpu.memory_space<vmem>>) offsets(%dma_start3A_47 : memref<128xi32, #tpu.memory_space<vmem>>) semaphore(%arg10 : memref<!tpu.dma_semaphore, #tpu.memory_space<semaphore_mem>>)
      %dma_start3A_51 = arith.constant 1 : i32
      %dma_start3A_52 = arith.constant 1 : i32
      %dma_start3A_53 = arith.constant 0 : i32
      %dma_start3A_54 = arith.constant 0 : i32
      %dma_start3A_55 = tpu.memref_slice %arg8[%dma_start3A_52, %dma_start3A_53, %dma_start3A_54] : memref<2x128x32xf32, #tpu.memory_space<vmem>> -> memref<1x128x32xf32, #tpu.memory_space<vmem>>
      %dma_start3A_56 = tpu.memref_squeeze %dma_start3A_55 : memref<1x128x32xf32, #tpu.memory_space<vmem>> -> memref<128x32xf32, #tpu.memory_space<vmem>>
      %dma_start3A_57 = arith.constant 0 : i32
      %dma_start3A_58 = tpu.memref_slice %arg6[%dma_start3A_51, %dma_start3A_57] : memref<60x128xi32, #tpu.memory_space<vmem>> -> memref<1x128xi32, #tpu.memory_space<vmem>>
      %dma_start3A_59 = tpu.memref_squeeze %dma_start3A_58 : memref<1x128xi32, #tpu.memory_space<vmem>> -> memref<128xi32, #tpu.memory_space<vmem>>
      %dma_start3A_60 = arith.constant 0 : i32
      %dma_start3A_61 = arith.constant 0 : i32
      %dma_start3A_62 = tpu.memref_slice %arg2[%dma_start3A_60, %dma_start3A_61] : memref<10000x32xf32, #tpu.memory_space<hbm>> -> memref<10000x32xf32, #tpu.memory_space<hbm>>
      tpu.enqueue_indirect_dma source(%dma_start3A_62 : memref<10000x32xf32, #tpu.memory_space<hbm>>) target(%dma_start3A_56 : memref<128x32xf32, #tpu.memory_space<vmem>>) offsets(%dma_start3A_59 : memref<128xi32, #tpu.memory_space<vmem>>) semaphore(%arg11 : memref<!tpu.dma_semaphore, #tpu.memory_space<semaphore_mem>>)
      %scan3A_63 = arith.constant 0 : i32
      %scan3A_64 = arith.constant 10 : i32
      %scan3A_65 = arith.addi %scan3A_63, %scan3A_64 : i32
      %scan3A_66 = arith.constant 1 : i32
      scf.for %scan3A_91 = %scan3A_63 to %scan3A_65 step %scan3A_66  : i32 {
        %mul3A_92 = arith.constant 2 : i32
        %mul3A_93 = arith.muli %scan3A_91, %mul3A_92 : i32
        %add3A_94 = arith.constant 0 : i32
        %add3A_95 = arith.addi %add3A_94, %mul3A_93 : i32
        %add3A_96 = arith.constant 0 : i32
        %add3A_97 = arith.addi %add3A_95, %add3A_96 : i32
        %dma_wait3A_98 = arith.constant 0 : i32
        %dma_wait3A_99 = arith.constant 0 : i32
        %dma_wait3A_100 = arith.constant 0 : i32
        %dma_wait3A_101 = tpu.memref_slice %arg8[%dma_wait3A_98, %dma_wait3A_99, %dma_wait3A_100] : memref<2x128x32xf32, #tpu.memory_space<vmem>> -> memref<1x128x32xf32, #tpu.memory_space<vmem>>
        %dma_wait3A_102 = tpu.memref_squeeze %dma_wait3A_101 : memref<1x128x32xf32, #tpu.memory_space<vmem>> -> memref<128x32xf32, #tpu.memory_space<vmem>>
        %dma_wait3A_103 = arith.constant 0 : i32
        %dma_wait3A_104 = tpu.memref_slice %arg6[%add3A_97, %dma_wait3A_103] : memref<60x128xi32, #tpu.memory_space<vmem>> -> memref<1x128xi32, #tpu.memory_space<vmem>>
        %dma_wait3A_105 = tpu.memref_squeeze %dma_wait3A_104 : memref<1x128xi32, #tpu.memory_space<vmem>> -> memref<128xi32, #tpu.memory_space<vmem>>
        %dma_wait3A_106 = arith.constant 0 : i32
        %dma_wait3A_107 = arith.constant 0 : i32
        %dma_wait3A_108 = tpu.memref_slice %arg2[%dma_wait3A_106, %dma_wait3A_107] : memref<10000x32xf32, #tpu.memory_space<hbm>> -> memref<10000x32xf32, #tpu.memory_space<hbm>>
        tpu.wait_indirect_dma semaphore(%arg10 : memref<!tpu.dma_semaphore, #tpu.memory_space<semaphore_mem>>) src(%dma_wait3A_108 : memref<10000x32xf32, #tpu.memory_space<hbm>>) dst(%dma_wait3A_102 : memref<128x32xf32, #tpu.memory_space<vmem>>)
        %dma_start3A_109 = arith.constant 0 : i32
        %dma_start3A_110 = arith.constant 0 : i32
        %dma_start3A_111 = arith.constant 0 : i32
        %dma_start3A_112 = tpu.memref_slice %arg8[%dma_start3A_109, %dma_start3A_110, %dma_start3A_111] : memref<2x128x32xf32, #tpu.memory_space<vmem>> -> memref<1x128x32xf32, #tpu.memory_space<vmem>>
        %dma_start3A_113 = tpu.memref_squeeze %dma_start3A_112 : memref<1x128x32xf32, #tpu.memory_space<vmem>> -> memref<128x32xf32, #tpu.memory_space<vmem>>
        %dma_start3A_114 = arith.constant 0 : i32
        %dma_start3A_115 = tpu.memref_slice %arg7[%add3A_97, %dma_start3A_114] : memref<60x128xi32, #tpu.memory_space<vmem>> -> memref<1x128xi32, #tpu.memory_space<vmem>>
        %dma_start3A_116 = tpu.memref_squeeze %dma_start3A_115 : memref<1x128xi32, #tpu.memory_space<vmem>> -> memref<128xi32, #tpu.memory_space<vmem>>
        %dma_start3A_117 = arith.constant 0 : i32
        %dma_start3A_118 = arith.constant 0 : i32
        %dma_start3A_119 = tpu.memref_slice %arg9[%dma_start3A_117, %dma_start3A_118] : memref<10240x32xf32, #tpu.memory_space<vmem_shared>> -> memref<10240x32xf32, #tpu.memory_space<vmem_shared>>
        tpu.enqueue_indirect_dma source(%dma_start3A_113 : memref<128x32xf32, #tpu.memory_space<vmem>>) target(%dma_start3A_119 : memref<10240x32xf32, #tpu.memory_space<vmem_shared>>) offsets(%dma_start3A_116 : memref<128xi32, #tpu.memory_space<vmem>>) semaphore(%arg12 : memref<!tpu.dma_semaphore, #tpu.memory_space<semaphore_mem>>) {add = true}
        %add3A_120 = arith.constant 1 : i32
        %add3A_121 = arith.addi %add3A_95, %add3A_120 : i32
        %dma_wait3A_122 = arith.constant 1 : i32
        %dma_wait3A_123 = arith.constant 0 : i32
        %dma_wait3A_124 = arith.constant 0 : i32
        %dma_wait3A_125 = tpu.memref_slice %arg8[%dma_wait3A_122, %dma_wait3A_123, %dma_wait3A_124] : memref<2x128x32xf32, #tpu.memory_space<vmem>> -> memref<1x128x32xf32, #tpu.memory_space<vmem>>
        %dma_wait3A_126 = tpu.memref_squeeze %dma_wait3A_125 : memref<1x128x32xf32, #tpu.memory_space<vmem>> -> memref<128x32xf32, #tpu.memory_space<vmem>>
        %dma_wait3A_127 = arith.constant 0 : i32
        %dma_wait3A_128 = tpu.memref_slice %arg6[%add3A_121, %dma_wait3A_127] : memref<60x128xi32, #tpu.memory_space<vmem>> -> memref<1x128xi32, #tpu.memory_space<vmem>>
        %dma_wait3A_129 = tpu.memref_squeeze %dma_wait3A_128 : memref<1x128xi32, #tpu.memory_space<vmem>> -> memref<128xi32, #tpu.memory_space<vmem>>
        %dma_wait3A_130 = arith.constant 0 : i32
        %dma_wait3A_131 = arith.constant 0 : i32
        %dma_wait3A_132 = tpu.memref_slice %arg2[%dma_wait3A_130, %dma_wait3A_131] : memref<10000x32xf32, #tpu.memory_space<hbm>> -> memref<10000x32xf32, #tpu.memory_space<hbm>>
        tpu.wait_indirect_dma semaphore(%arg11 : memref<!tpu.dma_semaphore, #tpu.memory_space<semaphore_mem>>) src(%dma_wait3A_132 : memref<10000x32xf32, #tpu.memory_space<hbm>>) dst(%dma_wait3A_126 : memref<128x32xf32, #tpu.memory_space<vmem>>)
        %dma_start3A_133 = arith.constant 1 : i32
        %dma_start3A_134 = arith.constant 0 : i32
        %dma_start3A_135 = arith.constant 0 : i32
        %dma_start3A_136 = tpu.memref_slice %arg8[%dma_start3A_133, %dma_start3A_134, %dma_start3A_135] : memref<2x128x32xf32, #tpu.memory_space<vmem>> -> memref<1x128x32xf32, #tpu.memory_space<vmem>>
        %dma_start3A_137 = tpu.memref_squeeze %dma_start3A_136 : memref<1x128x32xf32, #tpu.memory_space<vmem>> -> memref<128x32xf32, #tpu.memory_space<vmem>>
        %dma_start3A_138 = arith.constant 0 : i32
        %dma_start3A_139 = tpu.memref_slice %arg7[%add3A_121, %dma_start3A_138] : memref<60x128xi32, #tpu.memory_space<vmem>> -> memref<1x128xi32, #tpu.memory_space<vmem>>
        %dma_start3A_140 = tpu.memref_squeeze %dma_start3A_139 : memref<1x128xi32, #tpu.memory_space<vmem>> -> memref<128xi32, #tpu.memory_space<vmem>>
        %dma_start3A_141 = arith.constant 0 : i32
        %dma_start3A_142 = arith.constant 0 : i32
        %dma_start3A_143 = tpu.memref_slice %arg9[%dma_start3A_141, %dma_start3A_142] : memref<10240x32xf32, #tpu.memory_space<vmem_shared>> -> memref<10240x32xf32, #tpu.memory_space<vmem_shared>>
        tpu.enqueue_indirect_dma source(%dma_start3A_137 : memref<128x32xf32, #tpu.memory_space<vmem>>) target(%dma_start3A_143 : memref<10240x32xf32, #tpu.memory_space<vmem_shared>>) offsets(%dma_start3A_140 : memref<128xi32, #tpu.memory_space<vmem>>) semaphore(%arg13 : memref<!tpu.dma_semaphore, #tpu.memory_space<semaphore_mem>>) {add = true}
        %add3A_144 = arith.constant 2 : i32
        %add3A_145 = arith.addi %add3A_95, %add3A_144 : i32
        %add3A_146 = arith.constant 0 : i32
        %add3A_147 = arith.addi %add3A_145, %add3A_146 : i32
        %lt3A = arith.constant 20 : i32
        %lt3A_148 = arith.cmpi slt, %add3A_147, %lt3A : i32
        %convert_element_type3A_149 = arith.extui %lt3A_148 : i1 to i32
        %cond3A_150 = arith.constant 0 : i32
        %cond3A_151 = arith.cmpi ne, %convert_element_type3A_149, %cond3A_150 : i32
        scf.if %cond3A_151 {
          %dma_wait3A_161 = arith.constant 0 : i32
          %dma_wait3A_162 = arith.constant 0 : i32
          %dma_wait3A_163 = arith.constant 0 : i32
          %dma_wait3A_164 = tpu.memref_slice %arg8[%dma_wait3A_161, %dma_wait3A_162, %dma_wait3A_163] : memref<2x128x32xf32, #tpu.memory_space<vmem>> -> memref<1x128x32xf32, #tpu.memory_space<vmem>>
          %dma_wait3A_165 = tpu.memref_squeeze %dma_wait3A_164 : memref<1x128x32xf32, #tpu.memory_space<vmem>> -> memref<128x32xf32, #tpu.memory_space<vmem>>
          %dma_wait3A_166 = arith.constant 0 : i32
          %dma_wait3A_167 = tpu.memref_slice %arg7[%add3A_147, %dma_wait3A_166] : memref<60x128xi32, #tpu.memory_space<vmem>> -> memref<1x128xi32, #tpu.memory_space<vmem>>
          %dma_wait3A_168 = tpu.memref_squeeze %dma_wait3A_167 : memref<1x128xi32, #tpu.memory_space<vmem>> -> memref<128xi32, #tpu.memory_space<vmem>>
          %dma_wait3A_169 = arith.constant 0 : i32
          %dma_wait3A_170 = arith.constant 0 : i32
          %dma_wait3A_171 = tpu.memref_slice %arg9[%dma_wait3A_169, %dma_wait3A_170] : memref<10240x32xf32, #tpu.memory_space<vmem_shared>> -> memref<10240x32xf32, #tpu.memory_space<vmem_shared>>
          tpu.wait_indirect_dma semaphore(%arg12 : memref<!tpu.dma_semaphore, #tpu.memory_space<semaphore_mem>>) src(%dma_wait3A_165 : memref<128x32xf32, #tpu.memory_space<vmem>>) dst(%dma_wait3A_171 : memref<10240x32xf32, #tpu.memory_space<vmem_shared>>)
          %dma_start3A_172 = arith.constant 0 : i32
          %dma_start3A_173 = arith.constant 0 : i32
          %dma_start3A_174 = arith.constant 0 : i32
          %dma_start3A_175 = tpu.memref_slice %arg8[%dma_start3A_172, %dma_start3A_173, %dma_start3A_174] : memref<2x128x32xf32, #tpu.memory_space<vmem>> -> memref<1x128x32xf32, #tpu.memory_space<vmem>>
          %dma_start3A_176 = tpu.memref_squeeze %dma_start3A_175 : memref<1x128x32xf32, #tpu.memory_space<vmem>> -> memref<128x32xf32, #tpu.memory_space<vmem>>
          %dma_start3A_177 = arith.constant 0 : i32
          %dma_start3A_178 = tpu.memref_slice %arg6[%add3A_147, %dma_start3A_177] : memref<60x128xi32, #tpu.memory_space<vmem>> -> memref<1x128xi32, #tpu.memory_space<vmem>>
          %dma_start3A_179 = tpu.memref_squeeze %dma_start3A_178 : memref<1x128xi32, #tpu.memory_space<vmem>> -> memref<128xi32, #tpu.memory_space<vmem>>
          %dma_start3A_180 = arith.constant 0 : i32
          %dma_start3A_181 = arith.constant 0 : i32
          %dma_start3A_182 = tpu.memref_slice %arg2[%dma_start3A_180, %dma_start3A_181] : memref<10000x32xf32, #tpu.memory_space<hbm>> -> memref<10000x32xf32, #tpu.memory_space<hbm>>
          tpu.enqueue_indirect_dma source(%dma_start3A_182 : memref<10000x32xf32, #tpu.memory_space<hbm>>) target(%dma_start3A_176 : memref<128x32xf32, #tpu.memory_space<vmem>>) offsets(%dma_start3A_179 : memref<128xi32, #tpu.memory_space<vmem>>) semaphore(%arg10 : memref<!tpu.dma_semaphore, #tpu.memory_space<semaphore_mem>>)
        } else {
        }
        %add3A_152 = arith.constant 2 : i32
        %add3A_153 = arith.addi %add3A_95, %add3A_152 : i32
        %add3A_154 = arith.constant 1 : i32
        %add3A_155 = arith.addi %add3A_153, %add3A_154 : i32
        %lt3A_156 = arith.constant 20 : i32
        %lt3A_157 = arith.cmpi slt, %add3A_155, %lt3A_156 : i32
        %convert_element_type3A_158 = arith.extui %lt3A_157 : i1 to i32
        %cond3A_159 = arith.constant 0 : i32
        %cond3A_160 = arith.cmpi ne, %convert_element_type3A_158, %cond3A_159 : i32
        scf.if %cond3A_160 {
          %dma_wait3A_161 = arith.constant 1 : i32
          %dma_wait3A_162 = arith.constant 0 : i32
          %dma_wait3A_163 = arith.constant 0 : i32
          %dma_wait3A_164 = tpu.memref_slice %arg8[%dma_wait3A_161, %dma_wait3A_162, %dma_wait3A_163] : memref<2x128x32xf32, #tpu.memory_space<vmem>> -> memref<1x128x32xf32, #tpu.memory_space<vmem>>
          %dma_wait3A_165 = tpu.memref_squeeze %dma_wait3A_164 : memref<1x128x32xf32, #tpu.memory_space<vmem>> -> memref<128x32xf32, #tpu.memory_space<vmem>>
          %dma_wait3A_166 = arith.constant 0 : i32
          %dma_wait3A_167 = tpu.memref_slice %arg7[%add3A_155, %dma_wait3A_166] : memref<60x128xi32, #tpu.memory_space<vmem>> -> memref<1x128xi32, #tpu.memory_space<vmem>>
          %dma_wait3A_168 = tpu.memref_squeeze %dma_wait3A_167 : memref<1x128xi32, #tpu.memory_space<vmem>> -> memref<128xi32, #tpu.memory_space<vmem>>
          %dma_wait3A_169 = arith.constant 0 : i32
          %dma_wait3A_170 = arith.constant 0 : i32
          %dma_wait3A_171 = tpu.memref_slice %arg9[%dma_wait3A_169, %dma_wait3A_170] : memref<10240x32xf32, #tpu.memory_space<vmem_shared>> -> memref<10240x32xf32, #tpu.memory_space<vmem_shared>>
          tpu.wait_indirect_dma semaphore(%arg13 : memref<!tpu.dma_semaphore, #tpu.memory_space<semaphore_mem>>) src(%dma_wait3A_165 : memref<128x32xf32, #tpu.memory_space<vmem>>) dst(%dma_wait3A_171 : memref<10240x32xf32, #tpu.memory_space<vmem_shared>>)
          %dma_start3A_172 = arith.constant 1 : i32
          %dma_start3A_173 = arith.constant 0 : i32
          %dma_start3A_174 = arith.constant 0 : i32
          %dma_start3A_175 = tpu.memref_slice %arg8[%dma_start3A_172, %dma_start3A_173, %dma_start3A_174] : memref<2x128x32xf32, #tpu.memory_space<vmem>> -> memref<1x128x32xf32, #tpu.memory_space<vmem>>
          %dma_start3A_176 = tpu.memref_squeeze %dma_start3A_175 : memref<1x128x32xf32, #tpu.memory_space<vmem>> -> memref<128x32xf32, #tpu.memory_space<vmem>>
          %dma_start3A_177 = arith.constant 0 : i32
          %dma_start3A_178 = tpu.memref_slice %arg6[%add3A_155, %dma_start3A_177] : memref<60x128xi32, #tpu.memory_space<vmem>> -> memref<1x128xi32, #tpu.memory_space<vmem>>
          %dma_start3A_179 = tpu.memref_squeeze %dma_start3A_178 : memref<1x128xi32, #tpu.memory_space<vmem>> -> memref<128xi32, #tpu.memory_space<vmem>>
          %dma_start3A_180 = arith.constant 0 : i32
          %dma_start3A_181 = arith.constant 0 : i32
          %dma_start3A_182 = tpu.memref_slice %arg2[%dma_start3A_180, %dma_start3A_181] : memref<10000x32xf32, #tpu.memory_space<hbm>> -> memref<10000x32xf32, #tpu.memory_space<hbm>>
          tpu.enqueue_indirect_dma source(%dma_start3A_182 : memref<10000x32xf32, #tpu.memory_space<hbm>>) target(%dma_start3A_176 : memref<128x32xf32, #tpu.memory_space<vmem>>) offsets(%dma_start3A_179 : memref<128xi32, #tpu.memory_space<vmem>>) semaphore(%arg11 : memref<!tpu.dma_semaphore, #tpu.memory_space<semaphore_mem>>)
        } else {
        }
      }
      %scan3A_67 = arith.constant 10 : i32
      %dma_wait3A = arith.constant 0 : i32
      %dma_wait3A_68 = arith.constant 0 : i32
      %dma_wait3A_69 = arith.constant 0 : i32
      %dma_wait3A_70 = arith.constant 0 : i32
      %dma_wait3A_71 = tpu.memref_slice %arg8[%dma_wait3A, %dma_wait3A_69, %dma_wait3A_70] : memref<2x128x32xf32, #tpu.memory_space<vmem>> -> memref<1x128x32xf32, #tpu.memory_space<vmem>>
      %dma_wait3A_72 = tpu.memref_squeeze %dma_wait3A_71 : memref<1x128x32xf32, #tpu.memory_space<vmem>> -> memref<128x32xf32, #tpu.memory_space<vmem>>
      %dma_wait3A_73 = arith.constant 0 : i32
      %dma_wait3A_74 = tpu.memref_slice %arg7[%dma_wait3A_68, %dma_wait3A_73] : memref<60x128xi32, #tpu.memory_space<vmem>> -> memref<1x128xi32, #tpu.memory_space<vmem>>
      %dma_wait3A_75 = tpu.memref_squeeze %dma_wait3A_74 : memref<1x128xi32, #tpu.memory_space<vmem>> -> memref<128xi32, #tpu.memory_space<vmem>>
      %dma_wait3A_76 = arith.constant 0 : i32
      %dma_wait3A_77 = arith.constant 0 : i32
      %dma_wait3A_78 = tpu.memref_slice %arg9[%dma_wait3A_76, %dma_wait3A_77] : memref<10240x32xf32, #tpu.memory_space<vmem_shared>> -> memref<10240x32xf32, #tpu.memory_space<vmem_shared>>
      tpu.wait_indirect_dma semaphore(%arg12 : memref<!tpu.dma_semaphore, #tpu.memory_space<semaphore_mem>>) src(%dma_wait3A_72 : memref<128x32xf32, #tpu.memory_space<vmem>>) dst(%dma_wait3A_78 : memref<10240x32xf32, #tpu.memory_space<vmem_shared>>)
      %dma_wait3A_79 = arith.constant 1 : i32
      %dma_wait3A_80 = arith.constant 1 : i32
      %dma_wait3A_81 = arith.constant 0 : i32
      %dma_wait3A_82 = arith.constant 0 : i32
      %dma_wait3A_83 = tpu.memref_slice %arg8[%dma_wait3A_79, %dma_wait3A_81, %dma_wait3A_82] : memref<2x128x32xf32, #tpu.memory_space<vmem>> -> memref<1x128x32xf32, #tpu.memory_space<vmem>>
      %dma_wait3A_84 = tpu.memref_squeeze %dma_wait3A_83 : memref<1x128x32xf32, #tpu.memory_space<vmem>> -> memref<128x32xf32, #tpu.memory_space<vmem>>
      %dma_wait3A_85 = arith.constant 0 : i32
      %dma_wait3A_86 = tpu.memref_slice %arg7[%dma_wait3A_80, %dma_wait3A_85] : memref<60x128xi32, #tpu.memory_space<vmem>> -> memref<1x128xi32, #tpu.memory_space<vmem>>
      %dma_wait3A_87 = tpu.memref_squeeze %dma_wait3A_86 : memref<1x128xi32, #tpu.memory_space<vmem>> -> memref<128xi32, #tpu.memory_space<vmem>>
      %dma_wait3A_88 = arith.constant 0 : i32
      %dma_wait3A_89 = arith.constant 0 : i32
      %dma_wait3A_90 = tpu.memref_slice %arg9[%dma_wait3A_88, %dma_wait3A_89] : memref<10240x32xf32, #tpu.memory_space<vmem_shared>> -> memref<10240x32xf32, #tpu.memory_space<vmem_shared>>
      tpu.wait_indirect_dma semaphore(%arg13 : memref<!tpu.dma_semaphore, #tpu.memory_space<semaphore_mem>>) src(%dma_wait3A_84 : memref<128x32xf32, #tpu.memory_space<vmem>>) dst(%dma_wait3A_90 : memref<10240x32xf32, #tpu.memory_space<vmem_shared>>)
    } else {
    }
    %barrier3A_33 = arith.constant 0 : index
    tpu.barrier barrier_id(%barrier3A_33)
    %mul3A_34 = arith.constant 640 : i32
    %mul3A_35 = arith.muli %arg1, %mul3A_34 : i32
    "tpu.region"() ({
      %run_scoped3A_36 = tpu.sem_alloc : memref<!tpu.dma_semaphore, #tpu.memory_space<semaphore_mem>>
      %dma_start3A = arith.constant 0 : i32
      %dma_start3A_37 = tpu.memref_slice %arg5[%arg0, %mul3A_35, %dma_start3A] : memref<2x10240x32xf32, #tpu.memory_space<hbm>> -> memref<1x640x32xf32, #tpu.memory_space<hbm>>
      %dma_start3A_38 = tpu.memref_squeeze %dma_start3A_37 : memref<1x640x32xf32, #tpu.memory_space<hbm>> -> memref<640x32xf32, #tpu.memory_space<hbm>>
      %dma_start3A_39 = arith.constant 0 : i32
      %dma_start3A_40 = tpu.memref_slice %arg9[%mul3A_35, %dma_start3A_39] : memref<10240x32xf32, #tpu.memory_space<vmem_shared>> -> memref<640x32xf32, #tpu.memory_space<vmem_shared>>
      tpu.enqueue_dma source(%dma_start3A_40 : memref<640x32xf32, #tpu.memory_space<vmem_shared>>) target(%dma_start3A_38 : memref<640x32xf32, #tpu.memory_space<hbm>>) target_semaphore(%run_scoped3A_36 : memref<!tpu.dma_semaphore, #tpu.memory_space<semaphore_mem>>)
      %dma_wait3A = arith.constant 0 : i32
      %dma_wait3A_41 = tpu.memref_slice %arg5[%arg0, %mul3A_35, %dma_wait3A] : memref<2x10240x32xf32, #tpu.memory_space<hbm>> -> memref<1x640x32xf32, #tpu.memory_space<hbm>>
      %dma_wait3A_42 = tpu.memref_squeeze %dma_wait3A_41 : memref<1x640x32xf32, #tpu.memory_space<hbm>> -> memref<640x32xf32, #tpu.memory_space<hbm>>
      %dma_wait3A_43 = arith.constant 0 : i32
      %dma_wait3A_44 = tpu.memref_slice %arg9[%mul3A_35, %dma_wait3A_43] : memref<10240x32xf32, #tpu.memory_space<vmem_shared>> -> memref<640x32xf32, #tpu.memory_space<vmem_shared>>
      tpu.wait_dma2 semaphore(%run_scoped3A_36 : memref<!tpu.dma_semaphore, #tpu.memory_space<semaphore_mem>>) src(%dma_wait3A_44 : memref<640x32xf32, #tpu.memory_space<vmem_shared>>) dst(%dma_wait3A_42 : memref<640x32xf32, #tpu.memory_space<hbm>>)
      tpu.yield
    }) : () -> ()
    return
  }
}

#map = affine_map<(d0, d1) -> (0, 0)>
#map1 = affine_map<(d0, d1) -> (0, 0, 0)>
module attributes {stable_mosaic.version = 14 : i64} {
  func.func @body(%arg0: i32, %arg1: i32, %arg2: memref<10000x64xf32, #tpu.memory_space<hbm>>, %arg3: memref<1280x128xi32, #tpu.memory_space<hbm>>, %arg4: memref<1280x128xi32, #tpu.memory_space<hbm>>, %arg5: memref<2x10240x64xf32, #tpu.memory_space<hbm>>, %arg6: memref<2x10240xf32, #tpu.memory_space<hbm>>, %arg7: memref<60x128xi32, #tpu.memory_space<vmem>>, %arg8: memref<60x128xi32, #tpu.memory_space<vmem>>, %arg9: memref<2x128x64xf32, #tpu.memory_space<vmem>>, %arg10: memref<10240x64xf32, #tpu.memory_space<vmem_shared>>, %arg11: memref<!tpu.dma_semaphore, #tpu.memory_space<semaphore_mem>>, %arg12: memref<!tpu.dma_semaphore, #tpu.memory_space<semaphore_mem>>, %arg13: memref<!tpu.dma_semaphore, #tpu.memory_space<semaphore_mem>>, %arg14: memref<!tpu.dma_semaphore, #tpu.memory_space<semaphore_mem>>, %arg15: memref<128xf32, #tpu.memory_space<vmem>>, %arg16: memref<640xf32, #tpu.memory_space<vmem>>, %arg17: memref<10240xf32, #tpu.memory_space<vmem_shared>>, %arg18: memref<!tpu.dma_semaphore, #tpu.memory_space<semaphore_mem>>) attributes {dimension_semantics = [#tpu.dimension_semantics<core_parallel>, #tpu.dimension_semantics<subcore_parallel>], iteration_bounds = array<i64: 2, 16>, scalar_prefetch = 0 : i64, scratch_operands = 12 : i64, tpu.core_type = #tpu.core_type<sc_vector_subcore>, window_params = [{transform_indices = #map}, {transform_indices = #map}, {transform_indices = #map}, {transform_indices = #map1}, {transform_indices = #map}]} {
    %scan3A = arith.constant 0 : i32
    %scan3A_0 = arith.constant 0 : i32
    %scan3A_1 = arith.constant 128 : i32
    %scan3A_2 = arith.addi %scan3A_0, %scan3A_1 : i32
    %scan3A_3 = arith.constant 1 : i32
    scf.for %scan3A_44 = %scan3A_0 to %scan3A_2 step %scan3A_3  : i32 {
      %broadcast_in_dim3A = arith.constant 0.000000e+00 : f32
      %broadcast_in_dim3A_45 = vector.broadcast %broadcast_in_dim3A : f32 to vector<16xf32>
      %swap3A = arith.constant 0 : i32
      %swap3A_46 = arith.index_cast %swap3A : i32 to index
      %swap3A_47 = arith.index_cast %scan3A_44 : i32 to index
      %swap3A_48 = arith.constant 0 : index
      %swap3A_49 = tpu.vector_load %arg9[%swap3A_46, %swap3A_47, %swap3A_48] {strides = array<i32>} : memref<2x128x64xf32, #tpu.memory_space<vmem>>, vector<1x1x16xf32>,
      %swap3A_50 = vector.shape_cast %swap3A_49 : vector<1x1x16xf32> to vector<16xf32>
      %swap3A_51 = vector.shape_cast %broadcast_in_dim3A_45 : vector<16xf32> to vector<1x1x16xf32>
      tpu.vector_store %arg9[%swap3A_46, %swap3A_47, %swap3A_48], %swap3A_51 {strides = array<i32>} : memref<2x128x64xf32, #tpu.memory_space<vmem>>, vector<1x1x16xf32>,
      %broadcast_in_dim3A_52 = arith.constant 0.000000e+00 : f32
      %broadcast_in_dim3A_53 = vector.broadcast %broadcast_in_dim3A_52 : f32 to vector<16xf32>
      %swap3A_54 = arith.constant 0 : i32
      %swap3A_55 = arith.index_cast %swap3A_54 : i32 to index
      %swap3A_56 = arith.index_cast %scan3A_44 : i32 to index
      %swap3A_57 = arith.constant 16 : index
      %swap3A_58 = tpu.vector_load %arg9[%swap3A_55, %swap3A_56, %swap3A_57] {strides = array<i32>} : memref<2x128x64xf32, #tpu.memory_space<vmem>>, vector<1x1x16xf32>,
      %swap3A_59 = vector.shape_cast %swap3A_58 : vector<1x1x16xf32> to vector<16xf32>
      %swap3A_60 = vector.shape_cast %broadcast_in_dim3A_53 : vector<16xf32> to vector<1x1x16xf32>
      tpu.vector_store %arg9[%swap3A_55, %swap3A_56, %swap3A_57], %swap3A_60 {strides = array<i32>} : memref<2x128x64xf32, #tpu.memory_space<vmem>>, vector<1x1x16xf32>,
      %broadcast_in_dim3A_61 = arith.constant 0.000000e+00 : f32
      %broadcast_in_dim3A_62 = vector.broadcast %broadcast_in_dim3A_61 : f32 to vector<16xf32>
      %swap3A_63 = arith.constant 0 : i32
      %swap3A_64 = arith.index_cast %swap3A_63 : i32 to index
      %swap3A_65 = arith.index_cast %scan3A_44 : i32 to index
      %swap3A_66 = arith.constant 32 : index
      %swap3A_67 = tpu.vector_load %arg9[%swap3A_64, %swap3A_65, %swap3A_66] {strides = array<i32>} : memref<2x128x64xf32, #tpu.memory_space<vmem>>, vector<1x1x16xf32>,
      %swap3A_68 = vector.shape_cast %swap3A_67 : vector<1x1x16xf32> to vector<16xf32>
      %swap3A_69 = vector.shape_cast %broadcast_in_dim3A_62 : vector<16xf32> to vector<1x1x16xf32>
      tpu.vector_store %arg9[%swap3A_64, %swap3A_65, %swap3A_66], %swap3A_69 {strides = array<i32>} : memref<2x128x64xf32, #tpu.memory_space<vmem>>, vector<1x1x16xf32>,
      %broadcast_in_dim3A_70 = arith.constant 0.000000e+00 : f32
      %broadcast_in_dim3A_71 = vector.broadcast %broadcast_in_dim3A_70 : f32 to vector<16xf32>
      %swap3A_72 = arith.constant 0 : i32
      %swap3A_73 = arith.index_cast %swap3A_72 : i32 to index
      %swap3A_74 = arith.index_cast %scan3A_44 : i32 to index
      %swap3A_75 = arith.constant 48 : index
      %swap3A_76 = tpu.vector_load %arg9[%swap3A_73, %swap3A_74, %swap3A_75] {strides = array<i32>} : memref<2x128x64xf32, #tpu.memory_space<vmem>>, vector<1x1x16xf32>,
      %swap3A_77 = vector.shape_cast %swap3A_76 : vector<1x1x16xf32> to vector<16xf32>
      %swap3A_78 = vector.shape_cast %broadcast_in_dim3A_71 : vector<16xf32> to vector<1x1x16xf32>
      tpu.vector_store %arg9[%swap3A_73, %swap3A_74, %swap3A_75], %swap3A_78 {strides = array<i32>} : memref<2x128x64xf32, #tpu.memory_space<vmem>>, vector<1x1x16xf32>,
    }
    %scan3A_4 = arith.constant 128 : i32
    %mul3A = arith.constant 640 : i32
    %mul3A_5 = arith.muli %arg1, %mul3A : i32
    %add3A = arith.constant 0 : i32
    %add3A_6 = arith.addi %mul3A_5, %add3A : i32
    %run_scoped3A = arith.constant 0 : i32
    "tpu.region"() ({
      %run_scoped3A_44 = tpu.sem_alloc : memref<!tpu.dma_semaphore, #tpu.memory_space<semaphore_mem>>
      %dma_start3A = arith.constant 0 : i32
      %dma_start3A_45 = arith.constant 0 : i32
      %dma_start3A_46 = tpu.memref_slice %arg9[%run_scoped3A, %dma_start3A, %dma_start3A_45] : memref<2x128x64xf32, #tpu.memory_space<vmem>> -> memref<1x128x64xf32, #tpu.memory_space<vmem>>
      %dma_start3A_47 = tpu.memref_squeeze %dma_start3A_46 : memref<1x128x64xf32, #tpu.memory_space<vmem>> -> memref<128x64xf32, #tpu.memory_space<vmem>>
      %dma_start3A_48 = arith.constant 0 : i32
      %dma_start3A_49 = tpu.memref_slice %arg10[%add3A_6, %dma_start3A_48] : memref<10240x64xf32, #tpu.memory_space<vmem_shared>> -> memref<128x64xf32, #tpu.memory_space<vmem_shared>>
      %dma_start3A_50 = arith.constant 0 : i32
      %dma_start3A_51 = tpu.memref_slice %arg10[%add3A_6, %dma_start3A_50] : memref<10240x64xf32, #tpu.memory_space<vmem_shared>> -> memref<128x64xf32, #tpu.memory_space<vmem_shared>>
      %dma_start3A_52 = arith.constant 0 : i32
      %dma_start3A_53 = arith.constant 0 : i32
      %dma_start3A_54 = tpu.memref_slice %arg9[%run_scoped3A, %dma_start3A_52, %dma_start3A_53] : memref<2x128x64xf32, #tpu.memory_space<vmem>> -> memref<1x128x64xf32, #tpu.memory_space<vmem>>
      %dma_start3A_55 = tpu.memref_squeeze %dma_start3A_54 : memref<1x128x64xf32, #tpu.memory_space<vmem>> -> memref<128x64xf32, #tpu.memory_space<vmem>>
      tpu.enqueue_dma source(%dma_start3A_55 : memref<128x64xf32, #tpu.memory_space<vmem>>) target(%dma_start3A_51 : memref<128x64xf32, #tpu.memory_space<vmem_shared>>) target_semaphore(%run_scoped3A_44 : memref<!tpu.dma_semaphore, #tpu.memory_space<semaphore_mem>>)
      %dma_wait3A = arith.constant 0 : i32
      %dma_wait3A_56 = arith.constant 0 : i32
      %dma_wait3A_57 = tpu.memref_slice %arg9[%run_scoped3A, %dma_wait3A, %dma_wait3A_56] : memref<2x128x64xf32, #tpu.memory_space<vmem>> -> memref<1x128x64xf32, #tpu.memory_space<vmem>>
      %dma_wait3A_58 = tpu.memref_squeeze %dma_wait3A_57 : memref<1x128x64xf32, #tpu.memory_space<vmem>> -> memref<128x64xf32, #tpu.memory_space<vmem>>
      %dma_wait3A_59 = arith.constant 0 : i32
      %dma_wait3A_60 = tpu.memref_slice %arg10[%add3A_6, %dma_wait3A_59] : memref<10240x64xf32, #tpu.memory_space<vmem_shared>> -> memref<128x64xf32, #tpu.memory_space<vmem_shared>>
      %dma_wait3A_61 = arith.constant 0 : i32
      %dma_wait3A_62 = tpu.memref_slice %arg10[%add3A_6, %dma_wait3A_61] : memref<10240x64xf32, #tpu.memory_space<vmem_shared>> -> memref<128x64xf32, #tpu.memory_space<vmem_shared>>
      %dma_wait3A_63 = arith.constant 0 : i32
      %dma_wait3A_64 = arith.constant 0 : i32
      %dma_wait3A_65 = tpu.memref_slice %arg9[%run_scoped3A, %dma_wait3A_63, %dma_wait3A_64] : memref<2x128x64xf32, #tpu.memory_space<vmem>> -> memref<1x128x64xf32, #tpu.memory_space<vmem>>
      %dma_wait3A_66 = tpu.memref_squeeze %dma_wait3A_65 : memref<1x128x64xf32, #tpu.memory_space<vmem>> -> memref<128x64xf32, #tpu.memory_space<vmem>>
      tpu.wait_dma2 semaphore(%run_scoped3A_44 : memref<!tpu.dma_semaphore, #tpu.memory_space<semaphore_mem>>) src(%dma_wait3A_66 : memref<128x64xf32, #tpu.memory_space<vmem>>) dst(%dma_wait3A_62 : memref<128x64xf32, #tpu.memory_space<vmem_shared>>)
      tpu.yield
    }) : () -> ()
    %mul3A_7 = arith.constant 640 : i32
    %mul3A_8 = arith.muli %arg1, %mul3A_7 : i32
    %add3A_9 = arith.constant 128 : i32
    %add3A_10 = arith.addi %mul3A_8, %add3A_9 : i32
    %run_scoped3A_11 = arith.constant 0 : i32
    "tpu.region"() ({
      %run_scoped3A_44 = tpu.sem_alloc : memref<!tpu.dma_semaphore, #tpu.memory_space<semaphore_mem>>
      %dma_start3A = arith.constant 0 : i32
      %dma_start3A_45 = arith.constant 0 : i32
      %dma_start3A_46 = tpu.memref_slice %arg9[%run_scoped3A_11, %dma_start3A, %dma_start3A_45] : memref<2x128x64xf32, #tpu.memory_space<vmem>> -> memref<1x128x64xf32, #tpu.memory_space<vmem>>
      %dma_start3A_47 = tpu.memref_squeeze %dma_start3A_46 : memref<1x128x64xf32, #tpu.memory_space<vmem>> -> memref<128x64xf32, #tpu.memory_space<vmem>>
      %dma_start3A_48 = arith.constant 0 : i32
      %dma_start3A_49 = tpu.memref_slice %arg10[%add3A_10, %dma_start3A_48] : memref<10240x64xf32, #tpu.memory_space<vmem_shared>> -> memref<128x64xf32, #tpu.memory_space<vmem_shared>>
      %dma_start3A_50 = arith.constant 0 : i32
      %dma_start3A_51 = tpu.memref_slice %arg10[%add3A_10, %dma_start3A_50] : memref<10240x64xf32, #tpu.memory_space<vmem_shared>> -> memref<128x64xf32, #tpu.memory_space<vmem_shared>>
      %dma_start3A_52 = arith.constant 0 : i32
      %dma_start3A_53 = arith.constant 0 : i32
      %dma_start3A_54 = tpu.memref_slice %arg9[%run_scoped3A_11, %dma_start3A_52, %dma_start3A_53] : memref<2x128x64xf32, #tpu.memory_space<vmem>> -> memref<1x128x64xf32, #tpu.memory_space<vmem>>
      %dma_start3A_55 = tpu.memref_squeeze %dma_start3A_54 : memref<1x128x64xf32, #tpu.memory_space<vmem>> -> memref<128x64xf32, #tpu.memory_space<vmem>>
      tpu.enqueue_dma source(%dma_start3A_55 : memref<128x64xf32, #tpu.memory_space<vmem>>) target(%dma_start3A_51 : memref<128x64xf32, #tpu.memory_space<vmem_shared>>) target_semaphore(%run_scoped3A_44 : memref<!tpu.dma_semaphore, #tpu.memory_space<semaphore_mem>>)
      %dma_wait3A = arith.constant 0 : i32
      %dma_wait3A_56 = arith.constant 0 : i32
      %dma_wait3A_57 = tpu.memref_slice %arg9[%run_scoped3A_11, %dma_wait3A, %dma_wait3A_56] : memref<2x128x64xf32, #tpu.memory_space<vmem>> -> memref<1x128x64xf32, #tpu.memory_space<vmem>>
      %dma_wait3A_58 = tpu.memref_squeeze %dma_wait3A_57 : memref<1x128x64xf32, #tpu.memory_space<vmem>> -> memref<128x64xf32, #tpu.memory_space<vmem>>
      %dma_wait3A_59 = arith.constant 0 : i32
      %dma_wait3A_60 = tpu.memref_slice %arg10[%add3A_10, %dma_wait3A_59] : memref<10240x64xf32, #tpu.memory_space<vmem_shared>> -> memref<128x64xf32, #tpu.memory_space<vmem_shared>>
      %dma_wait3A_61 = arith.constant 0 : i32
      %dma_wait3A_62 = tpu.memref_slice %arg10[%add3A_10, %dma_wait3A_61] : memref<10240x64xf32, #tpu.memory_space<vmem_shared>> -> memref<128x64xf32, #tpu.memory_space<vmem_shared>>
      %dma_wait3A_63 = arith.constant 0 : i32
      %dma_wait3A_64 = arith.constant 0 : i32
      %dma_wait3A_65 = tpu.memref_slice %arg9[%run_scoped3A_11, %dma_wait3A_63, %dma_wait3A_64] : memref<2x128x64xf32, #tpu.memory_space<vmem>> -> memref<1x128x64xf32, #tpu.memory_space<vmem>>
      %dma_wait3A_66 = tpu.memref_squeeze %dma_wait3A_65 : memref<1x128x64xf32, #tpu.memory_space<vmem>> -> memref<128x64xf32, #tpu.memory_space<vmem>>
      tpu.wait_dma2 semaphore(%run_scoped3A_44 : memref<!tpu.dma_semaphore, #tpu.memory_space<semaphore_mem>>) src(%dma_wait3A_66 : memref<128x64xf32, #tpu.memory_space<vmem>>) dst(%dma_wait3A_62 : memref<128x64xf32, #tpu.memory_space<vmem_shared>>)
      tpu.yield
    }) : () -> ()
    %mul3A_12 = arith.constant 640 : i32
    %mul3A_13 = arith.muli %arg1, %mul3A_12 : i32
    %add3A_14 = arith.constant 256 : i32
    %add3A_15 = arith.addi %mul3A_13, %add3A_14 : i32
    %run_scoped3A_16 = arith.constant 0 : i32
    "tpu.region"() ({
      %run_scoped3A_44 = tpu.sem_alloc : memref<!tpu.dma_semaphore, #tpu.memory_space<semaphore_mem>>
      %dma_start3A = arith.constant 0 : i32
      %dma_start3A_45 = arith.constant 0 : i32
      %dma_start3A_46 = tpu.memref_slice %arg9[%run_scoped3A_16, %dma_start3A, %dma_start3A_45] : memref<2x128x64xf32, #tpu.memory_space<vmem>> -> memref<1x128x64xf32, #tpu.memory_space<vmem>>
      %dma_start3A_47 = tpu.memref_squeeze %dma_start3A_46 : memref<1x128x64xf32, #tpu.memory_space<vmem>> -> memref<128x64xf32, #tpu.memory_space<vmem>>
      %dma_start3A_48 = arith.constant 0 : i32
      %dma_start3A_49 = tpu.memref_slice %arg10[%add3A_15, %dma_start3A_48] : memref<10240x64xf32, #tpu.memory_space<vmem_shared>> -> memref<128x64xf32, #tpu.memory_space<vmem_shared>>
      %dma_start3A_50 = arith.constant 0 : i32
      %dma_start3A_51 = tpu.memref_slice %arg10[%add3A_15, %dma_start3A_50] : memref<10240x64xf32, #tpu.memory_space<vmem_shared>> -> memref<128x64xf32, #tpu.memory_space<vmem_shared>>
      %dma_start3A_52 = arith.constant 0 : i32
      %dma_start3A_53 = arith.constant 0 : i32
      %dma_start3A_54 = tpu.memref_slice %arg9[%run_scoped3A_16, %dma_start3A_52, %dma_start3A_53] : memref<2x128x64xf32, #tpu.memory_space<vmem>> -> memref<1x128x64xf32, #tpu.memory_space<vmem>>
      %dma_start3A_55 = tpu.memref_squeeze %dma_start3A_54 : memref<1x128x64xf32, #tpu.memory_space<vmem>> -> memref<128x64xf32, #tpu.memory_space<vmem>>
      tpu.enqueue_dma source(%dma_start3A_55 : memref<128x64xf32, #tpu.memory_space<vmem>>) target(%dma_start3A_51 : memref<128x64xf32, #tpu.memory_space<vmem_shared>>) target_semaphore(%run_scoped3A_44 : memref<!tpu.dma_semaphore, #tpu.memory_space<semaphore_mem>>)
      %dma_wait3A = arith.constant 0 : i32
      %dma_wait3A_56 = arith.constant 0 : i32
      %dma_wait3A_57 = tpu.memref_slice %arg9[%run_scoped3A_16, %dma_wait3A, %dma_wait3A_56] : memref<2x128x64xf32, #tpu.memory_space<vmem>> -> memref<1x128x64xf32, #tpu.memory_space<vmem>>
      %dma_wait3A_58 = tpu.memref_squeeze %dma_wait3A_57 : memref<1x128x64xf32, #tpu.memory_space<vmem>> -> memref<128x64xf32, #tpu.memory_space<vmem>>
      %dma_wait3A_59 = arith.constant 0 : i32
      %dma_wait3A_60 = tpu.memref_slice %arg10[%add3A_15, %dma_wait3A_59] : memref<10240x64xf32, #tpu.memory_space<vmem_shared>> -> memref<128x64xf32, #tpu.memory_space<vmem_shared>>
      %dma_wait3A_61 = arith.constant 0 : i32
      %dma_wait3A_62 = tpu.memref_slice %arg10[%add3A_15, %dma_wait3A_61] : memref<10240x64xf32, #tpu.memory_space<vmem_shared>> -> memref<128x64xf32, #tpu.memory_space<vmem_shared>>
      %dma_wait3A_63 = arith.constant 0 : i32
      %dma_wait3A_64 = arith.constant 0 : i32
      %dma_wait3A_65 = tpu.memref_slice %arg9[%run_scoped3A_16, %dma_wait3A_63, %dma_wait3A_64] : memref<2x128x64xf32, #tpu.memory_space<vmem>> -> memref<1x128x64xf32, #tpu.memory_space<vmem>>
      %dma_wait3A_66 = tpu.memref_squeeze %dma_wait3A_65 : memref<1x128x64xf32, #tpu.memory_space<vmem>> -> memref<128x64xf32, #tpu.memory_space<vmem>>
      tpu.wait_dma2 semaphore(%run_scoped3A_44 : memref<!tpu.dma_semaphore, #tpu.memory_space<semaphore_mem>>) src(%dma_wait3A_66 : memref<128x64xf32, #tpu.memory_space<vmem>>) dst(%dma_wait3A_62 : memref<128x64xf32, #tpu.memory_space<vmem_shared>>)
      tpu.yield
    }) : () -> ()
    %mul3A_17 = arith.constant 640 : i32
    %mul3A_18 = arith.muli %arg1, %mul3A_17 : i32
    %add3A_19 = arith.constant 384 : i32
    %add3A_20 = arith.addi %mul3A_18, %add3A_19 : i32
    %run_scoped3A_21 = arith.constant 0 : i32
    "tpu.region"() ({
      %run_scoped3A_44 = tpu.sem_alloc : memref<!tpu.dma_semaphore, #tpu.memory_space<semaphore_mem>>
      %dma_start3A = arith.constant 0 : i32
      %dma_start3A_45 = arith.constant 0 : i32
      %dma_start3A_46 = tpu.memref_slice %arg9[%run_scoped3A_21, %dma_start3A, %dma_start3A_45] : memref<2x128x64xf32, #tpu.memory_space<vmem>> -> memref<1x128x64xf32, #tpu.memory_space<vmem>>
      %dma_start3A_47 = tpu.memref_squeeze %dma_start3A_46 : memref<1x128x64xf32, #tpu.memory_space<vmem>> -> memref<128x64xf32, #tpu.memory_space<vmem>>
      %dma_start3A_48 = arith.constant 0 : i32
      %dma_start3A_49 = tpu.memref_slice %arg10[%add3A_20, %dma_start3A_48] : memref<10240x64xf32, #tpu.memory_space<vmem_shared>> -> memref<128x64xf32, #tpu.memory_space<vmem_shared>>
      %dma_start3A_50 = arith.constant 0 : i32
      %dma_start3A_51 = tpu.memref_slice %arg10[%add3A_20, %dma_start3A_50] : memref<10240x64xf32, #tpu.memory_space<vmem_shared>> -> memref<128x64xf32, #tpu.memory_space<vmem_shared>>
      %dma_start3A_52 = arith.constant 0 : i32
      %dma_start3A_53 = arith.constant 0 : i32
      %dma_start3A_54 = tpu.memref_slice %arg9[%run_scoped3A_21, %dma_start3A_52, %dma_start3A_53] : memref<2x128x64xf32, #tpu.memory_space<vmem>> -> memref<1x128x64xf32, #tpu.memory_space<vmem>>
      %dma_start3A_55 = tpu.memref_squeeze %dma_start3A_54 : memref<1x128x64xf32, #tpu.memory_space<vmem>> -> memref<128x64xf32, #tpu.memory_space<vmem>>
      tpu.enqueue_dma source(%dma_start3A_55 : memref<128x64xf32, #tpu.memory_space<vmem>>) target(%dma_start3A_51 : memref<128x64xf32, #tpu.memory_space<vmem_shared>>) target_semaphore(%run_scoped3A_44 : memref<!tpu.dma_semaphore, #tpu.memory_space<semaphore_mem>>)
      %dma_wait3A = arith.constant 0 : i32
      %dma_wait3A_56 = arith.constant 0 : i32
      %dma_wait3A_57 = tpu.memref_slice %arg9[%run_scoped3A_21, %dma_wait3A, %dma_wait3A_56] : memref<2x128x64xf32, #tpu.memory_space<vmem>> -> memref<1x128x64xf32, #tpu.memory_space<vmem>>
      %dma_wait3A_58 = tpu.memref_squeeze %dma_wait3A_57 : memref<1x128x64xf32, #tpu.memory_space<vmem>> -> memref<128x64xf32, #tpu.memory_space<vmem>>
      %dma_wait3A_59 = arith.constant 0 : i32
      %dma_wait3A_60 = tpu.memref_slice %arg10[%add3A_20, %dma_wait3A_59] : memref<10240x64xf32, #tpu.memory_space<vmem_shared>> -> memref<128x64xf32, #tpu.memory_space<vmem_shared>>
      %dma_wait3A_61 = arith.constant 0 : i32
      %dma_wait3A_62 = tpu.memref_slice %arg10[%add3A_20, %dma_wait3A_61] : memref<10240x64xf32, #tpu.memory_space<vmem_shared>> -> memref<128x64xf32, #tpu.memory_space<vmem_shared>>
      %dma_wait3A_63 = arith.constant 0 : i32
      %dma_wait3A_64 = arith.constant 0 : i32
      %dma_wait3A_65 = tpu.memref_slice %arg9[%run_scoped3A_21, %dma_wait3A_63, %dma_wait3A_64] : memref<2x128x64xf32, #tpu.memory_space<vmem>> -> memref<1x128x64xf32, #tpu.memory_space<vmem>>
      %dma_wait3A_66 = tpu.memref_squeeze %dma_wait3A_65 : memref<1x128x64xf32, #tpu.memory_space<vmem>> -> memref<128x64xf32, #tpu.memory_space<vmem>>
      tpu.wait_dma2 semaphore(%run_scoped3A_44 : memref<!tpu.dma_semaphore, #tpu.memory_space<semaphore_mem>>) src(%dma_wait3A_66 : memref<128x64xf32, #tpu.memory_space<vmem>>) dst(%dma_wait3A_62 : memref<128x64xf32, #tpu.memory_space<vmem_shared>>)
      tpu.yield
    }) : () -> ()
    %mul3A_22 = arith.constant 640 : i32
    %mul3A_23 = arith.muli %arg1, %mul3A_22 : i32
    %add3A_24 = arith.constant 512 : i32
    %add3A_25 = arith.addi %mul3A_23, %add3A_24 : i32
    %run_scoped3A_26 = arith.constant 0 : i32
    "tpu.region"() ({
      %run_scoped3A_44 = tpu.sem_alloc : memref<!tpu.dma_semaphore, #tpu.memory_space<semaphore_mem>>
      %dma_start3A = arith.constant 0 : i32
      %dma_start3A_45 = arith.constant 0 : i32
      %dma_start3A_46 = tpu.memref_slice %arg9[%run_scoped3A_26, %dma_start3A, %dma_start3A_45] : memref<2x128x64xf32, #tpu.memory_space<vmem>> -> memref<1x128x64xf32, #tpu.memory_space<vmem>>
      %dma_start3A_47 = tpu.memref_squeeze %dma_start3A_46 : memref<1x128x64xf32, #tpu.memory_space<vmem>> -> memref<128x64xf32, #tpu.memory_space<vmem>>
      %dma_start3A_48 = arith.constant 0 : i32
      %dma_start3A_49 = tpu.memref_slice %arg10[%add3A_25, %dma_start3A_48] : memref<10240x64xf32, #tpu.memory_space<vmem_shared>> -> memref<128x64xf32, #tpu.memory_space<vmem_shared>>
      %dma_start3A_50 = arith.constant 0 : i32
      %dma_start3A_51 = tpu.memref_slice %arg10[%add3A_25, %dma_start3A_50] : memref<10240x64xf32, #tpu.memory_space<vmem_shared>> -> memref<128x64xf32, #tpu.memory_space<vmem_shared>>
      %dma_start3A_52 = arith.constant 0 : i32
      %dma_start3A_53 = arith.constant 0 : i32
      %dma_start3A_54 = tpu.memref_slice %arg9[%run_scoped3A_26, %dma_start3A_52, %dma_start3A_53] : memref<2x128x64xf32, #tpu.memory_space<vmem>> -> memref<1x128x64xf32, #tpu.memory_space<vmem>>
      %dma_start3A_55 = tpu.memref_squeeze %dma_start3A_54 : memref<1x128x64xf32, #tpu.memory_space<vmem>> -> memref<128x64xf32, #tpu.memory_space<vmem>>
      tpu.enqueue_dma source(%dma_start3A_55 : memref<128x64xf32, #tpu.memory_space<vmem>>) target(%dma_start3A_51 : memref<128x64xf32, #tpu.memory_space<vmem_shared>>) target_semaphore(%run_scoped3A_44 : memref<!tpu.dma_semaphore, #tpu.memory_space<semaphore_mem>>)
      %dma_wait3A = arith.constant 0 : i32
      %dma_wait3A_56 = arith.constant 0 : i32
      %dma_wait3A_57 = tpu.memref_slice %arg9[%run_scoped3A_26, %dma_wait3A, %dma_wait3A_56] : memref<2x128x64xf32, #tpu.memory_space<vmem>> -> memref<1x128x64xf32, #tpu.memory_space<vmem>>
      %dma_wait3A_58 = tpu.memref_squeeze %dma_wait3A_57 : memref<1x128x64xf32, #tpu.memory_space<vmem>> -> memref<128x64xf32, #tpu.memory_space<vmem>>
      %dma_wait3A_59 = arith.constant 0 : i32
      %dma_wait3A_60 = tpu.memref_slice %arg10[%add3A_25, %dma_wait3A_59] : memref<10240x64xf32, #tpu.memory_space<vmem_shared>> -> memref<128x64xf32, #tpu.memory_space<vmem_shared>>
      %dma_wait3A_61 = arith.constant 0 : i32
      %dma_wait3A_62 = tpu.memref_slice %arg10[%add3A_25, %dma_wait3A_61] : memref<10240x64xf32, #tpu.memory_space<vmem_shared>> -> memref<128x64xf32, #tpu.memory_space<vmem_shared>>
      %dma_wait3A_63 = arith.constant 0 : i32
      %dma_wait3A_64 = arith.constant 0 : i32
      %dma_wait3A_65 = tpu.memref_slice %arg9[%run_scoped3A_26, %dma_wait3A_63, %dma_wait3A_64] : memref<2x128x64xf32, #tpu.memory_space<vmem>> -> memref<1x128x64xf32, #tpu.memory_space<vmem>>
      %dma_wait3A_66 = tpu.memref_squeeze %dma_wait3A_65 : memref<1x128x64xf32, #tpu.memory_space<vmem>> -> memref<128x64xf32, #tpu.memory_space<vmem>>
      tpu.wait_dma2 semaphore(%run_scoped3A_44 : memref<!tpu.dma_semaphore, #tpu.memory_space<semaphore_mem>>) src(%dma_wait3A_66 : memref<128x64xf32, #tpu.memory_space<vmem>>) dst(%dma_wait3A_62 : memref<128x64xf32, #tpu.memory_space<vmem_shared>>)
      tpu.yield
    }) : () -> ()
    %scan3A_27 = arith.constant 0 : i32
    %scan3A_28 = arith.constant 0 : i32
    %scan3A_29 = arith.constant 40 : i32
    %scan3A_30 = arith.addi %scan3A_28, %scan3A_29 : i32
    %scan3A_31 = arith.constant 1 : i32
    scf.for %scan3A_44 = %scan3A_28 to %scan3A_30 step %scan3A_31  : i32 {
      %broadcast_in_dim3A = arith.constant 0.000000e+00 : f32
      %broadcast_in_dim3A_45 = vector.broadcast %broadcast_in_dim3A : f32 to vector<16xf32>
      %mul3A_46 = arith.constant 16 : i32
      %mul3A_47 = arith.muli %scan3A_44, %mul3A_46 : i32
      %swap3A = arith.index_cast %mul3A_47 : i32 to index
      %swap3A_48 = tpu.vector_load %arg16[%swap3A] {strides = array<i32>} : memref<640xf32, #tpu.memory_space<vmem>>, vector<16xf32>,
      %swap3A_49 = vector.shape_cast %swap3A_48 : vector<16xf32> to vector<16xf32>
      %swap3A_50 = vector.shape_cast %broadcast_in_dim3A_45 : vector<16xf32> to vector<16xf32>
      tpu.vector_store %arg16[%swap3A], %swap3A_50 {strides = array<i32>} : memref<640xf32, #tpu.memory_space<vmem>>, vector<16xf32>,
      %broadcast_in_dim3A_51 = arith.constant 1.000000e+00 : f32
      %broadcast_in_dim3A_52 = vector.broadcast %broadcast_in_dim3A_51 : f32 to vector<16xf32>
      %jit3A = arith.constant 8 : i32
      %eq3A_53 = arith.constant 0 : i32
      %eq3A_54 = arith.cmpi eq, %jit3A, %eq3A_53 : i32
      %jit3A_55 = arith.constant 1 : i32
      %select_n3A = arith.select %eq3A_54, %jit3A_55, %jit3A : i32
      %rem3A = arith.remsi %scan3A_44, %select_n3A : i32
      %ne3A_56 = arith.constant 0 : i32
      %ne3A_57 = arith.cmpi ne, %rem3A, %ne3A_56 : i32
      %lt3A = arith.constant 0 : i32
      %lt3A_58 = arith.cmpi slt, %rem3A, %lt3A : i32
      %lt3A_59 = arith.constant 0 : i32
      %lt3A_60 = arith.cmpi slt, %select_n3A, %lt3A_59 : i32
      %ne3A_61 = arith.xori %lt3A_58, %lt3A_60 : i1
      %and3A = arith.andi %ne3A_61, %ne3A_57 : i1
      %add3A_62 = arith.addi %rem3A, %select_n3A : i32
      %select_n3A_63 = arith.select %and3A, %add3A_62, %rem3A : i32
      %mul3A_64 = arith.constant 16 : i32
      %mul3A_65 = arith.muli %select_n3A_63, %mul3A_64 : i32
      %swap3A_66 = arith.index_cast %mul3A_65 : i32 to index
      %swap3A_67 = tpu.vector_load %arg15[%swap3A_66] {strides = array<i32>} : memref<128xf32, #tpu.memory_space<vmem>>, vector<16xf32>,
      %swap3A_68 = vector.shape_cast %swap3A_67 : vector<16xf32> to vector<16xf32>
      %swap3A_69 = vector.shape_cast %broadcast_in_dim3A_52 : vector<16xf32> to vector<16xf32>
      tpu.vector_store %arg15[%swap3A_66], %swap3A_69 {strides = array<i32>} : memref<128xf32, #tpu.memory_space<vmem>>, vector<16xf32>,
    }
    %scan3A_32 = arith.constant 40 : i32
    %mul3A_33 = arith.constant 640 : i32
    %mul3A_34 = arith.muli %arg1, %mul3A_33 : i32
    "tpu.region"() ({
      %run_scoped3A_44 = tpu.sem_alloc : memref<!tpu.dma_semaphore, #tpu.memory_space<semaphore_mem>>
      %dma_start3A = tpu.memref_slice %arg17[%mul3A_34] : memref<10240xf32, #tpu.memory_space<vmem_shared>> -> memref<640xf32, #tpu.memory_space<vmem_shared>>
      %dma_start3A_45 = tpu.memref_slice %arg17[%mul3A_34] : memref<10240xf32, #tpu.memory_space<vmem_shared>> -> memref<640xf32, #tpu.memory_space<vmem_shared>>
      tpu.enqueue_dma source(%arg16 : memref<640xf32, #tpu.memory_space<vmem>>) target(%dma_start3A_45 : memref<640xf32, #tpu.memory_space<vmem_shared>>) target_semaphore(%run_scoped3A_44 : memref<!tpu.dma_semaphore, #tpu.memory_space<semaphore_mem>>)
      %dma_wait3A = tpu.memref_slice %arg17[%mul3A_34] : memref<10240xf32, #tpu.memory_space<vmem_shared>> -> memref<640xf32, #tpu.memory_space<vmem_shared>>
      %dma_wait3A_46 = tpu.memref_slice %arg17[%mul3A_34] : memref<10240xf32, #tpu.memory_space<vmem_shared>> -> memref<640xf32, #tpu.memory_space<vmem_shared>>
      tpu.wait_dma2 semaphore(%run_scoped3A_44 : memref<!tpu.dma_semaphore, #tpu.memory_space<semaphore_mem>>) src(%arg16 : memref<640xf32, #tpu.memory_space<vmem>>) dst(%dma_wait3A_46 : memref<640xf32, #tpu.memory_space<vmem_shared>>)
      tpu.yield
    }) : () -> ()
    %barrier3A = arith.constant 0 : index
    tpu.barrier barrier_id(%barrier3A)
    %eq3A = arith.constant 0 : i32
    %eq3A_35 = arith.cmpi eq, %arg0, %eq3A : i32
    %convert_element_type3A = arith.extui %eq3A_35 : i1 to i32
    %cond3A = arith.constant 0 : i32
    %cond3A_36 = arith.cmpi ne, %convert_element_type3A, %cond3A : i32
    scf.if %cond3A_36 {
      %mul3A_44 = arith.constant 60 : i32
      %mul3A_45 = arith.muli %arg1, %mul3A_44 : i32
      "tpu.region"() ({
        %run_scoped3A_103 = tpu.sem_alloc : memref<!tpu.dma_semaphore, #tpu.memory_space<semaphore_mem>>
        %dma_start3A_104 = arith.constant 0 : i32
        %dma_start3A_105 = arith.constant 0 : i32
        %dma_start3A_106 = tpu.memref_slice %arg7[%dma_start3A_104, %dma_start3A_105] : memref<60x128xi32, #tpu.memory_space<vmem>> -> memref<60x128xi32, #tpu.memory_space<vmem>>
        %dma_start3A_107 = arith.constant 0 : i32
        %dma_start3A_108 = tpu.memref_slice %arg3[%mul3A_45, %dma_start3A_107] : memref<1280x128xi32, #tpu.memory_space<hbm>> -> memref<60x128xi32, #tpu.memory_space<hbm>>
        %dma_start3A_109 = arith.constant 0 : i32
        %dma_start3A_110 = arith.constant 0 : i32
        %dma_start3A_111 = tpu.memref_slice %arg7[%dma_start3A_109, %dma_start3A_110] : memref<60x128xi32, #tpu.memory_space<vmem>> -> memref<60x128xi32, #tpu.memory_space<vmem>>
        %dma_start3A_112 = arith.constant 0 : i32
        %dma_start3A_113 = tpu.memref_slice %arg3[%mul3A_45, %dma_start3A_112] : memref<1280x128xi32, #tpu.memory_space<hbm>> -> memref<60x128xi32, #tpu.memory_space<hbm>>
        tpu.enqueue_dma source(%dma_start3A_113 : memref<60x128xi32, #tpu.memory_space<hbm>>) target(%dma_start3A_111 : memref<60x128xi32, #tpu.memory_space<vmem>>) target_semaphore(%run_scoped3A_103 : memref<!tpu.dma_semaphore, #tpu.memory_space<semaphore_mem>>)
        %dma_wait3A_114 = arith.constant 0 : i32
        %dma_wait3A_115 = arith.constant 0 : i32
        %dma_wait3A_116 = tpu.memref_slice %arg7[%dma_wait3A_114, %dma_wait3A_115] : memref<60x128xi32, #tpu.memory_space<vmem>> -> memref<60x128xi32, #tpu.memory_space<vmem>>
        %dma_wait3A_117 = arith.constant 0 : i32
        %dma_wait3A_118 = tpu.memref_slice %arg3[%mul3A_45, %dma_wait3A_117] : memref<1280x128xi32, #tpu.memory_space<hbm>> -> memref<60x128xi32, #tpu.memory_space<hbm>>
        %dma_wait3A_119 = arith.constant 0 : i32
        %dma_wait3A_120 = arith.constant 0 : i32
        %dma_wait3A_121 = tpu.memref_slice %arg7[%dma_wait3A_119, %dma_wait3A_120] : memref<60x128xi32, #tpu.memory_space<vmem>> -> memref<60x128xi32, #tpu.memory_space<vmem>>
        %dma_wait3A_122 = arith.constant 0 : i32
        %dma_wait3A_123 = tpu.memref_slice %arg3[%mul3A_45, %dma_wait3A_122] : memref<1280x128xi32, #tpu.memory_space<hbm>> -> memref<60x128xi32, #tpu.memory_space<hbm>>
        tpu.wait_dma2 semaphore(%run_scoped3A_103 : memref<!tpu.dma_semaphore, #tpu.memory_space<semaphore_mem>>) src(%dma_wait3A_123 : memref<60x128xi32, #tpu.memory_space<hbm>>) dst(%dma_wait3A_121 : memref<60x128xi32, #tpu.memory_space<vmem>>)
        tpu.yield
      }) : () -> ()
      "tpu.region"() ({
        %run_scoped3A_103 = tpu.sem_alloc : memref<!tpu.dma_semaphore, #tpu.memory_space<semaphore_mem>>
        %dma_start3A_104 = arith.constant 0 : i32
        %dma_start3A_105 = arith.constant 0 : i32
        %dma_start3A_106 = tpu.memref_slice %arg8[%dma_start3A_104, %dma_start3A_105] : memref<60x128xi32, #tpu.memory_space<vmem>> -> memref<60x128xi32, #tpu.memory_space<vmem>>
        %dma_start3A_107 = arith.constant 0 : i32
        %dma_start3A_108 = tpu.memref_slice %arg4[%mul3A_45, %dma_start3A_107] : memref<1280x128xi32, #tpu.memory_space<hbm>> -> memref<60x128xi32, #tpu.memory_space<hbm>>
        %dma_start3A_109 = arith.constant 0 : i32
        %dma_start3A_110 = arith.constant 0 : i32
        %dma_start3A_111 = tpu.memref_slice %arg8[%dma_start3A_109, %dma_start3A_110] : memref<60x128xi32, #tpu.memory_space<vmem>> -> memref<60x128xi32, #tpu.memory_space<vmem>>
        %dma_start3A_112 = arith.constant 0 : i32
        %dma_start3A_113 = tpu.memref_slice %arg4[%mul3A_45, %dma_start3A_112] : memref<1280x128xi32, #tpu.memory_space<hbm>> -> memref<60x128xi32, #tpu.memory_space<hbm>>
        tpu.enqueue_dma source(%dma_start3A_113 : memref<60x128xi32, #tpu.memory_space<hbm>>) target(%dma_start3A_111 : memref<60x128xi32, #tpu.memory_space<vmem>>) target_semaphore(%run_scoped3A_103 : memref<!tpu.dma_semaphore, #tpu.memory_space<semaphore_mem>>)
        %dma_wait3A_114 = arith.constant 0 : i32
        %dma_wait3A_115 = arith.constant 0 : i32
        %dma_wait3A_116 = tpu.memref_slice %arg8[%dma_wait3A_114, %dma_wait3A_115] : memref<60x128xi32, #tpu.memory_space<vmem>> -> memref<60x128xi32, #tpu.memory_space<vmem>>
        %dma_wait3A_117 = arith.constant 0 : i32
        %dma_wait3A_118 = tpu.memref_slice %arg4[%mul3A_45, %dma_wait3A_117] : memref<1280x128xi32, #tpu.memory_space<hbm>> -> memref<60x128xi32, #tpu.memory_space<hbm>>
        %dma_wait3A_119 = arith.constant 0 : i32
        %dma_wait3A_120 = arith.constant 0 : i32
        %dma_wait3A_121 = tpu.memref_slice %arg8[%dma_wait3A_119, %dma_wait3A_120] : memref<60x128xi32, #tpu.memory_space<vmem>> -> memref<60x128xi32, #tpu.memory_space<vmem>>
        %dma_wait3A_122 = arith.constant 0 : i32
        %dma_wait3A_123 = tpu.memref_slice %arg4[%mul3A_45, %dma_wait3A_122] : memref<1280x128xi32, #tpu.memory_space<hbm>> -> memref<60x128xi32, #tpu.memory_space<hbm>>
        tpu.wait_dma2 semaphore(%run_scoped3A_103 : memref<!tpu.dma_semaphore, #tpu.memory_space<semaphore_mem>>) src(%dma_wait3A_123 : memref<60x128xi32, #tpu.memory_space<hbm>>) dst(%dma_wait3A_121 : memref<60x128xi32, #tpu.memory_space<vmem>>)
        tpu.yield
      }) : () -> ()
      %dma_start3A = arith.constant 0 : i32
      %dma_start3A_46 = arith.constant 0 : i32
      %dma_start3A_47 = arith.constant 0 : i32
      %dma_start3A_48 = arith.constant 0 : i32
      %dma_start3A_49 = tpu.memref_slice %arg9[%dma_start3A_46, %dma_start3A_47, %dma_start3A_48] : memref<2x128x64xf32, #tpu.memory_space<vmem>> -> memref<1x128x64xf32, #tpu.memory_space<vmem>>
      %dma_start3A_50 = tpu.memref_squeeze %dma_start3A_49 : memref<1x128x64xf32, #tpu.memory_space<vmem>> -> memref<128x64xf32, #tpu.memory_space<vmem>>
      %dma_start3A_51 = arith.constant 0 : i32
      %dma_start3A_52 = tpu.memref_slice %arg7[%dma_start3A, %dma_start3A_51] : memref<60x128xi32, #tpu.memory_space<vmem>> -> memref<1x128xi32, #tpu.memory_space<vmem>>
      %dma_start3A_53 = tpu.memref_squeeze %dma_start3A_52 : memref<1x128xi32, #tpu.memory_space<vmem>> -> memref<128xi32, #tpu.memory_space<vmem>>
      %dma_start3A_54 = arith.constant 0 : i32
      %dma_start3A_55 = arith.constant 0 : i32
      %dma_start3A_56 = tpu.memref_slice %arg2[%dma_start3A_54, %dma_start3A_55] : memref<10000x64xf32, #tpu.memory_space<hbm>> -> memref<10000x64xf32, #tpu.memory_space<hbm>>
      tpu.enqueue_indirect_dma source(%dma_start3A_56 : memref<10000x64xf32, #tpu.memory_space<hbm>>) target(%dma_start3A_50 : memref<128x64xf32, #tpu.memory_space<vmem>>) offsets(%dma_start3A_53 : memref<128xi32, #tpu.memory_space<vmem>>) semaphore(%arg11 : memref<!tpu.dma_semaphore, #tpu.memory_space<semaphore_mem>>)
      %dma_start3A_57 = arith.constant 1 : i32
      %dma_start3A_58 = arith.constant 1 : i32
      %dma_start3A_59 = arith.constant 0 : i32
      %dma_start3A_60 = arith.constant 0 : i32
      %dma_start3A_61 = tpu.memref_slice %arg9[%dma_start3A_58, %dma_start3A_59, %dma_start3A_60] : memref<2x128x64xf32, #tpu.memory_space<vmem>> -> memref<1x128x64xf32, #tpu.memory_space<vmem>>
      %dma_start3A_62 = tpu.memref_squeeze %dma_start3A_61 : memref<1x128x64xf32, #tpu.memory_space<vmem>> -> memref<128x64xf32, #tpu.memory_space<vmem>>
      %dma_start3A_63 = arith.constant 0 : i32
      %dma_start3A_64 = tpu.memref_slice %arg7[%dma_start3A_57, %dma_start3A_63] : memref<60x128xi32, #tpu.memory_space<vmem>> -> memref<1x128xi32, #tpu.memory_space<vmem>>
      %dma_start3A_65 = tpu.memref_squeeze %dma_start3A_64 : memref<1x128xi32, #tpu.memory_space<vmem>> -> memref<128xi32, #tpu.memory_space<vmem>>
      %dma_start3A_66 = arith.constant 0 : i32
      %dma_start3A_67 = arith.constant 0 : i32
      %dma_start3A_68 = tpu.memref_slice %arg2[%dma_start3A_66, %dma_start3A_67] : memref<10000x64xf32, #tpu.memory_space<hbm>> -> memref<10000x64xf32, #tpu.memory_space<hbm>>
      tpu.enqueue_indirect_dma source(%dma_start3A_68 : memref<10000x64xf32, #tpu.memory_space<hbm>>) target(%dma_start3A_62 : memref<128x64xf32, #tpu.memory_space<vmem>>) offsets(%dma_start3A_65 : memref<128xi32, #tpu.memory_space<vmem>>) semaphore(%arg12 : memref<!tpu.dma_semaphore, #tpu.memory_space<semaphore_mem>>)
      %scan3A_69 = arith.constant 0 : i32
      %scan3A_70 = arith.constant 30 : i32
      %scan3A_71 = arith.addi %scan3A_69, %scan3A_70 : i32
      %scan3A_72 = arith.constant 1 : i32
      scf.for %scan3A_103 = %scan3A_69 to %scan3A_71 step %scan3A_72  : i32 {
        %mul3A_104 = arith.constant 2 : i32
        %mul3A_105 = arith.muli %scan3A_103, %mul3A_104 : i32
        %add3A_106 = arith.constant 0 : i32
        %add3A_107 = arith.addi %add3A_106, %mul3A_105 : i32
        %add3A_108 = arith.constant 0 : i32
        %add3A_109 = arith.addi %add3A_107, %add3A_108 : i32
        %dma_wait3A_110 = arith.constant 0 : i32
        %dma_wait3A_111 = arith.constant 0 : i32
        %dma_wait3A_112 = arith.constant 0 : i32
        %dma_wait3A_113 = tpu.memref_slice %arg9[%dma_wait3A_110, %dma_wait3A_111, %dma_wait3A_112] : memref<2x128x64xf32, #tpu.memory_space<vmem>> -> memref<1x128x64xf32, #tpu.memory_space<vmem>>
        %dma_wait3A_114 = tpu.memref_squeeze %dma_wait3A_113 : memref<1x128x64xf32, #tpu.memory_space<vmem>> -> memref<128x64xf32, #tpu.memory_space<vmem>>
        %dma_wait3A_115 = arith.constant 0 : i32
        %dma_wait3A_116 = tpu.memref_slice %arg7[%add3A_109, %dma_wait3A_115] : memref<60x128xi32, #tpu.memory_space<vmem>> -> memref<1x128xi32, #tpu.memory_space<vmem>>
        %dma_wait3A_117 = tpu.memref_squeeze %dma_wait3A_116 : memref<1x128xi32, #tpu.memory_space<vmem>> -> memref<128xi32, #tpu.memory_space<vmem>>
        %dma_wait3A_118 = arith.constant 0 : i32
        %dma_wait3A_119 = arith.constant 0 : i32
        %dma_wait3A_120 = tpu.memref_slice %arg2[%dma_wait3A_118, %dma_wait3A_119] : memref<10000x64xf32, #tpu.memory_space<hbm>> -> memref<10000x64xf32, #tpu.memory_space<hbm>>
        tpu.wait_indirect_dma semaphore(%arg11 : memref<!tpu.dma_semaphore, #tpu.memory_space<semaphore_mem>>) src(%dma_wait3A_120 : memref<10000x64xf32, #tpu.memory_space<hbm>>) dst(%dma_wait3A_114 : memref<128x64xf32, #tpu.memory_space<vmem>>)
        %dma_start3A_121 = arith.constant 0 : i32
        %dma_start3A_122 = arith.constant 0 : i32
        %dma_start3A_123 = arith.constant 0 : i32
        %dma_start3A_124 = tpu.memref_slice %arg9[%dma_start3A_121, %dma_start3A_122, %dma_start3A_123] : memref<2x128x64xf32, #tpu.memory_space<vmem>> -> memref<1x128x64xf32, #tpu.memory_space<vmem>>
        %dma_start3A_125 = tpu.memref_squeeze %dma_start3A_124 : memref<1x128x64xf32, #tpu.memory_space<vmem>> -> memref<128x64xf32, #tpu.memory_space<vmem>>
        %dma_start3A_126 = arith.constant 0 : i32
        %dma_start3A_127 = tpu.memref_slice %arg8[%add3A_109, %dma_start3A_126] : memref<60x128xi32, #tpu.memory_space<vmem>> -> memref<1x128xi32, #tpu.memory_space<vmem>>
        %dma_start3A_128 = tpu.memref_squeeze %dma_start3A_127 : memref<1x128xi32, #tpu.memory_space<vmem>> -> memref<128xi32, #tpu.memory_space<vmem>>
        %dma_start3A_129 = arith.constant 0 : i32
        %dma_start3A_130 = arith.constant 0 : i32
        %dma_start3A_131 = tpu.memref_slice %arg10[%dma_start3A_129, %dma_start3A_130] : memref<10240x64xf32, #tpu.memory_space<vmem_shared>> -> memref<10240x64xf32, #tpu.memory_space<vmem_shared>>
        tpu.enqueue_indirect_dma source(%dma_start3A_125 : memref<128x64xf32, #tpu.memory_space<vmem>>) target(%dma_start3A_131 : memref<10240x64xf32, #tpu.memory_space<vmem_shared>>) offsets(%dma_start3A_128 : memref<128xi32, #tpu.memory_space<vmem>>) semaphore(%arg13 : memref<!tpu.dma_semaphore, #tpu.memory_space<semaphore_mem>>) {add = true}
        %dma_start3A_132 = arith.constant 0 : i32
        %dma_start3A_133 = tpu.memref_slice %arg8[%add3A_109, %dma_start3A_132] : memref<60x128xi32, #tpu.memory_space<vmem>> -> memref<1x128xi32, #tpu.memory_space<vmem>>
        %dma_start3A_134 = tpu.memref_squeeze %dma_start3A_133 : memref<1x128xi32, #tpu.memory_space<vmem>> -> memref<128xi32, #tpu.memory_space<vmem>>
        %dma_start3A_135 = arith.constant 0 : i32
        %dma_start3A_136 = tpu.memref_slice %arg17[%dma_start3A_135] : memref<10240xf32, #tpu.memory_space<vmem_shared>> -> memref<10240xf32, #tpu.memory_space<vmem_shared>>
        tpu.enqueue_indirect_dma source(%arg15 : memref<128xf32, #tpu.memory_space<vmem>>) target(%dma_start3A_136 : memref<10240xf32, #tpu.memory_space<vmem_shared>>) offsets(%dma_start3A_134 : memref<128xi32, #tpu.memory_space<vmem>>) semaphore(%arg18 : memref<!tpu.dma_semaphore, #tpu.memory_space<semaphore_mem>>) {add = true}
        %add3A_137 = arith.constant 1 : i32
        %add3A_138 = arith.addi %add3A_107, %add3A_137 : i32
        %dma_wait3A_139 = arith.constant 1 : i32
        %dma_wait3A_140 = arith.constant 0 : i32
        %dma_wait3A_141 = arith.constant 0 : i32
        %dma_wait3A_142 = tpu.memref_slice %arg9[%dma_wait3A_139, %dma_wait3A_140, %dma_wait3A_141] : memref<2x128x64xf32, #tpu.memory_space<vmem>> -> memref<1x128x64xf32, #tpu.memory_space<vmem>>
        %dma_wait3A_143 = tpu.memref_squeeze %dma_wait3A_142 : memref<1x128x64xf32, #tpu.memory_space<vmem>> -> memref<128x64xf32, #tpu.memory_space<vmem>>
        %dma_wait3A_144 = arith.constant 0 : i32
        %dma_wait3A_145 = tpu.memref_slice %arg7[%add3A_138, %dma_wait3A_144] : memref<60x128xi32, #tpu.memory_space<vmem>> -> memref<1x128xi32, #tpu.memory_space<vmem>>
        %dma_wait3A_146 = tpu.memref_squeeze %dma_wait3A_145 : memref<1x128xi32, #tpu.memory_space<vmem>> -> memref<128xi32, #tpu.memory_space<vmem>>
        %dma_wait3A_147 = arith.constant 0 : i32
        %dma_wait3A_148 = arith.constant 0 : i32
        %dma_wait3A_149 = tpu.memref_slice %arg2[%dma_wait3A_147, %dma_wait3A_148] : memref<10000x64xf32, #tpu.memory_space<hbm>> -> memref<10000x64xf32, #tpu.memory_space<hbm>>
        tpu.wait_indirect_dma semaphore(%arg12 : memref<!tpu.dma_semaphore, #tpu.memory_space<semaphore_mem>>) src(%dma_wait3A_149 : memref<10000x64xf32, #tpu.memory_space<hbm>>) dst(%dma_wait3A_143 : memref<128x64xf32, #tpu.memory_space<vmem>>)
        %dma_start3A_150 = arith.constant 1 : i32
        %dma_start3A_151 = arith.constant 0 : i32
        %dma_start3A_152 = arith.constant 0 : i32
        %dma_start3A_153 = tpu.memref_slice %arg9[%dma_start3A_150, %dma_start3A_151, %dma_start3A_152] : memref<2x128x64xf32, #tpu.memory_space<vmem>> -> memref<1x128x64xf32, #tpu.memory_space<vmem>>
        %dma_start3A_154 = tpu.memref_squeeze %dma_start3A_153 : memref<1x128x64xf32, #tpu.memory_space<vmem>> -> memref<128x64xf32, #tpu.memory_space<vmem>>
        %dma_start3A_155 = arith.constant 0 : i32
        %dma_start3A_156 = tpu.memref_slice %arg8[%add3A_138, %dma_start3A_155] : memref<60x128xi32, #tpu.memory_space<vmem>> -> memref<1x128xi32, #tpu.memory_space<vmem>>
        %dma_start3A_157 = tpu.memref_squeeze %dma_start3A_156 : memref<1x128xi32, #tpu.memory_space<vmem>> -> memref<128xi32, #tpu.memory_space<vmem>>
        %dma_start3A_158 = arith.constant 0 : i32
        %dma_start3A_159 = arith.constant 0 : i32
        %dma_start3A_160 = tpu.memref_slice %arg10[%dma_start3A_158, %dma_start3A_159] : memref<10240x64xf32, #tpu.memory_space<vmem_shared>> -> memref<10240x64xf32, #tpu.memory_space<vmem_shared>>
        tpu.enqueue_indirect_dma source(%dma_start3A_154 : memref<128x64xf32, #tpu.memory_space<vmem>>) target(%dma_start3A_160 : memref<10240x64xf32, #tpu.memory_space<vmem_shared>>) offsets(%dma_start3A_157 : memref<128xi32, #tpu.memory_space<vmem>>) semaphore(%arg14 : memref<!tpu.dma_semaphore, #tpu.memory_space<semaphore_mem>>) {add = true}
        %dma_start3A_161 = arith.constant 0 : i32
        %dma_start3A_162 = tpu.memref_slice %arg8[%add3A_138, %dma_start3A_161] : memref<60x128xi32, #tpu.memory_space<vmem>> -> memref<1x128xi32, #tpu.memory_space<vmem>>
        %dma_start3A_163 = tpu.memref_squeeze %dma_start3A_162 : memref<1x128xi32, #tpu.memory_space<vmem>> -> memref<128xi32, #tpu.memory_space<vmem>>
        %dma_start3A_164 = arith.constant 0 : i32
        %dma_start3A_165 = tpu.memref_slice %arg17[%dma_start3A_164] : memref<10240xf32, #tpu.memory_space<vmem_shared>> -> memref<10240xf32, #tpu.memory_space<vmem_shared>>
        tpu.enqueue_indirect_dma source(%arg15 : memref<128xf32, #tpu.memory_space<vmem>>) target(%dma_start3A_165 : memref<10240xf32, #tpu.memory_space<vmem_shared>>) offsets(%dma_start3A_163 : memref<128xi32, #tpu.memory_space<vmem>>) semaphore(%arg18 : memref<!tpu.dma_semaphore, #tpu.memory_space<semaphore_mem>>) {add = true}
        %add3A_166 = arith.constant 2 : i32
        %add3A_167 = arith.addi %add3A_107, %add3A_166 : i32
        %add3A_168 = arith.constant 0 : i32
        %add3A_169 = arith.addi %add3A_167, %add3A_168 : i32
        %lt3A = arith.constant 60 : i32
        %lt3A_170 = arith.cmpi slt, %add3A_169, %lt3A : i32
        %convert_element_type3A_171 = arith.extui %lt3A_170 : i1 to i32
        %cond3A_172 = arith.constant 0 : i32
        %cond3A_173 = arith.cmpi ne, %convert_element_type3A_171, %cond3A_172 : i32
        scf.if %cond3A_173 {
          %dma_wait3A_183 = arith.constant 0 : i32
          %dma_wait3A_184 = arith.constant 0 : i32
          %dma_wait3A_185 = arith.constant 0 : i32
          %dma_wait3A_186 = tpu.memref_slice %arg9[%dma_wait3A_183, %dma_wait3A_184, %dma_wait3A_185] : memref<2x128x64xf32, #tpu.memory_space<vmem>> -> memref<1x128x64xf32, #tpu.memory_space<vmem>>
          %dma_wait3A_187 = tpu.memref_squeeze %dma_wait3A_186 : memref<1x128x64xf32, #tpu.memory_space<vmem>> -> memref<128x64xf32, #tpu.memory_space<vmem>>
          %dma_wait3A_188 = arith.constant 0 : i32
          %dma_wait3A_189 = tpu.memref_slice %arg8[%add3A_169, %dma_wait3A_188] : memref<60x128xi32, #tpu.memory_space<vmem>> -> memref<1x128xi32, #tpu.memory_space<vmem>>
          %dma_wait3A_190 = tpu.memref_squeeze %dma_wait3A_189 : memref<1x128xi32, #tpu.memory_space<vmem>> -> memref<128xi32, #tpu.memory_space<vmem>>
          %dma_wait3A_191 = arith.constant 0 : i32
          %dma_wait3A_192 = arith.constant 0 : i32
          %dma_wait3A_193 = tpu.memref_slice %arg10[%dma_wait3A_191, %dma_wait3A_192] : memref<10240x64xf32, #tpu.memory_space<vmem_shared>> -> memref<10240x64xf32, #tpu.memory_space<vmem_shared>>
          tpu.wait_indirect_dma semaphore(%arg13 : memref<!tpu.dma_semaphore, #tpu.memory_space<semaphore_mem>>) src(%dma_wait3A_187 : memref<128x64xf32, #tpu.memory_space<vmem>>) dst(%dma_wait3A_193 : memref<10240x64xf32, #tpu.memory_space<vmem_shared>>)
          %dma_start3A_194 = arith.constant 0 : i32
          %dma_start3A_195 = arith.constant 0 : i32
          %dma_start3A_196 = arith.constant 0 : i32
          %dma_start3A_197 = tpu.memref_slice %arg9[%dma_start3A_194, %dma_start3A_195, %dma_start3A_196] : memref<2x128x64xf32, #tpu.memory_space<vmem>> -> memref<1x128x64xf32, #tpu.memory_space<vmem>>
          %dma_start3A_198 = tpu.memref_squeeze %dma_start3A_197 : memref<1x128x64xf32, #tpu.memory_space<vmem>> -> memref<128x64xf32, #tpu.memory_space<vmem>>
          %dma_start3A_199 = arith.constant 0 : i32
          %dma_start3A_200 = tpu.memref_slice %arg7[%add3A_169, %dma_start3A_199] : memref<60x128xi32, #tpu.memory_space<vmem>> -> memref<1x128xi32, #tpu.memory_space<vmem>>
          %dma_start3A_201 = tpu.memref_squeeze %dma_start3A_200 : memref<1x128xi32, #tpu.memory_space<vmem>> -> memref<128xi32, #tpu.memory_space<vmem>>
          %dma_start3A_202 = arith.constant 0 : i32
          %dma_start3A_203 = arith.constant 0 : i32
          %dma_start3A_204 = tpu.memref_slice %arg2[%dma_start3A_202, %dma_start3A_203] : memref<10000x64xf32, #tpu.memory_space<hbm>> -> memref<10000x64xf32, #tpu.memory_space<hbm>>
          tpu.enqueue_indirect_dma source(%dma_start3A_204 : memref<10000x64xf32, #tpu.memory_space<hbm>>) target(%dma_start3A_198 : memref<128x64xf32, #tpu.memory_space<vmem>>) offsets(%dma_start3A_201 : memref<128xi32, #tpu.memory_space<vmem>>) semaphore(%arg11 : memref<!tpu.dma_semaphore, #tpu.memory_space<semaphore_mem>>)
        } else {
        }
        %add3A_174 = arith.constant 2 : i32
        %add3A_175 = arith.addi %add3A_107, %add3A_174 : i32
        %add3A_176 = arith.constant 1 : i32
        %add3A_177 = arith.addi %add3A_175, %add3A_176 : i32
        %lt3A_178 = arith.constant 60 : i32
        %lt3A_179 = arith.cmpi slt, %add3A_177, %lt3A_178 : i32
        %convert_element_type3A_180 = arith.extui %lt3A_179 : i1 to i32
        %cond3A_181 = arith.constant 0 : i32
        %cond3A_182 = arith.cmpi ne, %convert_element_type3A_180, %cond3A_181 : i32
        scf.if %cond3A_182 {
          %dma_wait3A_183 = arith.constant 1 : i32
          %dma_wait3A_184 = arith.constant 0 : i32
          %dma_wait3A_185 = arith.constant 0 : i32
          %dma_wait3A_186 = tpu.memref_slice %arg9[%dma_wait3A_183, %dma_wait3A_184, %dma_wait3A_185] : memref<2x128x64xf32, #tpu.memory_space<vmem>> -> memref<1x128x64xf32, #tpu.memory_space<vmem>>
          %dma_wait3A_187 = tpu.memref_squeeze %dma_wait3A_186 : memref<1x128x64xf32, #tpu.memory_space<vmem>> -> memref<128x64xf32, #tpu.memory_space<vmem>>
          %dma_wait3A_188 = arith.constant 0 : i32
          %dma_wait3A_189 = tpu.memref_slice %arg8[%add3A_177, %dma_wait3A_188] : memref<60x128xi32, #tpu.memory_space<vmem>> -> memref<1x128xi32, #tpu.memory_space<vmem>>
          %dma_wait3A_190 = tpu.memref_squeeze %dma_wait3A_189 : memref<1x128xi32, #tpu.memory_space<vmem>> -> memref<128xi32, #tpu.memory_space<vmem>>
          %dma_wait3A_191 = arith.constant 0 : i32
          %dma_wait3A_192 = arith.constant 0 : i32
          %dma_wait3A_193 = tpu.memref_slice %arg10[%dma_wait3A_191, %dma_wait3A_192] : memref<10240x64xf32, #tpu.memory_space<vmem_shared>> -> memref<10240x64xf32, #tpu.memory_space<vmem_shared>>
          tpu.wait_indirect_dma semaphore(%arg14 : memref<!tpu.dma_semaphore, #tpu.memory_space<semaphore_mem>>) src(%dma_wait3A_187 : memref<128x64xf32, #tpu.memory_space<vmem>>) dst(%dma_wait3A_193 : memref<10240x64xf32, #tpu.memory_space<vmem_shared>>)
          %dma_start3A_194 = arith.constant 1 : i32
          %dma_start3A_195 = arith.constant 0 : i32
          %dma_start3A_196 = arith.constant 0 : i32
          %dma_start3A_197 = tpu.memref_slice %arg9[%dma_start3A_194, %dma_start3A_195, %dma_start3A_196] : memref<2x128x64xf32, #tpu.memory_space<vmem>> -> memref<1x128x64xf32, #tpu.memory_space<vmem>>
          %dma_start3A_198 = tpu.memref_squeeze %dma_start3A_197 : memref<1x128x64xf32, #tpu.memory_space<vmem>> -> memref<128x64xf32, #tpu.memory_space<vmem>>
          %dma_start3A_199 = arith.constant 0 : i32
          %dma_start3A_200 = tpu.memref_slice %arg7[%add3A_177, %dma_start3A_199] : memref<60x128xi32, #tpu.memory_space<vmem>> -> memref<1x128xi32, #tpu.memory_space<vmem>>
          %dma_start3A_201 = tpu.memref_squeeze %dma_start3A_200 : memref<1x128xi32, #tpu.memory_space<vmem>> -> memref<128xi32, #tpu.memory_space<vmem>>
          %dma_start3A_202 = arith.constant 0 : i32
          %dma_start3A_203 = arith.constant 0 : i32
          %dma_start3A_204 = tpu.memref_slice %arg2[%dma_start3A_202, %dma_start3A_203] : memref<10000x64xf32, #tpu.memory_space<hbm>> -> memref<10000x64xf32, #tpu.memory_space<hbm>>
          tpu.enqueue_indirect_dma source(%dma_start3A_204 : memref<10000x64xf32, #tpu.memory_space<hbm>>) target(%dma_start3A_198 : memref<128x64xf32, #tpu.memory_space<vmem>>) offsets(%dma_start3A_201 : memref<128xi32, #tpu.memory_space<vmem>>) semaphore(%arg12 : memref<!tpu.dma_semaphore, #tpu.memory_space<semaphore_mem>>)
        } else {
        }
      }
      %scan3A_73 = arith.constant 30 : i32
      %dma_wait3A = arith.constant 0 : i32
      %dma_wait3A_74 = arith.constant 0 : i32
      %dma_wait3A_75 = arith.constant 0 : i32
      %dma_wait3A_76 = arith.constant 0 : i32
      %dma_wait3A_77 = tpu.memref_slice %arg9[%dma_wait3A, %dma_wait3A_75, %dma_wait3A_76] : memref<2x128x64xf32, #tpu.memory_space<vmem>> -> memref<1x128x64xf32, #tpu.memory_space<vmem>>
      %dma_wait3A_78 = tpu.memref_squeeze %dma_wait3A_77 : memref<1x128x64xf32, #tpu.memory_space<vmem>> -> memref<128x64xf32, #tpu.memory_space<vmem>>
      %dma_wait3A_79 = arith.constant 0 : i32
      %dma_wait3A_80 = tpu.memref_slice %arg8[%dma_wait3A_74, %dma_wait3A_79] : memref<60x128xi32, #tpu.memory_space<vmem>> -> memref<1x128xi32, #tpu.memory_space<vmem>>
      %dma_wait3A_81 = tpu.memref_squeeze %dma_wait3A_80 : memref<1x128xi32, #tpu.memory_space<vmem>> -> memref<128xi32, #tpu.memory_space<vmem>>
      %dma_wait3A_82 = arith.constant 0 : i32
      %dma_wait3A_83 = arith.constant 0 : i32
      %dma_wait3A_84 = tpu.memref_slice %arg10[%dma_wait3A_82, %dma_wait3A_83] : memref<10240x64xf32, #tpu.memory_space<vmem_shared>> -> memref<10240x64xf32, #tpu.memory_space<vmem_shared>>
      tpu.wait_indirect_dma semaphore(%arg13 : memref<!tpu.dma_semaphore, #tpu.memory_space<semaphore_mem>>) src(%dma_wait3A_78 : memref<128x64xf32, #tpu.memory_space<vmem>>) dst(%dma_wait3A_84 : memref<10240x64xf32, #tpu.memory_space<vmem_shared>>)
      %dma_wait3A_85 = arith.constant 1 : i32
      %dma_wait3A_86 = arith.constant 1 : i32
      %dma_wait3A_87 = arith.constant 0 : i32
      %dma_wait3A_88 = arith.constant 0 : i32
      %dma_wait3A_89 = tpu.memref_slice %arg9[%dma_wait3A_85, %dma_wait3A_87, %dma_wait3A_88] : memref<2x128x64xf32, #tpu.memory_space<vmem>> -> memref<1x128x64xf32, #tpu.memory_space<vmem>>
      %dma_wait3A_90 = tpu.memref_squeeze %dma_wait3A_89 : memref<1x128x64xf32, #tpu.memory_space<vmem>> -> memref<128x64xf32, #tpu.memory_space<vmem>>
      %dma_wait3A_91 = arith.constant 0 : i32
      %dma_wait3A_92 = tpu.memref_slice %arg8[%dma_wait3A_86, %dma_wait3A_91] : memref<60x128xi32, #tpu.memory_space<vmem>> -> memref<1x128xi32, #tpu.memory_space<vmem>>
      %dma_wait3A_93 = tpu.memref_squeeze %dma_wait3A_92 : memref<1x128xi32, #tpu.memory_space<vmem>> -> memref<128xi32, #tpu.memory_space<vmem>>
      %dma_wait3A_94 = arith.constant 0 : i32
      %dma_wait3A_95 = arith.constant 0 : i32
      %dma_wait3A_96 = tpu.memref_slice %arg10[%dma_wait3A_94, %dma_wait3A_95] : memref<10240x64xf32, #tpu.memory_space<vmem_shared>> -> memref<10240x64xf32, #tpu.memory_space<vmem_shared>>
      tpu.wait_indirect_dma semaphore(%arg14 : memref<!tpu.dma_semaphore, #tpu.memory_space<semaphore_mem>>) src(%dma_wait3A_90 : memref<128x64xf32, #tpu.memory_space<vmem>>) dst(%dma_wait3A_96 : memref<10240x64xf32, #tpu.memory_space<vmem_shared>>)
      %scan3A_97 = arith.constant 0 : i32
      %scan3A_98 = arith.constant 0 : i32
      %scan3A_99 = arith.constant 60 : i32
      %scan3A_100 = arith.addi %scan3A_98, %scan3A_99 : i32
      %scan3A_101 = arith.constant 1 : i32
      scf.for %scan3A_103 = %scan3A_98 to %scan3A_100 step %scan3A_101  : i32 {
        %dma_wait3A_104 = arith.constant 0 : i32
        %dma_wait3A_105 = tpu.memref_slice %arg8[%scan3A_103, %dma_wait3A_104] : memref<60x128xi32, #tpu.memory_space<vmem>> -> memref<1x128xi32, #tpu.memory_space<vmem>>
        %dma_wait3A_106 = tpu.memref_squeeze %dma_wait3A_105 : memref<1x128xi32, #tpu.memory_space<vmem>> -> memref<128xi32, #tpu.memory_space<vmem>>
        %dma_wait3A_107 = arith.constant 0 : i32
        %dma_wait3A_108 = tpu.memref_slice %arg17[%dma_wait3A_107] : memref<10240xf32, #tpu.memory_space<vmem_shared>> -> memref<10240xf32, #tpu.memory_space<vmem_shared>>
        tpu.wait_indirect_dma semaphore(%arg18 : memref<!tpu.dma_semaphore, #tpu.memory_space<semaphore_mem>>) src(%arg15 : memref<128xf32, #tpu.memory_space<vmem>>) dst(%dma_wait3A_108 : memref<10240xf32, #tpu.memory_space<vmem_shared>>)
      }
      %scan3A_102 = arith.constant 60 : i32
    } else {
    }
    %ne3A = arith.constant 0 : i32
    %ne3A_37 = arith.cmpi ne, %arg0, %ne3A : i32
    %convert_element_type3A_38 = arith.extui %ne3A_37 : i1 to i32
    %cond3A_39 = arith.constant 0 : i32
    %cond3A_40 = arith.cmpi ne, %convert_element_type3A_38, %cond3A_39 : i32
    scf.if %cond3A_40 {
      %mul3A_44 = arith.constant 20 : i32
      %mul3A_45 = arith.muli %arg1, %mul3A_44 : i32
      %add3A_46 = arith.constant 960 : i32
      %add3A_47 = arith.addi %add3A_46, %mul3A_45 : i32
      "tpu.region"() ({
        %run_scoped3A_105 = tpu.sem_alloc : memref<!tpu.dma_semaphore, #tpu.memory_space<semaphore_mem>>
        %dma_start3A_106 = arith.constant 0 : i32
        %dma_start3A_107 = arith.constant 0 : i32
        %dma_start3A_108 = tpu.memref_slice %arg7[%dma_start3A_106, %dma_start3A_107] : memref<60x128xi32, #tpu.memory_space<vmem>> -> memref<20x128xi32, #tpu.memory_space<vmem>>
        %dma_start3A_109 = arith.constant 0 : i32
        %dma_start3A_110 = tpu.memref_slice %arg3[%add3A_47, %dma_start3A_109] : memref<1280x128xi32, #tpu.memory_space<hbm>> -> memref<20x128xi32, #tpu.memory_space<hbm>>
        %dma_start3A_111 = arith.constant 0 : i32
        %dma_start3A_112 = arith.constant 0 : i32
        %dma_start3A_113 = tpu.memref_slice %arg7[%dma_start3A_111, %dma_start3A_112] : memref<60x128xi32, #tpu.memory_space<vmem>> -> memref<20x128xi32, #tpu.memory_space<vmem>>
        %dma_start3A_114 = arith.constant 0 : i32
        %dma_start3A_115 = tpu.memref_slice %arg3[%add3A_47, %dma_start3A_114] : memref<1280x128xi32, #tpu.memory_space<hbm>> -> memref<20x128xi32, #tpu.memory_space<hbm>>
        tpu.enqueue_dma source(%dma_start3A_115 : memref<20x128xi32, #tpu.memory_space<hbm>>) target(%dma_start3A_113 : memref<20x128xi32, #tpu.memory_space<vmem>>) target_semaphore(%run_scoped3A_105 : memref<!tpu.dma_semaphore, #tpu.memory_space<semaphore_mem>>)
        %dma_wait3A_116 = arith.constant 0 : i32
        %dma_wait3A_117 = arith.constant 0 : i32
        %dma_wait3A_118 = tpu.memref_slice %arg7[%dma_wait3A_116, %dma_wait3A_117] : memref<60x128xi32, #tpu.memory_space<vmem>> -> memref<20x128xi32, #tpu.memory_space<vmem>>
        %dma_wait3A_119 = arith.constant 0 : i32
        %dma_wait3A_120 = tpu.memref_slice %arg3[%add3A_47, %dma_wait3A_119] : memref<1280x128xi32, #tpu.memory_space<hbm>> -> memref<20x128xi32, #tpu.memory_space<hbm>>
        %dma_wait3A_121 = arith.constant 0 : i32
        %dma_wait3A_122 = arith.constant 0 : i32
        %dma_wait3A_123 = tpu.memref_slice %arg7[%dma_wait3A_121, %dma_wait3A_122] : memref<60x128xi32, #tpu.memory_space<vmem>> -> memref<20x128xi32, #tpu.memory_space<vmem>>
        %dma_wait3A_124 = arith.constant 0 : i32
        %dma_wait3A_125 = tpu.memref_slice %arg3[%add3A_47, %dma_wait3A_124] : memref<1280x128xi32, #tpu.memory_space<hbm>> -> memref<20x128xi32, #tpu.memory_space<hbm>>
        tpu.wait_dma2 semaphore(%run_scoped3A_105 : memref<!tpu.dma_semaphore, #tpu.memory_space<semaphore_mem>>) src(%dma_wait3A_125 : memref<20x128xi32, #tpu.memory_space<hbm>>) dst(%dma_wait3A_123 : memref<20x128xi32, #tpu.memory_space<vmem>>)
        tpu.yield
      }) : () -> ()
      "tpu.region"() ({
        %run_scoped3A_105 = tpu.sem_alloc : memref<!tpu.dma_semaphore, #tpu.memory_space<semaphore_mem>>
        %dma_start3A_106 = arith.constant 0 : i32
        %dma_start3A_107 = arith.constant 0 : i32
        %dma_start3A_108 = tpu.memref_slice %arg8[%dma_start3A_106, %dma_start3A_107] : memref<60x128xi32, #tpu.memory_space<vmem>> -> memref<20x128xi32, #tpu.memory_space<vmem>>
        %dma_start3A_109 = arith.constant 0 : i32
        %dma_start3A_110 = tpu.memref_slice %arg4[%add3A_47, %dma_start3A_109] : memref<1280x128xi32, #tpu.memory_space<hbm>> -> memref<20x128xi32, #tpu.memory_space<hbm>>
        %dma_start3A_111 = arith.constant 0 : i32
        %dma_start3A_112 = arith.constant 0 : i32
        %dma_start3A_113 = tpu.memref_slice %arg8[%dma_start3A_111, %dma_start3A_112] : memref<60x128xi32, #tpu.memory_space<vmem>> -> memref<20x128xi32, #tpu.memory_space<vmem>>
        %dma_start3A_114 = arith.constant 0 : i32
        %dma_start3A_115 = tpu.memref_slice %arg4[%add3A_47, %dma_start3A_114] : memref<1280x128xi32, #tpu.memory_space<hbm>> -> memref<20x128xi32, #tpu.memory_space<hbm>>
        tpu.enqueue_dma source(%dma_start3A_115 : memref<20x128xi32, #tpu.memory_space<hbm>>) target(%dma_start3A_113 : memref<20x128xi32, #tpu.memory_space<vmem>>) target_semaphore(%run_scoped3A_105 : memref<!tpu.dma_semaphore, #tpu.memory_space<semaphore_mem>>)
        %dma_wait3A_116 = arith.constant 0 : i32
        %dma_wait3A_117 = arith.constant 0 : i32
        %dma_wait3A_118 = tpu.memref_slice %arg8[%dma_wait3A_116, %dma_wait3A_117] : memref<60x128xi32, #tpu.memory_space<vmem>> -> memref<20x128xi32, #tpu.memory_space<vmem>>
        %dma_wait3A_119 = arith.constant 0 : i32
        %dma_wait3A_120 = tpu.memref_slice %arg4[%add3A_47, %dma_wait3A_119] : memref<1280x128xi32, #tpu.memory_space<hbm>> -> memref<20x128xi32, #tpu.memory_space<hbm>>
        %dma_wait3A_121 = arith.constant 0 : i32
        %dma_wait3A_122 = arith.constant 0 : i32
        %dma_wait3A_123 = tpu.memref_slice %arg8[%dma_wait3A_121, %dma_wait3A_122] : memref<60x128xi32, #tpu.memory_space<vmem>> -> memref<20x128xi32, #tpu.memory_space<vmem>>
        %dma_wait3A_124 = arith.constant 0 : i32
        %dma_wait3A_125 = tpu.memref_slice %arg4[%add3A_47, %dma_wait3A_124] : memref<1280x128xi32, #tpu.memory_space<hbm>> -> memref<20x128xi32, #tpu.memory_space<hbm>>
        tpu.wait_dma2 semaphore(%run_scoped3A_105 : memref<!tpu.dma_semaphore, #tpu.memory_space<semaphore_mem>>) src(%dma_wait3A_125 : memref<20x128xi32, #tpu.memory_space<hbm>>) dst(%dma_wait3A_123 : memref<20x128xi32, #tpu.memory_space<vmem>>)
        tpu.yield
      }) : () -> ()
      %dma_start3A = arith.constant 0 : i32
      %dma_start3A_48 = arith.constant 0 : i32
      %dma_start3A_49 = arith.constant 0 : i32
      %dma_start3A_50 = arith.constant 0 : i32
      %dma_start3A_51 = tpu.memref_slice %arg9[%dma_start3A_48, %dma_start3A_49, %dma_start3A_50] : memref<2x128x64xf32, #tpu.memory_space<vmem>> -> memref<1x128x64xf32, #tpu.memory_space<vmem>>
      %dma_start3A_52 = tpu.memref_squeeze %dma_start3A_51 : memref<1x128x64xf32, #tpu.memory_space<vmem>> -> memref<128x64xf32, #tpu.memory_space<vmem>>
      %dma_start3A_53 = arith.constant 0 : i32
      %dma_start3A_54 = tpu.memref_slice %arg7[%dma_start3A, %dma_start3A_53] : memref<60x128xi32, #tpu.memory_space<vmem>> -> memref<1x128xi32, #tpu.memory_space<vmem>>
      %dma_start3A_55 = tpu.memref_squeeze %dma_start3A_54 : memref<1x128xi32, #tpu.memory_space<vmem>> -> memref<128xi32, #tpu.memory_space<vmem>>
      %dma_start3A_56 = arith.constant 0 : i32
      %dma_start3A_57 = arith.constant 0 : i32
      %dma_start3A_58 = tpu.memref_slice %arg2[%dma_start3A_56, %dma_start3A_57] : memref<10000x64xf32, #tpu.memory_space<hbm>> -> memref<10000x64xf32, #tpu.memory_space<hbm>>
      tpu.enqueue_indirect_dma source(%dma_start3A_58 : memref<10000x64xf32, #tpu.memory_space<hbm>>) target(%dma_start3A_52 : memref<128x64xf32, #tpu.memory_space<vmem>>) offsets(%dma_start3A_55 : memref<128xi32, #tpu.memory_space<vmem>>) semaphore(%arg11 : memref<!tpu.dma_semaphore, #tpu.memory_space<semaphore_mem>>)
      %dma_start3A_59 = arith.constant 1 : i32
      %dma_start3A_60 = arith.constant 1 : i32
      %dma_start3A_61 = arith.constant 0 : i32
      %dma_start3A_62 = arith.constant 0 : i32
      %dma_start3A_63 = tpu.memref_slice %arg9[%dma_start3A_60, %dma_start3A_61, %dma_start3A_62] : memref<2x128x64xf32, #tpu.memory_space<vmem>> -> memref<1x128x64xf32, #tpu.memory_space<vmem>>
      %dma_start3A_64 = tpu.memref_squeeze %dma_start3A_63 : memref<1x128x64xf32, #tpu.memory_space<vmem>> -> memref<128x64xf32, #tpu.memory_space<vmem>>
      %dma_start3A_65 = arith.constant 0 : i32
      %dma_start3A_66 = tpu.memref_slice %arg7[%dma_start3A_59, %dma_start3A_65] : memref<60x128xi32, #tpu.memory_space<vmem>> -> memref<1x128xi32, #tpu.memory_space<vmem>>
      %dma_start3A_67 = tpu.memref_squeeze %dma_start3A_66 : memref<1x128xi32, #tpu.memory_space<vmem>> -> memref<128xi32, #tpu.memory_space<vmem>>
      %dma_start3A_68 = arith.constant 0 : i32
      %dma_start3A_69 = arith.constant 0 : i32
      %dma_start3A_70 = tpu.memref_slice %arg2[%dma_start3A_68, %dma_start3A_69] : memref<10000x64xf32, #tpu.memory_space<hbm>> -> memref<10000x64xf32, #tpu.memory_space<hbm>>
      tpu.enqueue_indirect_dma source(%dma_start3A_70 : memref<10000x64xf32, #tpu.memory_space<hbm>>) target(%dma_start3A_64 : memref<128x64xf32, #tpu.memory_space<vmem>>) offsets(%dma_start3A_67 : memref<128xi32, #tpu.memory_space<vmem>>) semaphore(%arg12 : memref<!tpu.dma_semaphore, #tpu.memory_space<semaphore_mem>>)
      %scan3A_71 = arith.constant 0 : i32
      %scan3A_72 = arith.constant 10 : i32
      %scan3A_73 = arith.addi %scan3A_71, %scan3A_72 : i32
      %scan3A_74 = arith.constant 1 : i32
      scf.for %scan3A_105 = %scan3A_71 to %scan3A_73 step %scan3A_74  : i32 {
        %mul3A_106 = arith.constant 2 : i32
        %mul3A_107 = arith.muli %scan3A_105, %mul3A_106 : i32
        %add3A_108 = arith.constant 0 : i32
        %add3A_109 = arith.addi %add3A_108, %mul3A_107 : i32
        %add3A_110 = arith.constant 0 : i32
        %add3A_111 = arith.addi %add3A_109, %add3A_110 : i32
        %dma_wait3A_112 = arith.constant 0 : i32
        %dma_wait3A_113 = arith.constant 0 : i32
        %dma_wait3A_114 = arith.constant 0 : i32
        %dma_wait3A_115 = tpu.memref_slice %arg9[%dma_wait3A_112, %dma_wait3A_113, %dma_wait3A_114] : memref<2x128x64xf32, #tpu.memory_space<vmem>> -> memref<1x128x64xf32, #tpu.memory_space<vmem>>
        %dma_wait3A_116 = tpu.memref_squeeze %dma_wait3A_115 : memref<1x128x64xf32, #tpu.memory_space<vmem>> -> memref<128x64xf32, #tpu.memory_space<vmem>>
        %dma_wait3A_117 = arith.constant 0 : i32
        %dma_wait3A_118 = tpu.memref_slice %arg7[%add3A_111, %dma_wait3A_117] : memref<60x128xi32, #tpu.memory_space<vmem>> -> memref<1x128xi32, #tpu.memory_space<vmem>>
        %dma_wait3A_119 = tpu.memref_squeeze %dma_wait3A_118 : memref<1x128xi32, #tpu.memory_space<vmem>> -> memref<128xi32, #tpu.memory_space<vmem>>
        %dma_wait3A_120 = arith.constant 0 : i32
        %dma_wait3A_121 = arith.constant 0 : i32
        %dma_wait3A_122 = tpu.memref_slice %arg2[%dma_wait3A_120, %dma_wait3A_121] : memref<10000x64xf32, #tpu.memory_space<hbm>> -> memref<10000x64xf32, #tpu.memory_space<hbm>>
        tpu.wait_indirect_dma semaphore(%arg11 : memref<!tpu.dma_semaphore, #tpu.memory_space<semaphore_mem>>) src(%dma_wait3A_122 : memref<10000x64xf32, #tpu.memory_space<hbm>>) dst(%dma_wait3A_116 : memref<128x64xf32, #tpu.memory_space<vmem>>)
        %dma_start3A_123 = arith.constant 0 : i32
        %dma_start3A_124 = arith.constant 0 : i32
        %dma_start3A_125 = arith.constant 0 : i32
        %dma_start3A_126 = tpu.memref_slice %arg9[%dma_start3A_123, %dma_start3A_124, %dma_start3A_125] : memref<2x128x64xf32, #tpu.memory_space<vmem>> -> memref<1x128x64xf32, #tpu.memory_space<vmem>>
        %dma_start3A_127 = tpu.memref_squeeze %dma_start3A_126 : memref<1x128x64xf32, #tpu.memory_space<vmem>> -> memref<128x64xf32, #tpu.memory_space<vmem>>
        %dma_start3A_128 = arith.constant 0 : i32
        %dma_start3A_129 = tpu.memref_slice %arg8[%add3A_111, %dma_start3A_128] : memref<60x128xi32, #tpu.memory_space<vmem>> -> memref<1x128xi32, #tpu.memory_space<vmem>>
        %dma_start3A_130 = tpu.memref_squeeze %dma_start3A_129 : memref<1x128xi32, #tpu.memory_space<vmem>> -> memref<128xi32, #tpu.memory_space<vmem>>
        %dma_start3A_131 = arith.constant 0 : i32
        %dma_start3A_132 = arith.constant 0 : i32
        %dma_start3A_133 = tpu.memref_slice %arg10[%dma_start3A_131, %dma_start3A_132] : memref<10240x64xf32, #tpu.memory_space<vmem_shared>> -> memref<10240x64xf32, #tpu.memory_space<vmem_shared>>
        tpu.enqueue_indirect_dma source(%dma_start3A_127 : memref<128x64xf32, #tpu.memory_space<vmem>>) target(%dma_start3A_133 : memref<10240x64xf32, #tpu.memory_space<vmem_shared>>) offsets(%dma_start3A_130 : memref<128xi32, #tpu.memory_space<vmem>>) semaphore(%arg13 : memref<!tpu.dma_semaphore, #tpu.memory_space<semaphore_mem>>) {add = true}
        %dma_start3A_134 = arith.constant 0 : i32
        %dma_start3A_135 = tpu.memref_slice %arg8[%add3A_111, %dma_start3A_134] : memref<60x128xi32, #tpu.memory_space<vmem>> -> memref<1x128xi32, #tpu.memory_space<vmem>>
        %dma_start3A_136 = tpu.memref_squeeze %dma_start3A_135 : memref<1x128xi32, #tpu.memory_space<vmem>> -> memref<128xi32, #tpu.memory_space<vmem>>
        %dma_start3A_137 = arith.constant 0 : i32
        %dma_start3A_138 = tpu.memref_slice %arg17[%dma_start3A_137] : memref<10240xf32, #tpu.memory_space<vmem_shared>> -> memref<10240xf32, #tpu.memory_space<vmem_shared>>
        tpu.enqueue_indirect_dma source(%arg15 : memref<128xf32, #tpu.memory_space<vmem>>) target(%dma_start3A_138 : memref<10240xf32, #tpu.memory_space<vmem_shared>>) offsets(%dma_start3A_136 : memref<128xi32, #tpu.memory_space<vmem>>) semaphore(%arg18 : memref<!tpu.dma_semaphore, #tpu.memory_space<semaphore_mem>>) {add = true}
        %add3A_139 = arith.constant 1 : i32
        %add3A_140 = arith.addi %add3A_109, %add3A_139 : i32
        %dma_wait3A_141 = arith.constant 1 : i32
        %dma_wait3A_142 = arith.constant 0 : i32
        %dma_wait3A_143 = arith.constant 0 : i32
        %dma_wait3A_144 = tpu.memref_slice %arg9[%dma_wait3A_141, %dma_wait3A_142, %dma_wait3A_143] : memref<2x128x64xf32, #tpu.memory_space<vmem>> -> memref<1x128x64xf32, #tpu.memory_space<vmem>>
        %dma_wait3A_145 = tpu.memref_squeeze %dma_wait3A_144 : memref<1x128x64xf32, #tpu.memory_space<vmem>> -> memref<128x64xf32, #tpu.memory_space<vmem>>
        %dma_wait3A_146 = arith.constant 0 : i32
        %dma_wait3A_147 = tpu.memref_slice %arg7[%add3A_140, %dma_wait3A_146] : memref<60x128xi32, #tpu.memory_space<vmem>> -> memref<1x128xi32, #tpu.memory_space<vmem>>
        %dma_wait3A_148 = tpu.memref_squeeze %dma_wait3A_147 : memref<1x128xi32, #tpu.memory_space<vmem>> -> memref<128xi32, #tpu.memory_space<vmem>>
        %dma_wait3A_149 = arith.constant 0 : i32
        %dma_wait3A_150 = arith.constant 0 : i32
        %dma_wait3A_151 = tpu.memref_slice %arg2[%dma_wait3A_149, %dma_wait3A_150] : memref<10000x64xf32, #tpu.memory_space<hbm>> -> memref<10000x64xf32, #tpu.memory_space<hbm>>
        tpu.wait_indirect_dma semaphore(%arg12 : memref<!tpu.dma_semaphore, #tpu.memory_space<semaphore_mem>>) src(%dma_wait3A_151 : memref<10000x64xf32, #tpu.memory_space<hbm>>) dst(%dma_wait3A_145 : memref<128x64xf32, #tpu.memory_space<vmem>>)
        %dma_start3A_152 = arith.constant 1 : i32
        %dma_start3A_153 = arith.constant 0 : i32
        %dma_start3A_154 = arith.constant 0 : i32
        %dma_start3A_155 = tpu.memref_slice %arg9[%dma_start3A_152, %dma_start3A_153, %dma_start3A_154] : memref<2x128x64xf32, #tpu.memory_space<vmem>> -> memref<1x128x64xf32, #tpu.memory_space<vmem>>
        %dma_start3A_156 = tpu.memref_squeeze %dma_start3A_155 : memref<1x128x64xf32, #tpu.memory_space<vmem>> -> memref<128x64xf32, #tpu.memory_space<vmem>>
        %dma_start3A_157 = arith.constant 0 : i32
        %dma_start3A_158 = tpu.memref_slice %arg8[%add3A_140, %dma_start3A_157] : memref<60x128xi32, #tpu.memory_space<vmem>> -> memref<1x128xi32, #tpu.memory_space<vmem>>
        %dma_start3A_159 = tpu.memref_squeeze %dma_start3A_158 : memref<1x128xi32, #tpu.memory_space<vmem>> -> memref<128xi32, #tpu.memory_space<vmem>>
        %dma_start3A_160 = arith.constant 0 : i32
        %dma_start3A_161 = arith.constant 0 : i32
        %dma_start3A_162 = tpu.memref_slice %arg10[%dma_start3A_160, %dma_start3A_161] : memref<10240x64xf32, #tpu.memory_space<vmem_shared>> -> memref<10240x64xf32, #tpu.memory_space<vmem_shared>>
        tpu.enqueue_indirect_dma source(%dma_start3A_156 : memref<128x64xf32, #tpu.memory_space<vmem>>) target(%dma_start3A_162 : memref<10240x64xf32, #tpu.memory_space<vmem_shared>>) offsets(%dma_start3A_159 : memref<128xi32, #tpu.memory_space<vmem>>) semaphore(%arg14 : memref<!tpu.dma_semaphore, #tpu.memory_space<semaphore_mem>>) {add = true}
        %dma_start3A_163 = arith.constant 0 : i32
        %dma_start3A_164 = tpu.memref_slice %arg8[%add3A_140, %dma_start3A_163] : memref<60x128xi32, #tpu.memory_space<vmem>> -> memref<1x128xi32, #tpu.memory_space<vmem>>
        %dma_start3A_165 = tpu.memref_squeeze %dma_start3A_164 : memref<1x128xi32, #tpu.memory_space<vmem>> -> memref<128xi32, #tpu.memory_space<vmem>>
        %dma_start3A_166 = arith.constant 0 : i32
        %dma_start3A_167 = tpu.memref_slice %arg17[%dma_start3A_166] : memref<10240xf32, #tpu.memory_space<vmem_shared>> -> memref<10240xf32, #tpu.memory_space<vmem_shared>>
        tpu.enqueue_indirect_dma source(%arg15 : memref<128xf32, #tpu.memory_space<vmem>>) target(%dma_start3A_167 : memref<10240xf32, #tpu.memory_space<vmem_shared>>) offsets(%dma_start3A_165 : memref<128xi32, #tpu.memory_space<vmem>>) semaphore(%arg18 : memref<!tpu.dma_semaphore, #tpu.memory_space<semaphore_mem>>) {add = true}
        %add3A_168 = arith.constant 2 : i32
        %add3A_169 = arith.addi %add3A_109, %add3A_168 : i32
        %add3A_170 = arith.constant 0 : i32
        %add3A_171 = arith.addi %add3A_169, %add3A_170 : i32
        %lt3A = arith.constant 20 : i32
        %lt3A_172 = arith.cmpi slt, %add3A_171, %lt3A : i32
        %convert_element_type3A_173 = arith.extui %lt3A_172 : i1 to i32
        %cond3A_174 = arith.constant 0 : i32
        %cond3A_175 = arith.cmpi ne, %convert_element_type3A_173, %cond3A_174 : i32
        scf.if %cond3A_175 {
          %dma_wait3A_185 = arith.constant 0 : i32
          %dma_wait3A_186 = arith.constant 0 : i32
          %dma_wait3A_187 = arith.constant 0 : i32
          %dma_wait3A_188 = tpu.memref_slice %arg9[%dma_wait3A_185, %dma_wait3A_186, %dma_wait3A_187] : memref<2x128x64xf32, #tpu.memory_space<vmem>> -> memref<1x128x64xf32, #tpu.memory_space<vmem>>
          %dma_wait3A_189 = tpu.memref_squeeze %dma_wait3A_188 : memref<1x128x64xf32, #tpu.memory_space<vmem>> -> memref<128x64xf32, #tpu.memory_space<vmem>>
          %dma_wait3A_190 = arith.constant 0 : i32
          %dma_wait3A_191 = tpu.memref_slice %arg8[%add3A_171, %dma_wait3A_190] : memref<60x128xi32, #tpu.memory_space<vmem>> -> memref<1x128xi32, #tpu.memory_space<vmem>>
          %dma_wait3A_192 = tpu.memref_squeeze %dma_wait3A_191 : memref<1x128xi32, #tpu.memory_space<vmem>> -> memref<128xi32, #tpu.memory_space<vmem>>
          %dma_wait3A_193 = arith.constant 0 : i32
          %dma_wait3A_194 = arith.constant 0 : i32
          %dma_wait3A_195 = tpu.memref_slice %arg10[%dma_wait3A_193, %dma_wait3A_194] : memref<10240x64xf32, #tpu.memory_space<vmem_shared>> -> memref<10240x64xf32, #tpu.memory_space<vmem_shared>>
          tpu.wait_indirect_dma semaphore(%arg13 : memref<!tpu.dma_semaphore, #tpu.memory_space<semaphore_mem>>) src(%dma_wait3A_189 : memref<128x64xf32, #tpu.memory_space<vmem>>) dst(%dma_wait3A_195 : memref<10240x64xf32, #tpu.memory_space<vmem_shared>>)
          %dma_start3A_196 = arith.constant 0 : i32
          %dma_start3A_197 = arith.constant 0 : i32
          %dma_start3A_198 = arith.constant 0 : i32
          %dma_start3A_199 = tpu.memref_slice %arg9[%dma_start3A_196, %dma_start3A_197, %dma_start3A_198] : memref<2x128x64xf32, #tpu.memory_space<vmem>> -> memref<1x128x64xf32, #tpu.memory_space<vmem>>
          %dma_start3A_200 = tpu.memref_squeeze %dma_start3A_199 : memref<1x128x64xf32, #tpu.memory_space<vmem>> -> memref<128x64xf32, #tpu.memory_space<vmem>>
          %dma_start3A_201 = arith.constant 0 : i32
          %dma_start3A_202 = tpu.memref_slice %arg7[%add3A_171, %dma_start3A_201] : memref<60x128xi32, #tpu.memory_space<vmem>> -> memref<1x128xi32, #tpu.memory_space<vmem>>
          %dma_start3A_203 = tpu.memref_squeeze %dma_start3A_202 : memref<1x128xi32, #tpu.memory_space<vmem>> -> memref<128xi32, #tpu.memory_space<vmem>>
          %dma_start3A_204 = arith.constant 0 : i32
          %dma_start3A_205 = arith.constant 0 : i32
          %dma_start3A_206 = tpu.memref_slice %arg2[%dma_start3A_204, %dma_start3A_205] : memref<10000x64xf32, #tpu.memory_space<hbm>> -> memref<10000x64xf32, #tpu.memory_space<hbm>>
          tpu.enqueue_indirect_dma source(%dma_start3A_206 : memref<10000x64xf32, #tpu.memory_space<hbm>>) target(%dma_start3A_200 : memref<128x64xf32, #tpu.memory_space<vmem>>) offsets(%dma_start3A_203 : memref<128xi32, #tpu.memory_space<vmem>>) semaphore(%arg11 : memref<!tpu.dma_semaphore, #tpu.memory_space<semaphore_mem>>)
        } else {
        }
        %add3A_176 = arith.constant 2 : i32
        %add3A_177 = arith.addi %add3A_109, %add3A_176 : i32
        %add3A_178 = arith.constant 1 : i32
        %add3A_179 = arith.addi %add3A_177, %add3A_178 : i32
        %lt3A_180 = arith.constant 20 : i32
        %lt3A_181 = arith.cmpi slt, %add3A_179, %lt3A_180 : i32
        %convert_element_type3A_182 = arith.extui %lt3A_181 : i1 to i32
        %cond3A_183 = arith.constant 0 : i32
        %cond3A_184 = arith.cmpi ne, %convert_element_type3A_182, %cond3A_183 : i32
        scf.if %cond3A_184 {
          %dma_wait3A_185 = arith.constant 1 : i32
          %dma_wait3A_186 = arith.constant 0 : i32
          %dma_wait3A_187 = arith.constant 0 : i32
          %dma_wait3A_188 = tpu.memref_slice %arg9[%dma_wait3A_185, %dma_wait3A_186, %dma_wait3A_187] : memref<2x128x64xf32, #tpu.memory_space<vmem>> -> memref<1x128x64xf32, #tpu.memory_space<vmem>>
          %dma_wait3A_189 = tpu.memref_squeeze %dma_wait3A_188 : memref<1x128x64xf32, #tpu.memory_space<vmem>> -> memref<128x64xf32, #tpu.memory_space<vmem>>
          %dma_wait3A_190 = arith.constant 0 : i32
          %dma_wait3A_191 = tpu.memref_slice %arg8[%add3A_179, %dma_wait3A_190] : memref<60x128xi32, #tpu.memory_space<vmem>> -> memref<1x128xi32, #tpu.memory_space<vmem>>
          %dma_wait3A_192 = tpu.memref_squeeze %dma_wait3A_191 : memref<1x128xi32, #tpu.memory_space<vmem>> -> memref<128xi32, #tpu.memory_space<vmem>>
          %dma_wait3A_193 = arith.constant 0 : i32
          %dma_wait3A_194 = arith.constant 0 : i32
          %dma_wait3A_195 = tpu.memref_slice %arg10[%dma_wait3A_193, %dma_wait3A_194] : memref<10240x64xf32, #tpu.memory_space<vmem_shared>> -> memref<10240x64xf32, #tpu.memory_space<vmem_shared>>
          tpu.wait_indirect_dma semaphore(%arg14 : memref<!tpu.dma_semaphore, #tpu.memory_space<semaphore_mem>>) src(%dma_wait3A_189 : memref<128x64xf32, #tpu.memory_space<vmem>>) dst(%dma_wait3A_195 : memref<10240x64xf32, #tpu.memory_space<vmem_shared>>)
          %dma_start3A_196 = arith.constant 1 : i32
          %dma_start3A_197 = arith.constant 0 : i32
          %dma_start3A_198 = arith.constant 0 : i32
          %dma_start3A_199 = tpu.memref_slice %arg9[%dma_start3A_196, %dma_start3A_197, %dma_start3A_198] : memref<2x128x64xf32, #tpu.memory_space<vmem>> -> memref<1x128x64xf32, #tpu.memory_space<vmem>>
          %dma_start3A_200 = tpu.memref_squeeze %dma_start3A_199 : memref<1x128x64xf32, #tpu.memory_space<vmem>> -> memref<128x64xf32, #tpu.memory_space<vmem>>
          %dma_start3A_201 = arith.constant 0 : i32
          %dma_start3A_202 = tpu.memref_slice %arg7[%add3A_179, %dma_start3A_201] : memref<60x128xi32, #tpu.memory_space<vmem>> -> memref<1x128xi32, #tpu.memory_space<vmem>>
          %dma_start3A_203 = tpu.memref_squeeze %dma_start3A_202 : memref<1x128xi32, #tpu.memory_space<vmem>> -> memref<128xi32, #tpu.memory_space<vmem>>
          %dma_start3A_204 = arith.constant 0 : i32
          %dma_start3A_205 = arith.constant 0 : i32
          %dma_start3A_206 = tpu.memref_slice %arg2[%dma_start3A_204, %dma_start3A_205] : memref<10000x64xf32, #tpu.memory_space<hbm>> -> memref<10000x64xf32, #tpu.memory_space<hbm>>
          tpu.enqueue_indirect_dma source(%dma_start3A_206 : memref<10000x64xf32, #tpu.memory_space<hbm>>) target(%dma_start3A_200 : memref<128x64xf32, #tpu.memory_space<vmem>>) offsets(%dma_start3A_203 : memref<128xi32, #tpu.memory_space<vmem>>) semaphore(%arg12 : memref<!tpu.dma_semaphore, #tpu.memory_space<semaphore_mem>>)
        } else {
        }
      }
      %scan3A_75 = arith.constant 10 : i32
      %dma_wait3A = arith.constant 0 : i32
      %dma_wait3A_76 = arith.constant 0 : i32
      %dma_wait3A_77 = arith.constant 0 : i32
      %dma_wait3A_78 = arith.constant 0 : i32
      %dma_wait3A_79 = tpu.memref_slice %arg9[%dma_wait3A, %dma_wait3A_77, %dma_wait3A_78] : memref<2x128x64xf32, #tpu.memory_space<vmem>> -> memref<1x128x64xf32, #tpu.memory_space<vmem>>
      %dma_wait3A_80 = tpu.memref_squeeze %dma_wait3A_79 : memref<1x128x64xf32, #tpu.memory_space<vmem>> -> memref<128x64xf32, #tpu.memory_space<vmem>>
      %dma_wait3A_81 = arith.constant 0 : i32
      %dma_wait3A_82 = tpu.memref_slice %arg8[%dma_wait3A_76, %dma_wait3A_81] : memref<60x128xi32, #tpu.memory_space<vmem>> -> memref<1x128xi32, #tpu.memory_space<vmem>>
      %dma_wait3A_83 = tpu.memref_squeeze %dma_wait3A_82 : memref<1x128xi32, #tpu.memory_space<vmem>> -> memref<128xi32, #tpu.memory_space<vmem>>
      %dma_wait3A_84 = arith.constant 0 : i32
      %dma_wait3A_85 = arith.constant 0 : i32
      %dma_wait3A_86 = tpu.memref_slice %arg10[%dma_wait3A_84, %dma_wait3A_85] : memref<10240x64xf32, #tpu.memory_space<vmem_shared>> -> memref<10240x64xf32, #tpu.memory_space<vmem_shared>>
      tpu.wait_indirect_dma semaphore(%arg13 : memref<!tpu.dma_semaphore, #tpu.memory_space<semaphore_mem>>) src(%dma_wait3A_80 : memref<128x64xf32, #tpu.memory_space<vmem>>) dst(%dma_wait3A_86 : memref<10240x64xf32, #tpu.memory_space<vmem_shared>>)
      %dma_wait3A_87 = arith.constant 1 : i32
      %dma_wait3A_88 = arith.constant 1 : i32
      %dma_wait3A_89 = arith.constant 0 : i32
      %dma_wait3A_90 = arith.constant 0 : i32
      %dma_wait3A_91 = tpu.memref_slice %arg9[%dma_wait3A_87, %dma_wait3A_89, %dma_wait3A_90] : memref<2x128x64xf32, #tpu.memory_space<vmem>> -> memref<1x128x64xf32, #tpu.memory_space<vmem>>
      %dma_wait3A_92 = tpu.memref_squeeze %dma_wait3A_91 : memref<1x128x64xf32, #tpu.memory_space<vmem>> -> memref<128x64xf32, #tpu.memory_space<vmem>>
      %dma_wait3A_93 = arith.constant 0 : i32
      %dma_wait3A_94 = tpu.memref_slice %arg8[%dma_wait3A_88, %dma_wait3A_93] : memref<60x128xi32, #tpu.memory_space<vmem>> -> memref<1x128xi32, #tpu.memory_space<vmem>>
      %dma_wait3A_95 = tpu.memref_squeeze %dma_wait3A_94 : memref<1x128xi32, #tpu.memory_space<vmem>> -> memref<128xi32, #tpu.memory_space<vmem>>
      %dma_wait3A_96 = arith.constant 0 : i32
      %dma_wait3A_97 = arith.constant 0 : i32
      %dma_wait3A_98 = tpu.memref_slice %arg10[%dma_wait3A_96, %dma_wait3A_97] : memref<10240x64xf32, #tpu.memory_space<vmem_shared>> -> memref<10240x64xf32, #tpu.memory_space<vmem_shared>>
      tpu.wait_indirect_dma semaphore(%arg14 : memref<!tpu.dma_semaphore, #tpu.memory_space<semaphore_mem>>) src(%dma_wait3A_92 : memref<128x64xf32, #tpu.memory_space<vmem>>) dst(%dma_wait3A_98 : memref<10240x64xf32, #tpu.memory_space<vmem_shared>>)
      %scan3A_99 = arith.constant 0 : i32
      %scan3A_100 = arith.constant 0 : i32
      %scan3A_101 = arith.constant 20 : i32
      %scan3A_102 = arith.addi %scan3A_100, %scan3A_101 : i32
      %scan3A_103 = arith.constant 1 : i32
      scf.for %scan3A_105 = %scan3A_100 to %scan3A_102 step %scan3A_103  : i32 {
        %dma_wait3A_106 = arith.constant 0 : i32
        %dma_wait3A_107 = tpu.memref_slice %arg8[%scan3A_105, %dma_wait3A_106] : memref<60x128xi32, #tpu.memory_space<vmem>> -> memref<1x128xi32, #tpu.memory_space<vmem>>
        %dma_wait3A_108 = tpu.memref_squeeze %dma_wait3A_107 : memref<1x128xi32, #tpu.memory_space<vmem>> -> memref<128xi32, #tpu.memory_space<vmem>>
        %dma_wait3A_109 = arith.constant 0 : i32
        %dma_wait3A_110 = tpu.memref_slice %arg17[%dma_wait3A_109] : memref<10240xf32, #tpu.memory_space<vmem_shared>> -> memref<10240xf32, #tpu.memory_space<vmem_shared>>
        tpu.wait_indirect_dma semaphore(%arg18 : memref<!tpu.dma_semaphore, #tpu.memory_space<semaphore_mem>>) src(%arg15 : memref<128xf32, #tpu.memory_space<vmem>>) dst(%dma_wait3A_110 : memref<10240xf32, #tpu.memory_space<vmem_shared>>)
      }
      %scan3A_104 = arith.constant 20 : i32
    } else {
    }
    %barrier3A_41 = arith.constant 0 : index
    tpu.barrier barrier_id(%barrier3A_41)
    %mul3A_42 = arith.constant 640 : i32
    %mul3A_43 = arith.muli %arg1, %mul3A_42 : i32
    "tpu.region"() ({
      %run_scoped3A_44 = tpu.sem_alloc : memref<!tpu.dma_semaphore, #tpu.memory_space<semaphore_mem>>
      %dma_start3A = arith.constant 0 : i32
      %dma_start3A_45 = tpu.memref_slice %arg5[%arg0, %mul3A_43, %dma_start3A] : memref<2x10240x64xf32, #tpu.memory_space<hbm>> -> memref<1x640x64xf32, #tpu.memory_space<hbm>>
      %dma_start3A_46 = tpu.memref_squeeze %dma_start3A_45 : memref<1x640x64xf32, #tpu.memory_space<hbm>> -> memref<640x64xf32, #tpu.memory_space<hbm>>
      %dma_start3A_47 = arith.constant 0 : i32
      %dma_start3A_48 = tpu.memref_slice %arg10[%mul3A_43, %dma_start3A_47] : memref<10240x64xf32, #tpu.memory_space<vmem_shared>> -> memref<640x64xf32, #tpu.memory_space<vmem_shared>>
      tpu.enqueue_dma source(%dma_start3A_48 : memref<640x64xf32, #tpu.memory_space<vmem_shared>>) target(%dma_start3A_46 : memref<640x64xf32, #tpu.memory_space<hbm>>) target_semaphore(%run_scoped3A_44 : memref<!tpu.dma_semaphore, #tpu.memory_space<semaphore_mem>>)
      %dma_wait3A = arith.constant 0 : i32
      %dma_wait3A_49 = tpu.memref_slice %arg5[%arg0, %mul3A_43, %dma_wait3A] : memref<2x10240x64xf32, #tpu.memory_space<hbm>> -> memref<1x640x64xf32, #tpu.memory_space<hbm>>
      %dma_wait3A_50 = tpu.memref_squeeze %dma_wait3A_49 : memref<1x640x64xf32, #tpu.memory_space<hbm>> -> memref<640x64xf32, #tpu.memory_space<hbm>>
      %dma_wait3A_51 = arith.constant 0 : i32
      %dma_wait3A_52 = tpu.memref_slice %arg10[%mul3A_43, %dma_wait3A_51] : memref<10240x64xf32, #tpu.memory_space<vmem_shared>> -> memref<640x64xf32, #tpu.memory_space<vmem_shared>>
      tpu.wait_dma2 semaphore(%run_scoped3A_44 : memref<!tpu.dma_semaphore, #tpu.memory_space<semaphore_mem>>) src(%dma_wait3A_52 : memref<640x64xf32, #tpu.memory_space<vmem_shared>>) dst(%dma_wait3A_50 : memref<640x64xf32, #tpu.memory_space<hbm>>)
      tpu.yield
    }) : () -> ()
    "tpu.region"() ({
      %run_scoped3A_44 = tpu.sem_alloc : memref<!tpu.dma_semaphore, #tpu.memory_space<semaphore_mem>>
      %dma_start3A = tpu.memref_slice %arg6[%arg0, %mul3A_43] : memref<2x10240xf32, #tpu.memory_space<hbm>> -> memref<1x640xf32, #tpu.memory_space<hbm>>
      %dma_start3A_45 = tpu.memref_squeeze %dma_start3A : memref<1x640xf32, #tpu.memory_space<hbm>> -> memref<640xf32, #tpu.memory_space<hbm>>
      %dma_start3A_46 = tpu.memref_slice %arg17[%mul3A_43] : memref<10240xf32, #tpu.memory_space<vmem_shared>> -> memref<640xf32, #tpu.memory_space<vmem_shared>>
      tpu.enqueue_dma source(%dma_start3A_46 : memref<640xf32, #tpu.memory_space<vmem_shared>>) target(%dma_start3A_45 : memref<640xf32, #tpu.memory_space<hbm>>) target_semaphore(%run_scoped3A_44 : memref<!tpu.dma_semaphore, #tpu.memory_space<semaphore_mem>>)
      %dma_wait3A = tpu.memref_slice %arg6[%arg0, %mul3A_43] : memref<2x10240xf32, #tpu.memory_space<hbm>> -> memref<1x640xf32, #tpu.memory_space<hbm>>
      %dma_wait3A_47 = tpu.memref_squeeze %dma_wait3A : memref<1x640xf32, #tpu.memory_space<hbm>> -> memref<640xf32, #tpu.memory_space<hbm>>
      %dma_wait3A_48 = tpu.memref_slice %arg17[%mul3A_43] : memref<10240xf32, #tpu.memory_space<vmem_shared>> -> memref<640xf32, #tpu.memory_space<vmem_shared>>
      tpu.wait_dma2 semaphore(%run_scoped3A_44 : memref<!tpu.dma_semaphore, #tpu.memory_space<semaphore_mem>>) src(%dma_wait3A_48 : memref<640xf32, #tpu.memory_space<vmem_shared>>) dst(%dma_wait3A_47 : memref<640xf32, #tpu.memory_space<hbm>>)
      tpu.yield
    }) : () -> ()
    return
  }
}

module attributes {stable_mosaic.version = 14 : i64} {
  func.func @_pre_body(%arg0: i32, %arg1: memref<1000x128xf32, #tpu.memory_space<vmem>>, %arg2: memref<128x128xf32, #tpu.memory_space<vmem>>, %arg3: memref<1000x64xf32, #tpu.memory_space<vmem>>, %arg4: memref<1000x64xf32, #tpu.memory_space<vmem>>) attributes {dimension_semantics = [#tpu.dimension_semantics<arbitrary>], iteration_bounds = array<i64: 10>, scalar_prefetch = 0 : i64, scratch_operands = 0 : i64, tpu.core_type = #tpu.core_type<tc>, window_params = [{transform_indices = @transform_0, window_bounds = array<i64: 1000, 128>}, {pipeline_mode = #tpu.pipeline_mode<synchronous>, transform_indices = @transform_1, window_bounds = array<i64: 128, 128>}, {transform_indices = @transform_2, window_bounds = array<i64: 1000, 64>}, {transform_indices = @transform_3, window_bounds = array<i64: 1000, 64>}]} {
    %get3A = arith.constant 0 : index
    %get3A_0 = arith.constant 0 : index
    %get3A_1 = vector.load %arg1[%get3A, %get3A_0] : memref<1000x128xf32, #tpu.memory_space<vmem>>, vector<1000x128xf32>
    %get3A_2 = arith.constant 0 : index
    %get3A_3 = arith.constant 0 : index
    %get3A_4 = vector.load %arg2[%get3A_2, %get3A_3] : memref<128x128xf32, #tpu.memory_space<vmem>>, vector<128x128xf32>
    %dot_general3A = arith.constant dense<0.000000e+00> : vector<1000x128xf32>
    %dot_general3A_5 = tpu.matmul %get3A_1, %get3A_4, %dot_general3A {dimension_numbers = #tpu.dot_dimension_numbers<[1], [0], [0], [1], [0, 0, 1, 1], [], []>, transpose_lhs_hint = false} : vector<1000x128xf32>, vector<128x128xf32>, vector<1000x128xf32> -> vector<1000x128xf32>
    %slice3A = vector.extract_strided_slice %dot_general3A_5 {offsets = [0, 0], sizes = [1000, 64], strides = [1, 1]} : vector<1000x128xf32> to vector<1000x64xf32>
    %swap3A = arith.constant 0 : index
    %swap3A_6 = arith.constant 0 : index
    %swap3A_7 = vector.load %arg3[%swap3A, %swap3A_6] : memref<1000x64xf32, #tpu.memory_space<vmem>>, vector<1000x64xf32>
    tpu.vector_store %arg3[%swap3A, %swap3A_6], %slice3A {strides = array<i32>} : memref<1000x64xf32, #tpu.memory_space<vmem>>, vector<1000x64xf32>,
    %slice3A_8 = vector.extract_strided_slice %dot_general3A_5 {offsets = [0, 64], sizes = [1000, 64], strides = [1, 1]} : vector<1000x128xf32> to vector<1000x64xf32>
    %swap3A_9 = arith.constant 0 : index
    %swap3A_10 = arith.constant 0 : index
    %swap3A_11 = vector.load %arg4[%swap3A_9, %swap3A_10] : memref<1000x64xf32, #tpu.memory_space<vmem>>, vector<1000x64xf32>
    tpu.vector_store %arg4[%swap3A_9, %swap3A_10], %slice3A_8 {strides = array<i32>} : memref<1000x64xf32, #tpu.memory_space<vmem>>, vector<1000x64xf32>,
    return
  }
  func.func @transform_0(%arg0: i32) -> (i32, i32) {
    %c0_i32 = arith.constant 0 : i32
    %c0_i32_0 = arith.constant 0 : i32
    return %arg0, %c0_i32 : i32, i32
  }
  func.func @transform_1(%arg0: i32) -> (i32, i32) {
    %c0_i32 = arith.constant 0 : i32
    %c0_i32_0 = arith.constant 0 : i32
    %c0_i32_1 = arith.constant 0 : i32
    return %c0_i32, %c0_i32_0 : i32, i32
  }
  func.func @transform_2(%arg0: i32) -> (i32, i32) {
    %c0_i32 = arith.constant 0 : i32
    %c0_i32_0 = arith.constant 0 : i32
    return %arg0, %c0_i32 : i32, i32
  }
  func.func @transform_3(%arg0: i32) -> (i32, i32) {
    %c0_i32 = arith.constant 0 : i32
    %c0_i32_0 = arith.constant 0 : i32
    return %arg0, %c0_i32 : i32, i32
  }
}

module attributes {stable_mosaic.version = 14 : i64} {
  func.func @_combine1_body(%arg0: i32, %arg1: memref<1x1000x64xf32, #tpu.memory_space<vmem>>, %arg2: memref<1x1000x64xf32, #tpu.memory_space<vmem>>, %arg3: memref<1x1000x1xf32, #tpu.memory_space<vmem>>, %arg4: memref<1x1000x1xf32, #tpu.memory_space<vmem>>, %arg5: memref<1000x64xf32, #tpu.memory_space<vmem>>, %arg6: memref<1x64xf32, #tpu.memory_space<vmem>>, %arg7: memref<64x64xf32, #tpu.memory_space<vmem>>, %arg8: memref<1000x32xf32, #tpu.memory_space<vmem>>, %arg9: memref<1000x32xf32, #tpu.memory_space<vmem>>) attributes {dimension_semantics = [#tpu.dimension_semantics<arbitrary>], iteration_bounds = array<i64: 10>, scalar_prefetch = 0 : i64, scratch_operands = 0 : i64, tpu.core_type = #tpu.core_type<tc>, window_params = [{transform_indices = @transform_0, window_bounds = array<i64: 1, 1000, 64>}, {transform_indices = @transform_1, window_bounds = array<i64: 1, 1000, 64>}, {transform_indices = @transform_2, window_bounds = array<i64: 1, 1000, 1>}, {transform_indices = @transform_3, window_bounds = array<i64: 1, 1000, 1>}, {transform_indices = @transform_4, window_bounds = array<i64: 1000, 64>}, {pipeline_mode = #tpu.pipeline_mode<synchronous>, transform_indices = @transform_5, window_bounds = array<i64: 1, 64>}, {pipeline_mode = #tpu.pipeline_mode<synchronous>, transform_indices = @transform_6, window_bounds = array<i64: 64, 64>}, {transform_indices = @transform_7, window_bounds = array<i64: 1000, 32>}, {transform_indices = @transform_8, window_bounds = array<i64: 1000, 32>}]} {
    %get3A = arith.constant 0 : index
    %get3A_0 = arith.constant 0 : index
    %get3A_1 = arith.constant 0 : index
    %get3A_2 = vector.load %arg3[%get3A, %get3A_0, %get3A_1] : memref<1x1000x1xf32, #tpu.memory_space<vmem>>, vector<1x1000x1xf32>
    %get3A_3 = vector.shape_cast %get3A_2 : vector<1x1000x1xf32> to vector<1000x1xf32>
    %get3A_4 = arith.constant 0 : index
    %get3A_5 = arith.constant 0 : index
    %get3A_6 = arith.constant 0 : index
    %get3A_7 = vector.load %arg4[%get3A_4, %get3A_5, %get3A_6] : memref<1x1000x1xf32, #tpu.memory_space<vmem>>, vector<1x1000x1xf32>
    %get3A_8 = vector.shape_cast %get3A_7 : vector<1x1000x1xf32> to vector<1000x1xf32>
    %add3A = arith.addf %get3A_3, %get3A_8 : vector<1000x1xf32>
    %max3A = arith.constant 1.000000e+00 : f32
    %max3A_9 = vector.broadcast %max3A : f32 to vector<1000x1xf32>
    %max3A_10 = arith.maximumf %add3A, %max3A_9 : vector<1000x1xf32>
    %div3A = arith.constant 1.000000e+00 : f32
    %div3A_11 = vector.broadcast %div3A : f32 to vector<1000x1xf32>
    %div3A_12 = arith.divf %div3A_11, %max3A_10 : vector<1000x1xf32>
    %get3A_13 = arith.constant 0 : index
    %get3A_14 = arith.constant 0 : index
    %get3A_15 = arith.constant 0 : index
    %get3A_16 = vector.load %arg1[%get3A_13, %get3A_14, %get3A_15] : memref<1x1000x64xf32, #tpu.memory_space<vmem>>, vector<1x1000x64xf32>
    %get3A_17 = vector.shape_cast %get3A_16 : vector<1x1000x64xf32> to vector<1000x64xf32>
    %get3A_18 = arith.constant 0 : index
    %get3A_19 = arith.constant 0 : index
    %get3A_20 = arith.constant 0 : index
    %get3A_21 = vector.load %arg2[%get3A_18, %get3A_19, %get3A_20] : memref<1x1000x64xf32, #tpu.memory_space<vmem>>, vector<1x1000x64xf32>
    %get3A_22 = vector.shape_cast %get3A_21 : vector<1x1000x64xf32> to vector<1000x64xf32>
    %add3A_23 = arith.addf %get3A_17, %get3A_22 : vector<1000x64xf32>
    %mul3A = vector.broadcast %div3A_12 : vector<1000x1xf32> to vector<1000x64xf32>
    %mul3A_24 = arith.mulf %add3A_23, %mul3A : vector<1000x64xf32>
    %get3A_25 = arith.constant 0 : index
    %get3A_26 = arith.constant 0 : index
    %get3A_27 = vector.load %arg6[%get3A_25, %get3A_26] : memref<1x64xf32, #tpu.memory_space<vmem>>, vector<1x64xf32>
    %add3A_28 = vector.broadcast %get3A_27 : vector<1x64xf32> to vector<1000x64xf32>
    %add3A_29 = arith.addf %mul3A_24, %add3A_28 : vector<1000x64xf32>
    %get3A_30 = arith.constant 0 : index
    %get3A_31 = arith.constant 0 : index
    %get3A_32 = vector.load %arg5[%get3A_30, %get3A_31] : memref<1000x64xf32, #tpu.memory_space<vmem>>, vector<1000x64xf32>
    %add3A_33 = arith.addf %add3A_29, %get3A_32 : vector<1000x64xf32>
    %max3A_34 = arith.constant 0.000000e+00 : f32
    %max3A_35 = vector.broadcast %max3A_34 : f32 to vector<1000x64xf32>
    %max3A_36 = arith.maximumf %add3A_33, %max3A_35 : vector<1000x64xf32>
    %get3A_37 = arith.constant 0 : index
    %get3A_38 = arith.constant 0 : index
    %get3A_39 = vector.load %arg7[%get3A_37, %get3A_38] : memref<64x64xf32, #tpu.memory_space<vmem>>, vector<64x64xf32>
    %dot_general3A = arith.constant dense<0.000000e+00> : vector<1000x64xf32>
    %dot_general3A_40 = tpu.matmul %max3A_36, %get3A_39, %dot_general3A {dimension_numbers = #tpu.dot_dimension_numbers<[1], [0], [0], [1], [0, 0, 1, 1], [], []>, transpose_lhs_hint = false} : vector<1000x64xf32>, vector<64x64xf32>, vector<1000x64xf32> -> vector<1000x64xf32>
    %slice3A = vector.extract_strided_slice %dot_general3A_40 {offsets = [0, 0], sizes = [1000, 32], strides = [1, 1]} : vector<1000x64xf32> to vector<1000x32xf32>
    %swap3A = arith.constant 0 : index
    %swap3A_41 = arith.constant 0 : index
    %swap3A_42 = vector.load %arg8[%swap3A, %swap3A_41] : memref<1000x32xf32, #tpu.memory_space<vmem>>, vector<1000x32xf32>
    tpu.vector_store %arg8[%swap3A, %swap3A_41], %slice3A {strides = array<i32>} : memref<1000x32xf32, #tpu.memory_space<vmem>>, vector<1000x32xf32>,
    %slice3A_43 = vector.extract_strided_slice %dot_general3A_40 {offsets = [0, 32], sizes = [1000, 32], strides = [1, 1]} : vector<1000x64xf32> to vector<1000x32xf32>
    %swap3A_44 = arith.constant 0 : index
    %swap3A_45 = arith.constant 0 : index
    %swap3A_46 = vector.load %arg9[%swap3A_44, %swap3A_45] : memref<1000x32xf32, #tpu.memory_space<vmem>>, vector<1000x32xf32>
    tpu.vector_store %arg9[%swap3A_44, %swap3A_45], %slice3A_43 {strides = array<i32>} : memref<1000x32xf32, #tpu.memory_space<vmem>>, vector<1000x32xf32>,
    return
  }
  func.func @transform_0(%arg0: i32) -> (i32, i32, i32) {
    %c0_i32 = arith.constant 0 : i32
    %c0_i32_0 = arith.constant 0 : i32
    %c0_i32_1 = arith.constant 0 : i32
    return %c0_i32, %arg0, %c0_i32_0 : i32, i32, i32
  }
  func.func @transform_1(%arg0: i32) -> (i32, i32, i32) {
    %c1_i32 = arith.constant 1 : i32
    %c0_i32 = arith.constant 0 : i32
    %c0_i32_0 = arith.constant 0 : i32
    return %c1_i32, %arg0, %c0_i32 : i32, i32, i32
  }
  func.func @transform_2(%arg0: i32) -> (i32, i32, i32) {
    %c0_i32 = arith.constant 0 : i32
    %c0_i32_0 = arith.constant 0 : i32
    %c0_i32_1 = arith.constant 0 : i32
    return %c0_i32, %arg0, %c0_i32_0 : i32, i32, i32
  }
  func.func @transform_3(%arg0: i32) -> (i32, i32, i32) {
    %c1_i32 = arith.constant 1 : i32
    %c0_i32 = arith.constant 0 : i32
    %c0_i32_0 = arith.constant 0 : i32
    return %c1_i32, %arg0, %c0_i32 : i32, i32, i32
  }
  func.func @transform_4(%arg0: i32) -> (i32, i32) {
    %c0_i32 = arith.constant 0 : i32
    %c0_i32_0 = arith.constant 0 : i32
    return %arg0, %c0_i32 : i32, i32
  }
  func.func @transform_5(%arg0: i32) -> (i32, i32) {
    %c0_i32 = arith.constant 0 : i32
    %c0_i32_0 = arith.constant 0 : i32
    %c0_i32_1 = arith.constant 0 : i32
    return %c0_i32, %c0_i32_0 : i32, i32
  }
  func.func @transform_6(%arg0: i32) -> (i32, i32) {
    %c0_i32 = arith.constant 0 : i32
    %c0_i32_0 = arith.constant 0 : i32
    %c0_i32_1 = arith.constant 0 : i32
    return %c0_i32, %c0_i32_0 : i32, i32
  }
  func.func @transform_7(%arg0: i32) -> (i32, i32) {
    %c0_i32 = arith.constant 0 : i32
    %c0_i32_0 = arith.constant 0 : i32
    return %arg0, %c0_i32 : i32, i32
  }
  func.func @transform_8(%arg0: i32) -> (i32, i32) {
    %c0_i32 = arith.constant 0 : i32
    %c0_i32_0 = arith.constant 0 : i32
    return %arg0, %c0_i32 : i32, i32
  }
}

module attributes {stable_mosaic.version = 14 : i64} {
  func.func @_gru_body(%arg0: i32, %arg1: memref<1000x80xf32, #tpu.memory_space<vmem>>, %arg2: memref<20x80x256xf32, #tpu.memory_space<vmem>>, %arg3: memref<64x256xf32, #tpu.memory_space<vmem>>, %arg4: memref<1x256xf32, #tpu.memory_space<vmem>>, %arg5: memref<20x80x256xf32, #tpu.memory_space<vmem>>, %arg6: memref<64x256xf32, #tpu.memory_space<vmem>>, %arg7: memref<1x256xf32, #tpu.memory_space<vmem>>, %arg8: memref<128x32xf32, #tpu.memory_space<vmem>>, %arg9: memref<1x32xf32, #tpu.memory_space<vmem>>, %arg10: memref<1000x32xf32, #tpu.memory_space<vmem>>) attributes {dimension_semantics = [#tpu.dimension_semantics<arbitrary>], iteration_bounds = array<i64: 10>, scalar_prefetch = 0 : i64, scratch_operands = 0 : i64, tpu.core_type = #tpu.core_type<tc>, window_params = [{transform_indices = @transform_0, window_bounds = array<i64: 1000, 80>}, {pipeline_mode = #tpu.pipeline_mode<synchronous>, transform_indices = @transform_1, window_bounds = array<i64: 20, 80, 256>}, {pipeline_mode = #tpu.pipeline_mode<synchronous>, transform_indices = @transform_2, window_bounds = array<i64: 64, 256>}, {pipeline_mode = #tpu.pipeline_mode<synchronous>, transform_indices = @transform_3, window_bounds = array<i64: 1, 256>}, {pipeline_mode = #tpu.pipeline_mode<synchronous>, transform_indices = @transform_4, window_bounds = array<i64: 20, 80, 256>}, {pipeline_mode = #tpu.pipeline_mode<synchronous>, transform_indices = @transform_5, window_bounds = array<i64: 64, 256>}, {pipeline_mode = #tpu.pipeline_mode<synchronous>, transform_indices = @transform_6, window_bounds = array<i64: 1, 256>}, {pipeline_mode = #tpu.pipeline_mode<synchronous>, transform_indices = @transform_7, window_bounds = array<i64: 128, 32>}, {pipeline_mode = #tpu.pipeline_mode<synchronous>, transform_indices = @transform_8, window_bounds = array<i64: 1, 32>}, {transform_indices = @transform_9, window_bounds = array<i64: 1000, 32>}]} {
    %get3A = arith.constant 0 : index
    %get3A_0 = arith.constant 0 : index
    %get3A_1 = vector.load %arg1[%get3A, %get3A_0] : memref<1000x80xf32, #tpu.memory_space<vmem>>, vector<1000x80xf32>
    %broadcast_in_dim3A = arith.constant 0.000000e+00 : f32
    %broadcast_in_dim3A_2 = vector.broadcast %broadcast_in_dim3A : f32 to vector<1000x64xf32>
    %broadcast_in_dim3A_3 = arith.constant 0.000000e+00 : f32
    %broadcast_in_dim3A_4 = vector.broadcast %broadcast_in_dim3A_3 : f32 to vector<1000x64xf32>
    %get3A_5 = arith.constant 0 : index
    %get3A_6 = arith.constant 0 : index
    %get3A_7 = vector.load %arg3[%get3A_5, %get3A_6] : memref<64x256xf32, #tpu.memory_space<vmem>>, vector<64x256xf32>
    %get3A_8 = arith.constant 0 : index
    %get3A_9 = arith.constant 0 : index
    %get3A_10 = vector.load %arg4[%get3A_8, %get3A_9] : memref<1x256xf32, #tpu.memory_space<vmem>>, vector<1x256xf32>
    %get3A_11 = arith.constant 0 : index
    %get3A_12 = arith.constant 0 : index
    %get3A_13 = vector.load %arg6[%get3A_11, %get3A_12] : memref<64x256xf32, #tpu.memory_space<vmem>>, vector<64x256xf32>
    %get3A_14 = arith.constant 0 : index
    %get3A_15 = arith.constant 0 : index
    %get3A_16 = vector.load %arg7[%get3A_14, %get3A_15] : memref<1x256xf32, #tpu.memory_space<vmem>>, vector<1x256xf32>
    %get3A_17 = arith.constant 0 : index
    %get3A_18 = arith.constant 0 : index
    %get3A_19 = arith.constant 0 : index
    %get3A_20 = vector.load %arg2[%get3A_17, %get3A_18, %get3A_19] : memref<20x80x256xf32, #tpu.memory_space<vmem>>, vector<1x80x256xf32>
    %get3A_21 = vector.shape_cast %get3A_20 : vector<1x80x256xf32> to vector<80x256xf32>
    %dot_general3A = arith.constant dense<0.000000e+00> : vector<1000x256xf32>
    %dot_general3A_22 = tpu.matmul %get3A_1, %get3A_21, %dot_general3A {dimension_numbers = #tpu.dot_dimension_numbers<[1], [0], [0], [1], [0, 0, 1, 1], [], []>, transpose_lhs_hint = false} : vector<1000x80xf32>, vector<80x256xf32>, vector<1000x256xf32> -> vector<1000x256xf32>
    %dot_general3A_23 = arith.constant dense<0.000000e+00> : vector<1000x256xf32>
    %dot_general3A_24 = tpu.matmul %broadcast_in_dim3A_2, %get3A_7, %dot_general3A_23 {dimension_numbers = #tpu.dot_dimension_numbers<[1], [0], [0], [1], [0, 0, 1, 1], [], []>, transpose_lhs_hint = false} : vector<1000x64xf32>, vector<64x256xf32>, vector<1000x256xf32> -> vector<1000x256xf32>
    %add3A = arith.addf %dot_general3A_22, %dot_general3A_24 : vector<1000x256xf32>
    %add3A_25 = vector.broadcast %get3A_10 : vector<1x256xf32> to vector<1000x256xf32>
    %add3A_26 = arith.addf %add3A, %add3A_25 : vector<1000x256xf32>
    %slice3A = vector.extract_strided_slice %add3A_26 {offsets = [0, 0], sizes = [1000, 128], strides = [1, 1]} : vector<1000x256xf32> to vector<1000x128xf32>
    %logistic3A = arith.negf %slice3A : vector<1000x128xf32>
    %logistic3A_27 = math.exp %logistic3A : vector<1000x128xf32>
    %logistic3A_28 = arith.constant 1.000000e+00 : f32
    %logistic3A_29 = vector.broadcast %logistic3A_28 : f32 to vector<1000x128xf32>
    %logistic3A_30 = arith.addf %logistic3A_29, %logistic3A_27 : vector<1000x128xf32>
    %logistic3A_31 = arith.divf %logistic3A_29, %logistic3A_30 : vector<1000x128xf32>
    %slice3A_32 = vector.extract_strided_slice %logistic3A_31 {offsets = [0, 0], sizes = [1000, 64], strides = [1, 1]} : vector<1000x128xf32> to vector<1000x64xf32>
    %slice3A_33 = vector.extract_strided_slice %logistic3A_31 {offsets = [0, 64], sizes = [1000, 64], strides = [1, 1]} : vector<1000x128xf32> to vector<1000x64xf32>
    %slice3A_34 = vector.extract_strided_slice %add3A_26 {offsets = [0, 128], sizes = [1000, 64], strides = [1, 1]} : vector<1000x256xf32> to vector<1000x64xf32>
    %slice3A_35 = vector.extract_strided_slice %add3A_26 {offsets = [0, 192], sizes = [1000, 64], strides = [1, 1]} : vector<1000x256xf32> to vector<1000x64xf32>
    %mul3A = arith.mulf %slice3A_32, %slice3A_35 : vector<1000x64xf32>
    %add3A_36 = arith.addf %slice3A_34, %mul3A : vector<1000x64xf32>
    %tanh3A = math.tanh %add3A_36 : vector<1000x64xf32>
    %sub3A = arith.subf %broadcast_in_dim3A_2, %tanh3A : vector<1000x64xf32>
    %mul3A_37 = arith.mulf %slice3A_33, %sub3A : vector<1000x64xf32>
    %add3A_38 = arith.addf %tanh3A, %mul3A_37 : vector<1000x64xf32>
    %get3A_39 = arith.constant 19 : index
    %get3A_40 = arith.constant 0 : index
    %get3A_41 = arith.constant 0 : index
    %get3A_42 = vector.load %arg5[%get3A_39, %get3A_40, %get3A_41] : memref<20x80x256xf32, #tpu.memory_space<vmem>>, vector<1x80x256xf32>
    %get3A_43 = vector.shape_cast %get3A_42 : vector<1x80x256xf32> to vector<80x256xf32>
    %dot_general3A_44 = arith.constant dense<0.000000e+00> : vector<1000x256xf32>
    %dot_general3A_45 = tpu.matmul %get3A_1, %get3A_43, %dot_general3A_44 {dimension_numbers = #tpu.dot_dimension_numbers<[1], [0], [0], [1], [0, 0, 1, 1], [], []>, transpose_lhs_hint = false} : vector<1000x80xf32>, vector<80x256xf32>, vector<1000x256xf32> -> vector<1000x256xf32>
    %dot_general3A_46 = arith.constant dense<0.000000e+00> : vector<1000x256xf32>
    %dot_general3A_47 = tpu.matmul %broadcast_in_dim3A_4, %get3A_13, %dot_general3A_46 {dimension_numbers = #tpu.dot_dimension_numbers<[1], [0], [0], [1], [0, 0, 1, 1], [], []>, transpose_lhs_hint = false} : vector<1000x64xf32>, vector<64x256xf32>, vector<1000x256xf32> -> vector<1000x256xf32>
    %add3A_48 = arith.addf %dot_general3A_45, %dot_general3A_47 : vector<1000x256xf32>
    %add3A_49 = vector.broadcast %get3A_16 : vector<1x256xf32> to vector<1000x256xf32>
    %add3A_50 = arith.addf %add3A_48, %add3A_49 : vector<1000x256xf32>
    %slice3A_51 = vector.extract_strided_slice %add3A_50 {offsets = [0, 0], sizes = [1000, 128], strides = [1, 1]} : vector<1000x256xf32> to vector<1000x128xf32>
    %logistic3A_52 = arith.negf %slice3A_51 : vector<1000x128xf32>
    %logistic3A_53 = math.exp %logistic3A_52 : vector<1000x128xf32>
    %logistic3A_54 = arith.constant 1.000000e+00 : f32
    %logistic3A_55 = vector.broadcast %logistic3A_54 : f32 to vector<1000x128xf32>
    %logistic3A_56 = arith.addf %logistic3A_55, %logistic3A_53 : vector<1000x128xf32>
    %logistic3A_57 = arith.divf %logistic3A_55, %logistic3A_56 : vector<1000x128xf32>
    %slice3A_58 = vector.extract_strided_slice %logistic3A_57 {offsets = [0, 0], sizes = [1000, 64], strides = [1, 1]} : vector<1000x128xf32> to vector<1000x64xf32>
    %slice3A_59 = vector.extract_strided_slice %logistic3A_57 {offsets = [0, 64], sizes = [1000, 64], strides = [1, 1]} : vector<1000x128xf32> to vector<1000x64xf32>
    %slice3A_60 = vector.extract_strided_slice %add3A_50 {offsets = [0, 128], sizes = [1000, 64], strides = [1, 1]} : vector<1000x256xf32> to vector<1000x64xf32>
    %slice3A_61 = vector.extract_strided_slice %add3A_50 {offsets = [0, 192], sizes = [1000, 64], strides = [1, 1]} : vector<1000x256xf32> to vector<1000x64xf32>
    %mul3A_62 = arith.mulf %slice3A_58, %slice3A_61 : vector<1000x64xf32>
    %add3A_63 = arith.addf %slice3A_60, %mul3A_62 : vector<1000x64xf32>
    %tanh3A_64 = math.tanh %add3A_63 : vector<1000x64xf32>
    %sub3A_65 = arith.subf %broadcast_in_dim3A_4, %tanh3A_64 : vector<1000x64xf32>
    %mul3A_66 = arith.mulf %slice3A_59, %sub3A_65 : vector<1000x64xf32>
    %add3A_67 = arith.addf %tanh3A_64, %mul3A_66 : vector<1000x64xf32>
    %get3A_68 = arith.constant 1 : index
    %get3A_69 = arith.constant 0 : index
    %get3A_70 = arith.constant 0 : index
    %get3A_71 = vector.load %arg2[%get3A_68, %get3A_69, %get3A_70] : memref<20x80x256xf32, #tpu.memory_space<vmem>>, vector<1x80x256xf32>
    %get3A_72 = vector.shape_cast %get3A_71 : vector<1x80x256xf32> to vector<80x256xf32>
    %dot_general3A_73 = arith.constant dense<0.000000e+00> : vector<1000x256xf32>
    %dot_general3A_74 = tpu.matmul %get3A_1, %get3A_72, %dot_general3A_73 {dimension_numbers = #tpu.dot_dimension_numbers<[1], [0], [0], [1], [0, 0, 1, 1], [], []>, transpose_lhs_hint = false} : vector<1000x80xf32>, vector<80x256xf32>, vector<1000x256xf32> -> vector<1000x256xf32>
    %dot_general3A_75 = arith.constant dense<0.000000e+00> : vector<1000x256xf32>
    %dot_general3A_76 = tpu.matmul %add3A_38, %get3A_7, %dot_general3A_75 {dimension_numbers = #tpu.dot_dimension_numbers<[1], [0], [0], [1], [0, 0, 1, 1], [], []>, transpose_lhs_hint = false} : vector<1000x64xf32>, vector<64x256xf32>, vector<1000x256xf32> -> vector<1000x256xf32>
    %add3A_77 = arith.addf %dot_general3A_74, %dot_general3A_76 : vector<1000x256xf32>
    %add3A_78 = vector.broadcast %get3A_10 : vector<1x256xf32> to vector<1000x256xf32>
    %add3A_79 = arith.addf %add3A_77, %add3A_78 : vector<1000x256xf32>
    %slice3A_80 = vector.extract_strided_slice %add3A_79 {offsets = [0, 0], sizes = [1000, 128], strides = [1, 1]} : vector<1000x256xf32> to vector<1000x128xf32>
    %logistic3A_81 = arith.negf %slice3A_80 : vector<1000x128xf32>
    %logistic3A_82 = math.exp %logistic3A_81 : vector<1000x128xf32>
    %logistic3A_83 = arith.constant 1.000000e+00 : f32
    %logistic3A_84 = vector.broadcast %logistic3A_83 : f32 to vector<1000x128xf32>
    %logistic3A_85 = arith.addf %logistic3A_84, %logistic3A_82 : vector<1000x128xf32>
    %logistic3A_86 = arith.divf %logistic3A_84, %logistic3A_85 : vector<1000x128xf32>
    %slice3A_87 = vector.extract_strided_slice %logistic3A_86 {offsets = [0, 0], sizes = [1000, 64], strides = [1, 1]} : vector<1000x128xf32> to vector<1000x64xf32>
    %slice3A_88 = vector.extract_strided_slice %logistic3A_86 {offsets = [0, 64], sizes = [1000, 64], strides = [1, 1]} : vector<1000x128xf32> to vector<1000x64xf32>
    %slice3A_89 = vector.extract_strided_slice %add3A_79 {offsets = [0, 128], sizes = [1000, 64], strides = [1, 1]} : vector<1000x256xf32> to vector<1000x64xf32>
    %slice3A_90 = vector.extract_strided_slice %add3A_79 {offsets = [0, 192], sizes = [1000, 64], strides = [1, 1]} : vector<1000x256xf32> to vector<1000x64xf32>
    %mul3A_91 = arith.mulf %slice3A_87, %slice3A_90 : vector<1000x64xf32>
    %add3A_92 = arith.addf %slice3A_89, %mul3A_91 : vector<1000x64xf32>
    %tanh3A_93 = math.tanh %add3A_92 : vector<1000x64xf32>
    %sub3A_94 = arith.subf %add3A_38, %tanh3A_93 : vector<1000x64xf32>
    %mul3A_95 = arith.mulf %slice3A_88, %sub3A_94 : vector<1000x64xf32>
    %add3A_96 = arith.addf %tanh3A_93, %mul3A_95 : vector<1000x64xf32>
    %get3A_97 = arith.constant 18 : index
    %get3A_98 = arith.constant 0 : index
    %get3A_99 = arith.constant 0 : index
    %get3A_100 = vector.load %arg5[%get3A_97, %get3A_98, %get3A_99] : memref<20x80x256xf32, #tpu.memory_space<vmem>>, vector<1x80x256xf32>
    %get3A_101 = vector.shape_cast %get3A_100 : vector<1x80x256xf32> to vector<80x256xf32>
    %dot_general3A_102 = arith.constant dense<0.000000e+00> : vector<1000x256xf32>
    %dot_general3A_103 = tpu.matmul %get3A_1, %get3A_101, %dot_general3A_102 {dimension_numbers = #tpu.dot_dimension_numbers<[1], [0], [0], [1], [0, 0, 1, 1], [], []>, transpose_lhs_hint = false} : vector<1000x80xf32>, vector<80x256xf32>, vector<1000x256xf32> -> vector<1000x256xf32>
    %dot_general3A_104 = arith.constant dense<0.000000e+00> : vector<1000x256xf32>
    %dot_general3A_105 = tpu.matmul %add3A_67, %get3A_13, %dot_general3A_104 {dimension_numbers = #tpu.dot_dimension_numbers<[1], [0], [0], [1], [0, 0, 1, 1], [], []>, transpose_lhs_hint = false} : vector<1000x64xf32>, vector<64x256xf32>, vector<1000x256xf32> -> vector<1000x256xf32>
    %add3A_106 = arith.addf %dot_general3A_103, %dot_general3A_105 : vector<1000x256xf32>
    %add3A_107 = vector.broadcast %get3A_16 : vector<1x256xf32> to vector<1000x256xf32>
    %add3A_108 = arith.addf %add3A_106, %add3A_107 : vector<1000x256xf32>
    %slice3A_109 = vector.extract_strided_slice %add3A_108 {offsets = [0, 0], sizes = [1000, 128], strides = [1, 1]} : vector<1000x256xf32> to vector<1000x128xf32>
    %logistic3A_110 = arith.negf %slice3A_109 : vector<1000x128xf32>
    %logistic3A_111 = math.exp %logistic3A_110 : vector<1000x128xf32>
    %logistic3A_112 = arith.constant 1.000000e+00 : f32
    %logistic3A_113 = vector.broadcast %logistic3A_112 : f32 to vector<1000x128xf32>
    %logistic3A_114 = arith.addf %logistic3A_113, %logistic3A_111 : vector<1000x128xf32>
    %logistic3A_115 = arith.divf %logistic3A_113, %logistic3A_114 : vector<1000x128xf32>
    %slice3A_116 = vector.extract_strided_slice %logistic3A_115 {offsets = [0, 0], sizes = [1000, 64], strides = [1, 1]} : vector<1000x128xf32> to vector<1000x64xf32>
    %slice3A_117 = vector.extract_strided_slice %logistic3A_115 {offsets = [0, 64], sizes = [1000, 64], strides = [1, 1]} : vector<1000x128xf32> to vector<1000x64xf32>
    %slice3A_118 = vector.extract_strided_slice %add3A_108 {offsets = [0, 128], sizes = [1000, 64], strides = [1, 1]} : vector<1000x256xf32> to vector<1000x64xf32>
    %slice3A_119 = vector.extract_strided_slice %add3A_108 {offsets = [0, 192], sizes = [1000, 64], strides = [1, 1]} : vector<1000x256xf32> to vector<1000x64xf32>
    %mul3A_120 = arith.mulf %slice3A_116, %slice3A_119 : vector<1000x64xf32>
    %add3A_121 = arith.addf %slice3A_118, %mul3A_120 : vector<1000x64xf32>
    %tanh3A_122 = math.tanh %add3A_121 : vector<1000x64xf32>
    %sub3A_123 = arith.subf %add3A_67, %tanh3A_122 : vector<1000x64xf32>
    %mul3A_124 = arith.mulf %slice3A_117, %sub3A_123 : vector<1000x64xf32>
    %add3A_125 = arith.addf %tanh3A_122, %mul3A_124 : vector<1000x64xf32>
    %get3A_126 = arith.constant 2 : index
    %get3A_127 = arith.constant 0 : index
    %get3A_128 = arith.constant 0 : index
    %get3A_129 = vector.load %arg2[%get3A_126, %get3A_127, %get3A_128] : memref<20x80x256xf32, #tpu.memory_space<vmem>>, vector<1x80x256xf32>
    %get3A_130 = vector.shape_cast %get3A_129 : vector<1x80x256xf32> to vector<80x256xf32>
    %dot_general3A_131 = arith.constant dense<0.000000e+00> : vector<1000x256xf32>
    %dot_general3A_132 = tpu.matmul %get3A_1, %get3A_130, %dot_general3A_131 {dimension_numbers = #tpu.dot_dimension_numbers<[1], [0], [0], [1], [0, 0, 1, 1], [], []>, transpose_lhs_hint = false} : vector<1000x80xf32>, vector<80x256xf32>, vector<1000x256xf32> -> vector<1000x256xf32>
    %dot_general3A_133 = arith.constant dense<0.000000e+00> : vector<1000x256xf32>
    %dot_general3A_134 = tpu.matmul %add3A_96, %get3A_7, %dot_general3A_133 {dimension_numbers = #tpu.dot_dimension_numbers<[1], [0], [0], [1], [0, 0, 1, 1], [], []>, transpose_lhs_hint = false} : vector<1000x64xf32>, vector<64x256xf32>, vector<1000x256xf32> -> vector<1000x256xf32>
    %add3A_135 = arith.addf %dot_general3A_132, %dot_general3A_134 : vector<1000x256xf32>
    %add3A_136 = vector.broadcast %get3A_10 : vector<1x256xf32> to vector<1000x256xf32>
    %add3A_137 = arith.addf %add3A_135, %add3A_136 : vector<1000x256xf32>
    %slice3A_138 = vector.extract_strided_slice %add3A_137 {offsets = [0, 0], sizes = [1000, 128], strides = [1, 1]} : vector<1000x256xf32> to vector<1000x128xf32>
    %logistic3A_139 = arith.negf %slice3A_138 : vector<1000x128xf32>
    %logistic3A_140 = math.exp %logistic3A_139 : vector<1000x128xf32>
    %logistic3A_141 = arith.constant 1.000000e+00 : f32
    %logistic3A_142 = vector.broadcast %logistic3A_141 : f32 to vector<1000x128xf32>
    %logistic3A_143 = arith.addf %logistic3A_142, %logistic3A_140 : vector<1000x128xf32>
    %logistic3A_144 = arith.divf %logistic3A_142, %logistic3A_143 : vector<1000x128xf32>
    %slice3A_145 = vector.extract_strided_slice %logistic3A_144 {offsets = [0, 0], sizes = [1000, 64], strides = [1, 1]} : vector<1000x128xf32> to vector<1000x64xf32>
    %slice3A_146 = vector.extract_strided_slice %logistic3A_144 {offsets = [0, 64], sizes = [1000, 64], strides = [1, 1]} : vector<1000x128xf32> to vector<1000x64xf32>
    %slice3A_147 = vector.extract_strided_slice %add3A_137 {offsets = [0, 128], sizes = [1000, 64], strides = [1, 1]} : vector<1000x256xf32> to vector<1000x64xf32>
    %slice3A_148 = vector.extract_strided_slice %add3A_137 {offsets = [0, 192], sizes = [1000, 64], strides = [1, 1]} : vector<1000x256xf32> to vector<1000x64xf32>
    %mul3A_149 = arith.mulf %slice3A_145, %slice3A_148 : vector<1000x64xf32>
    %add3A_150 = arith.addf %slice3A_147, %mul3A_149 : vector<1000x64xf32>
    %tanh3A_151 = math.tanh %add3A_150 : vector<1000x64xf32>
    %sub3A_152 = arith.subf %add3A_96, %tanh3A_151 : vector<1000x64xf32>
    %mul3A_153 = arith.mulf %slice3A_146, %sub3A_152 : vector<1000x64xf32>
    %add3A_154 = arith.addf %tanh3A_151, %mul3A_153 : vector<1000x64xf32>
    %get3A_155 = arith.constant 17 : index
    %get3A_156 = arith.constant 0 : index
    %get3A_157 = arith.constant 0 : index
    %get3A_158 = vector.load %arg5[%get3A_155, %get3A_156, %get3A_157] : memref<20x80x256xf32, #tpu.memory_space<vmem>>, vector<1x80x256xf32>
    %get3A_159 = vector.shape_cast %get3A_158 : vector<1x80x256xf32> to vector<80x256xf32>
    %dot_general3A_160 = arith.constant dense<0.000000e+00> : vector<1000x256xf32>
    %dot_general3A_161 = tpu.matmul %get3A_1, %get3A_159, %dot_general3A_160 {dimension_numbers = #tpu.dot_dimension_numbers<[1], [0], [0], [1], [0, 0, 1, 1], [], []>, transpose_lhs_hint = false} : vector<1000x80xf32>, vector<80x256xf32>, vector<1000x256xf32> -> vector<1000x256xf32>
    %dot_general3A_162 = arith.constant dense<0.000000e+00> : vector<1000x256xf32>
    %dot_general3A_163 = tpu.matmul %add3A_125, %get3A_13, %dot_general3A_162 {dimension_numbers = #tpu.dot_dimension_numbers<[1], [0], [0], [1], [0, 0, 1, 1], [], []>, transpose_lhs_hint = false} : vector<1000x64xf32>, vector<64x256xf32>, vector<1000x256xf32> -> vector<1000x256xf32>
    %add3A_164 = arith.addf %dot_general3A_161, %dot_general3A_163 : vector<1000x256xf32>
    %add3A_165 = vector.broadcast %get3A_16 : vector<1x256xf32> to vector<1000x256xf32>
    %add3A_166 = arith.addf %add3A_164, %add3A_165 : vector<1000x256xf32>
    %slice3A_167 = vector.extract_strided_slice %add3A_166 {offsets = [0, 0], sizes = [1000, 128], strides = [1, 1]} : vector<1000x256xf32> to vector<1000x128xf32>
    %logistic3A_168 = arith.negf %slice3A_167 : vector<1000x128xf32>
    %logistic3A_169 = math.exp %logistic3A_168 : vector<1000x128xf32>
    %logistic3A_170 = arith.constant 1.000000e+00 : f32
    %logistic3A_171 = vector.broadcast %logistic3A_170 : f32 to vector<1000x128xf32>
    %logistic3A_172 = arith.addf %logistic3A_171, %logistic3A_169 : vector<1000x128xf32>
    %logistic3A_173 = arith.divf %logistic3A_171, %logistic3A_172 : vector<1000x128xf32>
    %slice3A_174 = vector.extract_strided_slice %logistic3A_173 {offsets = [0, 0], sizes = [1000, 64], strides = [1, 1]} : vector<1000x128xf32> to vector<1000x64xf32>
    %slice3A_175 = vector.extract_strided_slice %logistic3A_173 {offsets = [0, 64], sizes = [1000, 64], strides = [1, 1]} : vector<1000x128xf32> to vector<1000x64xf32>
    %slice3A_176 = vector.extract_strided_slice %add3A_166 {offsets = [0, 128], sizes = [1000, 64], strides = [1, 1]} : vector<1000x256xf32> to vector<1000x64xf32>
    %slice3A_177 = vector.extract_strided_slice %add3A_166 {offsets = [0, 192], sizes = [1000, 64], strides = [1, 1]} : vector<1000x256xf32> to vector<1000x64xf32>
    %mul3A_178 = arith.mulf %slice3A_174, %slice3A_177 : vector<1000x64xf32>
    %add3A_179 = arith.addf %slice3A_176, %mul3A_178 : vector<1000x64xf32>
    %tanh3A_180 = math.tanh %add3A_179 : vector<1000x64xf32>
    %sub3A_181 = arith.subf %add3A_125, %tanh3A_180 : vector<1000x64xf32>
    %mul3A_182 = arith.mulf %slice3A_175, %sub3A_181 : vector<1000x64xf32>
    %add3A_183 = arith.addf %tanh3A_180, %mul3A_182 : vector<1000x64xf32>
    %get3A_184 = arith.constant 3 : index
    %get3A_185 = arith.constant 0 : index
    %get3A_186 = arith.constant 0 : index
    %get3A_187 = vector.load %arg2[%get3A_184, %get3A_185, %get3A_186] : memref<20x80x256xf32, #tpu.memory_space<vmem>>, vector<1x80x256xf32>
    %get3A_188 = vector.shape_cast %get3A_187 : vector<1x80x256xf32> to vector<80x256xf32>
    %dot_general3A_189 = arith.constant dense<0.000000e+00> : vector<1000x256xf32>
    %dot_general3A_190 = tpu.matmul %get3A_1, %get3A_188, %dot_general3A_189 {dimension_numbers = #tpu.dot_dimension_numbers<[1], [0], [0], [1], [0, 0, 1, 1], [], []>, transpose_lhs_hint = false} : vector<1000x80xf32>, vector<80x256xf32>, vector<1000x256xf32> -> vector<1000x256xf32>
    %dot_general3A_191 = arith.constant dense<0.000000e+00> : vector<1000x256xf32>
    %dot_general3A_192 = tpu.matmul %add3A_154, %get3A_7, %dot_general3A_191 {dimension_numbers = #tpu.dot_dimension_numbers<[1], [0], [0], [1], [0, 0, 1, 1], [], []>, transpose_lhs_hint = false} : vector<1000x64xf32>, vector<64x256xf32>, vector<1000x256xf32> -> vector<1000x256xf32>
    %add3A_193 = arith.addf %dot_general3A_190, %dot_general3A_192 : vector<1000x256xf32>
    %add3A_194 = vector.broadcast %get3A_10 : vector<1x256xf32> to vector<1000x256xf32>
    %add3A_195 = arith.addf %add3A_193, %add3A_194 : vector<1000x256xf32>
    %slice3A_196 = vector.extract_strided_slice %add3A_195 {offsets = [0, 0], sizes = [1000, 128], strides = [1, 1]} : vector<1000x256xf32> to vector<1000x128xf32>
    %logistic3A_197 = arith.negf %slice3A_196 : vector<1000x128xf32>
    %logistic3A_198 = math.exp %logistic3A_197 : vector<1000x128xf32>
    %logistic3A_199 = arith.constant 1.000000e+00 : f32
    %logistic3A_200 = vector.broadcast %logistic3A_199 : f32 to vector<1000x128xf32>
    %logistic3A_201 = arith.addf %logistic3A_200, %logistic3A_198 : vector<1000x128xf32>
    %logistic3A_202 = arith.divf %logistic3A_200, %logistic3A_201 : vector<1000x128xf32>
    %slice3A_203 = vector.extract_strided_slice %logistic3A_202 {offsets = [0, 0], sizes = [1000, 64], strides = [1, 1]} : vector<1000x128xf32> to vector<1000x64xf32>
    %slice3A_204 = vector.extract_strided_slice %logistic3A_202 {offsets = [0, 64], sizes = [1000, 64], strides = [1, 1]} : vector<1000x128xf32> to vector<1000x64xf32>
    %slice3A_205 = vector.extract_strided_slice %add3A_195 {offsets = [0, 128], sizes = [1000, 64], strides = [1, 1]} : vector<1000x256xf32> to vector<1000x64xf32>
    %slice3A_206 = vector.extract_strided_slice %add3A_195 {offsets = [0, 192], sizes = [1000, 64], strides = [1, 1]} : vector<1000x256xf32> to vector<1000x64xf32>
    %mul3A_207 = arith.mulf %slice3A_203, %slice3A_206 : vector<1000x64xf32>
    %add3A_208 = arith.addf %slice3A_205, %mul3A_207 : vector<1000x64xf32>
    %tanh3A_209 = math.tanh %add3A_208 : vector<1000x64xf32>
    %sub3A_210 = arith.subf %add3A_154, %tanh3A_209 : vector<1000x64xf32>
    %mul3A_211 = arith.mulf %slice3A_204, %sub3A_210 : vector<1000x64xf32>
    %add3A_212 = arith.addf %tanh3A_209, %mul3A_211 : vector<1000x64xf32>
    %get3A_213 = arith.constant 16 : index
    %get3A_214 = arith.constant 0 : index
    %get3A_215 = arith.constant 0 : index
    %get3A_216 = vector.load %arg5[%get3A_213, %get3A_214, %get3A_215] : memref<20x80x256xf32, #tpu.memory_space<vmem>>, vector<1x80x256xf32>
    %get3A_217 = vector.shape_cast %get3A_216 : vector<1x80x256xf32> to vector<80x256xf32>
    %dot_general3A_218 = arith.constant dense<0.000000e+00> : vector<1000x256xf32>
    %dot_general3A_219 = tpu.matmul %get3A_1, %get3A_217, %dot_general3A_218 {dimension_numbers = #tpu.dot_dimension_numbers<[1], [0], [0], [1], [0, 0, 1, 1], [], []>, transpose_lhs_hint = false} : vector<1000x80xf32>, vector<80x256xf32>, vector<1000x256xf32> -> vector<1000x256xf32>
    %dot_general3A_220 = arith.constant dense<0.000000e+00> : vector<1000x256xf32>
    %dot_general3A_221 = tpu.matmul %add3A_183, %get3A_13, %dot_general3A_220 {dimension_numbers = #tpu.dot_dimension_numbers<[1], [0], [0], [1], [0, 0, 1, 1], [], []>, transpose_lhs_hint = false} : vector<1000x64xf32>, vector<64x256xf32>, vector<1000x256xf32> -> vector<1000x256xf32>
    %add3A_222 = arith.addf %dot_general3A_219, %dot_general3A_221 : vector<1000x256xf32>
    %add3A_223 = vector.broadcast %get3A_16 : vector<1x256xf32> to vector<1000x256xf32>
    %add3A_224 = arith.addf %add3A_222, %add3A_223 : vector<1000x256xf32>
    %slice3A_225 = vector.extract_strided_slice %add3A_224 {offsets = [0, 0], sizes = [1000, 128], strides = [1, 1]} : vector<1000x256xf32> to vector<1000x128xf32>
    %logistic3A_226 = arith.negf %slice3A_225 : vector<1000x128xf32>
    %logistic3A_227 = math.exp %logistic3A_226 : vector<1000x128xf32>
    %logistic3A_228 = arith.constant 1.000000e+00 : f32
    %logistic3A_229 = vector.broadcast %logistic3A_228 : f32 to vector<1000x128xf32>
    %logistic3A_230 = arith.addf %logistic3A_229, %logistic3A_227 : vector<1000x128xf32>
    %logistic3A_231 = arith.divf %logistic3A_229, %logistic3A_230 : vector<1000x128xf32>
    %slice3A_232 = vector.extract_strided_slice %logistic3A_231 {offsets = [0, 0], sizes = [1000, 64], strides = [1, 1]} : vector<1000x128xf32> to vector<1000x64xf32>
    %slice3A_233 = vector.extract_strided_slice %logistic3A_231 {offsets = [0, 64], sizes = [1000, 64], strides = [1, 1]} : vector<1000x128xf32> to vector<1000x64xf32>
    %slice3A_234 = vector.extract_strided_slice %add3A_224 {offsets = [0, 128], sizes = [1000, 64], strides = [1, 1]} : vector<1000x256xf32> to vector<1000x64xf32>
    %slice3A_235 = vector.extract_strided_slice %add3A_224 {offsets = [0, 192], sizes = [1000, 64], strides = [1, 1]} : vector<1000x256xf32> to vector<1000x64xf32>
    %mul3A_236 = arith.mulf %slice3A_232, %slice3A_235 : vector<1000x64xf32>
    %add3A_237 = arith.addf %slice3A_234, %mul3A_236 : vector<1000x64xf32>
    %tanh3A_238 = math.tanh %add3A_237 : vector<1000x64xf32>
    %sub3A_239 = arith.subf %add3A_183, %tanh3A_238 : vector<1000x64xf32>
    %mul3A_240 = arith.mulf %slice3A_233, %sub3A_239 : vector<1000x64xf32>
    %add3A_241 = arith.addf %tanh3A_238, %mul3A_240 : vector<1000x64xf32>
    %get3A_242 = arith.constant 4 : index
    %get3A_243 = arith.constant 0 : index
    %get3A_244 = arith.constant 0 : index
    %get3A_245 = vector.load %arg2[%get3A_242, %get3A_243, %get3A_244] : memref<20x80x256xf32, #tpu.memory_space<vmem>>, vector<1x80x256xf32>
    %get3A_246 = vector.shape_cast %get3A_245 : vector<1x80x256xf32> to vector<80x256xf32>
    %dot_general3A_247 = arith.constant dense<0.000000e+00> : vector<1000x256xf32>
    %dot_general3A_248 = tpu.matmul %get3A_1, %get3A_246, %dot_general3A_247 {dimension_numbers = #tpu.dot_dimension_numbers<[1], [0], [0], [1], [0, 0, 1, 1], [], []>, transpose_lhs_hint = false} : vector<1000x80xf32>, vector<80x256xf32>, vector<1000x256xf32> -> vector<1000x256xf32>
    %dot_general3A_249 = arith.constant dense<0.000000e+00> : vector<1000x256xf32>
    %dot_general3A_250 = tpu.matmul %add3A_212, %get3A_7, %dot_general3A_249 {dimension_numbers = #tpu.dot_dimension_numbers<[1], [0], [0], [1], [0, 0, 1, 1], [], []>, transpose_lhs_hint = false} : vector<1000x64xf32>, vector<64x256xf32>, vector<1000x256xf32> -> vector<1000x256xf32>
    %add3A_251 = arith.addf %dot_general3A_248, %dot_general3A_250 : vector<1000x256xf32>
    %add3A_252 = vector.broadcast %get3A_10 : vector<1x256xf32> to vector<1000x256xf32>
    %add3A_253 = arith.addf %add3A_251, %add3A_252 : vector<1000x256xf32>
    %slice3A_254 = vector.extract_strided_slice %add3A_253 {offsets = [0, 0], sizes = [1000, 128], strides = [1, 1]} : vector<1000x256xf32> to vector<1000x128xf32>
    %logistic3A_255 = arith.negf %slice3A_254 : vector<1000x128xf32>
    %logistic3A_256 = math.exp %logistic3A_255 : vector<1000x128xf32>
    %logistic3A_257 = arith.constant 1.000000e+00 : f32
    %logistic3A_258 = vector.broadcast %logistic3A_257 : f32 to vector<1000x128xf32>
    %logistic3A_259 = arith.addf %logistic3A_258, %logistic3A_256 : vector<1000x128xf32>
    %logistic3A_260 = arith.divf %logistic3A_258, %logistic3A_259 : vector<1000x128xf32>
    %slice3A_261 = vector.extract_strided_slice %logistic3A_260 {offsets = [0, 0], sizes = [1000, 64], strides = [1, 1]} : vector<1000x128xf32> to vector<1000x64xf32>
    %slice3A_262 = vector.extract_strided_slice %logistic3A_260 {offsets = [0, 64], sizes = [1000, 64], strides = [1, 1]} : vector<1000x128xf32> to vector<1000x64xf32>
    %slice3A_263 = vector.extract_strided_slice %add3A_253 {offsets = [0, 128], sizes = [1000, 64], strides = [1, 1]} : vector<1000x256xf32> to vector<1000x64xf32>
    %slice3A_264 = vector.extract_strided_slice %add3A_253 {offsets = [0, 192], sizes = [1000, 64], strides = [1, 1]} : vector<1000x256xf32> to vector<1000x64xf32>
    %mul3A_265 = arith.mulf %slice3A_261, %slice3A_264 : vector<1000x64xf32>
    %add3A_266 = arith.addf %slice3A_263, %mul3A_265 : vector<1000x64xf32>
    %tanh3A_267 = math.tanh %add3A_266 : vector<1000x64xf32>
    %sub3A_268 = arith.subf %add3A_212, %tanh3A_267 : vector<1000x64xf32>
    %mul3A_269 = arith.mulf %slice3A_262, %sub3A_268 : vector<1000x64xf32>
    %add3A_270 = arith.addf %tanh3A_267, %mul3A_269 : vector<1000x64xf32>
    %get3A_271 = arith.constant 15 : index
    %get3A_272 = arith.constant 0 : index
    %get3A_273 = arith.constant 0 : index
    %get3A_274 = vector.load %arg5[%get3A_271, %get3A_272, %get3A_273] : memref<20x80x256xf32, #tpu.memory_space<vmem>>, vector<1x80x256xf32>
    %get3A_275 = vector.shape_cast %get3A_274 : vector<1x80x256xf32> to vector<80x256xf32>
    %dot_general3A_276 = arith.constant dense<0.000000e+00> : vector<1000x256xf32>
    %dot_general3A_277 = tpu.matmul %get3A_1, %get3A_275, %dot_general3A_276 {dimension_numbers = #tpu.dot_dimension_numbers<[1], [0], [0], [1], [0, 0, 1, 1], [], []>, transpose_lhs_hint = false} : vector<1000x80xf32>, vector<80x256xf32>, vector<1000x256xf32> -> vector<1000x256xf32>
    %dot_general3A_278 = arith.constant dense<0.000000e+00> : vector<1000x256xf32>
    %dot_general3A_279 = tpu.matmul %add3A_241, %get3A_13, %dot_general3A_278 {dimension_numbers = #tpu.dot_dimension_numbers<[1], [0], [0], [1], [0, 0, 1, 1], [], []>, transpose_lhs_hint = false} : vector<1000x64xf32>, vector<64x256xf32>, vector<1000x256xf32> -> vector<1000x256xf32>
    %add3A_280 = arith.addf %dot_general3A_277, %dot_general3A_279 : vector<1000x256xf32>
    %add3A_281 = vector.broadcast %get3A_16 : vector<1x256xf32> to vector<1000x256xf32>
    %add3A_282 = arith.addf %add3A_280, %add3A_281 : vector<1000x256xf32>
    %slice3A_283 = vector.extract_strided_slice %add3A_282 {offsets = [0, 0], sizes = [1000, 128], strides = [1, 1]} : vector<1000x256xf32> to vector<1000x128xf32>
    %logistic3A_284 = arith.negf %slice3A_283 : vector<1000x128xf32>
    %logistic3A_285 = math.exp %logistic3A_284 : vector<1000x128xf32>
    %logistic3A_286 = arith.constant 1.000000e+00 : f32
    %logistic3A_287 = vector.broadcast %logistic3A_286 : f32 to vector<1000x128xf32>
    %logistic3A_288 = arith.addf %logistic3A_287, %logistic3A_285 : vector<1000x128xf32>
    %logistic3A_289 = arith.divf %logistic3A_287, %logistic3A_288 : vector<1000x128xf32>
    %slice3A_290 = vector.extract_strided_slice %logistic3A_289 {offsets = [0, 0], sizes = [1000, 64], strides = [1, 1]} : vector<1000x128xf32> to vector<1000x64xf32>
    %slice3A_291 = vector.extract_strided_slice %logistic3A_289 {offsets = [0, 64], sizes = [1000, 64], strides = [1, 1]} : vector<1000x128xf32> to vector<1000x64xf32>
    %slice3A_292 = vector.extract_strided_slice %add3A_282 {offsets = [0, 128], sizes = [1000, 64], strides = [1, 1]} : vector<1000x256xf32> to vector<1000x64xf32>
    %slice3A_293 = vector.extract_strided_slice %add3A_282 {offsets = [0, 192], sizes = [1000, 64], strides = [1, 1]} : vector<1000x256xf32> to vector<1000x64xf32>
    %mul3A_294 = arith.mulf %slice3A_290, %slice3A_293 : vector<1000x64xf32>
    %add3A_295 = arith.addf %slice3A_292, %mul3A_294 : vector<1000x64xf32>
    %tanh3A_296 = math.tanh %add3A_295 : vector<1000x64xf32>
    %sub3A_297 = arith.subf %add3A_241, %tanh3A_296 : vector<1000x64xf32>
    %mul3A_298 = arith.mulf %slice3A_291, %sub3A_297 : vector<1000x64xf32>
    %add3A_299 = arith.addf %tanh3A_296, %mul3A_298 : vector<1000x64xf32>
    %get3A_300 = arith.constant 5 : index
    %get3A_301 = arith.constant 0 : index
    %get3A_302 = arith.constant 0 : index
    %get3A_303 = vector.load %arg2[%get3A_300, %get3A_301, %get3A_302] : memref<20x80x256xf32, #tpu.memory_space<vmem>>, vector<1x80x256xf32>
    %get3A_304 = vector.shape_cast %get3A_303 : vector<1x80x256xf32> to vector<80x256xf32>
    %dot_general3A_305 = arith.constant dense<0.000000e+00> : vector<1000x256xf32>
    %dot_general3A_306 = tpu.matmul %get3A_1, %get3A_304, %dot_general3A_305 {dimension_numbers = #tpu.dot_dimension_numbers<[1], [0], [0], [1], [0, 0, 1, 1], [], []>, transpose_lhs_hint = false} : vector<1000x80xf32>, vector<80x256xf32>, vector<1000x256xf32> -> vector<1000x256xf32>
    %dot_general3A_307 = arith.constant dense<0.000000e+00> : vector<1000x256xf32>
    %dot_general3A_308 = tpu.matmul %add3A_270, %get3A_7, %dot_general3A_307 {dimension_numbers = #tpu.dot_dimension_numbers<[1], [0], [0], [1], [0, 0, 1, 1], [], []>, transpose_lhs_hint = false} : vector<1000x64xf32>, vector<64x256xf32>, vector<1000x256xf32> -> vector<1000x256xf32>
    %add3A_309 = arith.addf %dot_general3A_306, %dot_general3A_308 : vector<1000x256xf32>
    %add3A_310 = vector.broadcast %get3A_10 : vector<1x256xf32> to vector<1000x256xf32>
    %add3A_311 = arith.addf %add3A_309, %add3A_310 : vector<1000x256xf32>
    %slice3A_312 = vector.extract_strided_slice %add3A_311 {offsets = [0, 0], sizes = [1000, 128], strides = [1, 1]} : vector<1000x256xf32> to vector<1000x128xf32>
    %logistic3A_313 = arith.negf %slice3A_312 : vector<1000x128xf32>
    %logistic3A_314 = math.exp %logistic3A_313 : vector<1000x128xf32>
    %logistic3A_315 = arith.constant 1.000000e+00 : f32
    %logistic3A_316 = vector.broadcast %logistic3A_315 : f32 to vector<1000x128xf32>
    %logistic3A_317 = arith.addf %logistic3A_316, %logistic3A_314 : vector<1000x128xf32>
    %logistic3A_318 = arith.divf %logistic3A_316, %logistic3A_317 : vector<1000x128xf32>
    %slice3A_319 = vector.extract_strided_slice %logistic3A_318 {offsets = [0, 0], sizes = [1000, 64], strides = [1, 1]} : vector<1000x128xf32> to vector<1000x64xf32>
    %slice3A_320 = vector.extract_strided_slice %logistic3A_318 {offsets = [0, 64], sizes = [1000, 64], strides = [1, 1]} : vector<1000x128xf32> to vector<1000x64xf32>
    %slice3A_321 = vector.extract_strided_slice %add3A_311 {offsets = [0, 128], sizes = [1000, 64], strides = [1, 1]} : vector<1000x256xf32> to vector<1000x64xf32>
    %slice3A_322 = vector.extract_strided_slice %add3A_311 {offsets = [0, 192], sizes = [1000, 64], strides = [1, 1]} : vector<1000x256xf32> to vector<1000x64xf32>
    %mul3A_323 = arith.mulf %slice3A_319, %slice3A_322 : vector<1000x64xf32>
    %add3A_324 = arith.addf %slice3A_321, %mul3A_323 : vector<1000x64xf32>
    %tanh3A_325 = math.tanh %add3A_324 : vector<1000x64xf32>
    %sub3A_326 = arith.subf %add3A_270, %tanh3A_325 : vector<1000x64xf32>
    %mul3A_327 = arith.mulf %slice3A_320, %sub3A_326 : vector<1000x64xf32>
    %add3A_328 = arith.addf %tanh3A_325, %mul3A_327 : vector<1000x64xf32>
    %get3A_329 = arith.constant 14 : index
    %get3A_330 = arith.constant 0 : index
    %get3A_331 = arith.constant 0 : index
    %get3A_332 = vector.load %arg5[%get3A_329, %get3A_330, %get3A_331] : memref<20x80x256xf32, #tpu.memory_space<vmem>>, vector<1x80x256xf32>
    %get3A_333 = vector.shape_cast %get3A_332 : vector<1x80x256xf32> to vector<80x256xf32>
    %dot_general3A_334 = arith.constant dense<0.000000e+00> : vector<1000x256xf32>
    %dot_general3A_335 = tpu.matmul %get3A_1, %get3A_333, %dot_general3A_334 {dimension_numbers = #tpu.dot_dimension_numbers<[1], [0], [0], [1], [0, 0, 1, 1], [], []>, transpose_lhs_hint = false} : vector<1000x80xf32>, vector<80x256xf32>, vector<1000x256xf32> -> vector<1000x256xf32>
    %dot_general3A_336 = arith.constant dense<0.000000e+00> : vector<1000x256xf32>
    %dot_general3A_337 = tpu.matmul %add3A_299, %get3A_13, %dot_general3A_336 {dimension_numbers = #tpu.dot_dimension_numbers<[1], [0], [0], [1], [0, 0, 1, 1], [], []>, transpose_lhs_hint = false} : vector<1000x64xf32>, vector<64x256xf32>, vector<1000x256xf32> -> vector<1000x256xf32>
    %add3A_338 = arith.addf %dot_general3A_335, %dot_general3A_337 : vector<1000x256xf32>
    %add3A_339 = vector.broadcast %get3A_16 : vector<1x256xf32> to vector<1000x256xf32>
    %add3A_340 = arith.addf %add3A_338, %add3A_339 : vector<1000x256xf32>
    %slice3A_341 = vector.extract_strided_slice %add3A_340 {offsets = [0, 0], sizes = [1000, 128], strides = [1, 1]} : vector<1000x256xf32> to vector<1000x128xf32>
    %logistic3A_342 = arith.negf %slice3A_341 : vector<1000x128xf32>
    %logistic3A_343 = math.exp %logistic3A_342 : vector<1000x128xf32>
    %logistic3A_344 = arith.constant 1.000000e+00 : f32
    %logistic3A_345 = vector.broadcast %logistic3A_344 : f32 to vector<1000x128xf32>
    %logistic3A_346 = arith.addf %logistic3A_345, %logistic3A_343 : vector<1000x128xf32>
    %logistic3A_347 = arith.divf %logistic3A_345, %logistic3A_346 : vector<1000x128xf32>
    %slice3A_348 = vector.extract_strided_slice %logistic3A_347 {offsets = [0, 0], sizes = [1000, 64], strides = [1, 1]} : vector<1000x128xf32> to vector<1000x64xf32>
    %slice3A_349 = vector.extract_strided_slice %logistic3A_347 {offsets = [0, 64], sizes = [1000, 64], strides = [1, 1]} : vector<1000x128xf32> to vector<1000x64xf32>
    %slice3A_350 = vector.extract_strided_slice %add3A_340 {offsets = [0, 128], sizes = [1000, 64], strides = [1, 1]} : vector<1000x256xf32> to vector<1000x64xf32>
    %slice3A_351 = vector.extract_strided_slice %add3A_340 {offsets = [0, 192], sizes = [1000, 64], strides = [1, 1]} : vector<1000x256xf32> to vector<1000x64xf32>
    %mul3A_352 = arith.mulf %slice3A_348, %slice3A_351 : vector<1000x64xf32>
    %add3A_353 = arith.addf %slice3A_350, %mul3A_352 : vector<1000x64xf32>
    %tanh3A_354 = math.tanh %add3A_353 : vector<1000x64xf32>
    %sub3A_355 = arith.subf %add3A_299, %tanh3A_354 : vector<1000x64xf32>
    %mul3A_356 = arith.mulf %slice3A_349, %sub3A_355 : vector<1000x64xf32>
    %add3A_357 = arith.addf %tanh3A_354, %mul3A_356 : vector<1000x64xf32>
    %get3A_358 = arith.constant 6 : index
    %get3A_359 = arith.constant 0 : index
    %get3A_360 = arith.constant 0 : index
    %get3A_361 = vector.load %arg2[%get3A_358, %get3A_359, %get3A_360] : memref<20x80x256xf32, #tpu.memory_space<vmem>>, vector<1x80x256xf32>
    %get3A_362 = vector.shape_cast %get3A_361 : vector<1x80x256xf32> to vector<80x256xf32>
    %dot_general3A_363 = arith.constant dense<0.000000e+00> : vector<1000x256xf32>
    %dot_general3A_364 = tpu.matmul %get3A_1, %get3A_362, %dot_general3A_363 {dimension_numbers = #tpu.dot_dimension_numbers<[1], [0], [0], [1], [0, 0, 1, 1], [], []>, transpose_lhs_hint = false} : vector<1000x80xf32>, vector<80x256xf32>, vector<1000x256xf32> -> vector<1000x256xf32>
    %dot_general3A_365 = arith.constant dense<0.000000e+00> : vector<1000x256xf32>
    %dot_general3A_366 = tpu.matmul %add3A_328, %get3A_7, %dot_general3A_365 {dimension_numbers = #tpu.dot_dimension_numbers<[1], [0], [0], [1], [0, 0, 1, 1], [], []>, transpose_lhs_hint = false} : vector<1000x64xf32>, vector<64x256xf32>, vector<1000x256xf32> -> vector<1000x256xf32>
    %add3A_367 = arith.addf %dot_general3A_364, %dot_general3A_366 : vector<1000x256xf32>
    %add3A_368 = vector.broadcast %get3A_10 : vector<1x256xf32> to vector<1000x256xf32>
    %add3A_369 = arith.addf %add3A_367, %add3A_368 : vector<1000x256xf32>
    %slice3A_370 = vector.extract_strided_slice %add3A_369 {offsets = [0, 0], sizes = [1000, 128], strides = [1, 1]} : vector<1000x256xf32> to vector<1000x128xf32>
    %logistic3A_371 = arith.negf %slice3A_370 : vector<1000x128xf32>
    %logistic3A_372 = math.exp %logistic3A_371 : vector<1000x128xf32>
    %logistic3A_373 = arith.constant 1.000000e+00 : f32
    %logistic3A_374 = vector.broadcast %logistic3A_373 : f32 to vector<1000x128xf32>
    %logistic3A_375 = arith.addf %logistic3A_374, %logistic3A_372 : vector<1000x128xf32>
    %logistic3A_376 = arith.divf %logistic3A_374, %logistic3A_375 : vector<1000x128xf32>
    %slice3A_377 = vector.extract_strided_slice %logistic3A_376 {offsets = [0, 0], sizes = [1000, 64], strides = [1, 1]} : vector<1000x128xf32> to vector<1000x64xf32>
    %slice3A_378 = vector.extract_strided_slice %logistic3A_376 {offsets = [0, 64], sizes = [1000, 64], strides = [1, 1]} : vector<1000x128xf32> to vector<1000x64xf32>
    %slice3A_379 = vector.extract_strided_slice %add3A_369 {offsets = [0, 128], sizes = [1000, 64], strides = [1, 1]} : vector<1000x256xf32> to vector<1000x64xf32>
    %slice3A_380 = vector.extract_strided_slice %add3A_369 {offsets = [0, 192], sizes = [1000, 64], strides = [1, 1]} : vector<1000x256xf32> to vector<1000x64xf32>
    %mul3A_381 = arith.mulf %slice3A_377, %slice3A_380 : vector<1000x64xf32>
    %add3A_382 = arith.addf %slice3A_379, %mul3A_381 : vector<1000x64xf32>
    %tanh3A_383 = math.tanh %add3A_382 : vector<1000x64xf32>
    %sub3A_384 = arith.subf %add3A_328, %tanh3A_383 : vector<1000x64xf32>
    %mul3A_385 = arith.mulf %slice3A_378, %sub3A_384 : vector<1000x64xf32>
    %add3A_386 = arith.addf %tanh3A_383, %mul3A_385 : vector<1000x64xf32>
    %get3A_387 = arith.constant 13 : index
    %get3A_388 = arith.constant 0 : index
    %get3A_389 = arith.constant 0 : index
    %get3A_390 = vector.load %arg5[%get3A_387, %get3A_388, %get3A_389] : memref<20x80x256xf32, #tpu.memory_space<vmem>>, vector<1x80x256xf32>
    %get3A_391 = vector.shape_cast %get3A_390 : vector<1x80x256xf32> to vector<80x256xf32>
    %dot_general3A_392 = arith.constant dense<0.000000e+00> : vector<1000x256xf32>
    %dot_general3A_393 = tpu.matmul %get3A_1, %get3A_391, %dot_general3A_392 {dimension_numbers = #tpu.dot_dimension_numbers<[1], [0], [0], [1], [0, 0, 1, 1], [], []>, transpose_lhs_hint = false} : vector<1000x80xf32>, vector<80x256xf32>, vector<1000x256xf32> -> vector<1000x256xf32>
    %dot_general3A_394 = arith.constant dense<0.000000e+00> : vector<1000x256xf32>
    %dot_general3A_395 = tpu.matmul %add3A_357, %get3A_13, %dot_general3A_394 {dimension_numbers = #tpu.dot_dimension_numbers<[1], [0], [0], [1], [0, 0, 1, 1], [], []>, transpose_lhs_hint = false} : vector<1000x64xf32>, vector<64x256xf32>, vector<1000x256xf32> -> vector<1000x256xf32>
    %add3A_396 = arith.addf %dot_general3A_393, %dot_general3A_395 : vector<1000x256xf32>
    %add3A_397 = vector.broadcast %get3A_16 : vector<1x256xf32> to vector<1000x256xf32>
    %add3A_398 = arith.addf %add3A_396, %add3A_397 : vector<1000x256xf32>
    %slice3A_399 = vector.extract_strided_slice %add3A_398 {offsets = [0, 0], sizes = [1000, 128], strides = [1, 1]} : vector<1000x256xf32> to vector<1000x128xf32>
    %logistic3A_400 = arith.negf %slice3A_399 : vector<1000x128xf32>
    %logistic3A_401 = math.exp %logistic3A_400 : vector<1000x128xf32>
    %logistic3A_402 = arith.constant 1.000000e+00 : f32
    %logistic3A_403 = vector.broadcast %logistic3A_402 : f32 to vector<1000x128xf32>
    %logistic3A_404 = arith.addf %logistic3A_403, %logistic3A_401 : vector<1000x128xf32>
    %logistic3A_405 = arith.divf %logistic3A_403, %logistic3A_404 : vector<1000x128xf32>
    %slice3A_406 = vector.extract_strided_slice %logistic3A_405 {offsets = [0, 0], sizes = [1000, 64], strides = [1, 1]} : vector<1000x128xf32> to vector<1000x64xf32>
    %slice3A_407 = vector.extract_strided_slice %logistic3A_405 {offsets = [0, 64], sizes = [1000, 64], strides = [1, 1]} : vector<1000x128xf32> to vector<1000x64xf32>
    %slice3A_408 = vector.extract_strided_slice %add3A_398 {offsets = [0, 128], sizes = [1000, 64], strides = [1, 1]} : vector<1000x256xf32> to vector<1000x64xf32>
    %slice3A_409 = vector.extract_strided_slice %add3A_398 {offsets = [0, 192], sizes = [1000, 64], strides = [1, 1]} : vector<1000x256xf32> to vector<1000x64xf32>
    %mul3A_410 = arith.mulf %slice3A_406, %slice3A_409 : vector<1000x64xf32>
    %add3A_411 = arith.addf %slice3A_408, %mul3A_410 : vector<1000x64xf32>
    %tanh3A_412 = math.tanh %add3A_411 : vector<1000x64xf32>
    %sub3A_413 = arith.subf %add3A_357, %tanh3A_412 : vector<1000x64xf32>
    %mul3A_414 = arith.mulf %slice3A_407, %sub3A_413 : vector<1000x64xf32>
    %add3A_415 = arith.addf %tanh3A_412, %mul3A_414 : vector<1000x64xf32>
    %get3A_416 = arith.constant 7 : index
    %get3A_417 = arith.constant 0 : index
    %get3A_418 = arith.constant 0 : index
    %get3A_419 = vector.load %arg2[%get3A_416, %get3A_417, %get3A_418] : memref<20x80x256xf32, #tpu.memory_space<vmem>>, vector<1x80x256xf32>
    %get3A_420 = vector.shape_cast %get3A_419 : vector<1x80x256xf32> to vector<80x256xf32>
    %dot_general3A_421 = arith.constant dense<0.000000e+00> : vector<1000x256xf32>
    %dot_general3A_422 = tpu.matmul %get3A_1, %get3A_420, %dot_general3A_421 {dimension_numbers = #tpu.dot_dimension_numbers<[1], [0], [0], [1], [0, 0, 1, 1], [], []>, transpose_lhs_hint = false} : vector<1000x80xf32>, vector<80x256xf32>, vector<1000x256xf32> -> vector<1000x256xf32>
    %dot_general3A_423 = arith.constant dense<0.000000e+00> : vector<1000x256xf32>
    %dot_general3A_424 = tpu.matmul %add3A_386, %get3A_7, %dot_general3A_423 {dimension_numbers = #tpu.dot_dimension_numbers<[1], [0], [0], [1], [0, 0, 1, 1], [], []>, transpose_lhs_hint = false} : vector<1000x64xf32>, vector<64x256xf32>, vector<1000x256xf32> -> vector<1000x256xf32>
    %add3A_425 = arith.addf %dot_general3A_422, %dot_general3A_424 : vector<1000x256xf32>
    %add3A_426 = vector.broadcast %get3A_10 : vector<1x256xf32> to vector<1000x256xf32>
    %add3A_427 = arith.addf %add3A_425, %add3A_426 : vector<1000x256xf32>
    %slice3A_428 = vector.extract_strided_slice %add3A_427 {offsets = [0, 0], sizes = [1000, 128], strides = [1, 1]} : vector<1000x256xf32> to vector<1000x128xf32>
    %logistic3A_429 = arith.negf %slice3A_428 : vector<1000x128xf32>
    %logistic3A_430 = math.exp %logistic3A_429 : vector<1000x128xf32>
    %logistic3A_431 = arith.constant 1.000000e+00 : f32
    %logistic3A_432 = vector.broadcast %logistic3A_431 : f32 to vector<1000x128xf32>
    %logistic3A_433 = arith.addf %logistic3A_432, %logistic3A_430 : vector<1000x128xf32>
    %logistic3A_434 = arith.divf %logistic3A_432, %logistic3A_433 : vector<1000x128xf32>
    %slice3A_435 = vector.extract_strided_slice %logistic3A_434 {offsets = [0, 0], sizes = [1000, 64], strides = [1, 1]} : vector<1000x128xf32> to vector<1000x64xf32>
    %slice3A_436 = vector.extract_strided_slice %logistic3A_434 {offsets = [0, 64], sizes = [1000, 64], strides = [1, 1]} : vector<1000x128xf32> to vector<1000x64xf32>
    %slice3A_437 = vector.extract_strided_slice %add3A_427 {offsets = [0, 128], sizes = [1000, 64], strides = [1, 1]} : vector<1000x256xf32> to vector<1000x64xf32>
    %slice3A_438 = vector.extract_strided_slice %add3A_427 {offsets = [0, 192], sizes = [1000, 64], strides = [1, 1]} : vector<1000x256xf32> to vector<1000x64xf32>
    %mul3A_439 = arith.mulf %slice3A_435, %slice3A_438 : vector<1000x64xf32>
    %add3A_440 = arith.addf %slice3A_437, %mul3A_439 : vector<1000x64xf32>
    %tanh3A_441 = math.tanh %add3A_440 : vector<1000x64xf32>
    %sub3A_442 = arith.subf %add3A_386, %tanh3A_441 : vector<1000x64xf32>
    %mul3A_443 = arith.mulf %slice3A_436, %sub3A_442 : vector<1000x64xf32>
    %add3A_444 = arith.addf %tanh3A_441, %mul3A_443 : vector<1000x64xf32>
    %get3A_445 = arith.constant 12 : index
    %get3A_446 = arith.constant 0 : index
    %get3A_447 = arith.constant 0 : index
    %get3A_448 = vector.load %arg5[%get3A_445, %get3A_446, %get3A_447] : memref<20x80x256xf32, #tpu.memory_space<vmem>>, vector<1x80x256xf32>
    %get3A_449 = vector.shape_cast %get3A_448 : vector<1x80x256xf32> to vector<80x256xf32>
    %dot_general3A_450 = arith.constant dense<0.000000e+00> : vector<1000x256xf32>
    %dot_general3A_451 = tpu.matmul %get3A_1, %get3A_449, %dot_general3A_450 {dimension_numbers = #tpu.dot_dimension_numbers<[1], [0], [0], [1], [0, 0, 1, 1], [], []>, transpose_lhs_hint = false} : vector<1000x80xf32>, vector<80x256xf32>, vector<1000x256xf32> -> vector<1000x256xf32>
    %dot_general3A_452 = arith.constant dense<0.000000e+00> : vector<1000x256xf32>
    %dot_general3A_453 = tpu.matmul %add3A_415, %get3A_13, %dot_general3A_452 {dimension_numbers = #tpu.dot_dimension_numbers<[1], [0], [0], [1], [0, 0, 1, 1], [], []>, transpose_lhs_hint = false} : vector<1000x64xf32>, vector<64x256xf32>, vector<1000x256xf32> -> vector<1000x256xf32>
    %add3A_454 = arith.addf %dot_general3A_451, %dot_general3A_453 : vector<1000x256xf32>
    %add3A_455 = vector.broadcast %get3A_16 : vector<1x256xf32> to vector<1000x256xf32>
    %add3A_456 = arith.addf %add3A_454, %add3A_455 : vector<1000x256xf32>
    %slice3A_457 = vector.extract_strided_slice %add3A_456 {offsets = [0, 0], sizes = [1000, 128], strides = [1, 1]} : vector<1000x256xf32> to vector<1000x128xf32>
    %logistic3A_458 = arith.negf %slice3A_457 : vector<1000x128xf32>
    %logistic3A_459 = math.exp %logistic3A_458 : vector<1000x128xf32>
    %logistic3A_460 = arith.constant 1.000000e+00 : f32
    %logistic3A_461 = vector.broadcast %logistic3A_460 : f32 to vector<1000x128xf32>
    %logistic3A_462 = arith.addf %logistic3A_461, %logistic3A_459 : vector<1000x128xf32>
    %logistic3A_463 = arith.divf %logistic3A_461, %logistic3A_462 : vector<1000x128xf32>
    %slice3A_464 = vector.extract_strided_slice %logistic3A_463 {offsets = [0, 0], sizes = [1000, 64], strides = [1, 1]} : vector<1000x128xf32> to vector<1000x64xf32>
    %slice3A_465 = vector.extract_strided_slice %logistic3A_463 {offsets = [0, 64], sizes = [1000, 64], strides = [1, 1]} : vector<1000x128xf32> to vector<1000x64xf32>
    %slice3A_466 = vector.extract_strided_slice %add3A_456 {offsets = [0, 128], sizes = [1000, 64], strides = [1, 1]} : vector<1000x256xf32> to vector<1000x64xf32>
    %slice3A_467 = vector.extract_strided_slice %add3A_456 {offsets = [0, 192], sizes = [1000, 64], strides = [1, 1]} : vector<1000x256xf32> to vector<1000x64xf32>
    %mul3A_468 = arith.mulf %slice3A_464, %slice3A_467 : vector<1000x64xf32>
    %add3A_469 = arith.addf %slice3A_466, %mul3A_468 : vector<1000x64xf32>
    %tanh3A_470 = math.tanh %add3A_469 : vector<1000x64xf32>
    %sub3A_471 = arith.subf %add3A_415, %tanh3A_470 : vector<1000x64xf32>
    %mul3A_472 = arith.mulf %slice3A_465, %sub3A_471 : vector<1000x64xf32>
    %add3A_473 = arith.addf %tanh3A_470, %mul3A_472 : vector<1000x64xf32>
    %get3A_474 = arith.constant 8 : index
    %get3A_475 = arith.constant 0 : index
    %get3A_476 = arith.constant 0 : index
    %get3A_477 = vector.load %arg2[%get3A_474, %get3A_475, %get3A_476] : memref<20x80x256xf32, #tpu.memory_space<vmem>>, vector<1x80x256xf32>
    %get3A_478 = vector.shape_cast %get3A_477 : vector<1x80x256xf32> to vector<80x256xf32>
    %dot_general3A_479 = arith.constant dense<0.000000e+00> : vector<1000x256xf32>
    %dot_general3A_480 = tpu.matmul %get3A_1, %get3A_478, %dot_general3A_479 {dimension_numbers = #tpu.dot_dimension_numbers<[1], [0], [0], [1], [0, 0, 1, 1], [], []>, transpose_lhs_hint = false} : vector<1000x80xf32>, vector<80x256xf32>, vector<1000x256xf32> -> vector<1000x256xf32>
    %dot_general3A_481 = arith.constant dense<0.000000e+00> : vector<1000x256xf32>
    %dot_general3A_482 = tpu.matmul %add3A_444, %get3A_7, %dot_general3A_481 {dimension_numbers = #tpu.dot_dimension_numbers<[1], [0], [0], [1], [0, 0, 1, 1], [], []>, transpose_lhs_hint = false} : vector<1000x64xf32>, vector<64x256xf32>, vector<1000x256xf32> -> vector<1000x256xf32>
    %add3A_483 = arith.addf %dot_general3A_480, %dot_general3A_482 : vector<1000x256xf32>
    %add3A_484 = vector.broadcast %get3A_10 : vector<1x256xf32> to vector<1000x256xf32>
    %add3A_485 = arith.addf %add3A_483, %add3A_484 : vector<1000x256xf32>
    %slice3A_486 = vector.extract_strided_slice %add3A_485 {offsets = [0, 0], sizes = [1000, 128], strides = [1, 1]} : vector<1000x256xf32> to vector<1000x128xf32>
    %logistic3A_487 = arith.negf %slice3A_486 : vector<1000x128xf32>
    %logistic3A_488 = math.exp %logistic3A_487 : vector<1000x128xf32>
    %logistic3A_489 = arith.constant 1.000000e+00 : f32
    %logistic3A_490 = vector.broadcast %logistic3A_489 : f32 to vector<1000x128xf32>
    %logistic3A_491 = arith.addf %logistic3A_490, %logistic3A_488 : vector<1000x128xf32>
    %logistic3A_492 = arith.divf %logistic3A_490, %logistic3A_491 : vector<1000x128xf32>
    %slice3A_493 = vector.extract_strided_slice %logistic3A_492 {offsets = [0, 0], sizes = [1000, 64], strides = [1, 1]} : vector<1000x128xf32> to vector<1000x64xf32>
    %slice3A_494 = vector.extract_strided_slice %logistic3A_492 {offsets = [0, 64], sizes = [1000, 64], strides = [1, 1]} : vector<1000x128xf32> to vector<1000x64xf32>
    %slice3A_495 = vector.extract_strided_slice %add3A_485 {offsets = [0, 128], sizes = [1000, 64], strides = [1, 1]} : vector<1000x256xf32> to vector<1000x64xf32>
    %slice3A_496 = vector.extract_strided_slice %add3A_485 {offsets = [0, 192], sizes = [1000, 64], strides = [1, 1]} : vector<1000x256xf32> to vector<1000x64xf32>
    %mul3A_497 = arith.mulf %slice3A_493, %slice3A_496 : vector<1000x64xf32>
    %add3A_498 = arith.addf %slice3A_495, %mul3A_497 : vector<1000x64xf32>
    %tanh3A_499 = math.tanh %add3A_498 : vector<1000x64xf32>
    %sub3A_500 = arith.subf %add3A_444, %tanh3A_499 : vector<1000x64xf32>
    %mul3A_501 = arith.mulf %slice3A_494, %sub3A_500 : vector<1000x64xf32>
    %add3A_502 = arith.addf %tanh3A_499, %mul3A_501 : vector<1000x64xf32>
    %get3A_503 = arith.constant 11 : index
    %get3A_504 = arith.constant 0 : index
    %get3A_505 = arith.constant 0 : index
    %get3A_506 = vector.load %arg5[%get3A_503, %get3A_504, %get3A_505] : memref<20x80x256xf32, #tpu.memory_space<vmem>>, vector<1x80x256xf32>
    %get3A_507 = vector.shape_cast %get3A_506 : vector<1x80x256xf32> to vector<80x256xf32>
    %dot_general3A_508 = arith.constant dense<0.000000e+00> : vector<1000x256xf32>
    %dot_general3A_509 = tpu.matmul %get3A_1, %get3A_507, %dot_general3A_508 {dimension_numbers = #tpu.dot_dimension_numbers<[1], [0], [0], [1], [0, 0, 1, 1], [], []>, transpose_lhs_hint = false} : vector<1000x80xf32>, vector<80x256xf32>, vector<1000x256xf32> -> vector<1000x256xf32>
    %dot_general3A_510 = arith.constant dense<0.000000e+00> : vector<1000x256xf32>
    %dot_general3A_511 = tpu.matmul %add3A_473, %get3A_13, %dot_general3A_510 {dimension_numbers = #tpu.dot_dimension_numbers<[1], [0], [0], [1], [0, 0, 1, 1], [], []>, transpose_lhs_hint = false} : vector<1000x64xf32>, vector<64x256xf32>, vector<1000x256xf32> -> vector<1000x256xf32>
    %add3A_512 = arith.addf %dot_general3A_509, %dot_general3A_511 : vector<1000x256xf32>
    %add3A_513 = vector.broadcast %get3A_16 : vector<1x256xf32> to vector<1000x256xf32>
    %add3A_514 = arith.addf %add3A_512, %add3A_513 : vector<1000x256xf32>
    %slice3A_515 = vector.extract_strided_slice %add3A_514 {offsets = [0, 0], sizes = [1000, 128], strides = [1, 1]} : vector<1000x256xf32> to vector<1000x128xf32>
    %logistic3A_516 = arith.negf %slice3A_515 : vector<1000x128xf32>
    %logistic3A_517 = math.exp %logistic3A_516 : vector<1000x128xf32>
    %logistic3A_518 = arith.constant 1.000000e+00 : f32
    %logistic3A_519 = vector.broadcast %logistic3A_518 : f32 to vector<1000x128xf32>
    %logistic3A_520 = arith.addf %logistic3A_519, %logistic3A_517 : vector<1000x128xf32>
    %logistic3A_521 = arith.divf %logistic3A_519, %logistic3A_520 : vector<1000x128xf32>
    %slice3A_522 = vector.extract_strided_slice %logistic3A_521 {offsets = [0, 0], sizes = [1000, 64], strides = [1, 1]} : vector<1000x128xf32> to vector<1000x64xf32>
    %slice3A_523 = vector.extract_strided_slice %logistic3A_521 {offsets = [0, 64], sizes = [1000, 64], strides = [1, 1]} : vector<1000x128xf32> to vector<1000x64xf32>
    %slice3A_524 = vector.extract_strided_slice %add3A_514 {offsets = [0, 128], sizes = [1000, 64], strides = [1, 1]} : vector<1000x256xf32> to vector<1000x64xf32>
    %slice3A_525 = vector.extract_strided_slice %add3A_514 {offsets = [0, 192], sizes = [1000, 64], strides = [1, 1]} : vector<1000x256xf32> to vector<1000x64xf32>
    %mul3A_526 = arith.mulf %slice3A_522, %slice3A_525 : vector<1000x64xf32>
    %add3A_527 = arith.addf %slice3A_524, %mul3A_526 : vector<1000x64xf32>
    %tanh3A_528 = math.tanh %add3A_527 : vector<1000x64xf32>
    %sub3A_529 = arith.subf %add3A_473, %tanh3A_528 : vector<1000x64xf32>
    %mul3A_530 = arith.mulf %slice3A_523, %sub3A_529 : vector<1000x64xf32>
    %add3A_531 = arith.addf %tanh3A_528, %mul3A_530 : vector<1000x64xf32>
    %get3A_532 = arith.constant 9 : index
    %get3A_533 = arith.constant 0 : index
    %get3A_534 = arith.constant 0 : index
    %get3A_535 = vector.load %arg2[%get3A_532, %get3A_533, %get3A_534] : memref<20x80x256xf32, #tpu.memory_space<vmem>>, vector<1x80x256xf32>
    %get3A_536 = vector.shape_cast %get3A_535 : vector<1x80x256xf32> to vector<80x256xf32>
    %dot_general3A_537 = arith.constant dense<0.000000e+00> : vector<1000x256xf32>
    %dot_general3A_538 = tpu.matmul %get3A_1, %get3A_536, %dot_general3A_537 {dimension_numbers = #tpu.dot_dimension_numbers<[1], [0], [0], [1], [0, 0, 1, 1], [], []>, transpose_lhs_hint = false} : vector<1000x80xf32>, vector<80x256xf32>, vector<1000x256xf32> -> vector<1000x256xf32>
    %dot_general3A_539 = arith.constant dense<0.000000e+00> : vector<1000x256xf32>
    %dot_general3A_540 = tpu.matmul %add3A_502, %get3A_7, %dot_general3A_539 {dimension_numbers = #tpu.dot_dimension_numbers<[1], [0], [0], [1], [0, 0, 1, 1], [], []>, transpose_lhs_hint = false} : vector<1000x64xf32>, vector<64x256xf32>, vector<1000x256xf32> -> vector<1000x256xf32>
    %add3A_541 = arith.addf %dot_general3A_538, %dot_general3A_540 : vector<1000x256xf32>
    %add3A_542 = vector.broadcast %get3A_10 : vector<1x256xf32> to vector<1000x256xf32>
    %add3A_543 = arith.addf %add3A_541, %add3A_542 : vector<1000x256xf32>
    %slice3A_544 = vector.extract_strided_slice %add3A_543 {offsets = [0, 0], sizes = [1000, 128], strides = [1, 1]} : vector<1000x256xf32> to vector<1000x128xf32>
    %logistic3A_545 = arith.negf %slice3A_544 : vector<1000x128xf32>
    %logistic3A_546 = math.exp %logistic3A_545 : vector<1000x128xf32>
    %logistic3A_547 = arith.constant 1.000000e+00 : f32
    %logistic3A_548 = vector.broadcast %logistic3A_547 : f32 to vector<1000x128xf32>
    %logistic3A_549 = arith.addf %logistic3A_548, %logistic3A_546 : vector<1000x128xf32>
    %logistic3A_550 = arith.divf %logistic3A_548, %logistic3A_549 : vector<1000x128xf32>
    %slice3A_551 = vector.extract_strided_slice %logistic3A_550 {offsets = [0, 0], sizes = [1000, 64], strides = [1, 1]} : vector<1000x128xf32> to vector<1000x64xf32>
    %slice3A_552 = vector.extract_strided_slice %logistic3A_550 {offsets = [0, 64], sizes = [1000, 64], strides = [1, 1]} : vector<1000x128xf32> to vector<1000x64xf32>
    %slice3A_553 = vector.extract_strided_slice %add3A_543 {offsets = [0, 128], sizes = [1000, 64], strides = [1, 1]} : vector<1000x256xf32> to vector<1000x64xf32>
    %slice3A_554 = vector.extract_strided_slice %add3A_543 {offsets = [0, 192], sizes = [1000, 64], strides = [1, 1]} : vector<1000x256xf32> to vector<1000x64xf32>
    %mul3A_555 = arith.mulf %slice3A_551, %slice3A_554 : vector<1000x64xf32>
    %add3A_556 = arith.addf %slice3A_553, %mul3A_555 : vector<1000x64xf32>
    %tanh3A_557 = math.tanh %add3A_556 : vector<1000x64xf32>
    %sub3A_558 = arith.subf %add3A_502, %tanh3A_557 : vector<1000x64xf32>
    %mul3A_559 = arith.mulf %slice3A_552, %sub3A_558 : vector<1000x64xf32>
    %add3A_560 = arith.addf %tanh3A_557, %mul3A_559 : vector<1000x64xf32>
    %get3A_561 = arith.constant 10 : index
    %get3A_562 = arith.constant 0 : index
    %get3A_563 = arith.constant 0 : index
    %get3A_564 = vector.load %arg5[%get3A_561, %get3A_562, %get3A_563] : memref<20x80x256xf32, #tpu.memory_space<vmem>>, vector<1x80x256xf32>
    %get3A_565 = vector.shape_cast %get3A_564 : vector<1x80x256xf32> to vector<80x256xf32>
    %dot_general3A_566 = arith.constant dense<0.000000e+00> : vector<1000x256xf32>
    %dot_general3A_567 = tpu.matmul %get3A_1, %get3A_565, %dot_general3A_566 {dimension_numbers = #tpu.dot_dimension_numbers<[1], [0], [0], [1], [0, 0, 1, 1], [], []>, transpose_lhs_hint = false} : vector<1000x80xf32>, vector<80x256xf32>, vector<1000x256xf32> -> vector<1000x256xf32>
    %dot_general3A_568 = arith.constant dense<0.000000e+00> : vector<1000x256xf32>
    %dot_general3A_569 = tpu.matmul %add3A_531, %get3A_13, %dot_general3A_568 {dimension_numbers = #tpu.dot_dimension_numbers<[1], [0], [0], [1], [0, 0, 1, 1], [], []>, transpose_lhs_hint = false} : vector<1000x64xf32>, vector<64x256xf32>, vector<1000x256xf32> -> vector<1000x256xf32>
    %add3A_570 = arith.addf %dot_general3A_567, %dot_general3A_569 : vector<1000x256xf32>
    %add3A_571 = vector.broadcast %get3A_16 : vector<1x256xf32> to vector<1000x256xf32>
    %add3A_572 = arith.addf %add3A_570, %add3A_571 : vector<1000x256xf32>
    %slice3A_573 = vector.extract_strided_slice %add3A_572 {offsets = [0, 0], sizes = [1000, 128], strides = [1, 1]} : vector<1000x256xf32> to vector<1000x128xf32>
    %logistic3A_574 = arith.negf %slice3A_573 : vector<1000x128xf32>
    %logistic3A_575 = math.exp %logistic3A_574 : vector<1000x128xf32>
    %logistic3A_576 = arith.constant 1.000000e+00 : f32
    %logistic3A_577 = vector.broadcast %logistic3A_576 : f32 to vector<1000x128xf32>
    %logistic3A_578 = arith.addf %logistic3A_577, %logistic3A_575 : vector<1000x128xf32>
    %logistic3A_579 = arith.divf %logistic3A_577, %logistic3A_578 : vector<1000x128xf32>
    %slice3A_580 = vector.extract_strided_slice %logistic3A_579 {offsets = [0, 0], sizes = [1000, 64], strides = [1, 1]} : vector<1000x128xf32> to vector<1000x64xf32>
    %slice3A_581 = vector.extract_strided_slice %logistic3A_579 {offsets = [0, 64], sizes = [1000, 64], strides = [1, 1]} : vector<1000x128xf32> to vector<1000x64xf32>
    %slice3A_582 = vector.extract_strided_slice %add3A_572 {offsets = [0, 128], sizes = [1000, 64], strides = [1, 1]} : vector<1000x256xf32> to vector<1000x64xf32>
    %slice3A_583 = vector.extract_strided_slice %add3A_572 {offsets = [0, 192], sizes = [1000, 64], strides = [1, 1]} : vector<1000x256xf32> to vector<1000x64xf32>
    %mul3A_584 = arith.mulf %slice3A_580, %slice3A_583 : vector<1000x64xf32>
    %add3A_585 = arith.addf %slice3A_582, %mul3A_584 : vector<1000x64xf32>
    %tanh3A_586 = math.tanh %add3A_585 : vector<1000x64xf32>
    %sub3A_587 = arith.subf %add3A_531, %tanh3A_586 : vector<1000x64xf32>
    %mul3A_588 = arith.mulf %slice3A_581, %sub3A_587 : vector<1000x64xf32>
    %add3A_589 = arith.addf %tanh3A_586, %mul3A_588 : vector<1000x64xf32>
    %get3A_590 = arith.constant 10 : index
    %get3A_591 = arith.constant 0 : index
    %get3A_592 = arith.constant 0 : index
    %get3A_593 = vector.load %arg2[%get3A_590, %get3A_591, %get3A_592] : memref<20x80x256xf32, #tpu.memory_space<vmem>>, vector<1x80x256xf32>
    %get3A_594 = vector.shape_cast %get3A_593 : vector<1x80x256xf32> to vector<80x256xf32>
    %dot_general3A_595 = arith.constant dense<0.000000e+00> : vector<1000x256xf32>
    %dot_general3A_596 = tpu.matmul %get3A_1, %get3A_594, %dot_general3A_595 {dimension_numbers = #tpu.dot_dimension_numbers<[1], [0], [0], [1], [0, 0, 1, 1], [], []>, transpose_lhs_hint = false} : vector<1000x80xf32>, vector<80x256xf32>, vector<1000x256xf32> -> vector<1000x256xf32>
    %dot_general3A_597 = arith.constant dense<0.000000e+00> : vector<1000x256xf32>
    %dot_general3A_598 = tpu.matmul %add3A_560, %get3A_7, %dot_general3A_597 {dimension_numbers = #tpu.dot_dimension_numbers<[1], [0], [0], [1], [0, 0, 1, 1], [], []>, transpose_lhs_hint = false} : vector<1000x64xf32>, vector<64x256xf32>, vector<1000x256xf32> -> vector<1000x256xf32>
    %add3A_599 = arith.addf %dot_general3A_596, %dot_general3A_598 : vector<1000x256xf32>
    %add3A_600 = vector.broadcast %get3A_10 : vector<1x256xf32> to vector<1000x256xf32>
    %add3A_601 = arith.addf %add3A_599, %add3A_600 : vector<1000x256xf32>
    %slice3A_602 = vector.extract_strided_slice %add3A_601 {offsets = [0, 0], sizes = [1000, 128], strides = [1, 1]} : vector<1000x256xf32> to vector<1000x128xf32>
    %logistic3A_603 = arith.negf %slice3A_602 : vector<1000x128xf32>
    %logistic3A_604 = math.exp %logistic3A_603 : vector<1000x128xf32>
    %logistic3A_605 = arith.constant 1.000000e+00 : f32
    %logistic3A_606 = vector.broadcast %logistic3A_605 : f32 to vector<1000x128xf32>
    %logistic3A_607 = arith.addf %logistic3A_606, %logistic3A_604 : vector<1000x128xf32>
    %logistic3A_608 = arith.divf %logistic3A_606, %logistic3A_607 : vector<1000x128xf32>
    %slice3A_609 = vector.extract_strided_slice %logistic3A_608 {offsets = [0, 0], sizes = [1000, 64], strides = [1, 1]} : vector<1000x128xf32> to vector<1000x64xf32>
    %slice3A_610 = vector.extract_strided_slice %logistic3A_608 {offsets = [0, 64], sizes = [1000, 64], strides = [1, 1]} : vector<1000x128xf32> to vector<1000x64xf32>
    %slice3A_611 = vector.extract_strided_slice %add3A_601 {offsets = [0, 128], sizes = [1000, 64], strides = [1, 1]} : vector<1000x256xf32> to vector<1000x64xf32>
    %slice3A_612 = vector.extract_strided_slice %add3A_601 {offsets = [0, 192], sizes = [1000, 64], strides = [1, 1]} : vector<1000x256xf32> to vector<1000x64xf32>
    %mul3A_613 = arith.mulf %slice3A_609, %slice3A_612 : vector<1000x64xf32>
    %add3A_614 = arith.addf %slice3A_611, %mul3A_613 : vector<1000x64xf32>
    %tanh3A_615 = math.tanh %add3A_614 : vector<1000x64xf32>
    %sub3A_616 = arith.subf %add3A_560, %tanh3A_615 : vector<1000x64xf32>
    %mul3A_617 = arith.mulf %slice3A_610, %sub3A_616 : vector<1000x64xf32>
    %add3A_618 = arith.addf %tanh3A_615, %mul3A_617 : vector<1000x64xf32>
    %get3A_619 = arith.constant 9 : index
    %get3A_620 = arith.constant 0 : index
    %get3A_621 = arith.constant 0 : index
    %get3A_622 = vector.load %arg5[%get3A_619, %get3A_620, %get3A_621] : memref<20x80x256xf32, #tpu.memory_space<vmem>>, vector<1x80x256xf32>
    %get3A_623 = vector.shape_cast %get3A_622 : vector<1x80x256xf32> to vector<80x256xf32>
    %dot_general3A_624 = arith.constant dense<0.000000e+00> : vector<1000x256xf32>
    %dot_general3A_625 = tpu.matmul %get3A_1, %get3A_623, %dot_general3A_624 {dimension_numbers = #tpu.dot_dimension_numbers<[1], [0], [0], [1], [0, 0, 1, 1], [], []>, transpose_lhs_hint = false} : vector<1000x80xf32>, vector<80x256xf32>, vector<1000x256xf32> -> vector<1000x256xf32>
    %dot_general3A_626 = arith.constant dense<0.000000e+00> : vector<1000x256xf32>
    %dot_general3A_627 = tpu.matmul %add3A_589, %get3A_13, %dot_general3A_626 {dimension_numbers = #tpu.dot_dimension_numbers<[1], [0], [0], [1], [0, 0, 1, 1], [], []>, transpose_lhs_hint = false} : vector<1000x64xf32>, vector<64x256xf32>, vector<1000x256xf32> -> vector<1000x256xf32>
    %add3A_628 = arith.addf %dot_general3A_625, %dot_general3A_627 : vector<1000x256xf32>
    %add3A_629 = vector.broadcast %get3A_16 : vector<1x256xf32> to vector<1000x256xf32>
    %add3A_630 = arith.addf %add3A_628, %add3A_629 : vector<1000x256xf32>
    %slice3A_631 = vector.extract_strided_slice %add3A_630 {offsets = [0, 0], sizes = [1000, 128], strides = [1, 1]} : vector<1000x256xf32> to vector<1000x128xf32>
    %logistic3A_632 = arith.negf %slice3A_631 : vector<1000x128xf32>
    %logistic3A_633 = math.exp %logistic3A_632 : vector<1000x128xf32>
    %logistic3A_634 = arith.constant 1.000000e+00 : f32
    %logistic3A_635 = vector.broadcast %logistic3A_634 : f32 to vector<1000x128xf32>
    %logistic3A_636 = arith.addf %logistic3A_635, %logistic3A_633 : vector<1000x128xf32>
    %logistic3A_637 = arith.divf %logistic3A_635, %logistic3A_636 : vector<1000x128xf32>
    %slice3A_638 = vector.extract_strided_slice %logistic3A_637 {offsets = [0, 0], sizes = [1000, 64], strides = [1, 1]} : vector<1000x128xf32> to vector<1000x64xf32>
    %slice3A_639 = vector.extract_strided_slice %logistic3A_637 {offsets = [0, 64], sizes = [1000, 64], strides = [1, 1]} : vector<1000x128xf32> to vector<1000x64xf32>
    %slice3A_640 = vector.extract_strided_slice %add3A_630 {offsets = [0, 128], sizes = [1000, 64], strides = [1, 1]} : vector<1000x256xf32> to vector<1000x64xf32>
    %slice3A_641 = vector.extract_strided_slice %add3A_630 {offsets = [0, 192], sizes = [1000, 64], strides = [1, 1]} : vector<1000x256xf32> to vector<1000x64xf32>
    %mul3A_642 = arith.mulf %slice3A_638, %slice3A_641 : vector<1000x64xf32>
    %add3A_643 = arith.addf %slice3A_640, %mul3A_642 : vector<1000x64xf32>
    %tanh3A_644 = math.tanh %add3A_643 : vector<1000x64xf32>
    %sub3A_645 = arith.subf %add3A_589, %tanh3A_644 : vector<1000x64xf32>
    %mul3A_646 = arith.mulf %slice3A_639, %sub3A_645 : vector<1000x64xf32>
    %add3A_647 = arith.addf %tanh3A_644, %mul3A_646 : vector<1000x64xf32>
    %get3A_648 = arith.constant 11 : index
    %get3A_649 = arith.constant 0 : index
    %get3A_650 = arith.constant 0 : index
    %get3A_651 = vector.load %arg2[%get3A_648, %get3A_649, %get3A_650] : memref<20x80x256xf32, #tpu.memory_space<vmem>>, vector<1x80x256xf32>
    %get3A_652 = vector.shape_cast %get3A_651 : vector<1x80x256xf32> to vector<80x256xf32>
    %dot_general3A_653 = arith.constant dense<0.000000e+00> : vector<1000x256xf32>
    %dot_general3A_654 = tpu.matmul %get3A_1, %get3A_652, %dot_general3A_653 {dimension_numbers = #tpu.dot_dimension_numbers<[1], [0], [0], [1], [0, 0, 1, 1], [], []>, transpose_lhs_hint = false} : vector<1000x80xf32>, vector<80x256xf32>, vector<1000x256xf32> -> vector<1000x256xf32>
    %dot_general3A_655 = arith.constant dense<0.000000e+00> : vector<1000x256xf32>
    %dot_general3A_656 = tpu.matmul %add3A_618, %get3A_7, %dot_general3A_655 {dimension_numbers = #tpu.dot_dimension_numbers<[1], [0], [0], [1], [0, 0, 1, 1], [], []>, transpose_lhs_hint = false} : vector<1000x64xf32>, vector<64x256xf32>, vector<1000x256xf32> -> vector<1000x256xf32>
    %add3A_657 = arith.addf %dot_general3A_654, %dot_general3A_656 : vector<1000x256xf32>
    %add3A_658 = vector.broadcast %get3A_10 : vector<1x256xf32> to vector<1000x256xf32>
    %add3A_659 = arith.addf %add3A_657, %add3A_658 : vector<1000x256xf32>
    %slice3A_660 = vector.extract_strided_slice %add3A_659 {offsets = [0, 0], sizes = [1000, 128], strides = [1, 1]} : vector<1000x256xf32> to vector<1000x128xf32>
    %logistic3A_661 = arith.negf %slice3A_660 : vector<1000x128xf32>
    %logistic3A_662 = math.exp %logistic3A_661 : vector<1000x128xf32>
    %logistic3A_663 = arith.constant 1.000000e+00 : f32
    %logistic3A_664 = vector.broadcast %logistic3A_663 : f32 to vector<1000x128xf32>
    %logistic3A_665 = arith.addf %logistic3A_664, %logistic3A_662 : vector<1000x128xf32>
    %logistic3A_666 = arith.divf %logistic3A_664, %logistic3A_665 : vector<1000x128xf32>
    %slice3A_667 = vector.extract_strided_slice %logistic3A_666 {offsets = [0, 0], sizes = [1000, 64], strides = [1, 1]} : vector<1000x128xf32> to vector<1000x64xf32>
    %slice3A_668 = vector.extract_strided_slice %logistic3A_666 {offsets = [0, 64], sizes = [1000, 64], strides = [1, 1]} : vector<1000x128xf32> to vector<1000x64xf32>
    %slice3A_669 = vector.extract_strided_slice %add3A_659 {offsets = [0, 128], sizes = [1000, 64], strides = [1, 1]} : vector<1000x256xf32> to vector<1000x64xf32>
    %slice3A_670 = vector.extract_strided_slice %add3A_659 {offsets = [0, 192], sizes = [1000, 64], strides = [1, 1]} : vector<1000x256xf32> to vector<1000x64xf32>
    %mul3A_671 = arith.mulf %slice3A_667, %slice3A_670 : vector<1000x64xf32>
    %add3A_672 = arith.addf %slice3A_669, %mul3A_671 : vector<1000x64xf32>
    %tanh3A_673 = math.tanh %add3A_672 : vector<1000x64xf32>
    %sub3A_674 = arith.subf %add3A_618, %tanh3A_673 : vector<1000x64xf32>
    %mul3A_675 = arith.mulf %slice3A_668, %sub3A_674 : vector<1000x64xf32>
    %add3A_676 = arith.addf %tanh3A_673, %mul3A_675 : vector<1000x64xf32>
    %get3A_677 = arith.constant 8 : index
    %get3A_678 = arith.constant 0 : index
    %get3A_679 = arith.constant 0 : index
    %get3A_680 = vector.load %arg5[%get3A_677, %get3A_678, %get3A_679] : memref<20x80x256xf32, #tpu.memory_space<vmem>>, vector<1x80x256xf32>
    %get3A_681 = vector.shape_cast %get3A_680 : vector<1x80x256xf32> to vector<80x256xf32>
    %dot_general3A_682 = arith.constant dense<0.000000e+00> : vector<1000x256xf32>
    %dot_general3A_683 = tpu.matmul %get3A_1, %get3A_681, %dot_general3A_682 {dimension_numbers = #tpu.dot_dimension_numbers<[1], [0], [0], [1], [0, 0, 1, 1], [], []>, transpose_lhs_hint = false} : vector<1000x80xf32>, vector<80x256xf32>, vector<1000x256xf32> -> vector<1000x256xf32>
    %dot_general3A_684 = arith.constant dense<0.000000e+00> : vector<1000x256xf32>
    %dot_general3A_685 = tpu.matmul %add3A_647, %get3A_13, %dot_general3A_684 {dimension_numbers = #tpu.dot_dimension_numbers<[1], [0], [0], [1], [0, 0, 1, 1], [], []>, transpose_lhs_hint = false} : vector<1000x64xf32>, vector<64x256xf32>, vector<1000x256xf32> -> vector<1000x256xf32>
    %add3A_686 = arith.addf %dot_general3A_683, %dot_general3A_685 : vector<1000x256xf32>
    %add3A_687 = vector.broadcast %get3A_16 : vector<1x256xf32> to vector<1000x256xf32>
    %add3A_688 = arith.addf %add3A_686, %add3A_687 : vector<1000x256xf32>
    %slice3A_689 = vector.extract_strided_slice %add3A_688 {offsets = [0, 0], sizes = [1000, 128], strides = [1, 1]} : vector<1000x256xf32> to vector<1000x128xf32>
    %logistic3A_690 = arith.negf %slice3A_689 : vector<1000x128xf32>
    %logistic3A_691 = math.exp %logistic3A_690 : vector<1000x128xf32>
    %logistic3A_692 = arith.constant 1.000000e+00 : f32
    %logistic3A_693 = vector.broadcast %logistic3A_692 : f32 to vector<1000x128xf32>
    %logistic3A_694 = arith.addf %logistic3A_693, %logistic3A_691 : vector<1000x128xf32>
    %logistic3A_695 = arith.divf %logistic3A_693, %logistic3A_694 : vector<1000x128xf32>
    %slice3A_696 = vector.extract_strided_slice %logistic3A_695 {offsets = [0, 0], sizes = [1000, 64], strides = [1, 1]} : vector<1000x128xf32> to vector<1000x64xf32>
    %slice3A_697 = vector.extract_strided_slice %logistic3A_695 {offsets = [0, 64], sizes = [1000, 64], strides = [1, 1]} : vector<1000x128xf32> to vector<1000x64xf32>
    %slice3A_698 = vector.extract_strided_slice %add3A_688 {offsets = [0, 128], sizes = [1000, 64], strides = [1, 1]} : vector<1000x256xf32> to vector<1000x64xf32>
    %slice3A_699 = vector.extract_strided_slice %add3A_688 {offsets = [0, 192], sizes = [1000, 64], strides = [1, 1]} : vector<1000x256xf32> to vector<1000x64xf32>
    %mul3A_700 = arith.mulf %slice3A_696, %slice3A_699 : vector<1000x64xf32>
    %add3A_701 = arith.addf %slice3A_698, %mul3A_700 : vector<1000x64xf32>
    %tanh3A_702 = math.tanh %add3A_701 : vector<1000x64xf32>
    %sub3A_703 = arith.subf %add3A_647, %tanh3A_702 : vector<1000x64xf32>
    %mul3A_704 = arith.mulf %slice3A_697, %sub3A_703 : vector<1000x64xf32>
    %add3A_705 = arith.addf %tanh3A_702, %mul3A_704 : vector<1000x64xf32>
    %get3A_706 = arith.constant 12 : index
    %get3A_707 = arith.constant 0 : index
    %get3A_708 = arith.constant 0 : index
    %get3A_709 = vector.load %arg2[%get3A_706, %get3A_707, %get3A_708] : memref<20x80x256xf32, #tpu.memory_space<vmem>>, vector<1x80x256xf32>
    %get3A_710 = vector.shape_cast %get3A_709 : vector<1x80x256xf32> to vector<80x256xf32>
    %dot_general3A_711 = arith.constant dense<0.000000e+00> : vector<1000x256xf32>
    %dot_general3A_712 = tpu.matmul %get3A_1, %get3A_710, %dot_general3A_711 {dimension_numbers = #tpu.dot_dimension_numbers<[1], [0], [0], [1], [0, 0, 1, 1], [], []>, transpose_lhs_hint = false} : vector<1000x80xf32>, vector<80x256xf32>, vector<1000x256xf32> -> vector<1000x256xf32>
    %dot_general3A_713 = arith.constant dense<0.000000e+00> : vector<1000x256xf32>
    %dot_general3A_714 = tpu.matmul %add3A_676, %get3A_7, %dot_general3A_713 {dimension_numbers = #tpu.dot_dimension_numbers<[1], [0], [0], [1], [0, 0, 1, 1], [], []>, transpose_lhs_hint = false} : vector<1000x64xf32>, vector<64x256xf32>, vector<1000x256xf32> -> vector<1000x256xf32>
    %add3A_715 = arith.addf %dot_general3A_712, %dot_general3A_714 : vector<1000x256xf32>
    %add3A_716 = vector.broadcast %get3A_10 : vector<1x256xf32> to vector<1000x256xf32>
    %add3A_717 = arith.addf %add3A_715, %add3A_716 : vector<1000x256xf32>
    %slice3A_718 = vector.extract_strided_slice %add3A_717 {offsets = [0, 0], sizes = [1000, 128], strides = [1, 1]} : vector<1000x256xf32> to vector<1000x128xf32>
    %logistic3A_719 = arith.negf %slice3A_718 : vector<1000x128xf32>
    %logistic3A_720 = math.exp %logistic3A_719 : vector<1000x128xf32>
    %logistic3A_721 = arith.constant 1.000000e+00 : f32
    %logistic3A_722 = vector.broadcast %logistic3A_721 : f32 to vector<1000x128xf32>
    %logistic3A_723 = arith.addf %logistic3A_722, %logistic3A_720 : vector<1000x128xf32>
    %logistic3A_724 = arith.divf %logistic3A_722, %logistic3A_723 : vector<1000x128xf32>
    %slice3A_725 = vector.extract_strided_slice %logistic3A_724 {offsets = [0, 0], sizes = [1000, 64], strides = [1, 1]} : vector<1000x128xf32> to vector<1000x64xf32>
    %slice3A_726 = vector.extract_strided_slice %logistic3A_724 {offsets = [0, 64], sizes = [1000, 64], strides = [1, 1]} : vector<1000x128xf32> to vector<1000x64xf32>
    %slice3A_727 = vector.extract_strided_slice %add3A_717 {offsets = [0, 128], sizes = [1000, 64], strides = [1, 1]} : vector<1000x256xf32> to vector<1000x64xf32>
    %slice3A_728 = vector.extract_strided_slice %add3A_717 {offsets = [0, 192], sizes = [1000, 64], strides = [1, 1]} : vector<1000x256xf32> to vector<1000x64xf32>
    %mul3A_729 = arith.mulf %slice3A_725, %slice3A_728 : vector<1000x64xf32>
    %add3A_730 = arith.addf %slice3A_727, %mul3A_729 : vector<1000x64xf32>
    %tanh3A_731 = math.tanh %add3A_730 : vector<1000x64xf32>
    %sub3A_732 = arith.subf %add3A_676, %tanh3A_731 : vector<1000x64xf32>
    %mul3A_733 = arith.mulf %slice3A_726, %sub3A_732 : vector<1000x64xf32>
    %add3A_734 = arith.addf %tanh3A_731, %mul3A_733 : vector<1000x64xf32>
    %get3A_735 = arith.constant 7 : index
    %get3A_736 = arith.constant 0 : index
    %get3A_737 = arith.constant 0 : index
    %get3A_738 = vector.load %arg5[%get3A_735, %get3A_736, %get3A_737] : memref<20x80x256xf32, #tpu.memory_space<vmem>>, vector<1x80x256xf32>
    %get3A_739 = vector.shape_cast %get3A_738 : vector<1x80x256xf32> to vector<80x256xf32>
    %dot_general3A_740 = arith.constant dense<0.000000e+00> : vector<1000x256xf32>
    %dot_general3A_741 = tpu.matmul %get3A_1, %get3A_739, %dot_general3A_740 {dimension_numbers = #tpu.dot_dimension_numbers<[1], [0], [0], [1], [0, 0, 1, 1], [], []>, transpose_lhs_hint = false} : vector<1000x80xf32>, vector<80x256xf32>, vector<1000x256xf32> -> vector<1000x256xf32>
    %dot_general3A_742 = arith.constant dense<0.000000e+00> : vector<1000x256xf32>
    %dot_general3A_743 = tpu.matmul %add3A_705, %get3A_13, %dot_general3A_742 {dimension_numbers = #tpu.dot_dimension_numbers<[1], [0], [0], [1], [0, 0, 1, 1], [], []>, transpose_lhs_hint = false} : vector<1000x64xf32>, vector<64x256xf32>, vector<1000x256xf32> -> vector<1000x256xf32>
    %add3A_744 = arith.addf %dot_general3A_741, %dot_general3A_743 : vector<1000x256xf32>
    %add3A_745 = vector.broadcast %get3A_16 : vector<1x256xf32> to vector<1000x256xf32>
    %add3A_746 = arith.addf %add3A_744, %add3A_745 : vector<1000x256xf32>
    %slice3A_747 = vector.extract_strided_slice %add3A_746 {offsets = [0, 0], sizes = [1000, 128], strides = [1, 1]} : vector<1000x256xf32> to vector<1000x128xf32>
    %logistic3A_748 = arith.negf %slice3A_747 : vector<1000x128xf32>
    %logistic3A_749 = math.exp %logistic3A_748 : vector<1000x128xf32>
    %logistic3A_750 = arith.constant 1.000000e+00 : f32
    %logistic3A_751 = vector.broadcast %logistic3A_750 : f32 to vector<1000x128xf32>
    %logistic3A_752 = arith.addf %logistic3A_751, %logistic3A_749 : vector<1000x128xf32>
    %logistic3A_753 = arith.divf %logistic3A_751, %logistic3A_752 : vector<1000x128xf32>
    %slice3A_754 = vector.extract_strided_slice %logistic3A_753 {offsets = [0, 0], sizes = [1000, 64], strides = [1, 1]} : vector<1000x128xf32> to vector<1000x64xf32>
    %slice3A_755 = vector.extract_strided_slice %logistic3A_753 {offsets = [0, 64], sizes = [1000, 64], strides = [1, 1]} : vector<1000x128xf32> to vector<1000x64xf32>
    %slice3A_756 = vector.extract_strided_slice %add3A_746 {offsets = [0, 128], sizes = [1000, 64], strides = [1, 1]} : vector<1000x256xf32> to vector<1000x64xf32>
    %slice3A_757 = vector.extract_strided_slice %add3A_746 {offsets = [0, 192], sizes = [1000, 64], strides = [1, 1]} : vector<1000x256xf32> to vector<1000x64xf32>
    %mul3A_758 = arith.mulf %slice3A_754, %slice3A_757 : vector<1000x64xf32>
    %add3A_759 = arith.addf %slice3A_756, %mul3A_758 : vector<1000x64xf32>
    %tanh3A_760 = math.tanh %add3A_759 : vector<1000x64xf32>
    %sub3A_761 = arith.subf %add3A_705, %tanh3A_760 : vector<1000x64xf32>
    %mul3A_762 = arith.mulf %slice3A_755, %sub3A_761 : vector<1000x64xf32>
    %add3A_763 = arith.addf %tanh3A_760, %mul3A_762 : vector<1000x64xf32>
    %get3A_764 = arith.constant 13 : index
    %get3A_765 = arith.constant 0 : index
    %get3A_766 = arith.constant 0 : index
    %get3A_767 = vector.load %arg2[%get3A_764, %get3A_765, %get3A_766] : memref<20x80x256xf32, #tpu.memory_space<vmem>>, vector<1x80x256xf32>
    %get3A_768 = vector.shape_cast %get3A_767 : vector<1x80x256xf32> to vector<80x256xf32>
    %dot_general3A_769 = arith.constant dense<0.000000e+00> : vector<1000x256xf32>
    %dot_general3A_770 = tpu.matmul %get3A_1, %get3A_768, %dot_general3A_769 {dimension_numbers = #tpu.dot_dimension_numbers<[1], [0], [0], [1], [0, 0, 1, 1], [], []>, transpose_lhs_hint = false} : vector<1000x80xf32>, vector<80x256xf32>, vector<1000x256xf32> -> vector<1000x256xf32>
    %dot_general3A_771 = arith.constant dense<0.000000e+00> : vector<1000x256xf32>
    %dot_general3A_772 = tpu.matmul %add3A_734, %get3A_7, %dot_general3A_771 {dimension_numbers = #tpu.dot_dimension_numbers<[1], [0], [0], [1], [0, 0, 1, 1], [], []>, transpose_lhs_hint = false} : vector<1000x64xf32>, vector<64x256xf32>, vector<1000x256xf32> -> vector<1000x256xf32>
    %add3A_773 = arith.addf %dot_general3A_770, %dot_general3A_772 : vector<1000x256xf32>
    %add3A_774 = vector.broadcast %get3A_10 : vector<1x256xf32> to vector<1000x256xf32>
    %add3A_775 = arith.addf %add3A_773, %add3A_774 : vector<1000x256xf32>
    %slice3A_776 = vector.extract_strided_slice %add3A_775 {offsets = [0, 0], sizes = [1000, 128], strides = [1, 1]} : vector<1000x256xf32> to vector<1000x128xf32>
    %logistic3A_777 = arith.negf %slice3A_776 : vector<1000x128xf32>
    %logistic3A_778 = math.exp %logistic3A_777 : vector<1000x128xf32>
    %logistic3A_779 = arith.constant 1.000000e+00 : f32
    %logistic3A_780 = vector.broadcast %logistic3A_779 : f32 to vector<1000x128xf32>
    %logistic3A_781 = arith.addf %logistic3A_780, %logistic3A_778 : vector<1000x128xf32>
    %logistic3A_782 = arith.divf %logistic3A_780, %logistic3A_781 : vector<1000x128xf32>
    %slice3A_783 = vector.extract_strided_slice %logistic3A_782 {offsets = [0, 0], sizes = [1000, 64], strides = [1, 1]} : vector<1000x128xf32> to vector<1000x64xf32>
    %slice3A_784 = vector.extract_strided_slice %logistic3A_782 {offsets = [0, 64], sizes = [1000, 64], strides = [1, 1]} : vector<1000x128xf32> to vector<1000x64xf32>
    %slice3A_785 = vector.extract_strided_slice %add3A_775 {offsets = [0, 128], sizes = [1000, 64], strides = [1, 1]} : vector<1000x256xf32> to vector<1000x64xf32>
    %slice3A_786 = vector.extract_strided_slice %add3A_775 {offsets = [0, 192], sizes = [1000, 64], strides = [1, 1]} : vector<1000x256xf32> to vector<1000x64xf32>
    %mul3A_787 = arith.mulf %slice3A_783, %slice3A_786 : vector<1000x64xf32>
    %add3A_788 = arith.addf %slice3A_785, %mul3A_787 : vector<1000x64xf32>
    %tanh3A_789 = math.tanh %add3A_788 : vector<1000x64xf32>
    %sub3A_790 = arith.subf %add3A_734, %tanh3A_789 : vector<1000x64xf32>
    %mul3A_791 = arith.mulf %slice3A_784, %sub3A_790 : vector<1000x64xf32>
    %add3A_792 = arith.addf %tanh3A_789, %mul3A_791 : vector<1000x64xf32>
    %get3A_793 = arith.constant 6 : index
    %get3A_794 = arith.constant 0 : index
    %get3A_795 = arith.constant 0 : index
    %get3A_796 = vector.load %arg5[%get3A_793, %get3A_794, %get3A_795] : memref<20x80x256xf32, #tpu.memory_space<vmem>>, vector<1x80x256xf32>
    %get3A_797 = vector.shape_cast %get3A_796 : vector<1x80x256xf32> to vector<80x256xf32>
    %dot_general3A_798 = arith.constant dense<0.000000e+00> : vector<1000x256xf32>
    %dot_general3A_799 = tpu.matmul %get3A_1, %get3A_797, %dot_general3A_798 {dimension_numbers = #tpu.dot_dimension_numbers<[1], [0], [0], [1], [0, 0, 1, 1], [], []>, transpose_lhs_hint = false} : vector<1000x80xf32>, vector<80x256xf32>, vector<1000x256xf32> -> vector<1000x256xf32>
    %dot_general3A_800 = arith.constant dense<0.000000e+00> : vector<1000x256xf32>
    %dot_general3A_801 = tpu.matmul %add3A_763, %get3A_13, %dot_general3A_800 {dimension_numbers = #tpu.dot_dimension_numbers<[1], [0], [0], [1], [0, 0, 1, 1], [], []>, transpose_lhs_hint = false} : vector<1000x64xf32>, vector<64x256xf32>, vector<1000x256xf32> -> vector<1000x256xf32>
    %add3A_802 = arith.addf %dot_general3A_799, %dot_general3A_801 : vector<1000x256xf32>
    %add3A_803 = vector.broadcast %get3A_16 : vector<1x256xf32> to vector<1000x256xf32>
    %add3A_804 = arith.addf %add3A_802, %add3A_803 : vector<1000x256xf32>
    %slice3A_805 = vector.extract_strided_slice %add3A_804 {offsets = [0, 0], sizes = [1000, 128], strides = [1, 1]} : vector<1000x256xf32> to vector<1000x128xf32>
    %logistic3A_806 = arith.negf %slice3A_805 : vector<1000x128xf32>
    %logistic3A_807 = math.exp %logistic3A_806 : vector<1000x128xf32>
    %logistic3A_808 = arith.constant 1.000000e+00 : f32
    %logistic3A_809 = vector.broadcast %logistic3A_808 : f32 to vector<1000x128xf32>
    %logistic3A_810 = arith.addf %logistic3A_809, %logistic3A_807 : vector<1000x128xf32>
    %logistic3A_811 = arith.divf %logistic3A_809, %logistic3A_810 : vector<1000x128xf32>
    %slice3A_812 = vector.extract_strided_slice %logistic3A_811 {offsets = [0, 0], sizes = [1000, 64], strides = [1, 1]} : vector<1000x128xf32> to vector<1000x64xf32>
    %slice3A_813 = vector.extract_strided_slice %logistic3A_811 {offsets = [0, 64], sizes = [1000, 64], strides = [1, 1]} : vector<1000x128xf32> to vector<1000x64xf32>
    %slice3A_814 = vector.extract_strided_slice %add3A_804 {offsets = [0, 128], sizes = [1000, 64], strides = [1, 1]} : vector<1000x256xf32> to vector<1000x64xf32>
    %slice3A_815 = vector.extract_strided_slice %add3A_804 {offsets = [0, 192], sizes = [1000, 64], strides = [1, 1]} : vector<1000x256xf32> to vector<1000x64xf32>
    %mul3A_816 = arith.mulf %slice3A_812, %slice3A_815 : vector<1000x64xf32>
    %add3A_817 = arith.addf %slice3A_814, %mul3A_816 : vector<1000x64xf32>
    %tanh3A_818 = math.tanh %add3A_817 : vector<1000x64xf32>
    %sub3A_819 = arith.subf %add3A_763, %tanh3A_818 : vector<1000x64xf32>
    %mul3A_820 = arith.mulf %slice3A_813, %sub3A_819 : vector<1000x64xf32>
    %add3A_821 = arith.addf %tanh3A_818, %mul3A_820 : vector<1000x64xf32>
    %get3A_822 = arith.constant 14 : index
    %get3A_823 = arith.constant 0 : index
    %get3A_824 = arith.constant 0 : index
    %get3A_825 = vector.load %arg2[%get3A_822, %get3A_823, %get3A_824] : memref<20x80x256xf32, #tpu.memory_space<vmem>>, vector<1x80x256xf32>
    %get3A_826 = vector.shape_cast %get3A_825 : vector<1x80x256xf32> to vector<80x256xf32>
    %dot_general3A_827 = arith.constant dense<0.000000e+00> : vector<1000x256xf32>
    %dot_general3A_828 = tpu.matmul %get3A_1, %get3A_826, %dot_general3A_827 {dimension_numbers = #tpu.dot_dimension_numbers<[1], [0], [0], [1], [0, 0, 1, 1], [], []>, transpose_lhs_hint = false} : vector<1000x80xf32>, vector<80x256xf32>, vector<1000x256xf32> -> vector<1000x256xf32>
    %dot_general3A_829 = arith.constant dense<0.000000e+00> : vector<1000x256xf32>
    %dot_general3A_830 = tpu.matmul %add3A_792, %get3A_7, %dot_general3A_829 {dimension_numbers = #tpu.dot_dimension_numbers<[1], [0], [0], [1], [0, 0, 1, 1], [], []>, transpose_lhs_hint = false} : vector<1000x64xf32>, vector<64x256xf32>, vector<1000x256xf32> -> vector<1000x256xf32>
    %add3A_831 = arith.addf %dot_general3A_828, %dot_general3A_830 : vector<1000x256xf32>
    %add3A_832 = vector.broadcast %get3A_10 : vector<1x256xf32> to vector<1000x256xf32>
    %add3A_833 = arith.addf %add3A_831, %add3A_832 : vector<1000x256xf32>
    %slice3A_834 = vector.extract_strided_slice %add3A_833 {offsets = [0, 0], sizes = [1000, 128], strides = [1, 1]} : vector<1000x256xf32> to vector<1000x128xf32>
    %logistic3A_835 = arith.negf %slice3A_834 : vector<1000x128xf32>
    %logistic3A_836 = math.exp %logistic3A_835 : vector<1000x128xf32>
    %logistic3A_837 = arith.constant 1.000000e+00 : f32
    %logistic3A_838 = vector.broadcast %logistic3A_837 : f32 to vector<1000x128xf32>
    %logistic3A_839 = arith.addf %logistic3A_838, %logistic3A_836 : vector<1000x128xf32>
    %logistic3A_840 = arith.divf %logistic3A_838, %logistic3A_839 : vector<1000x128xf32>
    %slice3A_841 = vector.extract_strided_slice %logistic3A_840 {offsets = [0, 0], sizes = [1000, 64], strides = [1, 1]} : vector<1000x128xf32> to vector<1000x64xf32>
    %slice3A_842 = vector.extract_strided_slice %logistic3A_840 {offsets = [0, 64], sizes = [1000, 64], strides = [1, 1]} : vector<1000x128xf32> to vector<1000x64xf32>
    %slice3A_843 = vector.extract_strided_slice %add3A_833 {offsets = [0, 128], sizes = [1000, 64], strides = [1, 1]} : vector<1000x256xf32> to vector<1000x64xf32>
    %slice3A_844 = vector.extract_strided_slice %add3A_833 {offsets = [0, 192], sizes = [1000, 64], strides = [1, 1]} : vector<1000x256xf32> to vector<1000x64xf32>
    %mul3A_845 = arith.mulf %slice3A_841, %slice3A_844 : vector<1000x64xf32>
    %add3A_846 = arith.addf %slice3A_843, %mul3A_845 : vector<1000x64xf32>
    %tanh3A_847 = math.tanh %add3A_846 : vector<1000x64xf32>
    %sub3A_848 = arith.subf %add3A_792, %tanh3A_847 : vector<1000x64xf32>
    %mul3A_849 = arith.mulf %slice3A_842, %sub3A_848 : vector<1000x64xf32>
    %add3A_850 = arith.addf %tanh3A_847, %mul3A_849 : vector<1000x64xf32>
    %get3A_851 = arith.constant 5 : index
    %get3A_852 = arith.constant 0 : index
    %get3A_853 = arith.constant 0 : index
    %get3A_854 = vector.load %arg5[%get3A_851, %get3A_852, %get3A_853] : memref<20x80x256xf32, #tpu.memory_space<vmem>>, vector<1x80x256xf32>
    %get3A_855 = vector.shape_cast %get3A_854 : vector<1x80x256xf32> to vector<80x256xf32>
    %dot_general3A_856 = arith.constant dense<0.000000e+00> : vector<1000x256xf32>
    %dot_general3A_857 = tpu.matmul %get3A_1, %get3A_855, %dot_general3A_856 {dimension_numbers = #tpu.dot_dimension_numbers<[1], [0], [0], [1], [0, 0, 1, 1], [], []>, transpose_lhs_hint = false} : vector<1000x80xf32>, vector<80x256xf32>, vector<1000x256xf32> -> vector<1000x256xf32>
    %dot_general3A_858 = arith.constant dense<0.000000e+00> : vector<1000x256xf32>
    %dot_general3A_859 = tpu.matmul %add3A_821, %get3A_13, %dot_general3A_858 {dimension_numbers = #tpu.dot_dimension_numbers<[1], [0], [0], [1], [0, 0, 1, 1], [], []>, transpose_lhs_hint = false} : vector<1000x64xf32>, vector<64x256xf32>, vector<1000x256xf32> -> vector<1000x256xf32>
    %add3A_860 = arith.addf %dot_general3A_857, %dot_general3A_859 : vector<1000x256xf32>
    %add3A_861 = vector.broadcast %get3A_16 : vector<1x256xf32> to vector<1000x256xf32>
    %add3A_862 = arith.addf %add3A_860, %add3A_861 : vector<1000x256xf32>
    %slice3A_863 = vector.extract_strided_slice %add3A_862 {offsets = [0, 0], sizes = [1000, 128], strides = [1, 1]} : vector<1000x256xf32> to vector<1000x128xf32>
    %logistic3A_864 = arith.negf %slice3A_863 : vector<1000x128xf32>
    %logistic3A_865 = math.exp %logistic3A_864 : vector<1000x128xf32>
    %logistic3A_866 = arith.constant 1.000000e+00 : f32
    %logistic3A_867 = vector.broadcast %logistic3A_866 : f32 to vector<1000x128xf32>
    %logistic3A_868 = arith.addf %logistic3A_867, %logistic3A_865 : vector<1000x128xf32>
    %logistic3A_869 = arith.divf %logistic3A_867, %logistic3A_868 : vector<1000x128xf32>
    %slice3A_870 = vector.extract_strided_slice %logistic3A_869 {offsets = [0, 0], sizes = [1000, 64], strides = [1, 1]} : vector<1000x128xf32> to vector<1000x64xf32>
    %slice3A_871 = vector.extract_strided_slice %logistic3A_869 {offsets = [0, 64], sizes = [1000, 64], strides = [1, 1]} : vector<1000x128xf32> to vector<1000x64xf32>
    %slice3A_872 = vector.extract_strided_slice %add3A_862 {offsets = [0, 128], sizes = [1000, 64], strides = [1, 1]} : vector<1000x256xf32> to vector<1000x64xf32>
    %slice3A_873 = vector.extract_strided_slice %add3A_862 {offsets = [0, 192], sizes = [1000, 64], strides = [1, 1]} : vector<1000x256xf32> to vector<1000x64xf32>
    %mul3A_874 = arith.mulf %slice3A_870, %slice3A_873 : vector<1000x64xf32>
    %add3A_875 = arith.addf %slice3A_872, %mul3A_874 : vector<1000x64xf32>
    %tanh3A_876 = math.tanh %add3A_875 : vector<1000x64xf32>
    %sub3A_877 = arith.subf %add3A_821, %tanh3A_876 : vector<1000x64xf32>
    %mul3A_878 = arith.mulf %slice3A_871, %sub3A_877 : vector<1000x64xf32>
    %add3A_879 = arith.addf %tanh3A_876, %mul3A_878 : vector<1000x64xf32>
    %get3A_880 = arith.constant 15 : index
    %get3A_881 = arith.constant 0 : index
    %get3A_882 = arith.constant 0 : index
    %get3A_883 = vector.load %arg2[%get3A_880, %get3A_881, %get3A_882] : memref<20x80x256xf32, #tpu.memory_space<vmem>>, vector<1x80x256xf32>
    %get3A_884 = vector.shape_cast %get3A_883 : vector<1x80x256xf32> to vector<80x256xf32>
    %dot_general3A_885 = arith.constant dense<0.000000e+00> : vector<1000x256xf32>
    %dot_general3A_886 = tpu.matmul %get3A_1, %get3A_884, %dot_general3A_885 {dimension_numbers = #tpu.dot_dimension_numbers<[1], [0], [0], [1], [0, 0, 1, 1], [], []>, transpose_lhs_hint = false} : vector<1000x80xf32>, vector<80x256xf32>, vector<1000x256xf32> -> vector<1000x256xf32>
    %dot_general3A_887 = arith.constant dense<0.000000e+00> : vector<1000x256xf32>
    %dot_general3A_888 = tpu.matmul %add3A_850, %get3A_7, %dot_general3A_887 {dimension_numbers = #tpu.dot_dimension_numbers<[1], [0], [0], [1], [0, 0, 1, 1], [], []>, transpose_lhs_hint = false} : vector<1000x64xf32>, vector<64x256xf32>, vector<1000x256xf32> -> vector<1000x256xf32>
    %add3A_889 = arith.addf %dot_general3A_886, %dot_general3A_888 : vector<1000x256xf32>
    %add3A_890 = vector.broadcast %get3A_10 : vector<1x256xf32> to vector<1000x256xf32>
    %add3A_891 = arith.addf %add3A_889, %add3A_890 : vector<1000x256xf32>
    %slice3A_892 = vector.extract_strided_slice %add3A_891 {offsets = [0, 0], sizes = [1000, 128], strides = [1, 1]} : vector<1000x256xf32> to vector<1000x128xf32>
    %logistic3A_893 = arith.negf %slice3A_892 : vector<1000x128xf32>
    %logistic3A_894 = math.exp %logistic3A_893 : vector<1000x128xf32>
    %logistic3A_895 = arith.constant 1.000000e+00 : f32
    %logistic3A_896 = vector.broadcast %logistic3A_895 : f32 to vector<1000x128xf32>
    %logistic3A_897 = arith.addf %logistic3A_896, %logistic3A_894 : vector<1000x128xf32>
    %logistic3A_898 = arith.divf %logistic3A_896, %logistic3A_897 : vector<1000x128xf32>
    %slice3A_899 = vector.extract_strided_slice %logistic3A_898 {offsets = [0, 0], sizes = [1000, 64], strides = [1, 1]} : vector<1000x128xf32> to vector<1000x64xf32>
    %slice3A_900 = vector.extract_strided_slice %logistic3A_898 {offsets = [0, 64], sizes = [1000, 64], strides = [1, 1]} : vector<1000x128xf32> to vector<1000x64xf32>
    %slice3A_901 = vector.extract_strided_slice %add3A_891 {offsets = [0, 128], sizes = [1000, 64], strides = [1, 1]} : vector<1000x256xf32> to vector<1000x64xf32>
    %slice3A_902 = vector.extract_strided_slice %add3A_891 {offsets = [0, 192], sizes = [1000, 64], strides = [1, 1]} : vector<1000x256xf32> to vector<1000x64xf32>
    %mul3A_903 = arith.mulf %slice3A_899, %slice3A_902 : vector<1000x64xf32>
    %add3A_904 = arith.addf %slice3A_901, %mul3A_903 : vector<1000x64xf32>
    %tanh3A_905 = math.tanh %add3A_904 : vector<1000x64xf32>
    %sub3A_906 = arith.subf %add3A_850, %tanh3A_905 : vector<1000x64xf32>
    %mul3A_907 = arith.mulf %slice3A_900, %sub3A_906 : vector<1000x64xf32>
    %add3A_908 = arith.addf %tanh3A_905, %mul3A_907 : vector<1000x64xf32>
    %get3A_909 = arith.constant 4 : index
    %get3A_910 = arith.constant 0 : index
    %get3A_911 = arith.constant 0 : index
    %get3A_912 = vector.load %arg5[%get3A_909, %get3A_910, %get3A_911] : memref<20x80x256xf32, #tpu.memory_space<vmem>>, vector<1x80x256xf32>
    %get3A_913 = vector.shape_cast %get3A_912 : vector<1x80x256xf32> to vector<80x256xf32>
    %dot_general3A_914 = arith.constant dense<0.000000e+00> : vector<1000x256xf32>
    %dot_general3A_915 = tpu.matmul %get3A_1, %get3A_913, %dot_general3A_914 {dimension_numbers = #tpu.dot_dimension_numbers<[1], [0], [0], [1], [0, 0, 1, 1], [], []>, transpose_lhs_hint = false} : vector<1000x80xf32>, vector<80x256xf32>, vector<1000x256xf32> -> vector<1000x256xf32>
    %dot_general3A_916 = arith.constant dense<0.000000e+00> : vector<1000x256xf32>
    %dot_general3A_917 = tpu.matmul %add3A_879, %get3A_13, %dot_general3A_916 {dimension_numbers = #tpu.dot_dimension_numbers<[1], [0], [0], [1], [0, 0, 1, 1], [], []>, transpose_lhs_hint = false} : vector<1000x64xf32>, vector<64x256xf32>, vector<1000x256xf32> -> vector<1000x256xf32>
    %add3A_918 = arith.addf %dot_general3A_915, %dot_general3A_917 : vector<1000x256xf32>
    %add3A_919 = vector.broadcast %get3A_16 : vector<1x256xf32> to vector<1000x256xf32>
    %add3A_920 = arith.addf %add3A_918, %add3A_919 : vector<1000x256xf32>
    %slice3A_921 = vector.extract_strided_slice %add3A_920 {offsets = [0, 0], sizes = [1000, 128], strides = [1, 1]} : vector<1000x256xf32> to vector<1000x128xf32>
    %logistic3A_922 = arith.negf %slice3A_921 : vector<1000x128xf32>
    %logistic3A_923 = math.exp %logistic3A_922 : vector<1000x128xf32>
    %logistic3A_924 = arith.constant 1.000000e+00 : f32
    %logistic3A_925 = vector.broadcast %logistic3A_924 : f32 to vector<1000x128xf32>
    %logistic3A_926 = arith.addf %logistic3A_925, %logistic3A_923 : vector<1000x128xf32>
    %logistic3A_927 = arith.divf %logistic3A_925, %logistic3A_926 : vector<1000x128xf32>
    %slice3A_928 = vector.extract_strided_slice %logistic3A_927 {offsets = [0, 0], sizes = [1000, 64], strides = [1, 1]} : vector<1000x128xf32> to vector<1000x64xf32>
    %slice3A_929 = vector.extract_strided_slice %logistic3A_927 {offsets = [0, 64], sizes = [1000, 64], strides = [1, 1]} : vector<1000x128xf32> to vector<1000x64xf32>
    %slice3A_930 = vector.extract_strided_slice %add3A_920 {offsets = [0, 128], sizes = [1000, 64], strides = [1, 1]} : vector<1000x256xf32> to vector<1000x64xf32>
    %slice3A_931 = vector.extract_strided_slice %add3A_920 {offsets = [0, 192], sizes = [1000, 64], strides = [1, 1]} : vector<1000x256xf32> to vector<1000x64xf32>
    %mul3A_932 = arith.mulf %slice3A_928, %slice3A_931 : vector<1000x64xf32>
    %add3A_933 = arith.addf %slice3A_930, %mul3A_932 : vector<1000x64xf32>
    %tanh3A_934 = math.tanh %add3A_933 : vector<1000x64xf32>
    %sub3A_935 = arith.subf %add3A_879, %tanh3A_934 : vector<1000x64xf32>
    %mul3A_936 = arith.mulf %slice3A_929, %sub3A_935 : vector<1000x64xf32>
    %add3A_937 = arith.addf %tanh3A_934, %mul3A_936 : vector<1000x64xf32>
    %get3A_938 = arith.constant 16 : index
    %get3A_939 = arith.constant 0 : index
    %get3A_940 = arith.constant 0 : index
    %get3A_941 = vector.load %arg2[%get3A_938, %get3A_939, %get3A_940] : memref<20x80x256xf32, #tpu.memory_space<vmem>>, vector<1x80x256xf32>
    %get3A_942 = vector.shape_cast %get3A_941 : vector<1x80x256xf32> to vector<80x256xf32>
    %dot_general3A_943 = arith.constant dense<0.000000e+00> : vector<1000x256xf32>
    %dot_general3A_944 = tpu.matmul %get3A_1, %get3A_942, %dot_general3A_943 {dimension_numbers = #tpu.dot_dimension_numbers<[1], [0], [0], [1], [0, 0, 1, 1], [], []>, transpose_lhs_hint = false} : vector<1000x80xf32>, vector<80x256xf32>, vector<1000x256xf32> -> vector<1000x256xf32>
    %dot_general3A_945 = arith.constant dense<0.000000e+00> : vector<1000x256xf32>
    %dot_general3A_946 = tpu.matmul %add3A_908, %get3A_7, %dot_general3A_945 {dimension_numbers = #tpu.dot_dimension_numbers<[1], [0], [0], [1], [0, 0, 1, 1], [], []>, transpose_lhs_hint = false} : vector<1000x64xf32>, vector<64x256xf32>, vector<1000x256xf32> -> vector<1000x256xf32>
    %add3A_947 = arith.addf %dot_general3A_944, %dot_general3A_946 : vector<1000x256xf32>
    %add3A_948 = vector.broadcast %get3A_10 : vector<1x256xf32> to vector<1000x256xf32>
    %add3A_949 = arith.addf %add3A_947, %add3A_948 : vector<1000x256xf32>
    %slice3A_950 = vector.extract_strided_slice %add3A_949 {offsets = [0, 0], sizes = [1000, 128], strides = [1, 1]} : vector<1000x256xf32> to vector<1000x128xf32>
    %logistic3A_951 = arith.negf %slice3A_950 : vector<1000x128xf32>
    %logistic3A_952 = math.exp %logistic3A_951 : vector<1000x128xf32>
    %logistic3A_953 = arith.constant 1.000000e+00 : f32
    %logistic3A_954 = vector.broadcast %logistic3A_953 : f32 to vector<1000x128xf32>
    %logistic3A_955 = arith.addf %logistic3A_954, %logistic3A_952 : vector<1000x128xf32>
    %logistic3A_956 = arith.divf %logistic3A_954, %logistic3A_955 : vector<1000x128xf32>
    %slice3A_957 = vector.extract_strided_slice %logistic3A_956 {offsets = [0, 0], sizes = [1000, 64], strides = [1, 1]} : vector<1000x128xf32> to vector<1000x64xf32>
    %slice3A_958 = vector.extract_strided_slice %logistic3A_956 {offsets = [0, 64], sizes = [1000, 64], strides = [1, 1]} : vector<1000x128xf32> to vector<1000x64xf32>
    %slice3A_959 = vector.extract_strided_slice %add3A_949 {offsets = [0, 128], sizes = [1000, 64], strides = [1, 1]} : vector<1000x256xf32> to vector<1000x64xf32>
    %slice3A_960 = vector.extract_strided_slice %add3A_949 {offsets = [0, 192], sizes = [1000, 64], strides = [1, 1]} : vector<1000x256xf32> to vector<1000x64xf32>
    %mul3A_961 = arith.mulf %slice3A_957, %slice3A_960 : vector<1000x64xf32>
    %add3A_962 = arith.addf %slice3A_959, %mul3A_961 : vector<1000x64xf32>
    %tanh3A_963 = math.tanh %add3A_962 : vector<1000x64xf32>
    %sub3A_964 = arith.subf %add3A_908, %tanh3A_963 : vector<1000x64xf32>
    %mul3A_965 = arith.mulf %slice3A_958, %sub3A_964 : vector<1000x64xf32>
    %add3A_966 = arith.addf %tanh3A_963, %mul3A_965 : vector<1000x64xf32>
    %get3A_967 = arith.constant 3 : index
    %get3A_968 = arith.constant 0 : index
    %get3A_969 = arith.constant 0 : index
    %get3A_970 = vector.load %arg5[%get3A_967, %get3A_968, %get3A_969] : memref<20x80x256xf32, #tpu.memory_space<vmem>>, vector<1x80x256xf32>
    %get3A_971 = vector.shape_cast %get3A_970 : vector<1x80x256xf32> to vector<80x256xf32>
    %dot_general3A_972 = arith.constant dense<0.000000e+00> : vector<1000x256xf32>
    %dot_general3A_973 = tpu.matmul %get3A_1, %get3A_971, %dot_general3A_972 {dimension_numbers = #tpu.dot_dimension_numbers<[1], [0], [0], [1], [0, 0, 1, 1], [], []>, transpose_lhs_hint = false} : vector<1000x80xf32>, vector<80x256xf32>, vector<1000x256xf32> -> vector<1000x256xf32>
    %dot_general3A_974 = arith.constant dense<0.000000e+00> : vector<1000x256xf32>
    %dot_general3A_975 = tpu.matmul %add3A_937, %get3A_13, %dot_general3A_974 {dimension_numbers = #tpu.dot_dimension_numbers<[1], [0], [0], [1], [0, 0, 1, 1], [], []>, transpose_lhs_hint = false} : vector<1000x64xf32>, vector<64x256xf32>, vector<1000x256xf32> -> vector<1000x256xf32>
    %add3A_976 = arith.addf %dot_general3A_973, %dot_general3A_975 : vector<1000x256xf32>
    %add3A_977 = vector.broadcast %get3A_16 : vector<1x256xf32> to vector<1000x256xf32>
    %add3A_978 = arith.addf %add3A_976, %add3A_977 : vector<1000x256xf32>
    %slice3A_979 = vector.extract_strided_slice %add3A_978 {offsets = [0, 0], sizes = [1000, 128], strides = [1, 1]} : vector<1000x256xf32> to vector<1000x128xf32>
    %logistic3A_980 = arith.negf %slice3A_979 : vector<1000x128xf32>
    %logistic3A_981 = math.exp %logistic3A_980 : vector<1000x128xf32>
    %logistic3A_982 = arith.constant 1.000000e+00 : f32
    %logistic3A_983 = vector.broadcast %logistic3A_982 : f32 to vector<1000x128xf32>
    %logistic3A_984 = arith.addf %logistic3A_983, %logistic3A_981 : vector<1000x128xf32>
    %logistic3A_985 = arith.divf %logistic3A_983, %logistic3A_984 : vector<1000x128xf32>
    %slice3A_986 = vector.extract_strided_slice %logistic3A_985 {offsets = [0, 0], sizes = [1000, 64], strides = [1, 1]} : vector<1000x128xf32> to vector<1000x64xf32>
    %slice3A_987 = vector.extract_strided_slice %logistic3A_985 {offsets = [0, 64], sizes = [1000, 64], strides = [1, 1]} : vector<1000x128xf32> to vector<1000x64xf32>
    %slice3A_988 = vector.extract_strided_slice %add3A_978 {offsets = [0, 128], sizes = [1000, 64], strides = [1, 1]} : vector<1000x256xf32> to vector<1000x64xf32>
    %slice3A_989 = vector.extract_strided_slice %add3A_978 {offsets = [0, 192], sizes = [1000, 64], strides = [1, 1]} : vector<1000x256xf32> to vector<1000x64xf32>
    %mul3A_990 = arith.mulf %slice3A_986, %slice3A_989 : vector<1000x64xf32>
    %add3A_991 = arith.addf %slice3A_988, %mul3A_990 : vector<1000x64xf32>
    %tanh3A_992 = math.tanh %add3A_991 : vector<1000x64xf32>
    %sub3A_993 = arith.subf %add3A_937, %tanh3A_992 : vector<1000x64xf32>
    %mul3A_994 = arith.mulf %slice3A_987, %sub3A_993 : vector<1000x64xf32>
    %add3A_995 = arith.addf %tanh3A_992, %mul3A_994 : vector<1000x64xf32>
    %get3A_996 = arith.constant 17 : index
    %get3A_997 = arith.constant 0 : index
    %get3A_998 = arith.constant 0 : index
    %get3A_999 = vector.load %arg2[%get3A_996, %get3A_997, %get3A_998] : memref<20x80x256xf32, #tpu.memory_space<vmem>>, vector<1x80x256xf32>
    %get3A_1000 = vector.shape_cast %get3A_999 : vector<1x80x256xf32> to vector<80x256xf32>
    %dot_general3A_1001 = arith.constant dense<0.000000e+00> : vector<1000x256xf32>
    %dot_general3A_1002 = tpu.matmul %get3A_1, %get3A_1000, %dot_general3A_1001 {dimension_numbers = #tpu.dot_dimension_numbers<[1], [0], [0], [1], [0, 0, 1, 1], [], []>, transpose_lhs_hint = false} : vector<1000x80xf32>, vector<80x256xf32>, vector<1000x256xf32> -> vector<1000x256xf32>
    %dot_general3A_1003 = arith.constant dense<0.000000e+00> : vector<1000x256xf32>
    %dot_general3A_1004 = tpu.matmul %add3A_966, %get3A_7, %dot_general3A_1003 {dimension_numbers = #tpu.dot_dimension_numbers<[1], [0], [0], [1], [0, 0, 1, 1], [], []>, transpose_lhs_hint = false} : vector<1000x64xf32>, vector<64x256xf32>, vector<1000x256xf32> -> vector<1000x256xf32>
    %add3A_1005 = arith.addf %dot_general3A_1002, %dot_general3A_1004 : vector<1000x256xf32>
    %add3A_1006 = vector.broadcast %get3A_10 : vector<1x256xf32> to vector<1000x256xf32>
    %add3A_1007 = arith.addf %add3A_1005, %add3A_1006 : vector<1000x256xf32>
    %slice3A_1008 = vector.extract_strided_slice %add3A_1007 {offsets = [0, 0], sizes = [1000, 128], strides = [1, 1]} : vector<1000x256xf32> to vector<1000x128xf32>
    %logistic3A_1009 = arith.negf %slice3A_1008 : vector<1000x128xf32>
    %logistic3A_1010 = math.exp %logistic3A_1009 : vector<1000x128xf32>
    %logistic3A_1011 = arith.constant 1.000000e+00 : f32
    %logistic3A_1012 = vector.broadcast %logistic3A_1011 : f32 to vector<1000x128xf32>
    %logistic3A_1013 = arith.addf %logistic3A_1012, %logistic3A_1010 : vector<1000x128xf32>
    %logistic3A_1014 = arith.divf %logistic3A_1012, %logistic3A_1013 : vector<1000x128xf32>
    %slice3A_1015 = vector.extract_strided_slice %logistic3A_1014 {offsets = [0, 0], sizes = [1000, 64], strides = [1, 1]} : vector<1000x128xf32> to vector<1000x64xf32>
    %slice3A_1016 = vector.extract_strided_slice %logistic3A_1014 {offsets = [0, 64], sizes = [1000, 64], strides = [1, 1]} : vector<1000x128xf32> to vector<1000x64xf32>
    %slice3A_1017 = vector.extract_strided_slice %add3A_1007 {offsets = [0, 128], sizes = [1000, 64], strides = [1, 1]} : vector<1000x256xf32> to vector<1000x64xf32>
    %slice3A_1018 = vector.extract_strided_slice %add3A_1007 {offsets = [0, 192], sizes = [1000, 64], strides = [1, 1]} : vector<1000x256xf32> to vector<1000x64xf32>
    %mul3A_1019 = arith.mulf %slice3A_1015, %slice3A_1018 : vector<1000x64xf32>
    %add3A_1020 = arith.addf %slice3A_1017, %mul3A_1019 : vector<1000x64xf32>
    %tanh3A_1021 = math.tanh %add3A_1020 : vector<1000x64xf32>
    %sub3A_1022 = arith.subf %add3A_966, %tanh3A_1021 : vector<1000x64xf32>
    %mul3A_1023 = arith.mulf %slice3A_1016, %sub3A_1022 : vector<1000x64xf32>
    %add3A_1024 = arith.addf %tanh3A_1021, %mul3A_1023 : vector<1000x64xf32>
    %get3A_1025 = arith.constant 2 : index
    %get3A_1026 = arith.constant 0 : index
    %get3A_1027 = arith.constant 0 : index
    %get3A_1028 = vector.load %arg5[%get3A_1025, %get3A_1026, %get3A_1027] : memref<20x80x256xf32, #tpu.memory_space<vmem>>, vector<1x80x256xf32>
    %get3A_1029 = vector.shape_cast %get3A_1028 : vector<1x80x256xf32> to vector<80x256xf32>
    %dot_general3A_1030 = arith.constant dense<0.000000e+00> : vector<1000x256xf32>
    %dot_general3A_1031 = tpu.matmul %get3A_1, %get3A_1029, %dot_general3A_1030 {dimension_numbers = #tpu.dot_dimension_numbers<[1], [0], [0], [1], [0, 0, 1, 1], [], []>, transpose_lhs_hint = false} : vector<1000x80xf32>, vector<80x256xf32>, vector<1000x256xf32> -> vector<1000x256xf32>
    %dot_general3A_1032 = arith.constant dense<0.000000e+00> : vector<1000x256xf32>
    %dot_general3A_1033 = tpu.matmul %add3A_995, %get3A_13, %dot_general3A_1032 {dimension_numbers = #tpu.dot_dimension_numbers<[1], [0], [0], [1], [0, 0, 1, 1], [], []>, transpose_lhs_hint = false} : vector<1000x64xf32>, vector<64x256xf32>, vector<1000x256xf32> -> vector<1000x256xf32>
    %add3A_1034 = arith.addf %dot_general3A_1031, %dot_general3A_1033 : vector<1000x256xf32>
    %add3A_1035 = vector.broadcast %get3A_16 : vector<1x256xf32> to vector<1000x256xf32>
    %add3A_1036 = arith.addf %add3A_1034, %add3A_1035 : vector<1000x256xf32>
    %slice3A_1037 = vector.extract_strided_slice %add3A_1036 {offsets = [0, 0], sizes = [1000, 128], strides = [1, 1]} : vector<1000x256xf32> to vector<1000x128xf32>
    %logistic3A_1038 = arith.negf %slice3A_1037 : vector<1000x128xf32>
    %logistic3A_1039 = math.exp %logistic3A_1038 : vector<1000x128xf32>
    %logistic3A_1040 = arith.constant 1.000000e+00 : f32
    %logistic3A_1041 = vector.broadcast %logistic3A_1040 : f32 to vector<1000x128xf32>
    %logistic3A_1042 = arith.addf %logistic3A_1041, %logistic3A_1039 : vector<1000x128xf32>
    %logistic3A_1043 = arith.divf %logistic3A_1041, %logistic3A_1042 : vector<1000x128xf32>
    %slice3A_1044 = vector.extract_strided_slice %logistic3A_1043 {offsets = [0, 0], sizes = [1000, 64], strides = [1, 1]} : vector<1000x128xf32> to vector<1000x64xf32>
    %slice3A_1045 = vector.extract_strided_slice %logistic3A_1043 {offsets = [0, 64], sizes = [1000, 64], strides = [1, 1]} : vector<1000x128xf32> to vector<1000x64xf32>
    %slice3A_1046 = vector.extract_strided_slice %add3A_1036 {offsets = [0, 128], sizes = [1000, 64], strides = [1, 1]} : vector<1000x256xf32> to vector<1000x64xf32>
    %slice3A_1047 = vector.extract_strided_slice %add3A_1036 {offsets = [0, 192], sizes = [1000, 64], strides = [1, 1]} : vector<1000x256xf32> to vector<1000x64xf32>
    %mul3A_1048 = arith.mulf %slice3A_1044, %slice3A_1047 : vector<1000x64xf32>
    %add3A_1049 = arith.addf %slice3A_1046, %mul3A_1048 : vector<1000x64xf32>
    %tanh3A_1050 = math.tanh %add3A_1049 : vector<1000x64xf32>
    %sub3A_1051 = arith.subf %add3A_995, %tanh3A_1050 : vector<1000x64xf32>
    %mul3A_1052 = arith.mulf %slice3A_1045, %sub3A_1051 : vector<1000x64xf32>
    %add3A_1053 = arith.addf %tanh3A_1050, %mul3A_1052 : vector<1000x64xf32>
    %get3A_1054 = arith.constant 18 : index
    %get3A_1055 = arith.constant 0 : index
    %get3A_1056 = arith.constant 0 : index
    %get3A_1057 = vector.load %arg2[%get3A_1054, %get3A_1055, %get3A_1056] : memref<20x80x256xf32, #tpu.memory_space<vmem>>, vector<1x80x256xf32>
    %get3A_1058 = vector.shape_cast %get3A_1057 : vector<1x80x256xf32> to vector<80x256xf32>
    %dot_general3A_1059 = arith.constant dense<0.000000e+00> : vector<1000x256xf32>
    %dot_general3A_1060 = tpu.matmul %get3A_1, %get3A_1058, %dot_general3A_1059 {dimension_numbers = #tpu.dot_dimension_numbers<[1], [0], [0], [1], [0, 0, 1, 1], [], []>, transpose_lhs_hint = false} : vector<1000x80xf32>, vector<80x256xf32>, vector<1000x256xf32> -> vector<1000x256xf32>
    %dot_general3A_1061 = arith.constant dense<0.000000e+00> : vector<1000x256xf32>
    %dot_general3A_1062 = tpu.matmul %add3A_1024, %get3A_7, %dot_general3A_1061 {dimension_numbers = #tpu.dot_dimension_numbers<[1], [0], [0], [1], [0, 0, 1, 1], [], []>, transpose_lhs_hint = false} : vector<1000x64xf32>, vector<64x256xf32>, vector<1000x256xf32> -> vector<1000x256xf32>
    %add3A_1063 = arith.addf %dot_general3A_1060, %dot_general3A_1062 : vector<1000x256xf32>
    %add3A_1064 = vector.broadcast %get3A_10 : vector<1x256xf32> to vector<1000x256xf32>
    %add3A_1065 = arith.addf %add3A_1063, %add3A_1064 : vector<1000x256xf32>
    %slice3A_1066 = vector.extract_strided_slice %add3A_1065 {offsets = [0, 0], sizes = [1000, 128], strides = [1, 1]} : vector<1000x256xf32> to vector<1000x128xf32>
    %logistic3A_1067 = arith.negf %slice3A_1066 : vector<1000x128xf32>
    %logistic3A_1068 = math.exp %logistic3A_1067 : vector<1000x128xf32>
    %logistic3A_1069 = arith.constant 1.000000e+00 : f32
    %logistic3A_1070 = vector.broadcast %logistic3A_1069 : f32 to vector<1000x128xf32>
    %logistic3A_1071 = arith.addf %logistic3A_1070, %logistic3A_1068 : vector<1000x128xf32>
    %logistic3A_1072 = arith.divf %logistic3A_1070, %logistic3A_1071 : vector<1000x128xf32>
    %slice3A_1073 = vector.extract_strided_slice %logistic3A_1072 {offsets = [0, 0], sizes = [1000, 64], strides = [1, 1]} : vector<1000x128xf32> to vector<1000x64xf32>
    %slice3A_1074 = vector.extract_strided_slice %logistic3A_1072 {offsets = [0, 64], sizes = [1000, 64], strides = [1, 1]} : vector<1000x128xf32> to vector<1000x64xf32>
    %slice3A_1075 = vector.extract_strided_slice %add3A_1065 {offsets = [0, 128], sizes = [1000, 64], strides = [1, 1]} : vector<1000x256xf32> to vector<1000x64xf32>
    %slice3A_1076 = vector.extract_strided_slice %add3A_1065 {offsets = [0, 192], sizes = [1000, 64], strides = [1, 1]} : vector<1000x256xf32> to vector<1000x64xf32>
    %mul3A_1077 = arith.mulf %slice3A_1073, %slice3A_1076 : vector<1000x64xf32>
    %add3A_1078 = arith.addf %slice3A_1075, %mul3A_1077 : vector<1000x64xf32>
    %tanh3A_1079 = math.tanh %add3A_1078 : vector<1000x64xf32>
    %sub3A_1080 = arith.subf %add3A_1024, %tanh3A_1079 : vector<1000x64xf32>
    %mul3A_1081 = arith.mulf %slice3A_1074, %sub3A_1080 : vector<1000x64xf32>
    %add3A_1082 = arith.addf %tanh3A_1079, %mul3A_1081 : vector<1000x64xf32>
    %get3A_1083 = arith.constant 1 : index
    %get3A_1084 = arith.constant 0 : index
    %get3A_1085 = arith.constant 0 : index
    %get3A_1086 = vector.load %arg5[%get3A_1083, %get3A_1084, %get3A_1085] : memref<20x80x256xf32, #tpu.memory_space<vmem>>, vector<1x80x256xf32>
    %get3A_1087 = vector.shape_cast %get3A_1086 : vector<1x80x256xf32> to vector<80x256xf32>
    %dot_general3A_1088 = arith.constant dense<0.000000e+00> : vector<1000x256xf32>
    %dot_general3A_1089 = tpu.matmul %get3A_1, %get3A_1087, %dot_general3A_1088 {dimension_numbers = #tpu.dot_dimension_numbers<[1], [0], [0], [1], [0, 0, 1, 1], [], []>, transpose_lhs_hint = false} : vector<1000x80xf32>, vector<80x256xf32>, vector<1000x256xf32> -> vector<1000x256xf32>
    %dot_general3A_1090 = arith.constant dense<0.000000e+00> : vector<1000x256xf32>
    %dot_general3A_1091 = tpu.matmul %add3A_1053, %get3A_13, %dot_general3A_1090 {dimension_numbers = #tpu.dot_dimension_numbers<[1], [0], [0], [1], [0, 0, 1, 1], [], []>, transpose_lhs_hint = false} : vector<1000x64xf32>, vector<64x256xf32>, vector<1000x256xf32> -> vector<1000x256xf32>
    %add3A_1092 = arith.addf %dot_general3A_1089, %dot_general3A_1091 : vector<1000x256xf32>
    %add3A_1093 = vector.broadcast %get3A_16 : vector<1x256xf32> to vector<1000x256xf32>
    %add3A_1094 = arith.addf %add3A_1092, %add3A_1093 : vector<1000x256xf32>
    %slice3A_1095 = vector.extract_strided_slice %add3A_1094 {offsets = [0, 0], sizes = [1000, 128], strides = [1, 1]} : vector<1000x256xf32> to vector<1000x128xf32>
    %logistic3A_1096 = arith.negf %slice3A_1095 : vector<1000x128xf32>
    %logistic3A_1097 = math.exp %logistic3A_1096 : vector<1000x128xf32>
    %logistic3A_1098 = arith.constant 1.000000e+00 : f32
    %logistic3A_1099 = vector.broadcast %logistic3A_1098 : f32 to vector<1000x128xf32>
    %logistic3A_1100 = arith.addf %logistic3A_1099, %logistic3A_1097 : vector<1000x128xf32>
    %logistic3A_1101 = arith.divf %logistic3A_1099, %logistic3A_1100 : vector<1000x128xf32>
    %slice3A_1102 = vector.extract_strided_slice %logistic3A_1101 {offsets = [0, 0], sizes = [1000, 64], strides = [1, 1]} : vector<1000x128xf32> to vector<1000x64xf32>
    %slice3A_1103 = vector.extract_strided_slice %logistic3A_1101 {offsets = [0, 64], sizes = [1000, 64], strides = [1, 1]} : vector<1000x128xf32> to vector<1000x64xf32>
    %slice3A_1104 = vector.extract_strided_slice %add3A_1094 {offsets = [0, 128], sizes = [1000, 64], strides = [1, 1]} : vector<1000x256xf32> to vector<1000x64xf32>
    %slice3A_1105 = vector.extract_strided_slice %add3A_1094 {offsets = [0, 192], sizes = [1000, 64], strides = [1, 1]} : vector<1000x256xf32> to vector<1000x64xf32>
    %mul3A_1106 = arith.mulf %slice3A_1102, %slice3A_1105 : vector<1000x64xf32>
    %add3A_1107 = arith.addf %slice3A_1104, %mul3A_1106 : vector<1000x64xf32>
    %tanh3A_1108 = math.tanh %add3A_1107 : vector<1000x64xf32>
    %sub3A_1109 = arith.subf %add3A_1053, %tanh3A_1108 : vector<1000x64xf32>
    %mul3A_1110 = arith.mulf %slice3A_1103, %sub3A_1109 : vector<1000x64xf32>
    %add3A_1111 = arith.addf %tanh3A_1108, %mul3A_1110 : vector<1000x64xf32>
    %get3A_1112 = arith.constant 19 : index
    %get3A_1113 = arith.constant 0 : index
    %get3A_1114 = arith.constant 0 : index
    %get3A_1115 = vector.load %arg2[%get3A_1112, %get3A_1113, %get3A_1114] : memref<20x80x256xf32, #tpu.memory_space<vmem>>, vector<1x80x256xf32>
    %get3A_1116 = vector.shape_cast %get3A_1115 : vector<1x80x256xf32> to vector<80x256xf32>
    %dot_general3A_1117 = arith.constant dense<0.000000e+00> : vector<1000x256xf32>
    %dot_general3A_1118 = tpu.matmul %get3A_1, %get3A_1116, %dot_general3A_1117 {dimension_numbers = #tpu.dot_dimension_numbers<[1], [0], [0], [1], [0, 0, 1, 1], [], []>, transpose_lhs_hint = false} : vector<1000x80xf32>, vector<80x256xf32>, vector<1000x256xf32> -> vector<1000x256xf32>
    %dot_general3A_1119 = arith.constant dense<0.000000e+00> : vector<1000x256xf32>
    %dot_general3A_1120 = tpu.matmul %add3A_1082, %get3A_7, %dot_general3A_1119 {dimension_numbers = #tpu.dot_dimension_numbers<[1], [0], [0], [1], [0, 0, 1, 1], [], []>, transpose_lhs_hint = false} : vector<1000x64xf32>, vector<64x256xf32>, vector<1000x256xf32> -> vector<1000x256xf32>
    %add3A_1121 = arith.addf %dot_general3A_1118, %dot_general3A_1120 : vector<1000x256xf32>
    %add3A_1122 = vector.broadcast %get3A_10 : vector<1x256xf32> to vector<1000x256xf32>
    %add3A_1123 = arith.addf %add3A_1121, %add3A_1122 : vector<1000x256xf32>
    %slice3A_1124 = vector.extract_strided_slice %add3A_1123 {offsets = [0, 0], sizes = [1000, 128], strides = [1, 1]} : vector<1000x256xf32> to vector<1000x128xf32>
    %logistic3A_1125 = arith.negf %slice3A_1124 : vector<1000x128xf32>
    %logistic3A_1126 = math.exp %logistic3A_1125 : vector<1000x128xf32>
    %logistic3A_1127 = arith.constant 1.000000e+00 : f32
    %logistic3A_1128 = vector.broadcast %logistic3A_1127 : f32 to vector<1000x128xf32>
    %logistic3A_1129 = arith.addf %logistic3A_1128, %logistic3A_1126 : vector<1000x128xf32>
    %logistic3A_1130 = arith.divf %logistic3A_1128, %logistic3A_1129 : vector<1000x128xf32>
    %slice3A_1131 = vector.extract_strided_slice %logistic3A_1130 {offsets = [0, 0], sizes = [1000, 64], strides = [1, 1]} : vector<1000x128xf32> to vector<1000x64xf32>
    %slice3A_1132 = vector.extract_strided_slice %logistic3A_1130 {offsets = [0, 64], sizes = [1000, 64], strides = [1, 1]} : vector<1000x128xf32> to vector<1000x64xf32>
    %slice3A_1133 = vector.extract_strided_slice %add3A_1123 {offsets = [0, 128], sizes = [1000, 64], strides = [1, 1]} : vector<1000x256xf32> to vector<1000x64xf32>
    %slice3A_1134 = vector.extract_strided_slice %add3A_1123 {offsets = [0, 192], sizes = [1000, 64], strides = [1, 1]} : vector<1000x256xf32> to vector<1000x64xf32>
    %mul3A_1135 = arith.mulf %slice3A_1131, %slice3A_1134 : vector<1000x64xf32>
    %add3A_1136 = arith.addf %slice3A_1133, %mul3A_1135 : vector<1000x64xf32>
    %tanh3A_1137 = math.tanh %add3A_1136 : vector<1000x64xf32>
    %sub3A_1138 = arith.subf %add3A_1082, %tanh3A_1137 : vector<1000x64xf32>
    %mul3A_1139 = arith.mulf %slice3A_1132, %sub3A_1138 : vector<1000x64xf32>
    %add3A_1140 = arith.addf %tanh3A_1137, %mul3A_1139 : vector<1000x64xf32>
    %get3A_1141 = arith.constant 0 : index
    %get3A_1142 = arith.constant 0 : index
    %get3A_1143 = arith.constant 0 : index
    %get3A_1144 = vector.load %arg5[%get3A_1141, %get3A_1142, %get3A_1143] : memref<20x80x256xf32, #tpu.memory_space<vmem>>, vector<1x80x256xf32>
    %get3A_1145 = vector.shape_cast %get3A_1144 : vector<1x80x256xf32> to vector<80x256xf32>
    %dot_general3A_1146 = arith.constant dense<0.000000e+00> : vector<1000x256xf32>
    %dot_general3A_1147 = tpu.matmul %get3A_1, %get3A_1145, %dot_general3A_1146 {dimension_numbers = #tpu.dot_dimension_numbers<[1], [0], [0], [1], [0, 0, 1, 1], [], []>, transpose_lhs_hint = false} : vector<1000x80xf32>, vector<80x256xf32>, vector<1000x256xf32> -> vector<1000x256xf32>
    %dot_general3A_1148 = arith.constant dense<0.000000e+00> : vector<1000x256xf32>
    %dot_general3A_1149 = tpu.matmul %add3A_1111, %get3A_13, %dot_general3A_1148 {dimension_numbers = #tpu.dot_dimension_numbers<[1], [0], [0], [1], [0, 0, 1, 1], [], []>, transpose_lhs_hint = false} : vector<1000x64xf32>, vector<64x256xf32>, vector<1000x256xf32> -> vector<1000x256xf32>
    %add3A_1150 = arith.addf %dot_general3A_1147, %dot_general3A_1149 : vector<1000x256xf32>
    %add3A_1151 = vector.broadcast %get3A_16 : vector<1x256xf32> to vector<1000x256xf32>
    %add3A_1152 = arith.addf %add3A_1150, %add3A_1151 : vector<1000x256xf32>
    %slice3A_1153 = vector.extract_strided_slice %add3A_1152 {offsets = [0, 0], sizes = [1000, 128], strides = [1, 1]} : vector<1000x256xf32> to vector<1000x128xf32>
    %logistic3A_1154 = arith.negf %slice3A_1153 : vector<1000x128xf32>
    %logistic3A_1155 = math.exp %logistic3A_1154 : vector<1000x128xf32>
    %logistic3A_1156 = arith.constant 1.000000e+00 : f32
    %logistic3A_1157 = vector.broadcast %logistic3A_1156 : f32 to vector<1000x128xf32>
    %logistic3A_1158 = arith.addf %logistic3A_1157, %logistic3A_1155 : vector<1000x128xf32>
    %logistic3A_1159 = arith.divf %logistic3A_1157, %logistic3A_1158 : vector<1000x128xf32>
    %slice3A_1160 = vector.extract_strided_slice %logistic3A_1159 {offsets = [0, 0], sizes = [1000, 64], strides = [1, 1]} : vector<1000x128xf32> to vector<1000x64xf32>
    %slice3A_1161 = vector.extract_strided_slice %logistic3A_1159 {offsets = [0, 64], sizes = [1000, 64], strides = [1, 1]} : vector<1000x128xf32> to vector<1000x64xf32>
    %slice3A_1162 = vector.extract_strided_slice %add3A_1152 {offsets = [0, 128], sizes = [1000, 64], strides = [1, 1]} : vector<1000x256xf32> to vector<1000x64xf32>
    %slice3A_1163 = vector.extract_strided_slice %add3A_1152 {offsets = [0, 192], sizes = [1000, 64], strides = [1, 1]} : vector<1000x256xf32> to vector<1000x64xf32>
    %mul3A_1164 = arith.mulf %slice3A_1160, %slice3A_1163 : vector<1000x64xf32>
    %add3A_1165 = arith.addf %slice3A_1162, %mul3A_1164 : vector<1000x64xf32>
    %tanh3A_1166 = math.tanh %add3A_1165 : vector<1000x64xf32>
    %sub3A_1167 = arith.subf %add3A_1111, %tanh3A_1166 : vector<1000x64xf32>
    %mul3A_1168 = arith.mulf %slice3A_1161, %sub3A_1167 : vector<1000x64xf32>
    %add3A_1169 = arith.addf %tanh3A_1166, %mul3A_1168 : vector<1000x64xf32>
    %concatenate3A = tpu.concatenate %add3A_1140, %add3A_1169 in 1 : vector<1000x64xf32>, vector<1000x64xf32> -> vector<1000x128xf32>
    %get3A_1170 = arith.constant 0 : index
    %get3A_1171 = arith.constant 0 : index
    %get3A_1172 = vector.load %arg8[%get3A_1170, %get3A_1171] : memref<128x32xf32, #tpu.memory_space<vmem>>, vector<128x32xf32>
    %dot_general3A_1173 = arith.constant dense<0.000000e+00> : vector<1000x32xf32>
    %dot_general3A_1174 = tpu.matmul %concatenate3A, %get3A_1172, %dot_general3A_1173 {dimension_numbers = #tpu.dot_dimension_numbers<[1], [0], [0], [1], [0, 0, 1, 1], [], []>, transpose_lhs_hint = false} : vector<1000x128xf32>, vector<128x32xf32>, vector<1000x32xf32> -> vector<1000x32xf32>
    %get3A_1175 = arith.constant 0 : index
    %get3A_1176 = arith.constant 0 : index
    %get3A_1177 = vector.load %arg9[%get3A_1175, %get3A_1176] : memref<1x32xf32, #tpu.memory_space<vmem>>, vector<1x32xf32>
    %add3A_1178 = vector.broadcast %get3A_1177 : vector<1x32xf32> to vector<1000x32xf32>
    %add3A_1179 = arith.addf %dot_general3A_1174, %add3A_1178 : vector<1000x32xf32>
    %swap3A = arith.constant 0 : index
    %swap3A_1180 = arith.constant 0 : index
    %swap3A_1181 = vector.load %arg10[%swap3A, %swap3A_1180] : memref<1000x32xf32, #tpu.memory_space<vmem>>, vector<1000x32xf32>
    tpu.vector_store %arg10[%swap3A, %swap3A_1180], %add3A_1179 {strides = array<i32>} : memref<1000x32xf32, #tpu.memory_space<vmem>>, vector<1000x32xf32>,
    return
  }
  func.func @transform_0(%arg0: i32) -> (i32, i32) {
    %c0_i32 = arith.constant 0 : i32
    %c0_i32_0 = arith.constant 0 : i32
    return %arg0, %c0_i32 : i32, i32
  }
  func.func @transform_1(%arg0: i32) -> (i32, i32, i32) {
    %c0_i32 = arith.constant 0 : i32
    %c0_i32_0 = arith.constant 0 : i32
    %c0_i32_1 = arith.constant 0 : i32
    %c0_i32_2 = arith.constant 0 : i32
    return %c0_i32, %c0_i32_0, %c0_i32_1 : i32, i32, i32
  }
  func.func @transform_2(%arg0: i32) -> (i32, i32) {
    %c0_i32 = arith.constant 0 : i32
    %c0_i32_0 = arith.constant 0 : i32
    %c0_i32_1 = arith.constant 0 : i32
    return %c0_i32, %c0_i32_0 : i32, i32
  }
  func.func @transform_3(%arg0: i32) -> (i32, i32) {
    %c0_i32 = arith.constant 0 : i32
    %c0_i32_0 = arith.constant 0 : i32
    %c0_i32_1 = arith.constant 0 : i32
    return %c0_i32, %c0_i32_0 : i32, i32
  }
  func.func @transform_4(%arg0: i32) -> (i32, i32, i32) {
    %c0_i32 = arith.constant 0 : i32
    %c0_i32_0 = arith.constant 0 : i32
    %c0_i32_1 = arith.constant 0 : i32
    %c0_i32_2 = arith.constant 0 : i32
    return %c0_i32, %c0_i32_0, %c0_i32_1 : i32, i32, i32
  }
  func.func @transform_5(%arg0: i32) -> (i32, i32) {
    %c0_i32 = arith.constant 0 : i32
    %c0_i32_0 = arith.constant 0 : i32
    %c0_i32_1 = arith.constant 0 : i32
    return %c0_i32, %c0_i32_0 : i32, i32
  }
  func.func @transform_6(%arg0: i32) -> (i32, i32) {
    %c0_i32 = arith.constant 0 : i32
    %c0_i32_0 = arith.constant 0 : i32
    %c0_i32_1 = arith.constant 0 : i32
    return %c0_i32, %c0_i32_0 : i32, i32
  }
  func.func @transform_7(%arg0: i32) -> (i32, i32) {
    %c0_i32 = arith.constant 0 : i32
    %c0_i32_0 = arith.constant 0 : i32
    %c0_i32_1 = arith.constant 0 : i32
    return %c0_i32, %c0_i32_0 : i32, i32
  }
  func.func @transform_8(%arg0: i32) -> (i32, i32) {
    %c0_i32 = arith.constant 0 : i32
    %c0_i32_0 = arith.constant 0 : i32
    %c0_i32_1 = arith.constant 0 : i32
    return %c0_i32, %c0_i32_0 : i32, i32
  }
  func.func @transform_9(%arg0: i32) -> (i32, i32) {
    %c0_i32 = arith.constant 0 : i32
    %c0_i32_0 = arith.constant 0 : i32
    return %arg0, %c0_i32 : i32, i32
  }
}

module attributes {stable_mosaic.version = 14 : i64} {
  func.func @_fuse_body(%arg0: i32, %arg1: memref<1x1000x32xf32, #tpu.memory_space<vmem>>, %arg2: memref<1x1000x32xf32, #tpu.memory_space<vmem>>, %arg3: memref<1x1000x1xf32, #tpu.memory_space<vmem>>, %arg4: memref<1x1000x1xf32, #tpu.memory_space<vmem>>, %arg5: memref<1000x32xf32, #tpu.memory_space<vmem>>, %arg6: memref<1x32xf32, #tpu.memory_space<vmem>>, %arg7: memref<1000x32xf32, #tpu.memory_space<vmem>>, %arg8: memref<64x32xf32, #tpu.memory_space<vmem>>, %arg9: memref<1x32xf32, #tpu.memory_space<vmem>>, %arg10: memref<2x32xf32, #tpu.memory_space<vmem>>, %arg11: memref<1000x32xf32, #tpu.memory_space<vmem>>, %arg12: memref<1000x2xf32, #tpu.memory_space<vmem>>) attributes {dimension_semantics = [#tpu.dimension_semantics<arbitrary>], iteration_bounds = array<i64: 10>, scalar_prefetch = 0 : i64, scratch_operands = 0 : i64, tpu.core_type = #tpu.core_type<tc>, window_params = [{transform_indices = @transform_0, window_bounds = array<i64: 1, 1000, 32>}, {transform_indices = @transform_1, window_bounds = array<i64: 1, 1000, 32>}, {transform_indices = @transform_2, window_bounds = array<i64: 1, 1000, 1>}, {transform_indices = @transform_3, window_bounds = array<i64: 1, 1000, 1>}, {transform_indices = @transform_4, window_bounds = array<i64: 1000, 32>}, {pipeline_mode = #tpu.pipeline_mode<synchronous>, transform_indices = @transform_5, window_bounds = array<i64: 1, 32>}, {transform_indices = @transform_6, window_bounds = array<i64: 1000, 32>}, {pipeline_mode = #tpu.pipeline_mode<synchronous>, transform_indices = @transform_7, window_bounds = array<i64: 64, 32>}, {pipeline_mode = #tpu.pipeline_mode<synchronous>, transform_indices = @transform_8, window_bounds = array<i64: 1, 32>}, {pipeline_mode = #tpu.pipeline_mode<synchronous>, transform_indices = @transform_9, window_bounds = array<i64: 2, 32>}, {transform_indices = @transform_10, window_bounds = array<i64: 1000, 32>}, {transform_indices = @transform_11, window_bounds = array<i64: 1000, 2>}]} {
    %get3A = arith.constant 0 : index
    %get3A_0 = arith.constant 0 : index
    %get3A_1 = arith.constant 0 : index
    %get3A_2 = vector.load %arg3[%get3A, %get3A_0, %get3A_1] : memref<1x1000x1xf32, #tpu.memory_space<vmem>>, vector<1x1000x1xf32>
    %get3A_3 = vector.shape_cast %get3A_2 : vector<1x1000x1xf32> to vector<1000x1xf32>
    %get3A_4 = arith.constant 0 : index
    %get3A_5 = arith.constant 0 : index
    %get3A_6 = arith.constant 0 : index
    %get3A_7 = vector.load %arg4[%get3A_4, %get3A_5, %get3A_6] : memref<1x1000x1xf32, #tpu.memory_space<vmem>>, vector<1x1000x1xf32>
    %get3A_8 = vector.shape_cast %get3A_7 : vector<1x1000x1xf32> to vector<1000x1xf32>
    %add3A = arith.addf %get3A_3, %get3A_8 : vector<1000x1xf32>
    %max3A = arith.constant 1.000000e+00 : f32
    %max3A_9 = vector.broadcast %max3A : f32 to vector<1000x1xf32>
    %max3A_10 = arith.maximumf %add3A, %max3A_9 : vector<1000x1xf32>
    %div3A = arith.constant 1.000000e+00 : f32
    %div3A_11 = vector.broadcast %div3A : f32 to vector<1000x1xf32>
    %div3A_12 = arith.divf %div3A_11, %max3A_10 : vector<1000x1xf32>
    %get3A_13 = arith.constant 0 : index
    %get3A_14 = arith.constant 0 : index
    %get3A_15 = arith.constant 0 : index
    %get3A_16 = vector.load %arg1[%get3A_13, %get3A_14, %get3A_15] : memref<1x1000x32xf32, #tpu.memory_space<vmem>>, vector<1x1000x32xf32>
    %get3A_17 = vector.shape_cast %get3A_16 : vector<1x1000x32xf32> to vector<1000x32xf32>
    %get3A_18 = arith.constant 0 : index
    %get3A_19 = arith.constant 0 : index
    %get3A_20 = arith.constant 0 : index
    %get3A_21 = vector.load %arg2[%get3A_18, %get3A_19, %get3A_20] : memref<1x1000x32xf32, #tpu.memory_space<vmem>>, vector<1x1000x32xf32>
    %get3A_22 = vector.shape_cast %get3A_21 : vector<1x1000x32xf32> to vector<1000x32xf32>
    %add3A_23 = arith.addf %get3A_17, %get3A_22 : vector<1000x32xf32>
    %mul3A = vector.broadcast %div3A_12 : vector<1000x1xf32> to vector<1000x32xf32>
    %mul3A_24 = arith.mulf %add3A_23, %mul3A : vector<1000x32xf32>
    %get3A_25 = arith.constant 0 : index
    %get3A_26 = arith.constant 0 : index
    %get3A_27 = vector.load %arg6[%get3A_25, %get3A_26] : memref<1x32xf32, #tpu.memory_space<vmem>>, vector<1x32xf32>
    %add3A_28 = vector.broadcast %get3A_27 : vector<1x32xf32> to vector<1000x32xf32>
    %add3A_29 = arith.addf %mul3A_24, %add3A_28 : vector<1000x32xf32>
    %get3A_30 = arith.constant 0 : index
    %get3A_31 = arith.constant 0 : index
    %get3A_32 = vector.load %arg5[%get3A_30, %get3A_31] : memref<1000x32xf32, #tpu.memory_space<vmem>>, vector<1000x32xf32>
    %add3A_33 = arith.addf %add3A_29, %get3A_32 : vector<1000x32xf32>
    %get3A_34 = arith.constant 0 : index
    %get3A_35 = arith.constant 0 : index
    %get3A_36 = vector.load %arg7[%get3A_34, %get3A_35] : memref<1000x32xf32, #tpu.memory_space<vmem>>, vector<1000x32xf32>
    %concatenate3A = tpu.concatenate %add3A_33, %get3A_36 in 1 : vector<1000x32xf32>, vector<1000x32xf32> -> vector<1000x64xf32>
    %get3A_37 = arith.constant 0 : index
    %get3A_38 = arith.constant 0 : index
    %get3A_39 = vector.load %arg8[%get3A_37, %get3A_38] : memref<64x32xf32, #tpu.memory_space<vmem>>, vector<64x32xf32>
    %dot_general3A = arith.constant dense<0.000000e+00> : vector<1000x32xf32>
    %dot_general3A_40 = tpu.matmul %concatenate3A, %get3A_39, %dot_general3A {dimension_numbers = #tpu.dot_dimension_numbers<[1], [0], [0], [1], [0, 0, 1, 1], [], []>, transpose_lhs_hint = false} : vector<1000x64xf32>, vector<64x32xf32>, vector<1000x32xf32> -> vector<1000x32xf32>
    %get3A_41 = arith.constant 0 : index
    %get3A_42 = arith.constant 0 : index
    %get3A_43 = vector.load %arg9[%get3A_41, %get3A_42] : memref<1x32xf32, #tpu.memory_space<vmem>>, vector<1x32xf32>
    %add3A_44 = vector.broadcast %get3A_43 : vector<1x32xf32> to vector<1000x32xf32>
    %add3A_45 = arith.addf %dot_general3A_40, %add3A_44 : vector<1000x32xf32>
    %swap3A = arith.constant 0 : index
    %swap3A_46 = arith.constant 0 : index
    %swap3A_47 = vector.load %arg11[%swap3A, %swap3A_46] : memref<1000x32xf32, #tpu.memory_space<vmem>>, vector<1000x32xf32>
    tpu.vector_store %arg11[%swap3A, %swap3A_46], %add3A_45 {strides = array<i32>} : memref<1000x32xf32, #tpu.memory_space<vmem>>, vector<1000x32xf32>,
    %get3A_48 = arith.constant 0 : index
    %get3A_49 = arith.constant 0 : index
    %get3A_50 = vector.load %arg10[%get3A_48, %get3A_49] : memref<2x32xf32, #tpu.memory_space<vmem>>, vector<2x32xf32>
    %dot_general3A_51 = arith.constant dense<0.000000e+00> : vector<1000x2xf32>
    %dot_general3A_52 = tpu.matmul %add3A_45, %get3A_50, %dot_general3A_51 {dimension_numbers = #tpu.dot_dimension_numbers<[1], [1], [0], [0], [0, 0, 1, 0], [], []>, transpose_lhs_hint = false} : vector<1000x32xf32>, vector<2x32xf32>, vector<1000x2xf32> -> vector<1000x2xf32>
    %mul3A_53 = arith.mulf %add3A_45, %add3A_45 : vector<1000x32xf32>
    %reduce_sum3A = arith.constant dense<0.000000e+00> : vector<1000xf32>
    %reduce_sum3A_54 = vector.multi_reduction <add>, %mul3A_53, %reduce_sum3A [1] : vector<1000x32xf32> to vector<1000xf32>
    %broadcast_in_dim3A = vector.shape_cast %reduce_sum3A_54 : vector<1000xf32> to vector<1000x1xf32>
    %mul3A_55 = arith.mulf %get3A_50, %get3A_50 : vector<2x32xf32>
    %reduce_sum3A_56 = arith.constant dense<0.000000e+00> : vector<2xf32>
    %reduce_sum3A_57 = vector.multi_reduction <add>, %mul3A_55, %reduce_sum3A_56 [1] : vector<2x32xf32> to vector<2xf32>
    %broadcast_in_dim3A_58 = vector.shape_cast %reduce_sum3A_57 : vector<2xf32> to vector<1x2xf32>
    %add3A_59 = vector.broadcast %broadcast_in_dim3A : vector<1000x1xf32> to vector<1000x2xf32>
    %add3A_60 = vector.broadcast %broadcast_in_dim3A_58 : vector<1x2xf32> to vector<1000x2xf32>
    %add3A_61 = arith.addf %add3A_59, %add3A_60 : vector<1000x2xf32>
    %mul3A_62 = arith.constant 2.000000e+00 : f32
    %mul3A_63 = vector.broadcast %mul3A_62 : f32 to vector<1000x2xf32>
    %mul3A_64 = arith.mulf %mul3A_63, %dot_general3A_52 : vector<1000x2xf32>
    %sub3A = arith.subf %add3A_61, %mul3A_64 : vector<1000x2xf32>
    %add3A_65 = arith.constant 1.000000e+00 : f32
    %add3A_66 = vector.broadcast %add3A_65 : f32 to vector<1000x2xf32>
    %add3A_67 = arith.addf %add3A_66, %sub3A : vector<1000x2xf32>
    %div3A_68 = arith.constant 1.000000e+00 : f32
    %div3A_69 = vector.broadcast %div3A_68 : f32 to vector<1000x2xf32>
    %div3A_70 = arith.divf %div3A_69, %add3A_67 : vector<1000x2xf32>
    %reduce_sum3A_71 = arith.constant dense<0.000000e+00> : vector<1000xf32>
    %reduce_sum3A_72 = vector.multi_reduction <add>, %div3A_70, %reduce_sum3A_71 [1] : vector<1000x2xf32> to vector<1000xf32>
    %broadcast_in_dim3A_73 = vector.shape_cast %reduce_sum3A_72 : vector<1000xf32> to vector<1000x1xf32>
    %div3A_74 = vector.broadcast %broadcast_in_dim3A_73 : vector<1000x1xf32> to vector<1000x2xf32>
    %div3A_75 = arith.divf %div3A_70, %div3A_74 : vector<1000x2xf32>
    %swap3A_76 = arith.constant 0 : index
    %swap3A_77 = arith.constant 0 : index
    %swap3A_78 = vector.load %arg12[%swap3A_76, %swap3A_77] : memref<1000x2xf32, #tpu.memory_space<vmem>>, vector<1000x2xf32>
    tpu.vector_store %arg12[%swap3A_76, %swap3A_77], %div3A_75 {strides = array<i32>} : memref<1000x2xf32, #tpu.memory_space<vmem>>, vector<1000x2xf32>,
    return
  }
  func.func @transform_0(%arg0: i32) -> (i32, i32, i32) {
    %c0_i32 = arith.constant 0 : i32
    %c0_i32_0 = arith.constant 0 : i32
    %c0_i32_1 = arith.constant 0 : i32
    return %c0_i32, %arg0, %c0_i32_0 : i32, i32, i32
  }
  func.func @transform_1(%arg0: i32) -> (i32, i32, i32) {
    %c1_i32 = arith.constant 1 : i32
    %c0_i32 = arith.constant 0 : i32
    %c0_i32_0 = arith.constant 0 : i32
    return %c1_i32, %arg0, %c0_i32 : i32, i32, i32
  }
  func.func @transform_2(%arg0: i32) -> (i32, i32, i32) {
    %c0_i32 = arith.constant 0 : i32
    %c0_i32_0 = arith.constant 0 : i32
    %c0_i32_1 = arith.constant 0 : i32
    return %c0_i32, %arg0, %c0_i32_0 : i32, i32, i32
  }
  func.func @transform_3(%arg0: i32) -> (i32, i32, i32) {
    %c1_i32 = arith.constant 1 : i32
    %c0_i32 = arith.constant 0 : i32
    %c0_i32_0 = arith.constant 0 : i32
    return %c1_i32, %arg0, %c0_i32 : i32, i32, i32
  }
  func.func @transform_4(%arg0: i32) -> (i32, i32) {
    %c0_i32 = arith.constant 0 : i32
    %c0_i32_0 = arith.constant 0 : i32
    return %arg0, %c0_i32 : i32, i32
  }
  func.func @transform_5(%arg0: i32) -> (i32, i32) {
    %c0_i32 = arith.constant 0 : i32
    %c0_i32_0 = arith.constant 0 : i32
    %c0_i32_1 = arith.constant 0 : i32
    return %c0_i32, %c0_i32_0 : i32, i32
  }
  func.func @transform_6(%arg0: i32) -> (i32, i32) {
    %c0_i32 = arith.constant 0 : i32
    %c0_i32_0 = arith.constant 0 : i32
    return %arg0, %c0_i32 : i32, i32
  }
  func.func @transform_7(%arg0: i32) -> (i32, i32) {
    %c0_i32 = arith.constant 0 : i32
    %c0_i32_0 = arith.constant 0 : i32
    %c0_i32_1 = arith.constant 0 : i32
    return %c0_i32, %c0_i32_0 : i32, i32
  }
  func.func @transform_8(%arg0: i32) -> (i32, i32) {
    %c0_i32 = arith.constant 0 : i32
    %c0_i32_0 = arith.constant 0 : i32
    %c0_i32_1 = arith.constant 0 : i32
    return %c0_i32, %c0_i32_0 : i32, i32
  }
  func.func @transform_9(%arg0: i32) -> (i32, i32) {
    %c0_i32 = arith.constant 0 : i32
    %c0_i32_0 = arith.constant 0 : i32
    %c0_i32_1 = arith.constant 0 : i32
    return %c0_i32, %c0_i32_0 : i32, i32
  }
  func.func @transform_10(%arg0: i32) -> (i32, i32) {
    %c0_i32 = arith.constant 0 : i32
    %c0_i32_0 = arith.constant 0 : i32
    return %arg0, %c0_i32 : i32, i32
  }
  func.func @transform_11(%arg0: i32) -> (i32, i32) {
    %c0_i32 = arith.constant 0 : i32
    %c0_i32_0 = arith.constant 0 : i32
    return %arg0, %c0_i32 : i32, i32
  }
}

module attributes {stable_mosaic.version = 14 : i64} {
  func.func @_adj_body(%arg0: i32, %arg1: memref<400x32xf32, #tpu.memory_space<vmem>>, %arg2: memref<10000x32xf32, #tpu.memory_space<vmem>>, %arg3: memref<400x10000xf32, #tpu.memory_space<vmem>>) attributes {dimension_semantics = [#tpu.dimension_semantics<arbitrary>], iteration_bounds = array<i64: 25>, scalar_prefetch = 0 : i64, scratch_operands = 0 : i64, tpu.core_type = #tpu.core_type<tc>, window_params = [{transform_indices = @transform_0, window_bounds = array<i64: 400, 32>}, {pipeline_mode = #tpu.pipeline_mode<synchronous>, transform_indices = @transform_1, window_bounds = array<i64: 10000, 32>}, {transform_indices = @transform_2, window_bounds = array<i64: 400, 10000>}]} {
    %get3A = arith.constant 0 : index
    %get3A_0 = arith.constant 0 : index
    %get3A_1 = vector.load %arg1[%get3A, %get3A_0] : memref<400x32xf32, #tpu.memory_space<vmem>>, vector<400x32xf32>
    %get3A_2 = arith.constant 0 : index
    %get3A_3 = arith.constant 0 : index
    %get3A_4 = vector.load %arg2[%get3A_2, %get3A_3] : memref<10000x32xf32, #tpu.memory_space<vmem>>, vector<10000x32xf32>
    %dot_general3A = arith.constant dense<0.000000e+00> : vector<400x10000xf32>
    %dot_general3A_5 = tpu.matmul %get3A_1, %get3A_4, %dot_general3A {dimension_numbers = #tpu.dot_dimension_numbers<[1], [1], [0], [0], [0, 0, 1, 0], [], []>, transpose_lhs_hint = false} : vector<400x32xf32>, vector<10000x32xf32>, vector<400x10000xf32> -> vector<400x10000xf32>
    %logistic3A = arith.negf %dot_general3A_5 : vector<400x10000xf32>
    %logistic3A_6 = math.exp %logistic3A : vector<400x10000xf32>
    %logistic3A_7 = arith.constant 1.000000e+00 : f32
    %logistic3A_8 = vector.broadcast %logistic3A_7 : f32 to vector<400x10000xf32>
    %logistic3A_9 = arith.addf %logistic3A_8, %logistic3A_6 : vector<400x10000xf32>
    %logistic3A_10 = arith.divf %logistic3A_8, %logistic3A_9 : vector<400x10000xf32>
    %swap3A = arith.constant 0 : index
    %swap3A_11 = arith.constant 0 : index
    %swap3A_12 = vector.load %arg3[%swap3A, %swap3A_11] : memref<400x10000xf32, #tpu.memory_space<vmem>>, vector<400x10000xf32>
    tpu.vector_store %arg3[%swap3A, %swap3A_11], %logistic3A_10 {strides = array<i32>} : memref<400x10000xf32, #tpu.memory_space<vmem>>, vector<400x10000xf32>,
    return
  }
  func.func @transform_0(%arg0: i32) -> (i32, i32) {
    %c0_i32 = arith.constant 0 : i32
    %c0_i32_0 = arith.constant 0 : i32
    return %arg0, %c0_i32 : i32, i32
  }
  func.func @transform_1(%arg0: i32) -> (i32, i32) {
    %c0_i32 = arith.constant 0 : i32
    %c0_i32_0 = arith.constant 0 : i32
    %c0_i32_1 = arith.constant 0 : i32
    return %c0_i32, %c0_i32_0 : i32, i32
  }
  func.func @transform_2(%arg0: i32) -> (i32, i32) {
    %c0_i32 = arith.constant 0 : i32
    %c0_i32_0 = arith.constant 0 : i32
    return %arg0, %c0_i32 : i32, i32
  }
}

</mosaic_0001>

<sc_bundles>
// kernel: kernel.12.cloned.1.call-start
scs
__scs_entry_jumppad:
0x0: {  	(pc) =	sbr.rel $0x88, $3  }
0x1: {  	(tag) =	ssettag $0x0;
	lr =	simm.s32 $0x1  }
0x2: {  	[smem:$0x3F8B] =	sst lr;
	_ =	strace $0xD0000000  }
0x3: {  	_ = 	snop  }
0x4: {  	_ = 	snop  }
0x5: {  	_ = 	snop  }
0x6: {  	_ = 	snop  }
0x7: {  	_ = 	snop  }
__scs_overlays_trampoline_lowered:
0x8: {  	[smem:$0x3F9A] =	sst s0  }
0x9: {  	[smem:$0x3F9B] =	sst s1  }
0xa: {  	[smem:$0x3F9C] =	sst s2  }
0xb: {  	[smem:$0x3F9D] =	sst s3  }
0xc: {  	[smem:$0x3F9E] =	sst s4  }
0xd: {  	[smem:$0x3F9F] =	sst s5  }
0xe: {  	[smem:$0x3FA0] =	sst s6  }
0xf: {  	[smem:$0x3FA1] =	sst s7  }
0x10: {  	[smem:$0x3FA2] =	sst s8  }
0x11: {  	[smem:$0x3FA3] =	sst s9;
	s0 =	simm.s32 @!p0 $0x0  }
0x12: {  	s1 =	sld [smem:$0x3F89];
	s0 =	simm.s32 @p0 $0x1  }
0x13: {  	[smem:$0x3FA4] =	sst s0;
	s0 =	simm.s32 @!p1 $0x0  }
0x14: {  	s2 =	sld [smem:$0x3F88];
	s0 =	simm.s32 @p1 $0x1  }
0x15: {  	[smem:$0x3FA5] =	sst s0;
	s0 =	simm.s32 @!p2 $0x0  }
0x16: {  	s3 =	sld [smem:$0x3FDB];
	s0 =	simm.s32 @p2 $0x1  }
0x17: {  	s4 =	simm.s32 $0x1BF5;
	[smem:$0x3FA7] =	sst s0  }
0x18: {  	s0 =	sld [smem:$0x3F8A];
	_ =	swait.ge [sflag:s4], $0x0  }
0x19: {  	s7 =	sld [smem:$0x3F8B]  }
0x1a: {  	s8 =	sadd.s32 $0xFFFFE003, lr  }
0x1b: {  	s9 =	sadd.s32 $0xFFFFFEF7, lr;
	s5 =	simm.s32 $0xFFFFFFFF;
	p2 =	slt.u32 s8, $0xFFFFF086  }
0x1c: {  	p1 =	slt.u32 s9, $0xF7A;
	s5 =	simm.s32 @!p2 $0x0  }
0x1d: {  	s5 =	simm.s32 @p1 $0x1;
	p0 =	seq.s32 s7, s2  }
0x1e: {  	s7 =	smul.u32 @!p0 $0xF7A, s2;
	p2 =	seq.s32 @!p0 s5, $0x0  }
0x1f: {  	s9 =	smul.u32 $0xF7A, s1;
	s8 =	simm.s32 @!p0 $0x1BF5;
	p2 =	por !p2, p0  }
0x20: {  	[sflag:s8] =	ssyncset.s32 @!p0 $0xFFFFF086;
	s6 =	sadd.s32 @!p0 s3, s7;
	s7 =	simm.s32 @!p0 $0x108  }
0x21: {  	s3 =	sadd.s32 s3, s9;
	s6 =	sadd.s32 @!p0 $0x88, s6;
	s7 =	simm.s32 @p2 $0x1082  }
0x22: {  	[simem:s7], [sflag:s8] =	dma.local @!p0 [hbm:s6], $0xF7A  }
0x23: {  	s9 =	sor.u32 $0xD0000000, s2;
	s6 =	simm.s32 $0x108;
	_ =	swait.ge @!p0 [sflag:s8], $0x0  }
0x24: {  	s3 =	sadd.s32 $0x88, s3;
	s6 =	simm.s32 @!p1 $0x1082;
	[sflag:s4] =	ssyncset.s32 $0xFFFFF086  }
0x25: {  	[simem:s6], [sflag:s4] =	dma.local [hbm:s3], $0xF7A  }
0x26: {  	[smem:$0x3F8B] =	sst s1;
	(tag) =	ssettag s2;
	_ =	strace s9  }
0x27: {  	s1 =	sld [smem:$0x3F9B]  }
0x28: {  	s2 =	sld [smem:$0x3F9C]  }
0x29: {  	s4 =	sld [smem:$0x3F9E]  }
0x2a: {  	p0 =	seq.s32 s5, $0x0;
	s5 =	sld [smem:$0x3F9F]  }
0x2b: {  	s6 =	sld [smem:$0x3FA0]  }
0x2c: {  	s7 =	sld [smem:$0x3FA1]  }
0x2d: {  	s3 =	simm.s32 $0x108;
	s8 =	sld [smem:$0x3FA2]  }
0x2e: {  	s3 =	simm.s32 @!p0 $0x1082;
	s9 =	sld [smem:$0x3FA3]  }
0x2f: {  	lr =	sadd.s32 s0, s3;
	s0 =	sld [smem:$0x3F9A]  }
0x30: {  	s3 =	sld [smem:$0x3F9D]  }
0x31: {  	[smem:$0x3FA6] =	sst s10  }
0x32: {  	s10 =	sld [smem:$0x3FA4];
	_ =	sdelay $0x3  }
0x33: {  	p0 =	seq.s32 s10, $0x1;
	s10 =	sld [smem:$0x3FA6];
	_ =	sdelay $0x3  }
0x34: {  	[smem:$0x3FA6] =	sst s10  }
0x35: {  	s10 =	sld [smem:$0x3FA5];
	_ =	sdelay $0x3  }
0x36: {  	p1 =	seq.s32 s10, $0x1;
	s10 =	sld [smem:$0x3FA6];
	_ =	sdelay $0x3  }
0x37: {  	[smem:$0x3FA6] =	sst s10  }
0x38: {  	s10 =	sld [smem:$0x3FA7]  }
0x39: {  	_ = 	snop;
	(pc) =	sbr.ind lr, $3  }
0x3a: {  	_ = 	snop  }
0x3b: {  	_ = 	snop  }
0x3c: {  	p2 =	seq.s32 s10, $0x1;
	s10 =	sld [smem:$0x3FA6]  }
0x3d: {  	_ =	shalt  }
0x3e: {  	_ =	shalt  }
0x3f: {  	_ =	shalt  }
0x40: {  	_ =	shalt  }
0x41: {  	_ =	shalt  }
0x42: {  	_ =	shalt  }
0x43: {  	_ =	shalt  }
0x44: {  	_ =	shalt  }
0x45: {  	_ =	shalt  }
0x46: {  	_ =	shalt  }
0x47: {  	_ =	shalt  }
0x48: {  	_ =	shalt  }
0x49: {  	_ =	shalt  }
0x4a: {  	_ =	shalt  }
0x4b: {  	_ =	shalt  }
0x4c: {  	_ =	shalt  }
0x4d: {  	_ =	shalt  }
0x4e: {  	_ =	shalt  }
0x4f: {  	_ =	shalt  }
0x50: {  	_ =	shalt  }
0x51: {  	_ =	shalt  }
0x52: {  	_ =	shalt  }
0x53: {  	_ =	shalt  }
0x54: {  	_ =	shalt  }
0x55: {  	_ =	shalt  }
0x56: {  	_ =	shalt  }
0x57: {  	_ =	shalt  }
0x58: {  	_ =	shalt  }
0x59: {  	_ =	shalt  }
0x5a: {  	_ =	shalt  }
0x5b: {  	_ =	shalt  }
0x5c: {  	_ =	shalt  }
0x5d: {  	_ =	shalt  }
0x5e: {  	_ =	shalt  }
0x5f: {  	_ =	shalt  }
0x60: {  	_ =	shalt  }
0x61: {  	_ =	shalt  }
0x62: {  	_ =	shalt  }
0x63: {  	_ =	shalt  }
0x64: {  	_ =	shalt  }
0x65: {  	_ =	shalt  }
0x66: {  	_ =	shalt  }
0x67: {  	_ =	shalt  }
0x68: {  	_ =	shalt  }
0x69: {  	_ =	shalt  }
0x6a: {  	_ =	shalt  }
0x6b: {  	_ =	shalt  }
0x6c: {  	_ =	shalt  }
0x6d: {  	_ =	shalt  }
0x6e: {  	_ =	shalt  }
0x6f: {  	_ =	shalt  }
0x70: {  	_ =	shalt  }
0x71: {  	_ =	shalt  }
0x72: {  	_ =	shalt  }
0x73: {  	_ =	shalt  }
0x74: {  	_ =	shalt  }
0x75: {  	_ =	shalt  }
0x76: {  	_ =	shalt  }
0x77: {  	_ =	shalt  }
0x78: {  	_ =	shalt  }
0x79: {  	_ =	shalt  }
0x7a: {  	_ =	shalt  }
0x7b: {  	_ =	shalt  }
0x7c: {  	_ =	shalt  }
0x7d: {  	_ =	shalt  }
0x7e: {  	_ =	shalt  }
0x7f: {  	_ =	shalt  }
0x80: {  	_ =	shalt  }
0x81: {  	_ =	shalt  }
0x82: {  	_ =	shalt  }
0x83: {  	_ =	shalt  }
0x84: {  	_ =	shalt  }
0x85: {  	_ =	shalt  }
0x86: {  	_ =	shalt  }
0x87: {  	_ =	shalt  }
.Lfunc_end0:
.L_simem_size_0:
called_computation.1_lowered:
.L_overlay_start_0:
0x88: {  	s2 =	sld [smem:$0x3FD9]  }
0x89: {  	s3 =	sld [smem:$0x3FFE];
	_ =	sdelay $0x1  }
0x8a: {  	s1 =	srdreg.scid  }
0x8b: {  	s0 =	sand.u32 $0x1, s1  }
0x8c: {  	s14 =	sshll.u32 s0, $0xA;
	s2 =	sadd.s32 s3, s2  }
0x8d: {  	s2 =	sadd.s32 s2, s14  }
0x8e: {  	[smem:$0x3FB2] =	sst s2  }
0x8f: {  	_ = 	snop  }
0x90: {  	s2 =	sld [smem:$0x3FD0];
	_ =	sdelay $0x2  }
0x91: {  	s15 =	simm.s32 $0xA;
	s4 =	simm.s32 $0x10  }
0x92: {  	[smem:s4], [sflag:s15] =	dma.local [hbm:s2], $0x1  }
0x93: {  	_ =	swait.eq [sflag:s15], $0x1  }
0x94: {  	[sflag:s15] =	ssyncset.done $0x0  }
0x95: {  	[sflag:s15] =	ssyncadd.s32 $0xFFFFFFFF  }
0x96: {  	s16 =	sld [smem:$0x10];
	(tm) =	ssettm $0x1  }
0x97: {  	s17 =	sld [smem:$0x3FFB];
	_ =	sdelay $0x3  }
0x98: {  	_ =	strace s17  }
0x99: {  	s3 =	sld [smem:$0x3FFC];
	_ =	sdelay $0x3  }
0x9a: {  	_ =	strace s3  }
0x9b: {  	s3 =	sld [smem:$0x3FFD];
	_ =	sdelay $0x3  }
0x9c: {  	_ =	strace s3  }
0x9d: {  	_ =	strace $0x8FFFFFFF  }
0x9e: {  	s18 =	sld [smem:$0x3FDB];
	_ =	sdelay $0x1  }
0x9f: {  	s19 =	simm.s32 $_scs_section_size  }
0xa0: {  	s5 =	simm.s32 $_size__tile_overlayer_lowered;
	s6 =	simm.s32 $_tile_overlayer_lowered  }
0xa1: {  	s22 =	simm.s32 $0x1BFF;
	s21 =	sshll.u32 s6, $0x1;
	s3 =	sadd.s32 s19, s18  }
0xa2: {  	s7 =	simm.s32 $0x0;
	s20 =	sshll.u32 s5, $0x1;
	s5 =	sadd.s32 s21, s3  }
0xa3: {  	[timem:s7], [sflag:s22] =	dma.local [hbm:s5], s20  }
0xa4: {  	_ =	swait.ge [sflag:s22], s20  }
0xa5: {  	s4 =	ssub.s32 $0x0, s20;
	[sflag:s22] =	ssyncset.done $0x0  }
0xa6: {  	[sflag:s22] =	ssyncadd.s32 s4;
	_ =	sdelay $0x1  }
0xa7: {  	s23 =	simm.s32 $0x1B8B  }
0xa8: {  	_ =	swait.ge [sflag:s23], $0x1  }
0xa9: {  	[sflag:s23] =	ssyncset.done $0x0  }
0xaa: {  	s25 =	simm.s32 $0x1B8E;
	s24 =	sld [smem:$0x3FFE];
	[sflag:s23] =	ssyncadd.s32 $0xFFFFFFFF  }
0xab: {  	s26 =	simm.s32 $execute0_lowered;
	[smem:$0x3FD2] =	sst s25  }
0xac: {  	s5 =	sshll.u32 s26, $0x1;
	_ =	strace $0x80000049;
	[dreg:$0x1] =	wrdreg $0xFFFFFFFF  }
0xad: {  	s28 =	simm.s32 $_size_execute0_lowered;
	s3 =	sadd.s32 s3, s5;
	[dreg:$0x0] =	wrdreg $0x0  }
0xae: {  	s5 =	sshll.u32 s28, $0x1;
	[dreg:$0x2] =	wrdreg s3  }
0xaf: {  	[dreg:$0x3] =	wrdreg s5  }
0xb0: {  	[dreg:$0x4] =	wrdreg $0xC0  }
0xb1: {  	_ =	task [dreg:s7], $0x5FFFF  }
0xb2: {  	[dreg:$0x1] =	wrdreg $0xFFFFFFFF  }
0xb3: {  	[dreg:$0x0] =	wrdreg $0x60  }
0xb4: {  	[dreg:$0x2] =	wrdreg s16  }
0xb5: {  	[dreg:$0x3] =	wrdreg s24  }
0xb6: {  	[dreg:$0x4] =	wrdreg $0x5C000  }
0xb7: {  	[dreg:$0x5] =	wrdreg $0x9  }
0xb8: {  	_ =	task.clear_ibuf [dreg:s7], $0x6FFFF;
	_ =	strace $0x90000049  }
0xb9: {  	s29 =	simm.s32 $0x9;
	_ =	strace $0x8000004B  }
0xba: {  	_ =	swait.ge [sflag:s29], $0x1  }
0xbb: {  	[sflag:s29] =	ssyncadd.s32 $0xFFFFFFFF  }
0xbc: {  	_ =	strace $0x9000004B  }
0xbd: {  	_ =	sfence  }
0xbe: {  	s30 =	sld [smem:$0x0];
	_ =	sdelay $0x2  }
0xbf: {  	s31 =	sshll.u32 s1, $0xD;
	s1 =	sshrl.u32 s1, $0x2  }
0xc0: {  	s3 =	sand.u32 $0x4000, s31;
	s1 =	sadd.s32 s1, s30  }
0xc1: {  	s0 =	sor.u32 s3, s0;
	s1 =	sshll.u32 s1, $0x11  }
0xc2: {  	s0 =	sor.u32 s1, s0  }
0xc3: {  	s0 =	sadd.s32 $0x8F2B, s0  }
0xc4: {  	[sflag:s0] =	ssyncadd.remote.s32 $0x1  }
0xc5: {  	_ =	sfence.sel $0xFFFF  }
0xc6: {  	[dreg:$0x0] =	wrdreg $0xFFFFFFFF;
	(pc) =	sbr.abs _section_cstart, $3  }
0xc7: {  	[dreg:$0x1] =	wrdreg $0xFFFFFFFF  }
0xc8: {  	_ =	task.clear_ibuf [dreg:s7], $0x2FFFF;
	_ =	strace $0x9FFFFFFF  }
0xc9: {  	(tm) =	ssettm $0x7FFFFFFF  }
tec
execute0_lowered:
.L_overlay_start_1:
0x0: {  	(tag) =	ssettag $0x1  }
0x1: {  	s1 =	rddreg [dreg:$0x0]  }
0x2: {  	s0 =	rddreg [dreg:$0x1]  }
0x3: {  	s3 =	rddreg [dreg:$0x2];
	s5 =	srdreg.scid  }
0x4: {  	s2 =	stileid.u32;
	s4 =	simm.s32 $0x0;
	s17 =	simm.s32 $0x5  }
0x5: {  	s18 =	simm.s32 $0x1E00;
	s19 =	simm.s32 $0x80;
	s20 =	simm.s32 $0x4C00  }
0x6: {  	s21 =	simm.s32 $0x1;
	s22 =	simm.s32 $0x2;
	s23 =	simm.s32 $0x3  }
0x7: {  	s24 =	simm.s32 $0x4;
	s30 =	simm.s32 $0x2680;
	s26 =	smul.u32 $0x5000, s2  }
0x8: {  	s31 =	simm.s32 $0x900;
	s25 =	simm.s32 $0x0;
	s7 =	smul.u32 $0x14000, s2  }
0x9: {  	s16 =	sand.u32 $0x1, s5;
	[smem:$0x7FF] =	sst s4;
	s10 =	smul.u32 $0xA00, s2  }
0xa: {  	s12 =	sadd.s32 $0x8600, s0;
	s13 =	sadd.s32 $0x3600, s0;
	s14 =	smul.u32 $0x3C0, s2  }
0xb: {  	s6 =	smul.u32 $0x50000, s16;
	_ =	strace $0x8000004A;
	s8 =	ssub.s32 $0x2, s16  }
0xc: {  	p0 =	sne.s32 s16, $0x0;
	s16 =	simm.s32 $0x3C00;
	s9 =	sshrl.u32 s8, $0x1  }
0xd: {  	s7 =	sshrl.u32 s7, $0x2;
	s5 =	sadd.s32 s26, s3;
	s29 =	sshrl.u32 s10, $0x3  }
0xe: {  	s6 =	sadd.s32 s26, s6;
	s15 =	ssub.s32 s8, s9;
	s28 =	sadd.s32 s7, s3  }
.Ltmp0:
0xf: {  	s11 =	sadd.s32 $0x3C00, s29;
	s6 =	sshrl.u32 s6, $0x3;
	(pc) =	sbr.rel .LBB2_1-.Ltmp0, $4  }
0x10: {  	s7 =	sadd.s32 $0x2000, s28;
	s8 =	sadd.s32 $0x3000, s28;
	s9 =	sadd.s32 $0x4000, s28  }
0x11: {  	s10 =	sadd.s32 s12, s11;
	s11 =	sadd.s32 s13, s11;
	s12 =	sadd.s32 s12, s14  }
0x12: {  	s13 =	sadd.s32 s13, s14;
	s15 =	smax.u32 s15, $0x1;
	s0 =	sadd.s32 s6, s0  }
0x13: {  	v0 =	vimm.f32 $0.0e+00;
	s6 =	sadd.s32 $0x1000, s28;
	s14 =	sadd.s32 $0x5D600, s0;
	s0 =	simm.s32 $0x980  }
.LBB2_7:
0x14: {  	[tilespmem:s4], [sflag:$0x5] =	stream.linear.gather [hbm4b:s10+s4], $0xA00, $0x38;
	[tilespmem:$0xAC00] =	vst v63  }
0x15: {  	_ =	swait.ge [sflag:s17], $0xA00  }
0x16: {  	[sflag:s17] =	ssyncset.done $0x0  }
0x17: {  	[sflag:s17] =	ssyncadd.s32 $0xFFFFF600  }
0x18: {  	[tilespmem:s18], [sflag:$0x5] =	stream.linear.gather [hbm4b:s11+s4], $0xA00, $0x38;
	[tilespmem:$0xAC00] =	vst v63  }
0x19: {  	_ =	swait.ge [sflag:s17], $0xA00  }
0x1a: {  	[sflag:s17] =	ssyncset.done $0x0  }
0x1b: {  	[sflag:s17] =	ssyncadd.s32 $0xFFFFF600  }
0x1c: {  	[tilespmem:s16], [sflag:$0x1] =	stream.indirect.gather [hbm4b:s1+s19], $0x20, s4, s19, $0xb8;
	[tilespmem:$0xAC00] =	vst v63  }
0x1d: {  	_ = 	snop  }
0x1e: {  	[tilespmem:s20], [sflag:$0x2] =	stream.indirect.gather [hbm4b:s1+s19], $0x20, s19, s19, $0xb8;
	[tilespmem:$0xAC00] =	vst v63  }
0x1f: {  	_ =	swait.ge [sflag:s21], $0x1000  }
0x20: {  	[sflag:s21] =	ssyncset.done $0x0  }
0x21: {  	[sflag:s21] =	ssyncadd.s32 $0xFFFFF000  }
0x22: {  	[spmem:s3] =	stream.indirect.scatter.add.f32 [tilespmem:s16], [sflag:$0x3], $0x20, s18, s19, $0xb8;
	[tilespmem:$0xAC00] =	vst v63  }
0x23: {  	_ =	swait.ge [sflag:s22], $0x1000  }
0x24: {  	[sflag:s22] =	ssyncset.done $0x0  }
0x25: {  	s26 =	simm.s32 $0x1E80;
	[sflag:s22] =	ssyncadd.s32 $0xFFFFF000  }
0x26: {  	[spmem:s3] =	stream.indirect.scatter.add.f32 [tilespmem:s20], [sflag:$0x4], $0x20, s26, s19, $0xb8;
	[tilespmem:$0xAC00] =	vst v63  }
0x27: {  	_ =	swait.ge [sflag:s23], $0x1000  }
0x28: {  	[sflag:s23] =	ssyncset.done $0x0  }
0x29: {  	s29 =	simm.s32 $0x100;
	[sflag:s23] =	ssyncadd.s32 $0xFFFFF000  }
0x2a: {  	[tilespmem:s16], [sflag:$0x1] =	stream.indirect.gather [hbm4b:s1+s19], $0x20, s29, s19, $0xb8;
	[tilespmem:$0xAC00] =	vst v63  }
0x2b: {  	_ =	swait.ge [sflag:s24], $0x1000  }
0x2c: {  	[sflag:s24] =	ssyncset.done $0x0  }
0x2d: {  	s29 =	simm.s32 $0x180;
	[sflag:s24] =	ssyncadd.s32 $0xFFFFF000  }
0x2e: {  	[tilespmem:s20], [sflag:$0x2] =	stream.indirect.gather [hbm4b:s1+s19], $0x20, s29, s19, $0xb8;
	[tilespmem:$0xAC00] =	vst v63  }
0x2f: {  	_ =	swait.ge [sflag:s21], $0x1000  }
0x30: {  	[sflag:s21] =	ssyncset.done $0x0  }
0x31: {  	s29 =	simm.s32 $0x1F00;
	[sflag:s21] =	ssyncadd.s32 $0xFFFFF000  }
0x32: {  	[spmem:s3] =	stream.indirect.scatter.add.f32 [tilespmem:s16], [sflag:$0x3], $0x20, s29, s19, $0xb8;
	[tilespmem:$0xAC00] =	vst v63  }
0x33: {  	_ =	swait.ge [sflag:s22], $0x1000  }
0x34: {  	[sflag:s22] =	ssyncset.done $0x0  }
0x35: {  	s29 =	simm.s32 $0x1F80;
	[sflag:s22] =	ssyncadd.s32 $0xFFFFF000  }
0x36: {  	[spmem:s3] =	stream.indirect.scatter.add.f32 [tilespmem:s20], [sflag:$0x4], $0x20, s29, s19, $0xb8;
	[tilespmem:$0xAC00] =	vst v63  }
0x37: {  	_ =	swait.ge [sflag:s23], $0x1000  }
0x38: {  	[sflag:s23] =	ssyncset.done $0x0  }
0x39: {  	s29 =	simm.s32 $0x200;
	[sflag:s23] =	ssyncadd.s32 $0xFFFFF000  }
0x3a: {  	[tilespmem:s16], [sflag:$0x1] =	stream.indirect.gather [hbm4b:s1+s19], $0x20, s29, s19, $0xb8;
	[tilespmem:$0xAC00] =	vst v63  }
0x3b: {  	_ =	swait.ge [sflag:s24], $0x1000  }
0x3c: {  	[sflag:s24] =	ssyncset.done $0x0  }
0x3d: {  	s29 =	simm.s32 $0x280;
	[sflag:s24] =	ssyncadd.s32 $0xFFFFF000  }
0x3e: {  	[tilespmem:s20], [sflag:$0x2] =	stream.indirect.gather [hbm4b:s1+s19], $0x20, s29, s19, $0xb8;
	[tilespmem:$0xAC00] =	vst v63  }
0x3f: {  	_ =	swait.ge [sflag:s21], $0x1000  }
0x40: {  	[sflag:s21] =	ssyncset.done $0x0  }
0x41: {  	s29 =	simm.s32 $0x2000;
	[sflag:s21] =	ssyncadd.s32 $0xFFFFF000  }
0x42: {  	[spmem:s3] =	stream.indirect.scatter.add.f32 [tilespmem:s16], [sflag:$0x3], $0x20, s29, s19, $0xb8;
	[tilespmem:$0xAC00] =	vst v63  }
0x43: {  	_ =	swait.ge [sflag:s22], $0x1000  }
0x44: {  	[sflag:s22] =	ssyncset.done $0x0  }
0x45: {  	s29 =	simm.s32 $0x2080;
	[sflag:s22] =	ssyncadd.s32 $0xFFFFF000  }
0x46: {  	[spmem:s3] =	stream.indirect.scatter.add.f32 [tilespmem:s20], [sflag:$0x4], $0x20, s29, s19, $0xb8;
	[tilespmem:$0xAC00] =	vst v63  }
0x47: {  	_ =	swait.ge [sflag:s23], $0x1000  }
0x48: {  	[sflag:s23] =	ssyncset.done $0x0  }
0x49: {  	s29 =	simm.s32 $0x300;
	[sflag:s23] =	ssyncadd.s32 $0xFFFFF000  }
0x4a: {  	[tilespmem:s16], [sflag:$0x1] =	stream.indirect.gather [hbm4b:s1+s19], $0x20, s29, s19, $0xb8;
	[tilespmem:$0xAC00] =	vst v63  }
0x4b: {  	_ =	swait.ge [sflag:s24], $0x1000  }
0x4c: {  	[sflag:s24] =	ssyncset.done $0x0  }
0x4d: {  	s29 =	simm.s32 $0x380;
	[sflag:s24] =	ssyncadd.s32 $0xFFFFF000  }
0x4e: {  	[tilespmem:s20], [sflag:$0x2] =	stream.indirect.gather [hbm4b:s1+s19], $0x20, s29, s19, $0xb8;
	[tilespmem:$0xAC00] =	vst v63  }
0x4f: {  	_ =	swait.ge [sflag:s21], $0x1000  }
0x50: {  	[sflag:s21] =	ssyncset.done $0x0  }
0x51: {  	s29 =	simm.s32 $0x2100;
	[sflag:s21] =	ssyncadd.s32 $0xFFFFF000  }
0x52: {  	[spmem:s3] =	stream.indirect.scatter.add.f32 [tilespmem:s16], [sflag:$0x3], $0x20, s29, s19, $0xb8;
	[tilespmem:$0xAC00] =	vst v63  }
0x53: {  	_ =	swait.ge [sflag:s22], $0x1000  }
0x54: {  	[sflag:s22] =	ssyncset.done $0x0  }
0x55: {  	s29 =	simm.s32 $0x2180;
	[sflag:s22] =	ssyncadd.s32 $0xFFFFF000  }
0x56: {  	[spmem:s3] =	stream.indirect.scatter.add.f32 [tilespmem:s20], [sflag:$0x4], $0x20, s29, s19, $0xb8;
	[tilespmem:$0xAC00] =	vst v63  }
0x57: {  	_ =	swait.ge [sflag:s23], $0x1000  }
0x58: {  	[sflag:s23] =	ssyncset.done $0x0  }
0x59: {  	s29 =	simm.s32 $0x400;
	[sflag:s23] =	ssyncadd.s32 $0xFFFFF000  }
0x5a: {  	[tilespmem:s16], [sflag:$0x1] =	stream.indirect.gather [hbm4b:s1+s19], $0x20, s29, s19, $0xb8;
	[tilespmem:$0xAC00] =	vst v63  }
0x5b: {  	_ =	swait.ge [sflag:s24], $0x1000  }
0x5c: {  	[sflag:s24] =	ssyncset.done $0x0  }
0x5d: {  	s29 =	simm.s32 $0x480;
	[sflag:s24] =	ssyncadd.s32 $0xFFFFF000  }
0x5e: {  	[tilespmem:s20], [sflag:$0x2] =	stream.indirect.gather [hbm4b:s1+s19], $0x20, s29, s19, $0xb8;
	[tilespmem:$0xAC00] =	vst v63  }
0x5f: {  	_ =	swait.ge [sflag:s21], $0x1000  }
0x60: {  	[sflag:s21] =	ssyncset.done $0x0  }
0x61: {  	s29 =	simm.s32 $0x2200;
	[sflag:s21] =	ssyncadd.s32 $0xFFFFF000  }
0x62: {  	[spmem:s3] =	stream.indirect.scatter.add.f32 [tilespmem:s16], [sflag:$0x3], $0x20, s29, s19, $0xb8;
	[tilespmem:$0xAC00] =	vst v63  }
0x63: {  	_ =	swait.ge [sflag:s22], $0x1000  }
0x64: {  	[sflag:s22] =	ssyncset.done $0x0  }
0x65: {  	s29 =	simm.s32 $0x2280;
	[sflag:s22] =	ssyncadd.s32 $0xFFFFF000  }
0x66: {  	[spmem:s3] =	stream.indirect.scatter.add.f32 [tilespmem:s20], [sflag:$0x4], $0x20, s29, s19, $0xb8;
	[tilespmem:$0xAC00] =	vst v63  }
0x67: {  	_ =	swait.ge [sflag:s23], $0x1000  }
0x68: {  	[sflag:s23] =	ssyncset.done $0x0  }
0x69: {  	s29 =	simm.s32 $0x500;
	[sflag:s23] =	ssyncadd.s32 $0xFFFFF000  }
0x6a: {  	[tilespmem:s16], [sflag:$0x1] =	stream.indirect.gather [hbm4b:s1+s19], $0x20, s29, s19, $0xb8;
	[tilespmem:$0xAC00] =	vst v63  }
0x6b: {  	_ =	swait.ge [sflag:s24], $0x1000  }
0x6c: {  	[sflag:s24] =	ssyncset.done $0x0  }
0x6d: {  	s29 =	simm.s32 $0x580;
	[sflag:s24] =	ssyncadd.s32 $0xFFFFF000  }
0x6e: {  	[tilespmem:s20], [sflag:$0x2] =	stream.indirect.gather [hbm4b:s1+s19], $0x20, s29, s19, $0xb8;
	[tilespmem:$0xAC00] =	vst v63  }
0x6f: {  	_ =	swait.ge [sflag:s21], $0x1000  }
0x70: {  	[sflag:s21] =	ssyncset.done $0x0  }
0x71: {  	s29 =	simm.s32 $0x2300;
	[sflag:s21] =	ssyncadd.s32 $0xFFFFF000  }
0x72: {  	[spmem:s3] =	stream.indirect.scatter.add.f32 [tilespmem:s16], [sflag:$0x3], $0x20, s29, s19, $0xb8;
	[tilespmem:$0xAC00] =	vst v63  }
0x73: {  	_ =	swait.ge [sflag:s22], $0x1000  }
0x74: {  	[sflag:s22] =	ssyncset.done $0x0  }
0x75: {  	s29 =	simm.s32 $0x2380;
	[sflag:s22] =	ssyncadd.s32 $0xFFFFF000  }
0x76: {  	[spmem:s3] =	stream.indirect.scatter.add.f32 [tilespmem:s20], [sflag:$0x4], $0x20, s29, s19, $0xb8;
	[tilespmem:$0xAC00] =	vst v63  }
0x77: {  	_ =	swait.ge [sflag:s23], $0x1000  }
0x78: {  	[sflag:s23] =	ssyncset.done $0x0  }
0x79: {  	s29 =	simm.s32 $0x600;
	[sflag:s23] =	ssyncadd.s32 $0xFFFFF000  }
0x7a: {  	[tilespmem:s16], [sflag:$0x1] =	stream.indirect.gather [hbm4b:s1+s19], $0x20, s29, s19, $0xb8;
	[tilespmem:$0xAC00] =	vst v63  }
0x7b: {  	_ =	swait.ge [sflag:s24], $0x1000  }
0x7c: {  	[sflag:s24] =	ssyncset.done $0x0  }
0x7d: {  	s29 =	simm.s32 $0x680;
	[sflag:s24] =	ssyncadd.s32 $0xFFFFF000  }
0x7e: {  	[tilespmem:s20], [sflag:$0x2] =	stream.indirect.gather [hbm4b:s1+s19], $0x20, s29, s19, $0xb8;
	[tilespmem:$0xAC00] =	vst v63  }
0x7f: {  	_ =	swait.ge [sflag:s21], $0x1000  }
0x80: {  	[sflag:s21] =	ssyncset.done $0x0  }
0x81: {  	s29 =	simm.s32 $0x2400;
	[sflag:s21] =	ssyncadd.s32 $0xFFFFF000  }
0x82: {  	[spmem:s3] =	stream.indirect.scatter.add.f32 [tilespmem:s16], [sflag:$0x3], $0x20, s29, s19, $0xb8;
	[tilespmem:$0xAC00] =	vst v63  }
0x83: {  	_ =	swait.ge [sflag:s22], $0x1000  }
0x84: {  	[sflag:s22] =	ssyncset.done $0x0  }
0x85: {  	s29 =	simm.s32 $0x2480;
	[sflag:s22] =	ssyncadd.s32 $0xFFFFF000  }
0x86: {  	[spmem:s3] =	stream.indirect.scatter.add.f32 [tilespmem:s20], [sflag:$0x4], $0x20, s29, s19, $0xb8;
	[tilespmem:$0xAC00] =	vst v63  }
0x87: {  	_ =	swait.ge [sflag:s23], $0x1000  }
0x88: {  	[sflag:s23] =	ssyncset.done $0x0  }
0x89: {  	s29 =	simm.s32 $0x700;
	[sflag:s23] =	ssyncadd.s32 $0xFFFFF000  }
0x8a: {  	[tilespmem:s16], [sflag:$0x1] =	stream.indirect.gather [hbm4b:s1+s19], $0x20, s29, s19, $0xb8;
	[tilespmem:$0xAC00] =	vst v63  }
0x8b: {  	_ =	swait.ge [sflag:s24], $0x1000  }
0x8c: {  	[sflag:s24] =	ssyncset.done $0x0  }
0x8d: {  	s29 =	simm.s32 $0x780;
	[sflag:s24] =	ssyncadd.s32 $0xFFFFF000  }
0x8e: {  	[tilespmem:s20], [sflag:$0x2] =	stream.indirect.gather [hbm4b:s1+s19], $0x20, s29, s19, $0xb8;
	[tilespmem:$0xAC00] =	vst v63  }
0x8f: {  	_ =	swait.ge [sflag:s21], $0x1000  }
0x90: {  	[sflag:s21] =	ssyncset.done $0x0  }
0x91: {  	s29 =	simm.s32 $0x2500;
	[sflag:s21] =	ssyncadd.s32 $0xFFFFF000  }
0x92: {  	[spmem:s3] =	stream.indirect.scatter.add.f32 [tilespmem:s16], [sflag:$0x3], $0x20, s29, s19, $0xb8;
	[tilespmem:$0xAC00] =	vst v63  }
0x93: {  	_ =	swait.ge [sflag:s22], $0x1000  }
0x94: {  	[sflag:s22] =	ssyncset.done $0x0  }
0x95: {  	s29 =	simm.s32 $0x2580;
	[sflag:s22] =	ssyncadd.s32 $0xFFFFF000  }
0x96: {  	[spmem:s3] =	stream.indirect.scatter.add.f32 [tilespmem:s20], [sflag:$0x4], $0x20, s29, s19, $0xb8;
	[tilespmem:$0xAC00] =	vst v63  }
0x97: {  	_ =	swait.ge [sflag:s23], $0x1000  }
0x98: {  	[sflag:s23] =	ssyncset.done $0x0  }
0x99: {  	s29 =	simm.s32 $0x800;
	[sflag:s23] =	ssyncadd.s32 $0xFFFFF000  }
0x9a: {  	[tilespmem:s16], [sflag:$0x1] =	stream.indirect.gather [hbm4b:s1+s19], $0x20, s29, s19, $0xb8;
	[tilespmem:$0xAC00] =	vst v63  }
0x9b: {  	_ =	swait.ge [sflag:s24], $0x1000  }
0x9c: {  	[sflag:s24] =	ssyncset.done $0x0  }
0x9d: {  	s29 =	simm.s32 $0x880;
	[sflag:s24] =	ssyncadd.s32 $0xFFFFF000  }
0x9e: {  	[tilespmem:s20], [sflag:$0x2] =	stream.indirect.gather [hbm4b:s1+s19], $0x20, s29, s19, $0xb8;
	[tilespmem:$0xAC00] =	vst v63  }
0x9f: {  	_ =	swait.ge [sflag:s21], $0x1000  }
0xa0: {  	[sflag:s21] =	ssyncset.done $0x0  }
0xa1: {  	s29 =	simm.s32 $0x2600;
	[sflag:s21] =	ssyncadd.s32 $0xFFFFF000  }
0xa2: {  	[spmem:s3] =	stream.indirect.scatter.add.f32 [tilespmem:s16], [sflag:$0x3], $0x20, s29, s19, $0xb8;
	[tilespmem:$0xAC00] =	vst v63  }
0xa3: {  	_ =	swait.ge [sflag:s22], $0x1000  }
0xa4: {  	[sflag:s22] =	ssyncset.done $0x0  }
0xa5: {  	[sflag:s22] =	ssyncadd.s32 $0xFFFFF000  }
0xa6: {  	[spmem:s3] =	stream.indirect.scatter.add.f32 [tilespmem:s20], [sflag:$0x4], $0x20, s30, s19, $0xb8;
	[tilespmem:$0xAC00] =	vst v63  }
0xa7: {  	_ =	swait.ge [sflag:s23], $0x1000  }
0xa8: {  	[sflag:s23] =	ssyncset.done $0x0  }
0xa9: {  	[sflag:s23] =	ssyncadd.s32 $0xFFFFF000  }
0xaa: {  	[tilespmem:s16], [sflag:$0x1] =	stream.indirect.gather [hbm4b:s1+s19], $0x20, s31, s19, $0xb8;
	[tilespmem:$0xAC00] =	vst v63  }
0xab: {  	_ =	swait.ge [sflag:s24], $0x1000  }
0xac: {  	[sflag:s24] =	ssyncset.done $0x0  }
0xad: {  	s28 =	simm.s32 $0x2700;
	s26 =	simm.s32 $0x2780;
	[sflag:s24] =	ssyncadd.s32 $0xFFFFF000  }
0xae: {  	[tilespmem:s20], [sflag:$0x2] =	stream.indirect.gather [hbm4b:s1+s19], $0x20, s0, s19, $0xb8;
	[tilespmem:$0xAC00] =	vst v63  }
.LBB2_8:
0xaf: {  	_ =	swait.ge [sflag:s21], $0x1000  }
0xb0: {  	[sflag:s21] =	ssyncset.done $0x0  }
0xb1: {  	[sflag:s21] =	ssyncadd.s32 $0xFFFFF000  }
0xb2: {  	[spmem:s3] =	stream.indirect.scatter.add.f32 [tilespmem:s16], [sflag:$0x3], $0x20, s28, s19, $0xb8;
	[tilespmem:$0xAC00] =	vst v63  }
0xb3: {  	_ =	swait.ge [sflag:s22], $0x1000  }
0xb4: {  	[sflag:s22] =	ssyncset.done $0x0  }
0xb5: {  	[sflag:s22] =	ssyncadd.s32 $0xFFFFF000  }
0xb6: {  	[spmem:s3] =	stream.indirect.scatter.add.f32 [tilespmem:s20], [sflag:$0x4], $0x20, s26, s19, $0xb8;
	[tilespmem:$0xAC00] =	vst v63  }
0xb7: {  	_ =	swait.ge [sflag:s23], $0x1000  }
0xb8: {  	[sflag:s23] =	ssyncset.done $0x0  }
0xb9: {  	[sflag:s23] =	ssyncadd.s32 $0xFFFFF000  }
0xba: {  	_ =	swait.ge [sflag:s24], $0x1000  }
0xbb: {  	s29 =	sshrl.u32 s5, $0x3;
	s25 =	sadd.s32 $0x1, s25;
	[sflag:s24] =	ssyncset.done $0x0  }
0xbc: {  	p1 =	sne.s32 s25, s15;
	s28 =	sshll.u32 s2, $0x6;
	[sflag:s24] =	ssyncadd.s32 $0xFFFFF000  }
.Ltmp1:
0xbd: {  	s26 =	sor.u32 $0x1C05, s28;
	[bflag:$0x0] =	sbarrier.arrive $0xFFFF;
	(pc) =	sbr.rel @!p1 .LBB2_9-.Ltmp1, $4  }
0xbe: {  	[hbm:s14], [sflag:s26] =	dma.local [spmem:s29], $0xA00  }
0xbf: {  	_ =	swait.ge [sflag:s17], $0xA00  }
0xc0: {  	[sflag:s17] =	ssyncset.done $0x0  }
0xc1: {  	[sflag:s17] =	ssyncadd.s32 $0xFFFFF600  }
.LBB2_1:
0xc2: {  	s26 =	simm.s32 $0x80;
	s28 =	simm.s32 $0x0  }
.LBB2_2:
0xc3: {  	p1 =	sne.s32 s26, $0x3F80;
	[tilespmem:s28+$0x3C00] =	vst v0;
	s29 =	smov.u32 s26;
	s26 =	sadd.s32 $0x80, s26  }
.Ltmp2:
0xc4: {  	[tilespmem:s28+$0x3C10] =	vst v0;
	(pc) =	sbr.rel @p1 .LBB2_2-.Ltmp2, $2  }
0xc5: {  	_ =	sdelay $0x2  }
0xc6: {  	s28 =	sshra.s32 s29, $0x2  }
0xc7: {  	[tilespmem:s28+$0x3C00] =	vst v0  }
0xc8: {  	[tilespmem:s28+$0x3C10] =	vst v0  }
0xc9: {  	[spmem:s5] =	stream.linear.scatter [tilespmem:s16], [sflag:$0x5], $0x1000, $0x38;
	[tilespmem:$0xAC00] =	vst v63  }
0xca: {  	_ =	swait.ge [sflag:s17], $0x1000  }
0xcb: {  	[sflag:s17] =	ssyncset.done $0x0  }
0xcc: {  	[sflag:s17] =	ssyncadd.s32 $0xFFFFF000  }
0xcd: {  	[spmem:s6] =	stream.linear.scatter [tilespmem:s16], [sflag:$0x5], $0x1000, $0x38;
	[tilespmem:$0xAC00] =	vst v63  }
0xce: {  	_ =	swait.ge [sflag:s17], $0x1000  }
0xcf: {  	[sflag:s17] =	ssyncset.done $0x0  }
0xd0: {  	[sflag:s17] =	ssyncadd.s32 $0xFFFFF000  }
0xd1: {  	[spmem:s7] =	stream.linear.scatter [tilespmem:s16], [sflag:$0x5], $0x1000, $0x38;
	[tilespmem:$0xAC00] =	vst v63  }
0xd2: {  	_ =	swait.ge [sflag:s17], $0x1000  }
0xd3: {  	[sflag:s17] =	ssyncset.done $0x0  }
0xd4: {  	[sflag:s17] =	ssyncadd.s32 $0xFFFFF000  }
0xd5: {  	[spmem:s8] =	stream.linear.scatter [tilespmem:s16], [sflag:$0x5], $0x1000, $0x38;
	[tilespmem:$0xAC00] =	vst v63  }
0xd6: {  	_ =	swait.ge [sflag:s17], $0x1000  }
0xd7: {  	[sflag:s17] =	ssyncset.done $0x0  }
0xd8: {  	[sflag:s17] =	ssyncadd.s32 $0xFFFFF000  }
0xd9: {  	[spmem:s9] =	stream.linear.scatter [tilespmem:s16], [sflag:$0x5], $0x1000, $0x38;
	[tilespmem:$0xAC00] =	vst v63  }
.Ltmp3:
0xda: {  	_ =	swait.ge [sflag:s17], $0x1000;
	(pc) =	sbr.rel @p0 .LBB2_7-.Ltmp3, $3  }
0xdb: {  	[sflag:s17] =	ssyncset.done $0x0  }
0xdc: {  	[sflag:s17] =	ssyncadd.s32 $0xFFFFF000  }
0xdd: {  	[bflag:$0x0] =	sbarrier.arrive $0xFFFF;
	_ =	sdelay $0x1  }
0xde: {  	s26 =	simm.s32 $0x0  }
0xdf: {  	[tilespmem:s26], [sflag:$0x5] =	stream.linear.gather [hbm4b:s12+s26], $0x1E00, $0x38;
	[tilespmem:$0xAC00] =	vst v63  }
0xe0: {  	_ =	swait.ge [sflag:s17], $0x1E00  }
0xe1: {  	[sflag:s17] =	ssyncset.done $0x0  }
0xe2: {  	[sflag:s17] =	ssyncadd.s32 $0xFFFFE200  }
0xe3: {  	[tilespmem:s18], [sflag:$0x5] =	stream.linear.gather [hbm4b:s13+s26], $0x1E00, $0x38;
	[tilespmem:$0xAC00] =	vst v63  }
0xe4: {  	_ =	swait.ge [sflag:s17], $0x1E00  }
0xe5: {  	[sflag:s17] =	ssyncset.done $0x0  }
0xe6: {  	[sflag:s17] =	ssyncadd.s32 $0xFFFFE200  }
0xe7: {  	[tilespmem:s16], [sflag:$0x1] =	stream.indirect.gather [hbm4b:s1+s19], $0x20, s26, s19, $0xb8;
	[tilespmem:$0xAC00] =	vst v63  }
0xe8: {  	_ = 	snop  }
0xe9: {  	[tilespmem:s20], [sflag:$0x2] =	stream.indirect.gather [hbm4b:s1+s19], $0x20, s19, s19, $0xb8;
	[tilespmem:$0xAC00] =	vst v63  }
0xea: {  	_ =	swait.ge [sflag:s21], $0x1000  }
0xeb: {  	[sflag:s21] =	ssyncset.done $0x0  }
0xec: {  	s29 =	simm.s32 $0x1E00;
	[sflag:s21] =	ssyncadd.s32 $0xFFFFF000  }
0xed: {  	[spmem:s3] =	stream.indirect.scatter.add.f32 [tilespmem:s16], [sflag:$0x3], $0x20, s29, s19, $0xb8;
	[tilespmem:$0xAC00] =	vst v63  }
0xee: {  	_ =	swait.ge [sflag:s22], $0x1000  }
0xef: {  	[sflag:s22] =	ssyncset.done $0x0  }
0xf0: {  	s29 =	simm.s32 $0x1E80;
	[sflag:s22] =	ssyncadd.s32 $0xFFFFF000  }
0xf1: {  	[spmem:s3] =	stream.indirect.scatter.add.f32 [tilespmem:s20], [sflag:$0x4], $0x20, s29, s19, $0xb8;
	[tilespmem:$0xAC00] =	vst v63  }
0xf2: {  	_ =	swait.ge [sflag:s23], $0x1000  }
0xf3: {  	p1 =	por $0x0, $0x0;
	[sflag:s23] =	ssyncset.done $0x0  }
.Ltmp4:
0xf4: {  	s29 =	simm.s32 $0x100;
	[sflag:s23] =	ssyncadd.s32 $0xFFFFF000;
	(pc) =	sbr.rel @p1 .LBB2_6-.Ltmp4, $4  }
0xf5: {  	[tilespmem:s16], [sflag:$0x1] =	stream.indirect.gather [hbm4b:s1+s19], $0x20, s29, s19, $0xb8;
	[tilespmem:$0xAC00] =	vst v63  }
0xf6: {  	_ =	swait.ge [sflag:s24], $0x1000  }
0xf7: {  	[sflag:s24] =	ssyncset.done $0x0  }
0xf8: {  	s28 =	simm.s32 $0x180;
	s26 =	simm.s32 $0x400;
	[sflag:s24] =	ssyncadd.s32 $0xFFFFF000  }
.LBB2_5:
0xf9: {  	[tilespmem:s20], [sflag:$0x2] =	stream.indirect.gather [hbm4b:s1+s19], $0x20, s28, s19, $0xb8;
	[tilespmem:$0xAC00] =	vst v63  }
0xfa: {  	s28 =	smov.u32 s26  }
0xfb: {  	p1 =	seq.s32 s26, $0x7000;
	s26 =	sadd.s32 $0x400, s26;
	_ =	swait.ge [sflag:s21], $0x1000  }
0xfc: {  	s28 =	sshra.s32 s28, $0x2;
	[sflag:s21] =	ssyncset.done $0x0  }
0xfd: {  	s29 =	sadd.s32 $0x1E00, s28;
	[sflag:s21] =	ssyncadd.s32 $0xFFFFF000  }
0xfe: {  	[spmem:s3] =	stream.indirect.scatter.add.f32 [tilespmem:s16], [sflag:$0x3], $0x20, s29, s19, $0xb8;
	[tilespmem:$0xAC00] =	vst v63  }
0xff: {  	_ =	swait.ge [sflag:s22], $0x1000  }
0x100: {  	[sflag:s22] =	ssyncset.done $0x0  }
0x101: {  	s29 =	sadd.s32 $0x1E80, s28;
	[sflag:s22] =	ssyncadd.s32 $0xFFFFF000  }
0x102: {  	[spmem:s3] =	stream.indirect.scatter.add.f32 [tilespmem:s20], [sflag:$0x4], $0x20, s29, s19, $0xb8;
	[tilespmem:$0xAC00] =	vst v63  }
0x103: {  	_ =	swait.ge [sflag:s23], $0x1000  }
0x104: {  	[sflag:s23] =	ssyncset.done $0x0  }
.Ltmp5:
0x105: {  	s29 =	sadd.s32 $0x100, s28;
	[sflag:s23] =	ssyncadd.s32 $0xFFFFF000;
	(pc) =	sbr.rel @!p1 .LBB2_5-.Ltmp5, $4  }
0x106: {  	[tilespmem:s16], [sflag:$0x1] =	stream.indirect.gather [hbm4b:s1+s19], $0x20, s29, s19, $0xb8;
	[tilespmem:$0xAC00] =	vst v63  }
0x107: {  	_ =	swait.ge [sflag:s24], $0x1000  }
0x108: {  	[sflag:s24] =	ssyncset.done $0x0  }
0x109: {  	s28 =	sadd.s32 $0x180, s28;
	[sflag:s24] =	ssyncadd.s32 $0xFFFFF000  }
.LBB2_6:
.Ltmp6:
0x10a: {  	(pc) =	sbr.rel .LBB2_8-.Ltmp6, $3  }
0x10b: {  	_ =	sdelay $0x1  }
0x10c: {  	[tilespmem:s20], [sflag:$0x2] =	stream.indirect.gather [hbm4b:s1+s19], $0x20, s28, s19, $0xb8;
	[tilespmem:$0xAC00] =	vst v63  }
0x10d: {  	s26 =	simm.s32 $0x3B80;
	s28 =	simm.s32 $0x3B00  }
.LBB2_9:
0x10e: {  	_ =	sfence.sel $0x180000  }
0x10f: {  	[bflag:$0x0] =	sbarrier.arrive $0xFFFF  }
0x110: {  	_ =	strace $0x9000004A  }
0x111: {  	[bflag:$0x2] =	sbarrier.arrive $0xFFFF  }
0x112: {  	p0 =	sne.s32 s2, $0x0;
	s0 =	rddreg [dreg:$0x3]  }
0x113: {  	s0 =	sadd.s32 @!p0 $0x100000, s0  }
0x114: {  	[sflag:s0] =	ssyncadd.tile.s32 @!p0 $0x1;
	_ =	shalt  }
.Lfunc_end2:
_tile_overlayer_lowered:
.L_overlay_start_2:
0x115: {  	(tag) =	ssettag $0x2  }
0x116: {  	s0 =	rddreg [dreg:$0x0];
	s2 =	stileid.u32  }
0x117: {  	s1 =	rddreg [dreg:$0x1];
	p0 =	sne.s32 s2, $0x0  }
0x118: {  	s3 =	rddreg [dreg:$0x2];
	[bflag:$0x3] =	sbarrier.arrive $0xFFFF;
	s2 =	simm.s32 @!p0 $0x1C05  }
0x119: {  	[timem:s3], [sflag:s2] =	dma.local @!p0 [hbm:s0], s1  }
0x11a: {  	s0 =	simm.s32 @!p0 $0x5  }
0x11b: {  	_ =	swait.ge @!p0 [sflag:s0], s1  }
0x11c: {  	s1 =	ssub.s32 @!p0 $0x0, s1;
	[sflag:s0] =	ssyncset.done @!p0 $0x0  }
0x11d: {  	[sflag:s0] =	ssyncadd.s32 @!p0 s1  }
0x11e: {  	[bflag:$0x3] =	sbarrier.arrive $0xFFFF  }
0x11f: {  	_ =	shalt  }

// kernel: kernel.9.cloned.1.call-start
scs
__scs_entry_jumppad:
0x0: {  	(pc) =	sbr.rel $0x88, $3  }
0x1: {  	(tag) =	ssettag $0x0;
	lr =	simm.s32 $0x1  }
0x2: {  	[smem:$0x3F8B] =	sst lr;
	_ =	strace $0xD0000000  }
0x3: {  	_ = 	snop  }
0x4: {  	_ = 	snop  }
0x5: {  	_ = 	snop  }
0x6: {  	_ = 	snop  }
0x7: {  	_ = 	snop  }
__scs_overlays_trampoline_lowered:
0x8: {  	[smem:$0x3F9A] =	sst s0  }
0x9: {  	[smem:$0x3F9B] =	sst s1  }
0xa: {  	[smem:$0x3F9C] =	sst s2  }
0xb: {  	[smem:$0x3F9D] =	sst s3  }
0xc: {  	[smem:$0x3F9E] =	sst s4  }
0xd: {  	[smem:$0x3F9F] =	sst s5  }
0xe: {  	[smem:$0x3FA0] =	sst s6  }
0xf: {  	[smem:$0x3FA1] =	sst s7  }
0x10: {  	[smem:$0x3FA2] =	sst s8  }
0x11: {  	[smem:$0x3FA3] =	sst s9;
	s0 =	simm.s32 @!p0 $0x0  }
0x12: {  	s1 =	sld [smem:$0x3F89];
	s0 =	simm.s32 @p0 $0x1  }
0x13: {  	[smem:$0x3FA4] =	sst s0;
	s0 =	simm.s32 @!p1 $0x0  }
0x14: {  	s2 =	sld [smem:$0x3F88];
	s0 =	simm.s32 @p1 $0x1  }
0x15: {  	[smem:$0x3FA5] =	sst s0;
	s0 =	simm.s32 @!p2 $0x0  }
0x16: {  	s3 =	sld [smem:$0x3FDB];
	s0 =	simm.s32 @p2 $0x1  }
0x17: {  	s4 =	simm.s32 $0x1BF5;
	[smem:$0x3FA7] =	sst s0  }
0x18: {  	s0 =	sld [smem:$0x3F8A];
	_ =	swait.ge [sflag:s4], $0x0  }
0x19: {  	s7 =	sld [smem:$0x3F8B]  }
0x1a: {  	s8 =	sadd.s32 $0xFFFFE003, lr  }
0x1b: {  	s9 =	sadd.s32 $0xFFFFFEF7, lr;
	s5 =	simm.s32 $0xFFFFFFFF;
	p2 =	slt.u32 s8, $0xFFFFF086  }
0x1c: {  	p1 =	slt.u32 s9, $0xF7A;
	s5 =	simm.s32 @!p2 $0x0  }
0x1d: {  	s5 =	simm.s32 @p1 $0x1;
	p0 =	seq.s32 s7, s2  }
0x1e: {  	s7 =	smul.u32 @!p0 $0xF7A, s2;
	p2 =	seq.s32 @!p0 s5, $0x0  }
0x1f: {  	s9 =	smul.u32 $0xF7A, s1;
	s8 =	simm.s32 @!p0 $0x1BF5;
	p2 =	por !p2, p0  }
0x20: {  	[sflag:s8] =	ssyncset.s32 @!p0 $0xFFFFF086;
	s6 =	sadd.s32 @!p0 s3, s7;
	s7 =	simm.s32 @!p0 $0x108  }
0x21: {  	s3 =	sadd.s32 s3, s9;
	s6 =	sadd.s32 @!p0 $0x88, s6;
	s7 =	simm.s32 @p2 $0x1082  }
0x22: {  	[simem:s7], [sflag:s8] =	dma.local @!p0 [hbm:s6], $0xF7A  }
0x23: {  	s9 =	sor.u32 $0xD0000000, s2;
	s6 =	simm.s32 $0x108;
	_ =	swait.ge @!p0 [sflag:s8], $0x0  }
0x24: {  	s3 =	sadd.s32 $0x88, s3;
	s6 =	simm.s32 @!p1 $0x1082;
	[sflag:s4] =	ssyncset.s32 $0xFFFFF086  }
0x25: {  	[simem:s6], [sflag:s4] =	dma.local [hbm:s3], $0xF7A  }
0x26: {  	[smem:$0x3F8B] =	sst s1;
	(tag) =	ssettag s2;
	_ =	strace s9  }
0x27: {  	s1 =	sld [smem:$0x3F9B]  }
0x28: {  	s2 =	sld [smem:$0x3F9C]  }
0x29: {  	s4 =	sld [smem:$0x3F9E]  }
0x2a: {  	p0 =	seq.s32 s5, $0x0;
	s5 =	sld [smem:$0x3F9F]  }
0x2b: {  	s6 =	sld [smem:$0x3FA0]  }
0x2c: {  	s7 =	sld [smem:$0x3FA1]  }
0x2d: {  	s3 =	simm.s32 $0x108;
	s8 =	sld [smem:$0x3FA2]  }
0x2e: {  	s3 =	simm.s32 @!p0 $0x1082;
	s9 =	sld [smem:$0x3FA3]  }
0x2f: {  	lr =	sadd.s32 s0, s3;
	s0 =	sld [smem:$0x3F9A]  }
0x30: {  	s3 =	sld [smem:$0x3F9D]  }
0x31: {  	[smem:$0x3FA6] =	sst s10  }
0x32: {  	s10 =	sld [smem:$0x3FA4];
	_ =	sdelay $0x3  }
0x33: {  	p0 =	seq.s32 s10, $0x1;
	s10 =	sld [smem:$0x3FA6];
	_ =	sdelay $0x3  }
0x34: {  	[smem:$0x3FA6] =	sst s10  }
0x35: {  	s10 =	sld [smem:$0x3FA5];
	_ =	sdelay $0x3  }
0x36: {  	p1 =	seq.s32 s10, $0x1;
	s10 =	sld [smem:$0x3FA6];
	_ =	sdelay $0x3  }
0x37: {  	[smem:$0x3FA6] =	sst s10  }
0x38: {  	s10 =	sld [smem:$0x3FA7]  }
0x39: {  	_ = 	snop;
	(pc) =	sbr.ind lr, $3  }
0x3a: {  	_ = 	snop  }
0x3b: {  	_ = 	snop  }
0x3c: {  	p2 =	seq.s32 s10, $0x1;
	s10 =	sld [smem:$0x3FA6]  }
0x3d: {  	_ =	shalt  }
0x3e: {  	_ =	shalt  }
0x3f: {  	_ =	shalt  }
0x40: {  	_ =	shalt  }
0x41: {  	_ =	shalt  }
0x42: {  	_ =	shalt  }
0x43: {  	_ =	shalt  }
0x44: {  	_ =	shalt  }
0x45: {  	_ =	shalt  }
0x46: {  	_ =	shalt  }
0x47: {  	_ =	shalt  }
0x48: {  	_ =	shalt  }
0x49: {  	_ =	shalt  }
0x4a: {  	_ =	shalt  }
0x4b: {  	_ =	shalt  }
0x4c: {  	_ =	shalt  }
0x4d: {  	_ =	shalt  }
0x4e: {  	_ =	shalt  }
0x4f: {  	_ =	shalt  }
0x50: {  	_ =	shalt  }
0x51: {  	_ =	shalt  }
0x52: {  	_ =	shalt  }
0x53: {  	_ =	shalt  }
0x54: {  	_ =	shalt  }
0x55: {  	_ =	shalt  }
0x56: {  	_ =	shalt  }
0x57: {  	_ =	shalt  }
0x58: {  	_ =	shalt  }
0x59: {  	_ =	shalt  }
0x5a: {  	_ =	shalt  }
0x5b: {  	_ =	shalt  }
0x5c: {  	_ =	shalt  }
0x5d: {  	_ =	shalt  }
0x5e: {  	_ =	shalt  }
0x5f: {  	_ =	shalt  }
0x60: {  	_ =	shalt  }
0x61: {  	_ =	shalt  }
0x62: {  	_ =	shalt  }
0x63: {  	_ =	shalt  }
0x64: {  	_ =	shalt  }
0x65: {  	_ =	shalt  }
0x66: {  	_ =	shalt  }
0x67: {  	_ =	shalt  }
0x68: {  	_ =	shalt  }
0x69: {  	_ =	shalt  }
0x6a: {  	_ =	shalt  }
0x6b: {  	_ =	shalt  }
0x6c: {  	_ =	shalt  }
0x6d: {  	_ =	shalt  }
0x6e: {  	_ =	shalt  }
0x6f: {  	_ =	shalt  }
0x70: {  	_ =	shalt  }
0x71: {  	_ =	shalt  }
0x72: {  	_ =	shalt  }
0x73: {  	_ =	shalt  }
0x74: {  	_ =	shalt  }
0x75: {  	_ =	shalt  }
0x76: {  	_ =	shalt  }
0x77: {  	_ =	shalt  }
0x78: {  	_ =	shalt  }
0x79: {  	_ =	shalt  }
0x7a: {  	_ =	shalt  }
0x7b: {  	_ =	shalt  }
0x7c: {  	_ =	shalt  }
0x7d: {  	_ =	shalt  }
0x7e: {  	_ =	shalt  }
0x7f: {  	_ =	shalt  }
0x80: {  	_ =	shalt  }
0x81: {  	_ =	shalt  }
0x82: {  	_ =	shalt  }
0x83: {  	_ =	shalt  }
0x84: {  	_ =	shalt  }
0x85: {  	_ =	shalt  }
0x86: {  	_ =	shalt  }
0x87: {  	_ =	shalt  }
.Lfunc_end0:
.L_simem_size_0:
called_computation_lowered:
.L_overlay_start_0:
0x88: {  	s2 =	sld [smem:$0x3FD9]  }
0x89: {  	s3 =	sld [smem:$0x3FFE];
	_ =	sdelay $0x1  }
0x8a: {  	s1 =	srdreg.scid  }
0x8b: {  	s0 =	sand.u32 $0x1, s1  }
0x8c: {  	s14 =	sshll.u32 s0, $0xA;
	s2 =	sadd.s32 s3, s2  }
0x8d: {  	s2 =	sadd.s32 s2, s14  }
0x8e: {  	[smem:$0x3FB2] =	sst s2  }
0x8f: {  	_ = 	snop  }
0x90: {  	s2 =	sld [smem:$0x3FD0];
	_ =	sdelay $0x2  }
0x91: {  	s15 =	simm.s32 $0xA;
	s4 =	simm.s32 $0x10  }
0x92: {  	[smem:s4], [sflag:s15] =	dma.local [hbm:s2], $0x1  }
0x93: {  	_ =	swait.eq [sflag:s15], $0x1  }
0x94: {  	[sflag:s15] =	ssyncset.done $0x0  }
0x95: {  	s16 =	sld [smem:$0x10];
	[sflag:s15] =	ssyncadd.s32 $0xFFFFFFFF  }
0x96: {  	s17 =	sld [smem:$0x11];
	(tm) =	ssettm $0x1  }
0x97: {  	s18 =	sld [smem:$0x3FFB];
	_ =	sdelay $0x3  }
0x98: {  	_ =	strace s18  }
0x99: {  	s4 =	sld [smem:$0x3FFC];
	_ =	sdelay $0x3  }
0x9a: {  	_ =	strace s4  }
0x9b: {  	s4 =	sld [smem:$0x3FFD];
	_ =	sdelay $0x3  }
0x9c: {  	_ =	strace s4  }
0x9d: {  	_ =	strace $0x8FFFFFFF  }
0x9e: {  	s19 =	sld [smem:$0x3FDB];
	_ =	sdelay $0x1  }
0x9f: {  	s5 =	simm.s32 $_scs_section_size  }
0xa0: {  	s6 =	simm.s32 $_size__tile_overlayer_lowered;
	s7 =	simm.s32 $_tile_overlayer_lowered  }
0xa1: {  	s22 =	simm.s32 $0x1BFF;
	s21 =	sshll.u32 s7, $0x1;
	s4 =	sadd.s32 s5, s19  }
0xa2: {  	s8 =	simm.s32 $0x0;
	s20 =	sshll.u32 s6, $0x1;
	s6 =	sadd.s32 s21, s4  }
0xa3: {  	[timem:s8], [sflag:s22] =	dma.local [hbm:s6], s20  }
0xa4: {  	_ =	swait.ge [sflag:s22], s20  }
0xa5: {  	s5 =	ssub.s32 $0x0, s20;
	[sflag:s22] =	ssyncset.done $0x0  }
0xa6: {  	[sflag:s22] =	ssyncadd.s32 s5;
	_ =	sdelay $0x1  }
0xa7: {  	s23 =	simm.s32 $0x1B8B  }
0xa8: {  	_ =	swait.ge [sflag:s23], $0x1  }
0xa9: {  	[sflag:s23] =	ssyncset.done $0x0  }
0xaa: {  	s25 =	simm.s32 $0x1B8E;
	s24 =	sld [smem:$0x3FFE];
	[sflag:s23] =	ssyncadd.s32 $0xFFFFFFFF  }
0xab: {  	s26 =	simm.s32 $execute0_lowered;
	[smem:$0x3FD2] =	sst s25  }
0xac: {  	s6 =	sshll.u32 s26, $0x1;
	_ =	strace $0x80000046;
	[dreg:$0x1] =	wrdreg $0xFFFFFFFF  }
0xad: {  	s28 =	simm.s32 $_size_execute0_lowered;
	s4 =	sadd.s32 s4, s6;
	[dreg:$0x0] =	wrdreg $0x0  }
0xae: {  	s6 =	sshll.u32 s28, $0x1;
	[dreg:$0x2] =	wrdreg s4  }
0xaf: {  	[dreg:$0x3] =	wrdreg s6  }
0xb0: {  	[dreg:$0x4] =	wrdreg $0xC0  }
0xb1: {  	_ =	task [dreg:s8], $0x5FFFF  }
0xb2: {  	[dreg:$0x1] =	wrdreg $0xFFFFFFFF  }
0xb3: {  	[dreg:$0x0] =	wrdreg $0x60  }
0xb4: {  	[dreg:$0x2] =	wrdreg s17  }
0xb5: {  	[dreg:$0x3] =	wrdreg s24  }
0xb6: {  	[dreg:$0x4] =	wrdreg s16  }
0xb7: {  	[dreg:$0x5] =	wrdreg $0x7C000  }
0xb8: {  	[dreg:$0x6] =	wrdreg $0x11F000  }
0xb9: {  	[dreg:$0x7] =	wrdreg $0x9  }
0xba: {  	_ =	task.clear_ibuf [dreg:s8], $0x8FFFF;
	_ =	strace $0x90000046  }
0xbb: {  	s29 =	simm.s32 $0x9;
	_ =	strace $0x80000048  }
0xbc: {  	_ =	swait.ge [sflag:s29], $0x1  }
0xbd: {  	[sflag:s29] =	ssyncadd.s32 $0xFFFFFFFF  }
0xbe: {  	_ =	strace $0x90000048  }
0xbf: {  	_ =	sfence  }
0xc0: {  	s30 =	sld [smem:$0x0];
	_ =	sdelay $0x2  }
0xc1: {  	s31 =	sshll.u32 s1, $0xD;
	s1 =	sshrl.u32 s1, $0x2  }
0xc2: {  	s3 =	sand.u32 $0x4000, s31;
	s1 =	sadd.s32 s1, s30  }
0xc3: {  	s0 =	sor.u32 s3, s0;
	s1 =	sshll.u32 s1, $0x11  }
0xc4: {  	s0 =	sor.u32 s1, s0  }
0xc5: {  	s0 =	sadd.s32 $0x8F2B, s0  }
0xc6: {  	[sflag:s0] =	ssyncadd.remote.s32 $0x1  }
0xc7: {  	_ =	sfence.sel $0xFFFF  }
0xc8: {  	[dreg:$0x0] =	wrdreg $0xFFFFFFFF;
	(pc) =	sbr.abs _section_cstart, $3  }
0xc9: {  	[dreg:$0x1] =	wrdreg $0xFFFFFFFF  }
0xca: {  	_ =	task.clear_ibuf [dreg:s8], $0x2FFFF;
	_ =	strace $0x9FFFFFFF  }
0xcb: {  	(tm) =	ssettm $0x7FFFFFFF  }
tec
execute0_lowered:
.L_overlay_start_1:
0x0: {  	(tag) =	ssettag $0x1  }
0x1: {  	s0 =	rddreg [dreg:$0x0]  }
0x2: {  	s1 =	rddreg [dreg:$0x1]  }
0x3: {  	s2 =	rddreg [dreg:$0x2]  }
0x4: {  	s3 =	rddreg [dreg:$0x3]  }
0x5: {  	s5 =	srdreg.scid;
	s19 =	stileid.u32  }
0x6: {  	s4 =	rddreg [dreg:$0x4];
	s22 =	simm.s32 $0x1E00;
	s6 =	smul.u32 $0xA000, s19  }
0x7: {  	s23 =	simm.s32 $0x80;
	s24 =	simm.s32 $0x5C00;
	s8 =	smul.u32 $0x28000, s19  }
0x8: {  	s28 =	simm.s32 $0x2;
	s29 =	simm.s32 $0x3;
	s15 =	smul.u32 $0x280, s19  }
0x9: {  	s30 =	simm.s32 $0x4;
	s21 =	simm.s32 $0x5;
	s11 =	smul.u32 $0xA00, s19  }
0xa: {  	s12 =	sand.u32 $0x1, s5;
	s5 =	simm.s32 $0x0;
	s19 =	smul.u32 $0x3C0, s19  }
0xb: {  	s13 =	sadd.s32 $0x8600, s1;
	s14 =	sadd.s32 $0x3600, s1;
	s7 =	smul.u32 $0xA0000, s12  }
0xc: {  	[smem:$0x7FF] =	sst s5;
	s25 =	ssub.s32 $0x2, s12;
	s16 =	smul.u32 $0x2800, s12  }
0xd: {  	p0 =	sne.s32 s12, $0x0;
	s12 =	simm.s32 $0x2780;
	_ =	strace $0x80000047  }
0xe: {  	s9 =	sshrl.u32 s25, $0x1;
	s8 =	sshrl.u32 s8, $0x2;
	s11 =	sshrl.u32 s11, $0x3  }
0xf: {  	s7 =	sadd.s32 s6, s7;
	s18 =	ssub.s32 s25, s9;
	s10 =	sadd.s32 s8, s3  }
0x10: {  	s6 =	sadd.s32 s6, s3;
	s17 =	sadd.s32 $0x3C00, s11;
	s11 =	sadd.s32 s15, s4  }
0x11: {  	s15 =	sadd.s32 s15, s16;
	s25 =	simm.s32 $0x1;
	s7 =	sshrl.u32 s7, $0x3  }
0x12: {  	s8 =	sadd.s32 $0x4000, s10;
	s9 =	sadd.s32 $0x6000, s10;
	s20 =	sadd.s32 s13, s17  }
0x13: {  	s26 =	sadd.s32 s14, s17;
	s13 =	sadd.s32 s13, s19;
	s31 =	sshrl.u32 s15, $0x3  }
0x14: {  	s14 =	sadd.s32 s14, s19;
	s18 =	smax.u32 s18, $0x1;
	[dreg:$0x6] =	wrdreg s20  }
.Ltmp0:
0x15: {  	s19 =	simm.s32 $0x3C00;
	[dreg:$0x7] =	wrdreg s26;
	(pc) =	sbr.rel .LBB2_1-.Ltmp0, $4  }
0x16: {  	s15 =	simm.s32 $0x2680;
	s1 =	sadd.s32 s7, s1;
	[dreg:$0x8] =	wrdreg s13  }
0x17: {  	s7 =	sadd.s32 $0x2000, s10;
	s10 =	sadd.s32 $0x8000, s10;
	[dreg:$0x9] =	wrdreg s14  }
0x18: {  	s17 =	sadd.s32 s2, s31;
	s20 =	simm.s32 $0x6;
	s26 =	simm.s32 $0x11C00  }
0x19: {  	v0 =	vimm.f32 $0.0e+00;
	v1 =	vimm.f32 $1.000000000e+00;
	s2 =	simm.s32 $0x2700;
	s13 =	simm.s32 $0x0;
	s16 =	sadd.s32 $0xD600, s1  }
.LBB2_11:
0x1a: {  	s1 =	rddreg [dreg:$0x6]  }
0x1b: {  	[tilespmem:s5], [sflag:$0x6] =	stream.linear.gather [hbm4b:s1+s5], $0xA00, $0x38;
	[tilespmem:$0x12180] =	vst v63  }
0x1c: {  	_ =	swait.ge [sflag:s20], $0xA00  }
0x1d: {  	[sflag:s20] =	ssyncset.done $0x0  }
0x1e: {  	s31 =	rddreg [dreg:$0x7];
	[sflag:s20] =	ssyncadd.s32 $0xFFFFF600  }
0x1f: {  	[tilespmem:s22], [sflag:$0x6] =	stream.linear.gather [hbm4b:s31+s5], $0xA00, $0x38;
	[tilespmem:$0x12180] =	vst v63  }
0x20: {  	_ =	swait.ge [sflag:s20], $0xA00  }
0x21: {  	[sflag:s20] =	ssyncset.done $0x0  }
0x22: {  	[sflag:s20] =	ssyncadd.s32 $0xFFFFF600  }
0x23: {  	[tilespmem:s19], [sflag:$0x1] =	stream.indirect.gather [hbm4b:s0+s23], $0x40, s5, s23, $0xb8;
	[tilespmem:$0x12180] =	vst v63  }
0x24: {  	_ = 	snop  }
0x25: {  	[tilespmem:s24], [sflag:$0x2] =	stream.indirect.gather [hbm4b:s0+s23], $0x40, s23, s23, $0xb8;
	[tilespmem:$0x12180] =	vst v63  }
0x26: {  	_ =	swait.ge [sflag:s25], $0x2000  }
0x27: {  	[sflag:s25] =	ssyncset.done $0x0  }
0x28: {  	[sflag:s25] =	ssyncadd.s32 $0xFFFFE000  }
0x29: {  	[spmem:s3] =	stream.indirect.scatter.add.f32 [tilespmem:s19], [sflag:$0x3], $0x40, s22, s23, $0xb8;
	[tilespmem:$0x12180] =	vst v63  }
0x2a: {  	_ = 	snop  }
0x2b: {  	[spmem:s4] =	stream.indirect.scatter.add.f32 [tilespmem:s26], [sflag:$0x5], $0x1, s22, s23, $0xb8;
	[tilespmem:$0x12180] =	vst v63  }
0x2c: {  	_ =	swait.ge [sflag:s28], $0x2000  }
0x2d: {  	[sflag:s28] =	ssyncset.done $0x0  }
0x2e: {  	s14 =	simm.s32 $0x1E80;
	[sflag:s28] =	ssyncadd.s32 $0xFFFFE000  }
0x2f: {  	[spmem:s3] =	stream.indirect.scatter.add.f32 [tilespmem:s24], [sflag:$0x4], $0x40, s14, s23, $0xb8;
	[tilespmem:$0x12180] =	vst v63  }
0x30: {  	_ = 	snop  }
0x31: {  	[spmem:s4] =	stream.indirect.scatter.add.f32 [tilespmem:s26], [sflag:$0x5], $0x1, s14, s23, $0xb8;
	[tilespmem:$0x12180] =	vst v63  }
0x32: {  	_ =	swait.ge [sflag:s29], $0x2000  }
0x33: {  	[sflag:s29] =	ssyncset.done $0x0  }
0x34: {  	s31 =	simm.s32 $0x100;
	[sflag:s29] =	ssyncadd.s32 $0xFFFFE000  }
0x35: {  	[tilespmem:s19], [sflag:$0x1] =	stream.indirect.gather [hbm4b:s0+s23], $0x40, s31, s23, $0xb8;
	[tilespmem:$0x12180] =	vst v63  }
0x36: {  	_ =	swait.ge [sflag:s30], $0x2000  }
0x37: {  	[sflag:s30] =	ssyncset.done $0x0  }
0x38: {  	s14 =	simm.s32 $0x180;
	[sflag:s30] =	ssyncadd.s32 $0xFFFFE000  }
0x39: {  	[tilespmem:s24], [sflag:$0x2] =	stream.indirect.gather [hbm4b:s0+s23], $0x40, s14, s23, $0xb8;
	[tilespmem:$0x12180] =	vst v63  }
0x3a: {  	_ =	swait.ge [sflag:s25], $0x2000  }
0x3b: {  	[sflag:s25] =	ssyncset.done $0x0  }
0x3c: {  	s31 =	simm.s32 $0x1F00;
	[sflag:s25] =	ssyncadd.s32 $0xFFFFE000  }
0x3d: {  	[spmem:s3] =	stream.indirect.scatter.add.f32 [tilespmem:s19], [sflag:$0x3], $0x40, s31, s23, $0xb8;
	[tilespmem:$0x12180] =	vst v63  }
0x3e: {  	_ = 	snop  }
0x3f: {  	[spmem:s4] =	stream.indirect.scatter.add.f32 [tilespmem:s26], [sflag:$0x5], $0x1, s31, s23, $0xb8;
	[tilespmem:$0x12180] =	vst v63  }
0x40: {  	_ =	swait.ge [sflag:s28], $0x2000  }
0x41: {  	[sflag:s28] =	ssyncset.done $0x0  }
0x42: {  	s14 =	simm.s32 $0x1F80;
	[sflag:s28] =	ssyncadd.s32 $0xFFFFE000  }
0x43: {  	[spmem:s3] =	stream.indirect.scatter.add.f32 [tilespmem:s24], [sflag:$0x4], $0x40, s14, s23, $0xb8;
	[tilespmem:$0x12180] =	vst v63  }
0x44: {  	_ = 	snop  }
0x45: {  	[spmem:s4] =	stream.indirect.scatter.add.f32 [tilespmem:s26], [sflag:$0x5], $0x1, s14, s23, $0xb8;
	[tilespmem:$0x12180] =	vst v63  }
0x46: {  	_ =	swait.ge [sflag:s29], $0x2000  }
0x47: {  	[sflag:s29] =	ssyncset.done $0x0  }
0x48: {  	s31 =	simm.s32 $0x200;
	[sflag:s29] =	ssyncadd.s32 $0xFFFFE000  }
0x49: {  	[tilespmem:s19], [sflag:$0x1] =	stream.indirect.gather [hbm4b:s0+s23], $0x40, s31, s23, $0xb8;
	[tilespmem:$0x12180] =	vst v63  }
0x4a: {  	_ =	swait.ge [sflag:s30], $0x2000  }
0x4b: {  	[sflag:s30] =	ssyncset.done $0x0  }
0x4c: {  	s14 =	simm.s32 $0x280;
	[sflag:s30] =	ssyncadd.s32 $0xFFFFE000  }
0x4d: {  	[tilespmem:s24], [sflag:$0x2] =	stream.indirect.gather [hbm4b:s0+s23], $0x40, s14, s23, $0xb8;
	[tilespmem:$0x12180] =	vst v63  }
0x4e: {  	_ =	swait.ge [sflag:s25], $0x2000  }
0x4f: {  	[sflag:s25] =	ssyncset.done $0x0  }
0x50: {  	s31 =	simm.s32 $0x2000;
	[sflag:s25] =	ssyncadd.s32 $0xFFFFE000  }
0x51: {  	[spmem:s3] =	stream.indirect.scatter.add.f32 [tilespmem:s19], [sflag:$0x3], $0x40, s31, s23, $0xb8;
	[tilespmem:$0x12180] =	vst v63  }
0x52: {  	_ = 	snop  }
0x53: {  	[spmem:s4] =	stream.indirect.scatter.add.f32 [tilespmem:s26], [sflag:$0x5], $0x1, s31, s23, $0xb8;
	[tilespmem:$0x12180] =	vst v63  }
0x54: {  	_ =	swait.ge [sflag:s28], $0x2000  }
0x55: {  	[sflag:s28] =	ssyncset.done $0x0  }
0x56: {  	s14 =	simm.s32 $0x2080;
	[sflag:s28] =	ssyncadd.s32 $0xFFFFE000  }
0x57: {  	[spmem:s3] =	stream.indirect.scatter.add.f32 [tilespmem:s24], [sflag:$0x4], $0x40, s14, s23, $0xb8;
	[tilespmem:$0x12180] =	vst v63  }
0x58: {  	_ = 	snop  }
0x59: {  	[spmem:s4] =	stream.indirect.scatter.add.f32 [tilespmem:s26], [sflag:$0x5], $0x1, s14, s23, $0xb8;
	[tilespmem:$0x12180] =	vst v63  }
0x5a: {  	_ =	swait.ge [sflag:s29], $0x2000  }
0x5b: {  	[sflag:s29] =	ssyncset.done $0x0  }
0x5c: {  	s31 =	simm.s32 $0x300;
	[sflag:s29] =	ssyncadd.s32 $0xFFFFE000  }
0x5d: {  	[tilespmem:s19], [sflag:$0x1] =	stream.indirect.gather [hbm4b:s0+s23], $0x40, s31, s23, $0xb8;
	[tilespmem:$0x12180] =	vst v63  }
0x5e: {  	_ =	swait.ge [sflag:s30], $0x2000  }
0x5f: {  	[sflag:s30] =	ssyncset.done $0x0  }
0x60: {  	s14 =	simm.s32 $0x380;
	[sflag:s30] =	ssyncadd.s32 $0xFFFFE000  }
0x61: {  	[tilespmem:s24], [sflag:$0x2] =	stream.indirect.gather [hbm4b:s0+s23], $0x40, s14, s23, $0xb8;
	[tilespmem:$0x12180] =	vst v63  }
0x62: {  	_ =	swait.ge [sflag:s25], $0x2000  }
0x63: {  	[sflag:s25] =	ssyncset.done $0x0  }
0x64: {  	s31 =	simm.s32 $0x2100;
	[sflag:s25] =	ssyncadd.s32 $0xFFFFE000  }
0x65: {  	[spmem:s3] =	stream.indirect.scatter.add.f32 [tilespmem:s19], [sflag:$0x3], $0x40, s31, s23, $0xb8;
	[tilespmem:$0x12180] =	vst v63  }
0x66: {  	_ = 	snop  }
0x67: {  	[spmem:s4] =	stream.indirect.scatter.add.f32 [tilespmem:s26], [sflag:$0x5], $0x1, s31, s23, $0xb8;
	[tilespmem:$0x12180] =	vst v63  }
0x68: {  	_ =	swait.ge [sflag:s28], $0x2000  }
0x69: {  	[sflag:s28] =	ssyncset.done $0x0  }
0x6a: {  	s14 =	simm.s32 $0x2180;
	[sflag:s28] =	ssyncadd.s32 $0xFFFFE000  }
0x6b: {  	[spmem:s3] =	stream.indirect.scatter.add.f32 [tilespmem:s24], [sflag:$0x4], $0x40, s14, s23, $0xb8;
	[tilespmem:$0x12180] =	vst v63  }
0x6c: {  	_ = 	snop  }
0x6d: {  	[spmem:s4] =	stream.indirect.scatter.add.f32 [tilespmem:s26], [sflag:$0x5], $0x1, s14, s23, $0xb8;
	[tilespmem:$0x12180] =	vst v63  }
0x6e: {  	_ =	swait.ge [sflag:s29], $0x2000  }
0x6f: {  	[sflag:s29] =	ssyncset.done $0x0  }
0x70: {  	s31 =	simm.s32 $0x400;
	[sflag:s29] =	ssyncadd.s32 $0xFFFFE000  }
0x71: {  	[tilespmem:s19], [sflag:$0x1] =	stream.indirect.gather [hbm4b:s0+s23], $0x40, s31, s23, $0xb8;
	[tilespmem:$0x12180] =	vst v63  }
0x72: {  	_ =	swait.ge [sflag:s30], $0x2000  }
0x73: {  	[sflag:s30] =	ssyncset.done $0x0  }
0x74: {  	s14 =	simm.s32 $0x480;
	[sflag:s30] =	ssyncadd.s32 $0xFFFFE000  }
0x75: {  	[tilespmem:s24], [sflag:$0x2] =	stream.indirect.gather [hbm4b:s0+s23], $0x40, s14, s23, $0xb8;
	[tilespmem:$0x12180] =	vst v63  }
0x76: {  	_ =	swait.ge [sflag:s25], $0x2000  }
0x77: {  	[sflag:s25] =	ssyncset.done $0x0  }
0x78: {  	s31 =	simm.s32 $0x2200;
	[sflag:s25] =	ssyncadd.s32 $0xFFFFE000  }
0x79: {  	[spmem:s3] =	stream.indirect.scatter.add.f32 [tilespmem:s19], [sflag:$0x3], $0x40, s31, s23, $0xb8;
	[tilespmem:$0x12180] =	vst v63  }
0x7a: {  	_ = 	snop  }
0x7b: {  	[spmem:s4] =	stream.indirect.scatter.add.f32 [tilespmem:s26], [sflag:$0x5], $0x1, s31, s23, $0xb8;
	[tilespmem:$0x12180] =	vst v63  }
0x7c: {  	_ =	swait.ge [sflag:s28], $0x2000  }
0x7d: {  	[sflag:s28] =	ssyncset.done $0x0  }
0x7e: {  	s14 =	simm.s32 $0x2280;
	[sflag:s28] =	ssyncadd.s32 $0xFFFFE000  }
0x7f: {  	[spmem:s3] =	stream.indirect.scatter.add.f32 [tilespmem:s24], [sflag:$0x4], $0x40, s14, s23, $0xb8;
	[tilespmem:$0x12180] =	vst v63  }
0x80: {  	_ = 	snop  }
0x81: {  	[spmem:s4] =	stream.indirect.scatter.add.f32 [tilespmem:s26], [sflag:$0x5], $0x1, s14, s23, $0xb8;
	[tilespmem:$0x12180] =	vst v63  }
0x82: {  	_ =	swait.ge [sflag:s29], $0x2000  }
0x83: {  	[sflag:s29] =	ssyncset.done $0x0  }
0x84: {  	s31 =	simm.s32 $0x500;
	[sflag:s29] =	ssyncadd.s32 $0xFFFFE000  }
0x85: {  	[tilespmem:s19], [sflag:$0x1] =	stream.indirect.gather [hbm4b:s0+s23], $0x40, s31, s23, $0xb8;
	[tilespmem:$0x12180] =	vst v63  }
0x86: {  	_ =	swait.ge [sflag:s30], $0x2000  }
0x87: {  	[sflag:s30] =	ssyncset.done $0x0  }
0x88: {  	s14 =	simm.s32 $0x580;
	[sflag:s30] =	ssyncadd.s32 $0xFFFFE000  }
0x89: {  	[tilespmem:s24], [sflag:$0x2] =	stream.indirect.gather [hbm4b:s0+s23], $0x40, s14, s23, $0xb8;
	[tilespmem:$0x12180] =	vst v63  }
0x8a: {  	_ =	swait.ge [sflag:s25], $0x2000  }
0x8b: {  	[sflag:s25] =	ssyncset.done $0x0  }
0x8c: {  	s31 =	simm.s32 $0x2300;
	[sflag:s25] =	ssyncadd.s32 $0xFFFFE000  }
0x8d: {  	[spmem:s3] =	stream.indirect.scatter.add.f32 [tilespmem:s19], [sflag:$0x3], $0x40, s31, s23, $0xb8;
	[tilespmem:$0x12180] =	vst v63  }
0x8e: {  	_ = 	snop  }
0x8f: {  	[spmem:s4] =	stream.indirect.scatter.add.f32 [tilespmem:s26], [sflag:$0x5], $0x1, s31, s23, $0xb8;
	[tilespmem:$0x12180] =	vst v63  }
0x90: {  	_ =	swait.ge [sflag:s28], $0x2000  }
0x91: {  	[sflag:s28] =	ssyncset.done $0x0  }
0x92: {  	s14 =	simm.s32 $0x2380;
	[sflag:s28] =	ssyncadd.s32 $0xFFFFE000  }
0x93: {  	[spmem:s3] =	stream.indirect.scatter.add.f32 [tilespmem:s24], [sflag:$0x4], $0x40, s14, s23, $0xb8;
	[tilespmem:$0x12180] =	vst v63  }
0x94: {  	_ = 	snop  }
0x95: {  	[spmem:s4] =	stream.indirect.scatter.add.f32 [tilespmem:s26], [sflag:$0x5], $0x1, s14, s23, $0xb8;
	[tilespmem:$0x12180] =	vst v63  }
0x96: {  	_ =	swait.ge [sflag:s29], $0x2000  }
0x97: {  	[sflag:s29] =	ssyncset.done $0x0  }
0x98: {  	s31 =	simm.s32 $0x600;
	[sflag:s29] =	ssyncadd.s32 $0xFFFFE000  }
0x99: {  	[tilespmem:s19], [sflag:$0x1] =	stream.indirect.gather [hbm4b:s0+s23], $0x40, s31, s23, $0xb8;
	[tilespmem:$0x12180] =	vst v63  }
0x9a: {  	_ =	swait.ge [sflag:s30], $0x2000  }
0x9b: {  	[sflag:s30] =	ssyncset.done $0x0  }
0x9c: {  	s14 =	simm.s32 $0x680;
	[sflag:s30] =	ssyncadd.s32 $0xFFFFE000  }
0x9d: {  	[tilespmem:s24], [sflag:$0x2] =	stream.indirect.gather [hbm4b:s0+s23], $0x40, s14, s23, $0xb8;
	[tilespmem:$0x12180] =	vst v63  }
0x9e: {  	_ =	swait.ge [sflag:s25], $0x2000  }
0x9f: {  	[sflag:s25] =	ssyncset.done $0x0  }
0xa0: {  	s31 =	simm.s32 $0x2400;
	[sflag:s25] =	ssyncadd.s32 $0xFFFFE000  }
0xa1: {  	[spmem:s3] =	stream.indirect.scatter.add.f32 [tilespmem:s19], [sflag:$0x3], $0x40, s31, s23, $0xb8;
	[tilespmem:$0x12180] =	vst v63  }
0xa2: {  	_ = 	snop  }
0xa3: {  	[spmem:s4] =	stream.indirect.scatter.add.f32 [tilespmem:s26], [sflag:$0x5], $0x1, s31, s23, $0xb8;
	[tilespmem:$0x12180] =	vst v63  }
0xa4: {  	_ =	swait.ge [sflag:s28], $0x2000  }
0xa5: {  	[sflag:s28] =	ssyncset.done $0x0  }
0xa6: {  	s14 =	simm.s32 $0x2480;
	[sflag:s28] =	ssyncadd.s32 $0xFFFFE000  }
0xa7: {  	[spmem:s3] =	stream.indirect.scatter.add.f32 [tilespmem:s24], [sflag:$0x4], $0x40, s14, s23, $0xb8;
	[tilespmem:$0x12180] =	vst v63  }
0xa8: {  	_ = 	snop  }
0xa9: {  	[spmem:s4] =	stream.indirect.scatter.add.f32 [tilespmem:s26], [sflag:$0x5], $0x1, s14, s23, $0xb8;
	[tilespmem:$0x12180] =	vst v63  }
0xaa: {  	_ =	swait.ge [sflag:s29], $0x2000  }
0xab: {  	[sflag:s29] =	ssyncset.done $0x0  }
0xac: {  	s31 =	simm.s32 $0x700;
	[sflag:s29] =	ssyncadd.s32 $0xFFFFE000  }
0xad: {  	[tilespmem:s19], [sflag:$0x1] =	stream.indirect.gather [hbm4b:s0+s23], $0x40, s31, s23, $0xb8;
	[tilespmem:$0x12180] =	vst v63  }
0xae: {  	_ =	swait.ge [sflag:s30], $0x2000  }
0xaf: {  	[sflag:s30] =	ssyncset.done $0x0  }
0xb0: {  	s14 =	simm.s32 $0x780;
	[sflag:s30] =	ssyncadd.s32 $0xFFFFE000  }
0xb1: {  	[tilespmem:s24], [sflag:$0x2] =	stream.indirect.gather [hbm4b:s0+s23], $0x40, s14, s23, $0xb8;
	[tilespmem:$0x12180] =	vst v63  }
0xb2: {  	_ =	swait.ge [sflag:s25], $0x2000  }
0xb3: {  	[sflag:s25] =	ssyncset.done $0x0  }
0xb4: {  	s31 =	simm.s32 $0x2500;
	[sflag:s25] =	ssyncadd.s32 $0xFFFFE000  }
0xb5: {  	[spmem:s3] =	stream.indirect.scatter.add.f32 [tilespmem:s19], [sflag:$0x3], $0x40, s31, s23, $0xb8;
	[tilespmem:$0x12180] =	vst v63  }
0xb6: {  	_ = 	snop  }
0xb7: {  	[spmem:s4] =	stream.indirect.scatter.add.f32 [tilespmem:s26], [sflag:$0x5], $0x1, s31, s23, $0xb8;
	[tilespmem:$0x12180] =	vst v63  }
0xb8: {  	_ =	swait.ge [sflag:s28], $0x2000  }
0xb9: {  	[sflag:s28] =	ssyncset.done $0x0  }
0xba: {  	s14 =	simm.s32 $0x2580;
	[sflag:s28] =	ssyncadd.s32 $0xFFFFE000  }
0xbb: {  	[spmem:s3] =	stream.indirect.scatter.add.f32 [tilespmem:s24], [sflag:$0x4], $0x40, s14, s23, $0xb8;
	[tilespmem:$0x12180] =	vst v63  }
0xbc: {  	_ = 	snop  }
0xbd: {  	[spmem:s4] =	stream.indirect.scatter.add.f32 [tilespmem:s26], [sflag:$0x5], $0x1, s14, s23, $0xb8;
	[tilespmem:$0x12180] =	vst v63  }
0xbe: {  	_ =	swait.ge [sflag:s29], $0x2000  }
0xbf: {  	[sflag:s29] =	ssyncset.done $0x0  }
0xc0: {  	s31 =	simm.s32 $0x800;
	[sflag:s29] =	ssyncadd.s32 $0xFFFFE000  }
0xc1: {  	[tilespmem:s19], [sflag:$0x1] =	stream.indirect.gather [hbm4b:s0+s23], $0x40, s31, s23, $0xb8;
	[tilespmem:$0x12180] =	vst v63  }
0xc2: {  	_ =	swait.ge [sflag:s30], $0x2000  }
0xc3: {  	[sflag:s30] =	ssyncset.done $0x0  }
0xc4: {  	s14 =	simm.s32 $0x880;
	[sflag:s30] =	ssyncadd.s32 $0xFFFFE000  }
0xc5: {  	[tilespmem:s24], [sflag:$0x2] =	stream.indirect.gather [hbm4b:s0+s23], $0x40, s14, s23, $0xb8;
	[tilespmem:$0x12180] =	vst v63  }
0xc6: {  	_ =	swait.ge [sflag:s25], $0x2000  }
0xc7: {  	[sflag:s25] =	ssyncset.done $0x0  }
0xc8: {  	s31 =	simm.s32 $0x2600;
	[sflag:s25] =	ssyncadd.s32 $0xFFFFE000  }
0xc9: {  	[spmem:s3] =	stream.indirect.scatter.add.f32 [tilespmem:s19], [sflag:$0x3], $0x40, s31, s23, $0xb8;
	[tilespmem:$0x12180] =	vst v63  }
0xca: {  	_ = 	snop  }
0xcb: {  	[spmem:s4] =	stream.indirect.scatter.add.f32 [tilespmem:s26], [sflag:$0x5], $0x1, s31, s23, $0xb8;
	[tilespmem:$0x12180] =	vst v63  }
0xcc: {  	_ =	swait.ge [sflag:s28], $0x2000  }
0xcd: {  	[sflag:s28] =	ssyncset.done $0x0  }
0xce: {  	[sflag:s28] =	ssyncadd.s32 $0xFFFFE000  }
0xcf: {  	[spmem:s3] =	stream.indirect.scatter.add.f32 [tilespmem:s24], [sflag:$0x4], $0x40, s15, s23, $0xb8;
	[tilespmem:$0x12180] =	vst v63  }
0xd0: {  	_ = 	snop  }
0xd1: {  	[spmem:s4] =	stream.indirect.scatter.add.f32 [tilespmem:s26], [sflag:$0x5], $0x1, s15, s23, $0xb8;
	[tilespmem:$0x12180] =	vst v63  }
0xd2: {  	_ =	swait.ge [sflag:s29], $0x2000  }
0xd3: {  	[sflag:s29] =	ssyncset.done $0x0  }
0xd4: {  	s14 =	simm.s32 $0x900;
	[sflag:s29] =	ssyncadd.s32 $0xFFFFE000  }
0xd5: {  	[tilespmem:s19], [sflag:$0x1] =	stream.indirect.gather [hbm4b:s0+s23], $0x40, s14, s23, $0xb8;
	[tilespmem:$0x12180] =	vst v63  }
0xd6: {  	_ =	swait.ge [sflag:s30], $0x2000  }
0xd7: {  	[sflag:s30] =	ssyncset.done $0x0  }
0xd8: {  	s31 =	simm.s32 $0x980;
	[sflag:s30] =	ssyncadd.s32 $0xFFFFE000  }
0xd9: {  	[tilespmem:s24], [sflag:$0x2] =	stream.indirect.gather [hbm4b:s0+s23], $0x40, s31, s23, $0xb8;
	[tilespmem:$0x12180] =	vst v63  }
0xda: {  	_ =	swait.ge [sflag:s25], $0x2000  }
0xdb: {  	[sflag:s25] =	ssyncset.done $0x0  }
0xdc: {  	[sflag:s25] =	ssyncadd.s32 $0xFFFFE000  }
0xdd: {  	[spmem:s3] =	stream.indirect.scatter.add.f32 [tilespmem:s19], [sflag:$0x3], $0x40, s2, s23, $0xb8;
	[tilespmem:$0x12180] =	vst v63  }
0xde: {  	_ = 	snop  }
0xdf: {  	[spmem:s4] =	stream.indirect.scatter.add.f32 [tilespmem:s26], [sflag:$0x5], $0x1, s2, s23, $0xb8;
	[tilespmem:$0x12180] =	vst v63  }
0xe0: {  	_ =	swait.ge [sflag:s28], $0x2000  }
0xe1: {  	[sflag:s28] =	ssyncset.done $0x0  }
0xe2: {  	[sflag:s28] =	ssyncadd.s32 $0xFFFFE000  }
0xe3: {  	[spmem:s3] =	stream.indirect.scatter.add.f32 [tilespmem:s24], [sflag:$0x4], $0x40, s12, s23, $0xb8;
	[tilespmem:$0x12180] =	vst v63  }
0xe4: {  	_ = 	snop  }
0xe5: {  	[spmem:s4] =	stream.indirect.scatter.add.f32 [tilespmem:s26], [sflag:$0x5], $0x1, s12, s23, $0xb8;
	[tilespmem:$0x12180] =	vst v63  }
0xe6: {  	_ =	swait.ge [sflag:s29], $0x2000  }
0xe7: {  	[sflag:s29] =	ssyncset.done $0x0  }
0xe8: {  	[sflag:s29] =	ssyncadd.s32 $0xFFFFE000  }
0xe9: {  	_ =	swait.ge [sflag:s30], $0x2000  }
0xea: {  	[sflag:s30] =	ssyncset.done $0x0  }
0xeb: {  	[sflag:s30] =	ssyncadd.s32 $0xFFFFE000  }
0xec: {  	_ =	swait.ge [sflag:s21], $0x80  }
0xed: {  	[sflag:s21] =	ssyncset.done $0x0  }
0xee: {  	[sflag:s21] =	ssyncadd.s32 $0xFFFFFF80  }
0xef: {  	_ =	swait.ge [sflag:s21], $0x80  }
0xf0: {  	[sflag:s21] =	ssyncset.done $0x0  }
0xf1: {  	[sflag:s21] =	ssyncadd.s32 $0xFFFFFF80  }
0xf2: {  	_ =	swait.ge [sflag:s21], $0x80  }
0xf3: {  	[sflag:s21] =	ssyncset.done $0x0  }
0xf4: {  	[sflag:s21] =	ssyncadd.s32 $0xFFFFFF80  }
0xf5: {  	_ =	swait.ge [sflag:s21], $0x80  }
0xf6: {  	[sflag:s21] =	ssyncset.done $0x0  }
0xf7: {  	[sflag:s21] =	ssyncadd.s32 $0xFFFFFF80  }
0xf8: {  	_ =	swait.ge [sflag:s21], $0x80  }
0xf9: {  	[sflag:s21] =	ssyncset.done $0x0  }
0xfa: {  	[sflag:s21] =	ssyncadd.s32 $0xFFFFFF80  }
0xfb: {  	_ =	swait.ge [sflag:s21], $0x80  }
0xfc: {  	[sflag:s21] =	ssyncset.done $0x0  }
0xfd: {  	[sflag:s21] =	ssyncadd.s32 $0xFFFFFF80  }
0xfe: {  	_ =	swait.ge [sflag:s21], $0x80  }
0xff: {  	[sflag:s21] =	ssyncset.done $0x0  }
0x100: {  	[sflag:s21] =	ssyncadd.s32 $0xFFFFFF80  }
0x101: {  	_ =	swait.ge [sflag:s21], $0x80  }
0x102: {  	[sflag:s21] =	ssyncset.done $0x0  }
0x103: {  	[sflag:s21] =	ssyncadd.s32 $0xFFFFFF80  }
0x104: {  	_ =	swait.ge [sflag:s21], $0x80  }
0x105: {  	[sflag:s21] =	ssyncset.done $0x0  }
0x106: {  	[sflag:s21] =	ssyncadd.s32 $0xFFFFFF80  }
0x107: {  	_ =	swait.ge [sflag:s21], $0x80  }
0x108: {  	[sflag:s21] =	ssyncset.done $0x0  }
0x109: {  	[sflag:s21] =	ssyncadd.s32 $0xFFFFFF80  }
0x10a: {  	_ =	swait.ge [sflag:s21], $0x80  }
0x10b: {  	[sflag:s21] =	ssyncset.done $0x0  }
0x10c: {  	[sflag:s21] =	ssyncadd.s32 $0xFFFFFF80  }
0x10d: {  	_ =	swait.ge [sflag:s21], $0x80  }
0x10e: {  	[sflag:s21] =	ssyncset.done $0x0  }
0x10f: {  	[sflag:s21] =	ssyncadd.s32 $0xFFFFFF80  }
0x110: {  	_ =	swait.ge [sflag:s21], $0x80  }
0x111: {  	[sflag:s21] =	ssyncset.done $0x0  }
0x112: {  	[sflag:s21] =	ssyncadd.s32 $0xFFFFFF80  }
0x113: {  	_ =	swait.ge [sflag:s21], $0x80  }
0x114: {  	[sflag:s21] =	ssyncset.done $0x0  }
0x115: {  	[sflag:s21] =	ssyncadd.s32 $0xFFFFFF80  }
0x116: {  	_ =	swait.ge [sflag:s21], $0x80  }
0x117: {  	[sflag:s21] =	ssyncset.done $0x0  }
0x118: {  	[sflag:s21] =	ssyncadd.s32 $0xFFFFFF80  }
0x119: {  	_ =	swait.ge [sflag:s21], $0x80  }
0x11a: {  	[sflag:s21] =	ssyncset.done $0x0  }
0x11b: {  	[sflag:s21] =	ssyncadd.s32 $0xFFFFFF80  }
0x11c: {  	_ =	swait.ge [sflag:s21], $0x80  }
0x11d: {  	[sflag:s21] =	ssyncset.done $0x0  }
0x11e: {  	[sflag:s21] =	ssyncadd.s32 $0xFFFFFF80  }
0x11f: {  	_ =	swait.ge [sflag:s21], $0x80  }
0x120: {  	[sflag:s21] =	ssyncset.done $0x0  }
0x121: {  	[sflag:s21] =	ssyncadd.s32 $0xFFFFFF80  }
0x122: {  	_ =	swait.ge [sflag:s21], $0x80  }
0x123: {  	[sflag:s21] =	ssyncset.done $0x0  }
0x124: {  	[sflag:s21] =	ssyncadd.s32 $0xFFFFFF80  }
0x125: {  	_ =	swait.ge [sflag:s21], $0x80  }
0x126: {  	[sflag:s21] =	ssyncset.done $0x0  }
0x127: {  	[sflag:s21] =	ssyncadd.s32 $0xFFFFFF80  }
.LBB2_12:
0x128: {  	s1 =	stileid.u32  }
0x129: {  	s1 =	sshll.u32 s1, $0x6  }
0x12a: {  	[bflag:$0x0] =	sbarrier.arrive $0xFFFF;
	s14 =	sshrl.u32 s6, $0x3;
	s1 =	sor.u32 $0x1C06, s1  }
0x12b: {  	[hbm:s16], [sflag:s1] =	dma.local [spmem:s14], $0x1400  }
0x12c: {  	s13 =	sadd.s32 $0x1, s13;
	_ =	swait.ge [sflag:s20], $0x1400  }
0x12d: {  	p1 =	sne.s32 s13, s18;
	[sflag:s20] =	ssyncset.done $0x0  }
.Ltmp1:
0x12e: {  	s31 =	sshrl.u32 s11, $0x3;
	[sflag:s20] =	ssyncadd.s32 $0xFFFFEC00;
	(pc) =	sbr.rel @!p1 .LBB2_13-.Ltmp1, $4  }
0x12f: {  	[hbm:s17], [sflag:s1] =	dma.local [spmem:s31], $0x50  }
0x130: {  	_ =	swait.ge [sflag:s20], $0x50  }
0x131: {  	[sflag:s20] =	ssyncset.done $0x0  }
0x132: {  	[sflag:s20] =	ssyncadd.s32 $0xFFFFFFB0  }
.LBB2_1:
0x133: {  	s1 =	simm.s32 $0x100;
	s14 =	simm.s32 $0x0  }
.LBB2_2:
0x134: {  	p1 =	sne.s32 s1, $0x7F00;
	[tilespmem:s14+$0x3C30] =	vst v0;
	s31 =	smov.u32 s1;
	s1 =	sadd.s32 $0x100, s1  }
.Ltmp2:
0x135: {  	[tilespmem:s14+$0x3C20] =	vst v0;
	(pc) =	sbr.rel @p1 .LBB2_2-.Ltmp2, $3  }
0x136: {  	[tilespmem:s14+$0x3C00] =	vst v0  }
0x137: {  	[tilespmem:s14+$0x3C10] =	vst v0;
	_ =	sdelay $0x1  }
0x138: {  	s14 =	sshra.s32 s31, $0x2  }
0x139: {  	[tilespmem:s14+$0x3C30] =	vst v0  }
0x13a: {  	[tilespmem:s14+$0x3C20] =	vst v0  }
0x13b: {  	[tilespmem:s14+$0x3C00] =	vst v0  }
0x13c: {  	[tilespmem:s14+$0x3C10] =	vst v0  }
0x13d: {  	[spmem:s6] =	stream.linear.scatter [tilespmem:s19], [sflag:$0x6], $0x2000, $0x38;
	[tilespmem:$0x12180] =	vst v63  }
0x13e: {  	_ =	swait.ge [sflag:s20], $0x2000  }
0x13f: {  	[sflag:s20] =	ssyncset.done $0x0  }
0x140: {  	[sflag:s20] =	ssyncadd.s32 $0xFFFFE000  }
0x141: {  	[spmem:s7] =	stream.linear.scatter [tilespmem:s19], [sflag:$0x6], $0x2000, $0x38;
	[tilespmem:$0x12180] =	vst v63  }
0x142: {  	_ =	swait.ge [sflag:s20], $0x2000  }
0x143: {  	[sflag:s20] =	ssyncset.done $0x0  }
0x144: {  	[sflag:s20] =	ssyncadd.s32 $0xFFFFE000  }
0x145: {  	[spmem:s8] =	stream.linear.scatter [tilespmem:s19], [sflag:$0x6], $0x2000, $0x38;
	[tilespmem:$0x12180] =	vst v63  }
0x146: {  	_ =	swait.ge [sflag:s20], $0x2000  }
0x147: {  	[sflag:s20] =	ssyncset.done $0x0  }
0x148: {  	[sflag:s20] =	ssyncadd.s32 $0xFFFFE000  }
0x149: {  	[spmem:s9] =	stream.linear.scatter [tilespmem:s19], [sflag:$0x6], $0x2000, $0x38;
	[tilespmem:$0x12180] =	vst v63  }
0x14a: {  	_ =	swait.ge [sflag:s20], $0x2000  }
0x14b: {  	[sflag:s20] =	ssyncset.done $0x0  }
0x14c: {  	[sflag:s20] =	ssyncadd.s32 $0xFFFFE000  }
0x14d: {  	[spmem:s10] =	stream.linear.scatter [tilespmem:s19], [sflag:$0x6], $0x2000, $0x38;
	[tilespmem:$0x12180] =	vst v63  }
0x14e: {  	_ =	swait.ge [sflag:s20], $0x2000  }
0x14f: {  	[sflag:s20] =	ssyncset.done $0x0  }
0x150: {  	s31 =	simm.s32 $0x0;
	s14 =	simm.s32 $0x11C80;
	[sflag:s20] =	ssyncadd.s32 $0xFFFFE000  }
0x151: {  	s1 =	simm.s32 $0x10;
	s31 =	sand.u32 $0x70, s31;
	[tilespmem:s14+$0x0] =	vst v0  }
.LBB2_4:
0x152: {  	p1 =	sne.s32 s1, $0x270  }
0x153: {  	[tilespmem:s31+$0x11C00] =	vst v1;
	s14 =	sadd.s32 $0x10, s14;
	s31 =	smov.u32 s1;
	s1 =	sadd.s32 $0x10, s1  }
.Ltmp3:
0x154: {  	(pc) =	sbr.rel @p1 .LBB2_4-.Ltmp3, $2  }
0x155: {  	_ =	sdelay $0x2  }
0x156: {  	s31 =	sand.u32 $0x70, s31;
	[tilespmem:s14+$0x0] =	vst v0  }
0x157: {  	[tilespmem:s31+$0x11C00] =	vst v1;
	s1 =	simm.s32 $0x11C80  }
0x158: {  	[spmem:s11] =	stream.linear.scatter [tilespmem:s1], [sflag:$0x6], $0x280, $0x38;
	[tilespmem:$0x12180] =	vst v63  }
.Ltmp4:
0x159: {  	_ =	swait.ge [sflag:s20], $0x280;
	(pc) =	sbr.rel @p0 .LBB2_11-.Ltmp4, $3  }
0x15a: {  	[sflag:s20] =	ssyncset.done $0x0  }
0x15b: {  	[sflag:s20] =	ssyncadd.s32 $0xFFFFFD80  }
0x15c: {  	[bflag:$0x0] =	sbarrier.arrive $0xFFFF;
	_ =	sdelay $0x1  }
0x15d: {  	s1 =	simm.s32 $0x0;
	s14 =	rddreg [dreg:$0x8]  }
0x15e: {  	[tilespmem:s1], [sflag:$0x6] =	stream.linear.gather [hbm4b:s14+s1], $0x1E00, $0x38;
	[tilespmem:$0x12180] =	vst v63  }
0x15f: {  	_ =	swait.ge [sflag:s20], $0x1E00  }
0x160: {  	[sflag:s20] =	ssyncset.done $0x0  }
0x161: {  	s31 =	rddreg [dreg:$0x9];
	[sflag:s20] =	ssyncadd.s32 $0xFFFFE200  }
0x162: {  	[tilespmem:s22], [sflag:$0x6] =	stream.linear.gather [hbm4b:s31+s1], $0x1E00, $0x38;
	[tilespmem:$0x12180] =	vst v63  }
0x163: {  	_ =	swait.ge [sflag:s20], $0x1E00  }
0x164: {  	[sflag:s20] =	ssyncset.done $0x0  }
0x165: {  	[sflag:s20] =	ssyncadd.s32 $0xFFFFE200  }
0x166: {  	[tilespmem:s19], [sflag:$0x1] =	stream.indirect.gather [hbm4b:s0+s23], $0x40, s1, s23, $0xb8;
	[tilespmem:$0x12180] =	vst v63  }
0x167: {  	_ = 	snop  }
0x168: {  	[tilespmem:s24], [sflag:$0x2] =	stream.indirect.gather [hbm4b:s0+s23], $0x40, s23, s23, $0xb8;
	[tilespmem:$0x12180] =	vst v63  }
0x169: {  	_ =	swait.ge [sflag:s25], $0x2000  }
0x16a: {  	[sflag:s25] =	ssyncset.done $0x0  }
0x16b: {  	s31 =	simm.s32 $0x1E00;
	[sflag:s25] =	ssyncadd.s32 $0xFFFFE000  }
0x16c: {  	[spmem:s3] =	stream.indirect.scatter.add.f32 [tilespmem:s19], [sflag:$0x3], $0x40, s31, s23, $0xb8;
	[tilespmem:$0x12180] =	vst v63  }
0x16d: {  	_ = 	snop  }
0x16e: {  	[spmem:s4] =	stream.indirect.scatter.add.f32 [tilespmem:s26], [sflag:$0x5], $0x1, s31, s23, $0xb8;
	[tilespmem:$0x12180] =	vst v63  }
0x16f: {  	_ =	swait.ge [sflag:s28], $0x2000  }
0x170: {  	[sflag:s28] =	ssyncset.done $0x0  }
0x171: {  	s14 =	simm.s32 $0x1E80;
	[sflag:s28] =	ssyncadd.s32 $0xFFFFE000  }
0x172: {  	[spmem:s3] =	stream.indirect.scatter.add.f32 [tilespmem:s24], [sflag:$0x4], $0x40, s14, s23, $0xb8;
	[tilespmem:$0x12180] =	vst v63  }
0x173: {  	_ = 	snop  }
0x174: {  	[spmem:s4] =	stream.indirect.scatter.add.f32 [tilespmem:s26], [sflag:$0x5], $0x1, s14, s23, $0xb8;
	[tilespmem:$0x12180] =	vst v63  }
0x175: {  	_ =	swait.ge [sflag:s29], $0x2000  }
0x176: {  	[sflag:s29] =	ssyncset.done $0x0  }
0x177: {  	s31 =	simm.s32 $0x100;
	[sflag:s29] =	ssyncadd.s32 $0xFFFFE000  }
0x178: {  	[tilespmem:s19], [sflag:$0x1] =	stream.indirect.gather [hbm4b:s0+s23], $0x40, s31, s23, $0xb8;
	[tilespmem:$0x12180] =	vst v63  }
0x179: {  	_ =	swait.ge [sflag:s30], $0x2000  }
0x17a: {  	[sflag:s30] =	ssyncset.done $0x0  }
0x17b: {  	s1 =	simm.s32 $0x180;
	s14 =	simm.s32 $0x400;
	[sflag:s30] =	ssyncadd.s32 $0xFFFFE000  }
.LBB2_7:
0x17c: {  	[tilespmem:s24], [sflag:$0x2] =	stream.indirect.gather [hbm4b:s0+s23], $0x40, s1, s23, $0xb8;
	[tilespmem:$0x12180] =	vst v63  }
0x17d: {  	s1 =	smov.u32 s14  }
0x17e: {  	p1 =	sne.s32 s14, $0x7000;
	s14 =	sadd.s32 $0x400, s14;
	_ =	swait.ge [sflag:s25], $0x2000  }
0x17f: {  	s1 =	sshra.s32 s1, $0x2;
	[sflag:s25] =	ssyncset.done $0x0  }
0x180: {  	s31 =	sadd.s32 $0x1E00, s1;
	[sflag:s25] =	ssyncadd.s32 $0xFFFFE000  }
0x181: {  	[spmem:s3] =	stream.indirect.scatter.add.f32 [tilespmem:s19], [sflag:$0x3], $0x40, s31, s23, $0xb8;
	[tilespmem:$0x12180] =	vst v63  }
0x182: {  	_ = 	snop  }
0x183: {  	[spmem:s4] =	stream.indirect.scatter.add.f32 [tilespmem:s26], [sflag:$0x5], $0x1, s31, s23, $0xb8;
	[tilespmem:$0x12180] =	vst v63  }
0x184: {  	_ =	swait.ge [sflag:s28], $0x2000  }
0x185: {  	[sflag:s28] =	ssyncset.done $0x0  }
0x186: {  	s31 =	sadd.s32 $0x1E80, s1;
	[sflag:s28] =	ssyncadd.s32 $0xFFFFE000  }
0x187: {  	[spmem:s3] =	stream.indirect.scatter.add.f32 [tilespmem:s24], [sflag:$0x4], $0x40, s31, s23, $0xb8;
	[tilespmem:$0x12180] =	vst v63  }
0x188: {  	_ = 	snop  }
0x189: {  	[spmem:s4] =	stream.indirect.scatter.add.f32 [tilespmem:s26], [sflag:$0x5], $0x1, s31, s23, $0xb8;
	[tilespmem:$0x12180] =	vst v63  }
0x18a: {  	_ =	swait.ge [sflag:s29], $0x2000  }
0x18b: {  	[sflag:s29] =	ssyncset.done $0x0  }
.Ltmp5:
0x18c: {  	s31 =	sadd.s32 $0x100, s1;
	[sflag:s29] =	ssyncadd.s32 $0xFFFFE000;
	(pc) =	sbr.rel @p1 .LBB2_7-.Ltmp5, $4  }
0x18d: {  	[tilespmem:s19], [sflag:$0x1] =	stream.indirect.gather [hbm4b:s0+s23], $0x40, s31, s23, $0xb8;
	[tilespmem:$0x12180] =	vst v63  }
0x18e: {  	_ =	swait.ge [sflag:s30], $0x2000  }
0x18f: {  	[sflag:s30] =	ssyncset.done $0x0  }
0x190: {  	s1 =	sadd.s32 $0x180, s1;
	[sflag:s30] =	ssyncadd.s32 $0xFFFFE000  }
0x191: {  	[tilespmem:s24], [sflag:$0x2] =	stream.indirect.gather [hbm4b:s0+s23], $0x40, s1, s23, $0xb8;
	[tilespmem:$0x12180] =	vst v63  }
0x192: {  	_ =	swait.ge [sflag:s25], $0x2000  }
0x193: {  	[sflag:s25] =	ssyncset.done $0x0  }
0x194: {  	s14 =	simm.s32 $0x3B00;
	[sflag:s25] =	ssyncadd.s32 $0xFFFFE000  }
0x195: {  	[spmem:s3] =	stream.indirect.scatter.add.f32 [tilespmem:s19], [sflag:$0x3], $0x40, s14, s23, $0xb8;
	[tilespmem:$0x12180] =	vst v63  }
0x196: {  	_ = 	snop  }
0x197: {  	[spmem:s4] =	stream.indirect.scatter.add.f32 [tilespmem:s26], [sflag:$0x5], $0x1, s14, s23, $0xb8;
	[tilespmem:$0x12180] =	vst v63  }
0x198: {  	_ =	swait.ge [sflag:s28], $0x2000  }
0x199: {  	[sflag:s28] =	ssyncset.done $0x0  }
0x19a: {  	s31 =	simm.s32 $0x3B80;
	[sflag:s28] =	ssyncadd.s32 $0xFFFFE000  }
0x19b: {  	[spmem:s3] =	stream.indirect.scatter.add.f32 [tilespmem:s24], [sflag:$0x4], $0x40, s31, s23, $0xb8;
	[tilespmem:$0x12180] =	vst v63  }
0x19c: {  	_ = 	snop  }
0x19d: {  	[spmem:s4] =	stream.indirect.scatter.add.f32 [tilespmem:s26], [sflag:$0x5], $0x1, s31, s23, $0xb8;
	[tilespmem:$0x12180] =	vst v63  }
0x19e: {  	_ =	swait.ge [sflag:s29], $0x2000  }
0x19f: {  	[sflag:s29] =	ssyncset.done $0x0  }
0x1a0: {  	[sflag:s29] =	ssyncadd.s32 $0xFFFFE000  }
0x1a1: {  	_ =	swait.ge [sflag:s30], $0x2000  }
0x1a2: {  	[sflag:s30] =	ssyncset.done $0x0  }
0x1a3: {  	[sflag:s30] =	ssyncadd.s32 $0xFFFFE000  }
0x1a4: {  	_ =	swait.ge [sflag:s21], $0x80  }
0x1a5: {  	s1 =	simm.s32 $0x3B;
	[sflag:s21] =	ssyncset.done $0x0  }
.LBB2_9:
0x1a6: {  	p1 =	seq.s32 s1, $0x1;
	s1 =	sadd.s32 $0xFFFFFFFF, s1;
	[sflag:s21] =	ssyncadd.s32 $0xFFFFFF80  }
.Ltmp6:
0x1a7: {  	(pc) =	sbr.rel @!p1 .LBB2_9-.Ltmp6, $3  }
0x1a8: {  	_ =	sdelay $0x1  }
0x1a9: {  	_ =	swait.ge [sflag:s21], $0x80  }
0x1aa: {  	[sflag:s21] =	ssyncset.done $0x0  }
.Ltmp7:
0x1ab: {  	(pc) =	sbr.rel .LBB2_12-.Ltmp7, $2  }
0x1ac: {  	_ =	sdelay $0x2  }
0x1ad: {  	[sflag:s21] =	ssyncadd.s32 $0xFFFFFF80  }
.LBB2_13:
0x1ae: {  	_ =	sfence.sel $0x180000  }
0x1af: {  	[bflag:$0x0] =	sbarrier.arrive $0xFFFF  }
0x1b0: {  	_ =	strace $0x90000047  }
0x1b1: {  	s0 =	stileid.u32;
	[bflag:$0x2] =	sbarrier.arrive $0xFFFF  }
0x1b2: {  	p0 =	sne.s32 s0, $0x0;
	s0 =	rddreg [dreg:$0x5]  }
0x1b3: {  	s0 =	sadd.s32 @!p0 $0x100000, s0  }
0x1b4: {  	[sflag:s0] =	ssyncadd.tile.s32 @!p0 $0x1;
	_ =	shalt  }
.Lfunc_end2:
_tile_overlayer_lowered:
.L_overlay_start_2:
0x1b5: {  	(tag) =	ssettag $0x2  }
0x1b6: {  	s0 =	rddreg [dreg:$0x0];
	s2 =	stileid.u32  }
0x1b7: {  	s1 =	rddreg [dreg:$0x1];
	p0 =	sne.s32 s2, $0x0  }
0x1b8: {  	s3 =	rddreg [dreg:$0x2];
	[bflag:$0x3] =	sbarrier.arrive $0xFFFF;
	s2 =	simm.s32 @!p0 $0x1C06  }
0x1b9: {  	[timem:s3], [sflag:s2] =	dma.local @!p0 [hbm:s0], s1  }
0x1ba: {  	s0 =	simm.s32 @!p0 $0x6  }
0x1bb: {  	_ =	swait.ge @!p0 [sflag:s0], s1  }
0x1bc: {  	s1 =	ssub.s32 @!p0 $0x0, s1;
	[sflag:s0] =	ssyncset.done @!p0 $0x0  }
0x1bd: {  	[sflag:s0] =	ssyncadd.s32 @!p0 s1  }
0x1be: {  	[bflag:$0x3] =	sbarrier.arrive $0xFFFF  }
0x1bf: {  	_ =	shalt  }

</sc_bundles>
